<compile_context>
chip_gen: v7x
topology: tpu7x:2x2x1
jax: 0.10.2.dev20260603
libtpu: 0.0.44.dev20260713+nightly
codegen_flags: <defaults>
</compile_context>

<pallas_src>
import functools

import jax
import jax.numpy as jnp
from jax import lax
from jax.experimental import pallas as pl
from jax.experimental.pallas import tpu as pltpu
from jax.experimental.pallas import tpu_sc as plsc

_N = 10000
_E = 160000
_D = 256
_W1P, _W2P, _W3P, _W4P = 176, 128, 64, 16
_W1A, _W1B = 96, 80
_W1S = 96

_NC, _NS = 2, 16
_NW = _NC * _NS
_LSZ = 128
_NCHUNK = 40
_EPT = _NCHUNK * _LSZ
_EPAD = _NW * _EPT
_ACC_ROWS = 10112

_PREC = lax.Precision.DEFAULT


def _agg_pipeline(y_hbm, acc_sh, src_v, dst_v, bufs, gsem, ssem, nchunk):
    for b in range(3):
        pltpu.async_copy(y_hbm.at[src_v.at[b]], bufs.at[b], gsem[b])

    @pl.loop(0, nchunk, step=4)
    def _pipe(j):
        for b in range(4):
            t = j + b + 3
            bp = (b + 3) % 4

            @pl.when(t < nchunk)
            def _():
                @pl.when(t >= 4)
                def _():
                    pltpu.make_async_copy(
                        bufs.at[bp], acc_sh.at[dst_v.at[t - 4]],
                        ssem[bp]).wait()

                pltpu.async_copy(y_hbm.at[src_v.at[t]], bufs.at[bp], gsem[bp])

            pltpu.make_async_copy(y_hbm.at[src_v.at[j + b]], bufs.at[b],
                                  gsem[b]).wait()
            pltpu.async_copy(bufs.at[b], acc_sh.at[dst_v.at[j + b]], ssem[b],
                             add=True)

    for b in range(4):
        pltpu.make_async_copy(bufs.at[b],
                              acc_sh.at[dst_v.at[nchunk - 4 + b]],
                              ssem[b]).wait()


@functools.lru_cache(maxsize=None)
def _sc_agg_factory(w, lsz, nchunk):
    mesh = plsc.VectorSubcoreMesh(core_axis_name="c", subcore_axis_name="s",
                                  num_cores=_NC, num_subcores=_NS)
    rows_pt = _ACC_ROWS // _NS
    nz, zrem = divmod(rows_pt, lsz)

    @functools.partial(
        pl.kernel,
        out_type=jax.ShapeDtypeStruct((_NC, _ACC_ROWS, w), jnp.float32),
        mesh=mesh,
        scratch_types=[
            pltpu.VMEM((nchunk, lsz), jnp.int32),
            pltpu.VMEM((nchunk, lsz), jnp.int32),
            pltpu.VMEM((4, lsz, w), jnp.float32),
            pltpu.VMEM_SHARED((_ACC_ROWS, w), jnp.float32),
        ] + [pltpu.SemaphoreType.DMA] * 8,
        compiler_params=pltpu.CompilerParams(use_tc_tiling_on_sc=False),
    )
    def agg(y_hbm, src_hbm, dst_hbm, zeros_hbm, p_hbm, src_v, dst_v, bufs,
            acc_sh, *sems):
        gsem, ssem = sems[:4], sems[4:]
        c = lax.axis_index("c")
        s = lax.axis_index("s")
        wid = c * _NS + s

        pltpu.async_copy(src_hbm.at[wid], src_v, gsem[0])
        pltpu.async_copy(dst_hbm.at[wid], dst_v, gsem[0])

        pltpu.sync_copy(zeros_hbm, bufs.at[0])
        zbase = s * rows_pt
        for k in range(nz):
            pltpu.sync_copy(bufs.at[0],
                            acc_sh.at[pl.ds(zbase + k * lsz, lsz)])
        if zrem:
            pltpu.sync_copy(bufs.at[0].at[pl.ds(0, zrem)],
                            acc_sh.at[pl.ds(zbase + nz * lsz, zrem)])

        pltpu.make_async_copy(src_hbm.at[wid], src_v, gsem[0]).wait()
        pltpu.make_async_copy(dst_hbm.at[wid], dst_v, gsem[0]).wait()
        plsc.subcore_barrier()

        _agg_pipeline(y_hbm, acc_sh, src_v, dst_v, bufs, gsem, ssem, nchunk)

        plsc.subcore_barrier()
        pltpu.sync_copy(acc_sh.at[pl.ds(zbase, rows_pt)],
                        p_hbm.at[c, pl.ds(zbase, rows_pt)])

    return agg


_EPT2 = _EPAD // _NS


@functools.lru_cache(maxsize=None)
def _sc_split_factory(w, lsz, nchunk):
    mesh = plsc.VectorSubcoreMesh(core_axis_name="c", subcore_axis_name="s",
                                  num_cores=_NC, num_subcores=_NS)
    rows_pt = _ACC_ROWS // _NS
    nz, zrem = divmod(rows_pt, lsz)

    @functools.partial(
        pl.kernel,
        out_type=jax.ShapeDtypeStruct((_NC, _ACC_ROWS, w), jnp.float32),
        mesh=mesh,
        scratch_types=[
            pltpu.VMEM((nchunk, lsz), jnp.int32),
            pltpu.VMEM((nchunk, lsz), jnp.int32),
            pltpu.VMEM((4, lsz, w), jnp.float32),
            pltpu.VMEM_SHARED((_ACC_ROWS, w), jnp.float32),
        ] + [pltpu.SemaphoreType.DMA] * 8,
        compiler_params=pltpu.CompilerParams(use_tc_tiling_on_sc=False),
    )
    def agg(y_hbm, src_hbm, dst_hbm, zeros_hbm, p_hbm, src_v, dst_v, bufs,
            acc_sh, *sems):
        gsem, ssem = sems[:4], sems[4:]
        c = lax.axis_index("c")
        s = lax.axis_index("s")

        pltpu.async_copy(src_hbm.at[c, s], src_v, gsem[0])
        pltpu.async_copy(dst_hbm.at[s], dst_v, gsem[0])

        pltpu.sync_copy(zeros_hbm, bufs.at[0])
        zbase = s * rows_pt
        for k in range(nz):
            pltpu.sync_copy(bufs.at[0],
                            acc_sh.at[pl.ds(zbase + k * lsz, lsz)])
        if zrem:
            pltpu.sync_copy(bufs.at[0].at[pl.ds(0, zrem)],
                            acc_sh.at[pl.ds(zbase + nz * lsz, zrem)])

        pltpu.make_async_copy(src_hbm.at[c, s], src_v, gsem[0]).wait()
        pltpu.make_async_copy(dst_hbm.at[s], dst_v, gsem[0]).wait()
        plsc.subcore_barrier()

        _agg_pipeline(y_hbm, acc_sh, src_v, dst_v, bufs, gsem, ssem, nchunk)

        plsc.subcore_barrier()
        pltpu.sync_copy(acc_sh.at[pl.ds(zbase, rows_pt)],
                        p_hbm.at[c, pl.ds(zbase, rows_pt)])

    return agg


_R = 2000
_GRID = _N // _R


def _dot(a, b):
    return jnp.dot(a, b, preferred_element_type=jnp.float32, precision=_PREC)


def _tcy1_body(x_ref, wl_ref, ys_ref):
    y = _dot(x_ref[...], wl_ref[...])
    ya = y[:, :_W1A]
    yb = y[:, _W1A:]
    col = lax.broadcasted_iota(jnp.int32, (_R, _W1B), 1)
    yb = jnp.where(col == _W1B - 1, 1.0, yb)
    ys_ref[0] = ya
    ys_ref[1] = jnp.concatenate(
        [yb, jnp.zeros((_R, _W1S - _W1B), jnp.float32)], axis=1)


def _tcy1(x, wlT):
    return pl.pallas_call(
        _tcy1_body,
        grid=(_GRID,),
        in_specs=[
            pl.BlockSpec((_R, _D), lambda i: (i, 0)),
            pl.BlockSpec((_D, _W1P), lambda i: (0, 0)),
        ],
        out_specs=pl.BlockSpec((2, _R, _W1S), lambda i: (0, i, 0)),
        out_shape=jax.ShapeDtypeStruct((2, _N, _W1S), jnp.float32),
    )(x, wlT)


def _tcz1_body(x_ref, wr_ref, b_ref, z_ref):
    z_ref[...] = _dot(x_ref[...], wr_ref[...]) + b_ref[...]


def _tcz1(x, wrT, b):
    return pl.pallas_call(
        _tcz1_body,
        grid=(_GRID,),
        in_specs=[
            pl.BlockSpec((_R, _D), lambda i: (i, 0)),
            pl.BlockSpec((_D, _W1P), lambda i: (0, 0)),
            pl.BlockSpec((1, _W1P), lambda i: (0, 0)),
        ],
        out_specs=pl.BlockSpec((_R, _W1P), lambda i: (i, 0)),
        out_shape=jax.ShapeDtypeStruct((_N, _W1P), jnp.float32),
    )(x, wrT, b)


def _h2(pa_ref, pb_ref, z_ref):
    pa = pa_ref[...]
    pb = pb_ref[...]
    cnt = pb[:, _W1B - 1:_W1B]
    rinv = 1.0 / jnp.maximum(cnt, 1.0)
    h = jnp.concatenate([pa, pb[:, :_W1B]], axis=1) * rinv + z_ref[...]
    return h, rinv


def _tc2_body(pa_ref, pb_ref, z_ref, wl_ref, wr_ref, b_ref,
              y_ref, z2_ref, rinv_ref):
    h, rinv = _h2(pa_ref, pb_ref, z_ref)
    y_ref[...] = _dot(h, wl_ref[...])
    z2_ref[...] = _dot(h, wr_ref[...]) + b_ref[...]
    rinv_ref[...] = rinv


def _tc2(pa, pb, z, wlT, wrT, b):
    return pl.pallas_call(
        _tc2_body,
        grid=(_GRID,),
        in_specs=[
            pl.BlockSpec((_R, _W1S), lambda i: (i, 0)),
            pl.BlockSpec((_R, _W1S), lambda i: (i, 0)),
            pl.BlockSpec((_R, _W1P), lambda i: (i, 0)),
            pl.BlockSpec((_W1P, _W2P), lambda i: (0, 0)),
            pl.BlockSpec((_W1P, _W2P), lambda i: (0, 0)),
            pl.BlockSpec((1, _W2P), lambda i: (0, 0)),
        ],
        out_specs=[
            pl.BlockSpec((_R, _W2P), lambda i: (i, 0)),
            pl.BlockSpec((_R, _W2P), lambda i: (i, 0)),
            pl.BlockSpec((_R, 1), lambda i: (i, 0)),
        ],
        out_shape=[
            jax.ShapeDtypeStruct((_N, _W2P), jnp.float32),
            jax.ShapeDtypeStruct((_N, _W2P), jnp.float32),
            jax.ShapeDtypeStruct((_N, 1), jnp.float32),
        ],
    )(pa, pb, z, wlT, wrT, b)


def _tcmid_body(p0_ref, p1_ref, z_ref, rinv_ref, wl_ref, wr_ref, b_ref,
                y_ref, z2_ref):
    h = (p0_ref[...] + p1_ref[...]) * rinv_ref[...] + z_ref[...]
    y_ref[...] = _dot(h, wl_ref[...])
    z2_ref[...] = _dot(h, wr_ref[...]) + b_ref[...]


def _tcmid(p0, p1, z, rinv, wlT, wrT, b, wi, wo):
    return pl.pallas_call(
        _tcmid_body,
        grid=(_GRID,),
        in_specs=[
            pl.BlockSpec((_R, wi), lambda i: (i, 0)),
            pl.BlockSpec((_R, wi), lambda i: (i, 0)),
            pl.BlockSpec((_R, wi), lambda i: (i, 0)),
            pl.BlockSpec((_R, 1), lambda i: (i, 0)),
            pl.BlockSpec((wi, wo), lambda i: (0, 0)),
            pl.BlockSpec((wi, wo), lambda i: (0, 0)),
            pl.BlockSpec((1, wo), lambda i: (0, 0)),
        ],
        out_specs=[
            pl.BlockSpec((_R, wo), lambda i: (i, 0)),
            pl.BlockSpec((_R, wo), lambda i: (i, 0)),
        ],
        out_shape=[jax.ShapeDtypeStruct((_N, wo), jnp.float32)] * 2,
    )(p0, p1, z, rinv, wlT, wrT, b)


def _tc5_body(p0_ref, p1_ref, z_ref, rinv_ref, out_ref):
    h = (p0_ref[...] + p1_ref[...]) * rinv_ref[...] + z_ref[...]
    out_ref[...] = h[:, 0:1]


def _tc5(p0, p1, z, rinv):
    return pl.pallas_call(
        _tc5_body,
        grid=(_GRID,),
        in_specs=[
            pl.BlockSpec((_R, _W4P), lambda i: (i, 0)),
            pl.BlockSpec((_R, _W4P), lambda i: (i, 0)),
            pl.BlockSpec((_R, _W4P), lambda i: (i, 0)),
            pl.BlockSpec((_R, 1), lambda i: (i, 0)),
        ],
        out_specs=pl.BlockSpec((_R, 1), lambda i: (i, 0)),
        out_shape=jax.ShapeDtypeStruct((_N, 1), jnp.float32),
    )(p0, p1, z, rinv)


def _padT(W, rows, cols):
    Wt = W.T
    return jnp.pad(Wt, ((0, rows - Wt.shape[0]), (0, cols - Wt.shape[1])))


def _padb(b, cols):
    return jnp.pad(b, (0, cols - b.shape[0])).reshape(1, cols)


def kernel(x, edge_index, W1l, b1l, W1r, W2l, b2l, W2r, W3l, b3l, W3r,
           W4l, b4l, W4r):
    f32 = jnp.float32
    src = edge_index[0]
    dst = edge_index[1]
    pad_idx = (jnp.arange(_EPAD - _E, dtype=jnp.int32) % 16)
    src_p = jnp.concatenate([src, pad_idx])
    dst_p = jnp.concatenate([dst, _N + pad_idx])
    srcr64 = src_p.reshape(_NW, 80, 64)
    dstr64 = dst_p.reshape(_NW, 80, 64)
    srcr = src_p.reshape(_NW, _NCHUNK, _LSZ)
    dstr = dst_p.reshape(_NW, _NCHUNK, _LSZ)
    srcS = jnp.stack([src_p, src_p + _N])
    srcS1 = srcS.reshape(_NC, _NS, 160, 64)
    dstS1 = dst_p.reshape(_NS, 160, 64)

    yS = _tcy1(x, _padT(W1l, _D, _W1P))
    p1 = _sc_split_factory(_W1S, 64, 160)(
        yS.reshape(2 * _N, _W1S), srcS1, dstS1, jnp.zeros((64, _W1S), f32))
    z1 = _tcz1(x, _padT(W1r, _D, _W1P), _padb(b1l, _W1P))
    y2, z2, rinv = _tc2(p1[0], p1[1], z1, _padT(W2l, _W1P, _W2P),
                        _padT(W2r, _W1P, _W2P), _padb(b2l, _W2P))
    p2 = _sc_agg_factory(_W2P, 64, 80)(y2, srcr64, dstr64,
                                       jnp.zeros((64, _W2P), f32))
    y3, z3 = _tcmid(p2[0], p2[1], z2, rinv, _padT(W3l, _W2P, _W3P),
                    _padT(W3r, _W2P, _W3P), _padb(b3l, _W3P), _W2P, _W3P)
    p3 = _sc_agg_factory(_W3P, _LSZ, _NCHUNK)(
        y3, srcr, dstr, jnp.zeros((_LSZ, _W3P), f32))
    y4, z4 = _tcmid(p3[0], p3[1], z3, rinv, _padT(W4l, _W3P, _W4P),
                    _padT(W4r, _W3P, _W4P), _padb(b4l, _W4P), _W3P, _W4P)
    p4 = _sc_agg_factory(_W4P, _LSZ, _NCHUNK)(
        y4, srcr, dstr, jnp.zeros((_LSZ, _W4P), f32))
    return _tc5(p4[0], p4[1], z4, rinv)

# --- scband reference (transcript-rebuilt; emitter-appended) ---
"""Pipeline reference for scband-sage-cox-61495341744746 (READ-ONLY COPY).

The authoritative reference and input builder live on the scoring server;
editing this copy changes nothing except your own understanding.
"""

import jax, jax.numpy as jnp
import numpy as np

N = 10000
E = 160000
D = 256
N1 = int(D * (2 / 3))   # 170
N2 = int(N1 * (2 / 3))  # 113
N3 = int(N2 / 2)        # 56
OUT = 1


def setup_inputs(seed: int = 0) -> dict:
    key = jax.random.key(seed)
    ks = jax.random.split(key, 16)
    inp = {}
    inp['x'] = jax.random.normal(ks[0], (N, D), dtype=jnp.float32)
    inp['edge_index'] = jax.random.randint(ks[1], (2, E), 0, N, dtype=jnp.int32)
    dims = [(D, N1), (N1, N2), (N2, N3), (N3, OUT)]
    for i, (din, dout) in enumerate(dims):
        scale = 1.0 / np.sqrt(din)
        inp[f'W{i+1}l'] = jax.random.normal(ks[2 + 3 * i], (dout, din), dtype=jnp.float32) * scale
        inp[f'b{i+1}l'] = jnp.zeros((dout,), dtype=jnp.float32)
        inp[f'W{i+1}r'] = jax.random.normal(ks[3 + 3 * i], (dout, din), dtype=jnp.float32) * scale
    return inp


def _sage_conv(x, edge_index, Wl, bl, Wr):
    # PyG SAGEConv (aggr='mean'): out = lin_l(mean_{j in N(i)} x_j) + lin_r(x_i)
    src = edge_index[0]
    dst = edge_index[1]
    n = x.shape[0]
    msg = jnp.take(x, src, axis=0)
    agg = jax.ops.segment_sum(msg, dst, num_segments=n)
    cnt = jax.ops.segment_sum(jnp.ones((edge_index.shape[1],), dtype=x.dtype), dst, num_segments=n)
    cnt = jnp.clip(cnt, 1.0, None)[:, None]
    mean = agg / cnt
    return mean @ Wl.T + bl + x @ Wr.T


def reference(x, edge_index, W1l, b1l, W1r, W2l, b2l, W2r, W3l, b3l, W3r, W4l, b4l, W4r):
    h = _sage_conv(x, edge_index, W1l, b1l, W1r)
    h = _sage_conv(h, edge_index, W2l, b2l, W2r)
    h = _sage_conv(h, edge_index, W3l, b3l, W3r)
    h = _sage_conv(h, edge_index, W4l, b4l, W4r)
    return h

if __name__ == "__main__":
    import jax
    _d = setup_inputs()
    print(jax.jit(kernel)(*tuple(_d.values())))

</pallas_src>

<mosaic_0001>
#map = affine_map<(d0, d1) -> (0, 0)>
#map1 = affine_map<(d0, d1) -> (0, 0, 0, 0)>
#map2 = affine_map<(d0, d1) -> (0, 0, 0)>
module attributes {stable_mosaic.version = 14 : i64} {
  func.func @agg(%arg0: i32, %arg1: i32, %arg2: memref<20000x96xf32, #tpu.memory_space<hbm>>, %arg3: memref<2x16x160x64xi32, #tpu.memory_space<hbm>>, %arg4: memref<16x160x64xi32, #tpu.memory_space<hbm>>, %arg5: memref<64x96xf32, #tpu.memory_space<hbm>>, %arg6: memref<2x10112x96xf32, #tpu.memory_space<hbm>>, %arg7: memref<160x64xi32, #tpu.memory_space<vmem>>, %arg8: memref<160x64xi32, #tpu.memory_space<vmem>>, %arg9: memref<4x64x96xf32, #tpu.memory_space<vmem>>, %arg10: memref<10112x96xf32, #tpu.memory_space<vmem_shared>>, %arg11: memref<!tpu.dma_semaphore, #tpu.memory_space<semaphore_mem>>, %arg12: memref<!tpu.dma_semaphore, #tpu.memory_space<semaphore_mem>>, %arg13: memref<!tpu.dma_semaphore, #tpu.memory_space<semaphore_mem>>, %arg14: memref<!tpu.dma_semaphore, #tpu.memory_space<semaphore_mem>>, %arg15: memref<!tpu.dma_semaphore, #tpu.memory_space<semaphore_mem>>, %arg16: memref<!tpu.dma_semaphore, #tpu.memory_space<semaphore_mem>>, %arg17: memref<!tpu.dma_semaphore, #tpu.memory_space<semaphore_mem>>, %arg18: memref<!tpu.dma_semaphore, #tpu.memory_space<semaphore_mem>>) attributes {dimension_semantics = [#tpu.dimension_semantics<core_parallel>, #tpu.dimension_semantics<subcore_parallel>], iteration_bounds = array<i64: 2, 16>, scalar_prefetch = 0 : i64, scratch_operands = 12 : i64, tpu.core_type = #tpu.core_type<sc_vector_subcore>, window_params = [{transform_indices = #map}, {transform_indices = #map1}, {transform_indices = #map2}, {transform_indices = #map}, {transform_indices = #map2}]} {
    %dma_start3A = arith.constant 0 : i32
    %dma_start3A_0 = arith.constant 0 : i32
    %dma_start3A_1 = tpu.memref_slice %arg3[%arg0, %arg1, %dma_start3A, %dma_start3A_0] : memref<2x16x160x64xi32, #tpu.memory_space<hbm>> -> memref<1x1x160x64xi32, #tpu.memory_space<hbm>>
    %dma_start3A_2 = tpu.memref_squeeze %dma_start3A_1 : memref<1x1x160x64xi32, #tpu.memory_space<hbm>> -> memref<160x64xi32, #tpu.memory_space<hbm>>
    %dma_start3A_3 = arith.constant 0 : i32
    %dma_start3A_4 = arith.constant 0 : i32
    %dma_start3A_5 = tpu.memref_slice %arg3[%arg0, %arg1, %dma_start3A_3, %dma_start3A_4] : memref<2x16x160x64xi32, #tpu.memory_space<hbm>> -> memref<1x1x160x64xi32, #tpu.memory_space<hbm>>
    %dma_start3A_6 = tpu.memref_squeeze %dma_start3A_5 : memref<1x1x160x64xi32, #tpu.memory_space<hbm>> -> memref<160x64xi32, #tpu.memory_space<hbm>>
    tpu.enqueue_dma source(%dma_start3A_6 : memref<160x64xi32, #tpu.memory_space<hbm>>) target(%arg7 : memref<160x64xi32, #tpu.memory_space<vmem>>) target_semaphore(%arg11 : memref<!tpu.dma_semaphore, #tpu.memory_space<semaphore_mem>>)
    %dma_start3A_7 = arith.constant 0 : i32
    %dma_start3A_8 = arith.constant 0 : i32
    %dma_start3A_9 = tpu.memref_slice %arg4[%arg1, %dma_start3A_7, %dma_start3A_8] : memref<16x160x64xi32, #tpu.memory_space<hbm>> -> memref<1x160x64xi32, #tpu.memory_space<hbm>>
    %dma_start3A_10 = tpu.memref_squeeze %dma_start3A_9 : memref<1x160x64xi32, #tpu.memory_space<hbm>> -> memref<160x64xi32, #tpu.memory_space<hbm>>
    %dma_start3A_11 = arith.constant 0 : i32
    %dma_start3A_12 = arith.constant 0 : i32
    %dma_start3A_13 = tpu.memref_slice %arg4[%arg1, %dma_start3A_11, %dma_start3A_12] : memref<16x160x64xi32, #tpu.memory_space<hbm>> -> memref<1x160x64xi32, #tpu.memory_space<hbm>>
    %dma_start3A_14 = tpu.memref_squeeze %dma_start3A_13 : memref<1x160x64xi32, #tpu.memory_space<hbm>> -> memref<160x64xi32, #tpu.memory_space<hbm>>
    tpu.enqueue_dma source(%dma_start3A_14 : memref<160x64xi32, #tpu.memory_space<hbm>>) target(%arg8 : memref<160x64xi32, #tpu.memory_space<vmem>>) target_semaphore(%arg11 : memref<!tpu.dma_semaphore, #tpu.memory_space<semaphore_mem>>)
    %run_scoped3A = arith.constant 0 : i32
    "tpu.region"() ({
      %run_scoped3A_149 = tpu.sem_alloc : memref<!tpu.dma_semaphore, #tpu.memory_space<semaphore_mem>>
      %dma_start3A_150 = arith.constant 0 : i32
      %dma_start3A_151 = arith.constant 0 : i32
      %dma_start3A_152 = tpu.memref_slice %arg9[%run_scoped3A, %dma_start3A_150, %dma_start3A_151] : memref<4x64x96xf32, #tpu.memory_space<vmem>> -> memref<1x64x96xf32, #tpu.memory_space<vmem>>
      %dma_start3A_153 = tpu.memref_squeeze %dma_start3A_152 : memref<1x64x96xf32, #tpu.memory_space<vmem>> -> memref<64x96xf32, #tpu.memory_space<vmem>>
      %dma_start3A_154 = arith.constant 0 : i32
      %dma_start3A_155 = arith.constant 0 : i32
      %dma_start3A_156 = tpu.memref_slice %arg9[%run_scoped3A, %dma_start3A_154, %dma_start3A_155] : memref<4x64x96xf32, #tpu.memory_space<vmem>> -> memref<1x64x96xf32, #tpu.memory_space<vmem>>
      %dma_start3A_157 = tpu.memref_squeeze %dma_start3A_156 : memref<1x64x96xf32, #tpu.memory_space<vmem>> -> memref<64x96xf32, #tpu.memory_space<vmem>>
      tpu.enqueue_dma source(%arg5 : memref<64x96xf32, #tpu.memory_space<hbm>>) target(%dma_start3A_157 : memref<64x96xf32, #tpu.memory_space<vmem>>) target_semaphore(%run_scoped3A_149 : memref<!tpu.dma_semaphore, #tpu.memory_space<semaphore_mem>>)
      %dma_wait3A_158 = arith.constant 0 : i32
      %dma_wait3A_159 = arith.constant 0 : i32
      %dma_wait3A_160 = tpu.memref_slice %arg9[%run_scoped3A, %dma_wait3A_158, %dma_wait3A_159] : memref<4x64x96xf32, #tpu.memory_space<vmem>> -> memref<1x64x96xf32, #tpu.memory_space<vmem>>
      %dma_wait3A_161 = tpu.memref_squeeze %dma_wait3A_160 : memref<1x64x96xf32, #tpu.memory_space<vmem>> -> memref<64x96xf32, #tpu.memory_space<vmem>>
      %dma_wait3A_162 = arith.constant 0 : i32
      %dma_wait3A_163 = arith.constant 0 : i32
      %dma_wait3A_164 = tpu.memref_slice %arg9[%run_scoped3A, %dma_wait3A_162, %dma_wait3A_163] : memref<4x64x96xf32, #tpu.memory_space<vmem>> -> memref<1x64x96xf32, #tpu.memory_space<vmem>>
      %dma_wait3A_165 = tpu.memref_squeeze %dma_wait3A_164 : memref<1x64x96xf32, #tpu.memory_space<vmem>> -> memref<64x96xf32, #tpu.memory_space<vmem>>
      tpu.wait_dma2 semaphore(%run_scoped3A_149 : memref<!tpu.dma_semaphore, #tpu.memory_space<semaphore_mem>>) src(%arg5 : memref<64x96xf32, #tpu.memory_space<hbm>>) dst(%dma_wait3A_165 : memref<64x96xf32, #tpu.memory_space<vmem>>)
      tpu.yield
    }) : () -> ()
    %mul3A = arith.constant 632 : i32
    %mul3A_15 = arith.muli %arg1, %mul3A : i32
    %add3A = arith.constant 0 : i32
    %add3A_16 = arith.addi %mul3A_15, %add3A : i32
    %run_scoped3A_17 = arith.constant 0 : i32
    "tpu.region"() ({
      %run_scoped3A_149 = tpu.sem_alloc : memref<!tpu.dma_semaphore, #tpu.memory_space<semaphore_mem>>
      %dma_start3A_150 = arith.constant 0 : i32
      %dma_start3A_151 = arith.constant 0 : i32
      %dma_start3A_152 = tpu.memref_slice %arg9[%run_scoped3A_17, %dma_start3A_150, %dma_start3A_151] : memref<4x64x96xf32, #tpu.memory_space<vmem>> -> memref<1x64x96xf32, #tpu.memory_space<vmem>>
      %dma_start3A_153 = tpu.memref_squeeze %dma_start3A_152 : memref<1x64x96xf32, #tpu.memory_space<vmem>> -> memref<64x96xf32, #tpu.memory_space<vmem>>
      %dma_start3A_154 = arith.constant 0 : i32
      %dma_start3A_155 = tpu.memref_slice %arg10[%add3A_16, %dma_start3A_154] : memref<10112x96xf32, #tpu.memory_space<vmem_shared>> -> memref<64x96xf32, #tpu.memory_space<vmem_shared>>
      %dma_start3A_156 = arith.constant 0 : i32
      %dma_start3A_157 = tpu.memref_slice %arg10[%add3A_16, %dma_start3A_156] : memref<10112x96xf32, #tpu.memory_space<vmem_shared>> -> memref<64x96xf32, #tpu.memory_space<vmem_shared>>
      %dma_start3A_158 = arith.constant 0 : i32
      %dma_start3A_159 = arith.constant 0 : i32
      %dma_start3A_160 = tpu.memref_slice %arg9[%run_scoped3A_17, %dma_start3A_158, %dma_start3A_159] : memref<4x64x96xf32, #tpu.memory_space<vmem>> -> memref<1x64x96xf32, #tpu.memory_space<vmem>>
      %dma_start3A_161 = tpu.memref_squeeze %dma_start3A_160 : memref<1x64x96xf32, #tpu.memory_space<vmem>> -> memref<64x96xf32, #tpu.memory_space<vmem>>
      tpu.enqueue_dma source(%dma_start3A_161 : memref<64x96xf32, #tpu.memory_space<vmem>>) target(%dma_start3A_157 : memref<64x96xf32, #tpu.memory_space<vmem_shared>>) target_semaphore(%run_scoped3A_149 : memref<!tpu.dma_semaphore, #tpu.memory_space<semaphore_mem>>)
      %dma_wait3A_162 = arith.constant 0 : i32
      %dma_wait3A_163 = arith.constant 0 : i32
      %dma_wait3A_164 = tpu.memref_slice %arg9[%run_scoped3A_17, %dma_wait3A_162, %dma_wait3A_163] : memref<4x64x96xf32, #tpu.memory_space<vmem>> -> memref<1x64x96xf32, #tpu.memory_space<vmem>>
      %dma_wait3A_165 = tpu.memref_squeeze %dma_wait3A_164 : memref<1x64x96xf32, #tpu.memory_space<vmem>> -> memref<64x96xf32, #tpu.memory_space<vmem>>
      %dma_wait3A_166 = arith.constant 0 : i32
      %dma_wait3A_167 = tpu.memref_slice %arg10[%add3A_16, %dma_wait3A_166] : memref<10112x96xf32, #tpu.memory_space<vmem_shared>> -> memref<64x96xf32, #tpu.memory_space<vmem_shared>>
      %dma_wait3A_168 = arith.constant 0 : i32
      %dma_wait3A_169 = tpu.memref_slice %arg10[%add3A_16, %dma_wait3A_168] : memref<10112x96xf32, #tpu.memory_space<vmem_shared>> -> memref<64x96xf32, #tpu.memory_space<vmem_shared>>
      %dma_wait3A_170 = arith.constant 0 : i32
      %dma_wait3A_171 = arith.constant 0 : i32
      %dma_wait3A_172 = tpu.memref_slice %arg9[%run_scoped3A_17, %dma_wait3A_170, %dma_wait3A_171] : memref<4x64x96xf32, #tpu.memory_space<vmem>> -> memref<1x64x96xf32, #tpu.memory_space<vmem>>
      %dma_wait3A_173 = tpu.memref_squeeze %dma_wait3A_172 : memref<1x64x96xf32, #tpu.memory_space<vmem>> -> memref<64x96xf32, #tpu.memory_space<vmem>>
      tpu.wait_dma2 semaphore(%run_scoped3A_149 : memref<!tpu.dma_semaphore, #tpu.memory_space<semaphore_mem>>) src(%dma_wait3A_173 : memref<64x96xf32, #tpu.memory_space<vmem>>) dst(%dma_wait3A_169 : memref<64x96xf32, #tpu.memory_space<vmem_shared>>)
      tpu.yield
    }) : () -> ()
    %add3A_18 = arith.constant 64 : i32
    %add3A_19 = arith.addi %mul3A_15, %add3A_18 : i32
    %run_scoped3A_20 = arith.constant 0 : i32
    "tpu.region"() ({
      %run_scoped3A_149 = tpu.sem_alloc : memref<!tpu.dma_semaphore, #tpu.memory_space<semaphore_mem>>
      %dma_start3A_150 = arith.constant 0 : i32
      %dma_start3A_151 = arith.constant 0 : i32
      %dma_start3A_152 = tpu.memref_slice %arg9[%run_scoped3A_20, %dma_start3A_150, %dma_start3A_151] : memref<4x64x96xf32, #tpu.memory_space<vmem>> -> memref<1x64x96xf32, #tpu.memory_space<vmem>>
      %dma_start3A_153 = tpu.memref_squeeze %dma_start3A_152 : memref<1x64x96xf32, #tpu.memory_space<vmem>> -> memref<64x96xf32, #tpu.memory_space<vmem>>
      %dma_start3A_154 = arith.constant 0 : i32
      %dma_start3A_155 = tpu.memref_slice %arg10[%add3A_19, %dma_start3A_154] : memref<10112x96xf32, #tpu.memory_space<vmem_shared>> -> memref<64x96xf32, #tpu.memory_space<vmem_shared>>
      %dma_start3A_156 = arith.constant 0 : i32
      %dma_start3A_157 = tpu.memref_slice %arg10[%add3A_19, %dma_start3A_156] : memref<10112x96xf32, #tpu.memory_space<vmem_shared>> -> memref<64x96xf32, #tpu.memory_space<vmem_shared>>
      %dma_start3A_158 = arith.constant 0 : i32
      %dma_start3A_159 = arith.constant 0 : i32
      %dma_start3A_160 = tpu.memref_slice %arg9[%run_scoped3A_20, %dma_start3A_158, %dma_start3A_159] : memref<4x64x96xf32, #tpu.memory_space<vmem>> -> memref<1x64x96xf32, #tpu.memory_space<vmem>>
      %dma_start3A_161 = tpu.memref_squeeze %dma_start3A_160 : memref<1x64x96xf32, #tpu.memory_space<vmem>> -> memref<64x96xf32, #tpu.memory_space<vmem>>
      tpu.enqueue_dma source(%dma_start3A_161 : memref<64x96xf32, #tpu.memory_space<vmem>>) target(%dma_start3A_157 : memref<64x96xf32, #tpu.memory_space<vmem_shared>>) target_semaphore(%run_scoped3A_149 : memref<!tpu.dma_semaphore, #tpu.memory_space<semaphore_mem>>)
      %dma_wait3A_162 = arith.constant 0 : i32
      %dma_wait3A_163 = arith.constant 0 : i32
      %dma_wait3A_164 = tpu.memref_slice %arg9[%run_scoped3A_20, %dma_wait3A_162, %dma_wait3A_163] : memref<4x64x96xf32, #tpu.memory_space<vmem>> -> memref<1x64x96xf32, #tpu.memory_space<vmem>>
      %dma_wait3A_165 = tpu.memref_squeeze %dma_wait3A_164 : memref<1x64x96xf32, #tpu.memory_space<vmem>> -> memref<64x96xf32, #tpu.memory_space<vmem>>
      %dma_wait3A_166 = arith.constant 0 : i32
      %dma_wait3A_167 = tpu.memref_slice %arg10[%add3A_19, %dma_wait3A_166] : memref<10112x96xf32, #tpu.memory_space<vmem_shared>> -> memref<64x96xf32, #tpu.memory_space<vmem_shared>>
      %dma_wait3A_168 = arith.constant 0 : i32
      %dma_wait3A_169 = tpu.memref_slice %arg10[%add3A_19, %dma_wait3A_168] : memref<10112x96xf32, #tpu.memory_space<vmem_shared>> -> memref<64x96xf32, #tpu.memory_space<vmem_shared>>
      %dma_wait3A_170 = arith.constant 0 : i32
      %dma_wait3A_171 = arith.constant 0 : i32
      %dma_wait3A_172 = tpu.memref_slice %arg9[%run_scoped3A_20, %dma_wait3A_170, %dma_wait3A_171] : memref<4x64x96xf32, #tpu.memory_space<vmem>> -> memref<1x64x96xf32, #tpu.memory_space<vmem>>
      %dma_wait3A_173 = tpu.memref_squeeze %dma_wait3A_172 : memref<1x64x96xf32, #tpu.memory_space<vmem>> -> memref<64x96xf32, #tpu.memory_space<vmem>>
      tpu.wait_dma2 semaphore(%run_scoped3A_149 : memref<!tpu.dma_semaphore, #tpu.memory_space<semaphore_mem>>) src(%dma_wait3A_173 : memref<64x96xf32, #tpu.memory_space<vmem>>) dst(%dma_wait3A_169 : memref<64x96xf32, #tpu.memory_space<vmem_shared>>)
      tpu.yield
    }) : () -> ()
    %add3A_21 = arith.constant 128 : i32
    %add3A_22 = arith.addi %mul3A_15, %add3A_21 : i32
    %run_scoped3A_23 = arith.constant 0 : i32
    "tpu.region"() ({
      %run_scoped3A_149 = tpu.sem_alloc : memref<!tpu.dma_semaphore, #tpu.memory_space<semaphore_mem>>
      %dma_start3A_150 = arith.constant 0 : i32
      %dma_start3A_151 = arith.constant 0 : i32
      %dma_start3A_152 = tpu.memref_slice %arg9[%run_scoped3A_23, %dma_start3A_150, %dma_start3A_151] : memref<4x64x96xf32, #tpu.memory_space<vmem>> -> memref<1x64x96xf32, #tpu.memory_space<vmem>>
      %dma_start3A_153 = tpu.memref_squeeze %dma_start3A_152 : memref<1x64x96xf32, #tpu.memory_space<vmem>> -> memref<64x96xf32, #tpu.memory_space<vmem>>
      %dma_start3A_154 = arith.constant 0 : i32
      %dma_start3A_155 = tpu.memref_slice %arg10[%add3A_22, %dma_start3A_154] : memref<10112x96xf32, #tpu.memory_space<vmem_shared>> -> memref<64x96xf32, #tpu.memory_space<vmem_shared>>
      %dma_start3A_156 = arith.constant 0 : i32
      %dma_start3A_157 = tpu.memref_slice %arg10[%add3A_22, %dma_start3A_156] : memref<10112x96xf32, #tpu.memory_space<vmem_shared>> -> memref<64x96xf32, #tpu.memory_space<vmem_shared>>
      %dma_start3A_158 = arith.constant 0 : i32
      %dma_start3A_159 = arith.constant 0 : i32
      %dma_start3A_160 = tpu.memref_slice %arg9[%run_scoped3A_23, %dma_start3A_158, %dma_start3A_159] : memref<4x64x96xf32, #tpu.memory_space<vmem>> -> memref<1x64x96xf32, #tpu.memory_space<vmem>>
      %dma_start3A_161 = tpu.memref_squeeze %dma_start3A_160 : memref<1x64x96xf32, #tpu.memory_space<vmem>> -> memref<64x96xf32, #tpu.memory_space<vmem>>
      tpu.enqueue_dma source(%dma_start3A_161 : memref<64x96xf32, #tpu.memory_space<vmem>>) target(%dma_start3A_157 : memref<64x96xf32, #tpu.memory_space<vmem_shared>>) target_semaphore(%run_scoped3A_149 : memref<!tpu.dma_semaphore, #tpu.memory_space<semaphore_mem>>)
      %dma_wait3A_162 = arith.constant 0 : i32
      %dma_wait3A_163 = arith.constant 0 : i32
      %dma_wait3A_164 = tpu.memref_slice %arg9[%run_scoped3A_23, %dma_wait3A_162, %dma_wait3A_163] : memref<4x64x96xf32, #tpu.memory_space<vmem>> -> memref<1x64x96xf32, #tpu.memory_space<vmem>>
      %dma_wait3A_165 = tpu.memref_squeeze %dma_wait3A_164 : memref<1x64x96xf32, #tpu.memory_space<vmem>> -> memref<64x96xf32, #tpu.memory_space<vmem>>
      %dma_wait3A_166 = arith.constant 0 : i32
      %dma_wait3A_167 = tpu.memref_slice %arg10[%add3A_22, %dma_wait3A_166] : memref<10112x96xf32, #tpu.memory_space<vmem_shared>> -> memref<64x96xf32, #tpu.memory_space<vmem_shared>>
      %dma_wait3A_168 = arith.constant 0 : i32
      %dma_wait3A_169 = tpu.memref_slice %arg10[%add3A_22, %dma_wait3A_168] : memref<10112x96xf32, #tpu.memory_space<vmem_shared>> -> memref<64x96xf32, #tpu.memory_space<vmem_shared>>
      %dma_wait3A_170 = arith.constant 0 : i32
      %dma_wait3A_171 = arith.constant 0 : i32
      %dma_wait3A_172 = tpu.memref_slice %arg9[%run_scoped3A_23, %dma_wait3A_170, %dma_wait3A_171] : memref<4x64x96xf32, #tpu.memory_space<vmem>> -> memref<1x64x96xf32, #tpu.memory_space<vmem>>
      %dma_wait3A_173 = tpu.memref_squeeze %dma_wait3A_172 : memref<1x64x96xf32, #tpu.memory_space<vmem>> -> memref<64x96xf32, #tpu.memory_space<vmem>>
      tpu.wait_dma2 semaphore(%run_scoped3A_149 : memref<!tpu.dma_semaphore, #tpu.memory_space<semaphore_mem>>) src(%dma_wait3A_173 : memref<64x96xf32, #tpu.memory_space<vmem>>) dst(%dma_wait3A_169 : memref<64x96xf32, #tpu.memory_space<vmem_shared>>)
      tpu.yield
    }) : () -> ()
    %add3A_24 = arith.constant 192 : i32
    %add3A_25 = arith.addi %mul3A_15, %add3A_24 : i32
    %run_scoped3A_26 = arith.constant 0 : i32
    "tpu.region"() ({
      %run_scoped3A_149 = tpu.sem_alloc : memref<!tpu.dma_semaphore, #tpu.memory_space<semaphore_mem>>
      %dma_start3A_150 = arith.constant 0 : i32
      %dma_start3A_151 = arith.constant 0 : i32
      %dma_start3A_152 = tpu.memref_slice %arg9[%run_scoped3A_26, %dma_start3A_150, %dma_start3A_151] : memref<4x64x96xf32, #tpu.memory_space<vmem>> -> memref<1x64x96xf32, #tpu.memory_space<vmem>>
      %dma_start3A_153 = tpu.memref_squeeze %dma_start3A_152 : memref<1x64x96xf32, #tpu.memory_space<vmem>> -> memref<64x96xf32, #tpu.memory_space<vmem>>
      %dma_start3A_154 = arith.constant 0 : i32
      %dma_start3A_155 = tpu.memref_slice %arg10[%add3A_25, %dma_start3A_154] : memref<10112x96xf32, #tpu.memory_space<vmem_shared>> -> memref<64x96xf32, #tpu.memory_space<vmem_shared>>
      %dma_start3A_156 = arith.constant 0 : i32
      %dma_start3A_157 = tpu.memref_slice %arg10[%add3A_25, %dma_start3A_156] : memref<10112x96xf32, #tpu.memory_space<vmem_shared>> -> memref<64x96xf32, #tpu.memory_space<vmem_shared>>
      %dma_start3A_158 = arith.constant 0 : i32
      %dma_start3A_159 = arith.constant 0 : i32
      %dma_start3A_160 = tpu.memref_slice %arg9[%run_scoped3A_26, %dma_start3A_158, %dma_start3A_159] : memref<4x64x96xf32, #tpu.memory_space<vmem>> -> memref<1x64x96xf32, #tpu.memory_space<vmem>>
      %dma_start3A_161 = tpu.memref_squeeze %dma_start3A_160 : memref<1x64x96xf32, #tpu.memory_space<vmem>> -> memref<64x96xf32, #tpu.memory_space<vmem>>
      tpu.enqueue_dma source(%dma_start3A_161 : memref<64x96xf32, #tpu.memory_space<vmem>>) target(%dma_start3A_157 : memref<64x96xf32, #tpu.memory_space<vmem_shared>>) target_semaphore(%run_scoped3A_149 : memref<!tpu.dma_semaphore, #tpu.memory_space<semaphore_mem>>)
      %dma_wait3A_162 = arith.constant 0 : i32
      %dma_wait3A_163 = arith.constant 0 : i32
      %dma_wait3A_164 = tpu.memref_slice %arg9[%run_scoped3A_26, %dma_wait3A_162, %dma_wait3A_163] : memref<4x64x96xf32, #tpu.memory_space<vmem>> -> memref<1x64x96xf32, #tpu.memory_space<vmem>>
      %dma_wait3A_165 = tpu.memref_squeeze %dma_wait3A_164 : memref<1x64x96xf32, #tpu.memory_space<vmem>> -> memref<64x96xf32, #tpu.memory_space<vmem>>
      %dma_wait3A_166 = arith.constant 0 : i32
      %dma_wait3A_167 = tpu.memref_slice %arg10[%add3A_25, %dma_wait3A_166] : memref<10112x96xf32, #tpu.memory_space<vmem_shared>> -> memref<64x96xf32, #tpu.memory_space<vmem_shared>>
      %dma_wait3A_168 = arith.constant 0 : i32
      %dma_wait3A_169 = tpu.memref_slice %arg10[%add3A_25, %dma_wait3A_168] : memref<10112x96xf32, #tpu.memory_space<vmem_shared>> -> memref<64x96xf32, #tpu.memory_space<vmem_shared>>
      %dma_wait3A_170 = arith.constant 0 : i32
      %dma_wait3A_171 = arith.constant 0 : i32
      %dma_wait3A_172 = tpu.memref_slice %arg9[%run_scoped3A_26, %dma_wait3A_170, %dma_wait3A_171] : memref<4x64x96xf32, #tpu.memory_space<vmem>> -> memref<1x64x96xf32, #tpu.memory_space<vmem>>
      %dma_wait3A_173 = tpu.memref_squeeze %dma_wait3A_172 : memref<1x64x96xf32, #tpu.memory_space<vmem>> -> memref<64x96xf32, #tpu.memory_space<vmem>>
      tpu.wait_dma2 semaphore(%run_scoped3A_149 : memref<!tpu.dma_semaphore, #tpu.memory_space<semaphore_mem>>) src(%dma_wait3A_173 : memref<64x96xf32, #tpu.memory_space<vmem>>) dst(%dma_wait3A_169 : memref<64x96xf32, #tpu.memory_space<vmem_shared>>)
      tpu.yield
    }) : () -> ()
    %add3A_27 = arith.constant 256 : i32
    %add3A_28 = arith.addi %mul3A_15, %add3A_27 : i32
    %run_scoped3A_29 = arith.constant 0 : i32
    "tpu.region"() ({
      %run_scoped3A_149 = tpu.sem_alloc : memref<!tpu.dma_semaphore, #tpu.memory_space<semaphore_mem>>
      %dma_start3A_150 = arith.constant 0 : i32
      %dma_start3A_151 = arith.constant 0 : i32
      %dma_start3A_152 = tpu.memref_slice %arg9[%run_scoped3A_29, %dma_start3A_150, %dma_start3A_151] : memref<4x64x96xf32, #tpu.memory_space<vmem>> -> memref<1x64x96xf32, #tpu.memory_space<vmem>>
      %dma_start3A_153 = tpu.memref_squeeze %dma_start3A_152 : memref<1x64x96xf32, #tpu.memory_space<vmem>> -> memref<64x96xf32, #tpu.memory_space<vmem>>
      %dma_start3A_154 = arith.constant 0 : i32
      %dma_start3A_155 = tpu.memref_slice %arg10[%add3A_28, %dma_start3A_154] : memref<10112x96xf32, #tpu.memory_space<vmem_shared>> -> memref<64x96xf32, #tpu.memory_space<vmem_shared>>
      %dma_start3A_156 = arith.constant 0 : i32
      %dma_start3A_157 = tpu.memref_slice %arg10[%add3A_28, %dma_start3A_156] : memref<10112x96xf32, #tpu.memory_space<vmem_shared>> -> memref<64x96xf32, #tpu.memory_space<vmem_shared>>
      %dma_start3A_158 = arith.constant 0 : i32
      %dma_start3A_159 = arith.constant 0 : i32
      %dma_start3A_160 = tpu.memref_slice %arg9[%run_scoped3A_29, %dma_start3A_158, %dma_start3A_159] : memref<4x64x96xf32, #tpu.memory_space<vmem>> -> memref<1x64x96xf32, #tpu.memory_space<vmem>>
      %dma_start3A_161 = tpu.memref_squeeze %dma_start3A_160 : memref<1x64x96xf32, #tpu.memory_space<vmem>> -> memref<64x96xf32, #tpu.memory_space<vmem>>
      tpu.enqueue_dma source(%dma_start3A_161 : memref<64x96xf32, #tpu.memory_space<vmem>>) target(%dma_start3A_157 : memref<64x96xf32, #tpu.memory_space<vmem_shared>>) target_semaphore(%run_scoped3A_149 : memref<!tpu.dma_semaphore, #tpu.memory_space<semaphore_mem>>)
      %dma_wait3A_162 = arith.constant 0 : i32
      %dma_wait3A_163 = arith.constant 0 : i32
      %dma_wait3A_164 = tpu.memref_slice %arg9[%run_scoped3A_29, %dma_wait3A_162, %dma_wait3A_163] : memref<4x64x96xf32, #tpu.memory_space<vmem>> -> memref<1x64x96xf32, #tpu.memory_space<vmem>>
      %dma_wait3A_165 = tpu.memref_squeeze %dma_wait3A_164 : memref<1x64x96xf32, #tpu.memory_space<vmem>> -> memref<64x96xf32, #tpu.memory_space<vmem>>
      %dma_wait3A_166 = arith.constant 0 : i32
      %dma_wait3A_167 = tpu.memref_slice %arg10[%add3A_28, %dma_wait3A_166] : memref<10112x96xf32, #tpu.memory_space<vmem_shared>> -> memref<64x96xf32, #tpu.memory_space<vmem_shared>>
      %dma_wait3A_168 = arith.constant 0 : i32
      %dma_wait3A_169 = tpu.memref_slice %arg10[%add3A_28, %dma_wait3A_168] : memref<10112x96xf32, #tpu.memory_space<vmem_shared>> -> memref<64x96xf32, #tpu.memory_space<vmem_shared>>
      %dma_wait3A_170 = arith.constant 0 : i32
      %dma_wait3A_171 = arith.constant 0 : i32
      %dma_wait3A_172 = tpu.memref_slice %arg9[%run_scoped3A_29, %dma_wait3A_170, %dma_wait3A_171] : memref<4x64x96xf32, #tpu.memory_space<vmem>> -> memref<1x64x96xf32, #tpu.memory_space<vmem>>
      %dma_wait3A_173 = tpu.memref_squeeze %dma_wait3A_172 : memref<1x64x96xf32, #tpu.memory_space<vmem>> -> memref<64x96xf32, #tpu.memory_space<vmem>>
      tpu.wait_dma2 semaphore(%run_scoped3A_149 : memref<!tpu.dma_semaphore, #tpu.memory_space<semaphore_mem>>) src(%dma_wait3A_173 : memref<64x96xf32, #tpu.memory_space<vmem>>) dst(%dma_wait3A_169 : memref<64x96xf32, #tpu.memory_space<vmem_shared>>)
      tpu.yield
    }) : () -> ()
    %add3A_30 = arith.constant 320 : i32
    %add3A_31 = arith.addi %mul3A_15, %add3A_30 : i32
    %run_scoped3A_32 = arith.constant 0 : i32
    "tpu.region"() ({
      %run_scoped3A_149 = tpu.sem_alloc : memref<!tpu.dma_semaphore, #tpu.memory_space<semaphore_mem>>
      %dma_start3A_150 = arith.constant 0 : i32
      %dma_start3A_151 = arith.constant 0 : i32
      %dma_start3A_152 = tpu.memref_slice %arg9[%run_scoped3A_32, %dma_start3A_150, %dma_start3A_151] : memref<4x64x96xf32, #tpu.memory_space<vmem>> -> memref<1x64x96xf32, #tpu.memory_space<vmem>>
      %dma_start3A_153 = tpu.memref_squeeze %dma_start3A_152 : memref<1x64x96xf32, #tpu.memory_space<vmem>> -> memref<64x96xf32, #tpu.memory_space<vmem>>
      %dma_start3A_154 = arith.constant 0 : i32
      %dma_start3A_155 = tpu.memref_slice %arg10[%add3A_31, %dma_start3A_154] : memref<10112x96xf32, #tpu.memory_space<vmem_shared>> -> memref<64x96xf32, #tpu.memory_space<vmem_shared>>
      %dma_start3A_156 = arith.constant 0 : i32
      %dma_start3A_157 = tpu.memref_slice %arg10[%add3A_31, %dma_start3A_156] : memref<10112x96xf32, #tpu.memory_space<vmem_shared>> -> memref<64x96xf32, #tpu.memory_space<vmem_shared>>
      %dma_start3A_158 = arith.constant 0 : i32
      %dma_start3A_159 = arith.constant 0 : i32
      %dma_start3A_160 = tpu.memref_slice %arg9[%run_scoped3A_32, %dma_start3A_158, %dma_start3A_159] : memref<4x64x96xf32, #tpu.memory_space<vmem>> -> memref<1x64x96xf32, #tpu.memory_space<vmem>>
      %dma_start3A_161 = tpu.memref_squeeze %dma_start3A_160 : memref<1x64x96xf32, #tpu.memory_space<vmem>> -> memref<64x96xf32, #tpu.memory_space<vmem>>
      tpu.enqueue_dma source(%dma_start3A_161 : memref<64x96xf32, #tpu.memory_space<vmem>>) target(%dma_start3A_157 : memref<64x96xf32, #tpu.memory_space<vmem_shared>>) target_semaphore(%run_scoped3A_149 : memref<!tpu.dma_semaphore, #tpu.memory_space<semaphore_mem>>)
      %dma_wait3A_162 = arith.constant 0 : i32
      %dma_wait3A_163 = arith.constant 0 : i32
      %dma_wait3A_164 = tpu.memref_slice %arg9[%run_scoped3A_32, %dma_wait3A_162, %dma_wait3A_163] : memref<4x64x96xf32, #tpu.memory_space<vmem>> -> memref<1x64x96xf32, #tpu.memory_space<vmem>>
      %dma_wait3A_165 = tpu.memref_squeeze %dma_wait3A_164 : memref<1x64x96xf32, #tpu.memory_space<vmem>> -> memref<64x96xf32, #tpu.memory_space<vmem>>
      %dma_wait3A_166 = arith.constant 0 : i32
      %dma_wait3A_167 = tpu.memref_slice %arg10[%add3A_31, %dma_wait3A_166] : memref<10112x96xf32, #tpu.memory_space<vmem_shared>> -> memref<64x96xf32, #tpu.memory_space<vmem_shared>>
      %dma_wait3A_168 = arith.constant 0 : i32
      %dma_wait3A_169 = tpu.memref_slice %arg10[%add3A_31, %dma_wait3A_168] : memref<10112x96xf32, #tpu.memory_space<vmem_shared>> -> memref<64x96xf32, #tpu.memory_space<vmem_shared>>
      %dma_wait3A_170 = arith.constant 0 : i32
      %dma_wait3A_171 = arith.constant 0 : i32
      %dma_wait3A_172 = tpu.memref_slice %arg9[%run_scoped3A_32, %dma_wait3A_170, %dma_wait3A_171] : memref<4x64x96xf32, #tpu.memory_space<vmem>> -> memref<1x64x96xf32, #tpu.memory_space<vmem>>
      %dma_wait3A_173 = tpu.memref_squeeze %dma_wait3A_172 : memref<1x64x96xf32, #tpu.memory_space<vmem>> -> memref<64x96xf32, #tpu.memory_space<vmem>>
      tpu.wait_dma2 semaphore(%run_scoped3A_149 : memref<!tpu.dma_semaphore, #tpu.memory_space<semaphore_mem>>) src(%dma_wait3A_173 : memref<64x96xf32, #tpu.memory_space<vmem>>) dst(%dma_wait3A_169 : memref<64x96xf32, #tpu.memory_space<vmem_shared>>)
      tpu.yield
    }) : () -> ()
    %add3A_33 = arith.constant 384 : i32
    %add3A_34 = arith.addi %mul3A_15, %add3A_33 : i32
    %run_scoped3A_35 = arith.constant 0 : i32
    "tpu.region"() ({
      %run_scoped3A_149 = tpu.sem_alloc : memref<!tpu.dma_semaphore, #tpu.memory_space<semaphore_mem>>
      %dma_start3A_150 = arith.constant 0 : i32
      %dma_start3A_151 = arith.constant 0 : i32
      %dma_start3A_152 = tpu.memref_slice %arg9[%run_scoped3A_35, %dma_start3A_150, %dma_start3A_151] : memref<4x64x96xf32, #tpu.memory_space<vmem>> -> memref<1x64x96xf32, #tpu.memory_space<vmem>>
      %dma_start3A_153 = tpu.memref_squeeze %dma_start3A_152 : memref<1x64x96xf32, #tpu.memory_space<vmem>> -> memref<64x96xf32, #tpu.memory_space<vmem>>
      %dma_start3A_154 = arith.constant 0 : i32
      %dma_start3A_155 = tpu.memref_slice %arg10[%add3A_34, %dma_start3A_154] : memref<10112x96xf32, #tpu.memory_space<vmem_shared>> -> memref<64x96xf32, #tpu.memory_space<vmem_shared>>
      %dma_start3A_156 = arith.constant 0 : i32
      %dma_start3A_157 = tpu.memref_slice %arg10[%add3A_34, %dma_start3A_156] : memref<10112x96xf32, #tpu.memory_space<vmem_shared>> -> memref<64x96xf32, #tpu.memory_space<vmem_shared>>
      %dma_start3A_158 = arith.constant 0 : i32
      %dma_start3A_159 = arith.constant 0 : i32
      %dma_start3A_160 = tpu.memref_slice %arg9[%run_scoped3A_35, %dma_start3A_158, %dma_start3A_159] : memref<4x64x96xf32, #tpu.memory_space<vmem>> -> memref<1x64x96xf32, #tpu.memory_space<vmem>>
      %dma_start3A_161 = tpu.memref_squeeze %dma_start3A_160 : memref<1x64x96xf32, #tpu.memory_space<vmem>> -> memref<64x96xf32, #tpu.memory_space<vmem>>
      tpu.enqueue_dma source(%dma_start3A_161 : memref<64x96xf32, #tpu.memory_space<vmem>>) target(%dma_start3A_157 : memref<64x96xf32, #tpu.memory_space<vmem_shared>>) target_semaphore(%run_scoped3A_149 : memref<!tpu.dma_semaphore, #tpu.memory_space<semaphore_mem>>)
      %dma_wait3A_162 = arith.constant 0 : i32
      %dma_wait3A_163 = arith.constant 0 : i32
      %dma_wait3A_164 = tpu.memref_slice %arg9[%run_scoped3A_35, %dma_wait3A_162, %dma_wait3A_163] : memref<4x64x96xf32, #tpu.memory_space<vmem>> -> memref<1x64x96xf32, #tpu.memory_space<vmem>>
      %dma_wait3A_165 = tpu.memref_squeeze %dma_wait3A_164 : memref<1x64x96xf32, #tpu.memory_space<vmem>> -> memref<64x96xf32, #tpu.memory_space<vmem>>
      %dma_wait3A_166 = arith.constant 0 : i32
      %dma_wait3A_167 = tpu.memref_slice %arg10[%add3A_34, %dma_wait3A_166] : memref<10112x96xf32, #tpu.memory_space<vmem_shared>> -> memref<64x96xf32, #tpu.memory_space<vmem_shared>>
      %dma_wait3A_168 = arith.constant 0 : i32
      %dma_wait3A_169 = tpu.memref_slice %arg10[%add3A_34, %dma_wait3A_168] : memref<10112x96xf32, #tpu.memory_space<vmem_shared>> -> memref<64x96xf32, #tpu.memory_space<vmem_shared>>
      %dma_wait3A_170 = arith.constant 0 : i32
      %dma_wait3A_171 = arith.constant 0 : i32
      %dma_wait3A_172 = tpu.memref_slice %arg9[%run_scoped3A_35, %dma_wait3A_170, %dma_wait3A_171] : memref<4x64x96xf32, #tpu.memory_space<vmem>> -> memref<1x64x96xf32, #tpu.memory_space<vmem>>
      %dma_wait3A_173 = tpu.memref_squeeze %dma_wait3A_172 : memref<1x64x96xf32, #tpu.memory_space<vmem>> -> memref<64x96xf32, #tpu.memory_space<vmem>>
      tpu.wait_dma2 semaphore(%run_scoped3A_149 : memref<!tpu.dma_semaphore, #tpu.memory_space<semaphore_mem>>) src(%dma_wait3A_173 : memref<64x96xf32, #tpu.memory_space<vmem>>) dst(%dma_wait3A_169 : memref<64x96xf32, #tpu.memory_space<vmem_shared>>)
      tpu.yield
    }) : () -> ()
    %add3A_36 = arith.constant 448 : i32
    %add3A_37 = arith.addi %mul3A_15, %add3A_36 : i32
    %run_scoped3A_38 = arith.constant 0 : i32
    "tpu.region"() ({
      %run_scoped3A_149 = tpu.sem_alloc : memref<!tpu.dma_semaphore, #tpu.memory_space<semaphore_mem>>
      %dma_start3A_150 = arith.constant 0 : i32
      %dma_start3A_151 = arith.constant 0 : i32
      %dma_start3A_152 = tpu.memref_slice %arg9[%run_scoped3A_38, %dma_start3A_150, %dma_start3A_151] : memref<4x64x96xf32, #tpu.memory_space<vmem>> -> memref<1x64x96xf32, #tpu.memory_space<vmem>>
      %dma_start3A_153 = tpu.memref_squeeze %dma_start3A_152 : memref<1x64x96xf32, #tpu.memory_space<vmem>> -> memref<64x96xf32, #tpu.memory_space<vmem>>
      %dma_start3A_154 = arith.constant 0 : i32
      %dma_start3A_155 = tpu.memref_slice %arg10[%add3A_37, %dma_start3A_154] : memref<10112x96xf32, #tpu.memory_space<vmem_shared>> -> memref<64x96xf32, #tpu.memory_space<vmem_shared>>
      %dma_start3A_156 = arith.constant 0 : i32
      %dma_start3A_157 = tpu.memref_slice %arg10[%add3A_37, %dma_start3A_156] : memref<10112x96xf32, #tpu.memory_space<vmem_shared>> -> memref<64x96xf32, #tpu.memory_space<vmem_shared>>
      %dma_start3A_158 = arith.constant 0 : i32
      %dma_start3A_159 = arith.constant 0 : i32
      %dma_start3A_160 = tpu.memref_slice %arg9[%run_scoped3A_38, %dma_start3A_158, %dma_start3A_159] : memref<4x64x96xf32, #tpu.memory_space<vmem>> -> memref<1x64x96xf32, #tpu.memory_space<vmem>>
      %dma_start3A_161 = tpu.memref_squeeze %dma_start3A_160 : memref<1x64x96xf32, #tpu.memory_space<vmem>> -> memref<64x96xf32, #tpu.memory_space<vmem>>
      tpu.enqueue_dma source(%dma_start3A_161 : memref<64x96xf32, #tpu.memory_space<vmem>>) target(%dma_start3A_157 : memref<64x96xf32, #tpu.memory_space<vmem_shared>>) target_semaphore(%run_scoped3A_149 : memref<!tpu.dma_semaphore, #tpu.memory_space<semaphore_mem>>)
      %dma_wait3A_162 = arith.constant 0 : i32
      %dma_wait3A_163 = arith.constant 0 : i32
      %dma_wait3A_164 = tpu.memref_slice %arg9[%run_scoped3A_38, %dma_wait3A_162, %dma_wait3A_163] : memref<4x64x96xf32, #tpu.memory_space<vmem>> -> memref<1x64x96xf32, #tpu.memory_space<vmem>>
      %dma_wait3A_165 = tpu.memref_squeeze %dma_wait3A_164 : memref<1x64x96xf32, #tpu.memory_space<vmem>> -> memref<64x96xf32, #tpu.memory_space<vmem>>
      %dma_wait3A_166 = arith.constant 0 : i32
      %dma_wait3A_167 = tpu.memref_slice %arg10[%add3A_37, %dma_wait3A_166] : memref<10112x96xf32, #tpu.memory_space<vmem_shared>> -> memref<64x96xf32, #tpu.memory_space<vmem_shared>>
      %dma_wait3A_168 = arith.constant 0 : i32
      %dma_wait3A_169 = tpu.memref_slice %arg10[%add3A_37, %dma_wait3A_168] : memref<10112x96xf32, #tpu.memory_space<vmem_shared>> -> memref<64x96xf32, #tpu.memory_space<vmem_shared>>
      %dma_wait3A_170 = arith.constant 0 : i32
      %dma_wait3A_171 = arith.constant 0 : i32
      %dma_wait3A_172 = tpu.memref_slice %arg9[%run_scoped3A_38, %dma_wait3A_170, %dma_wait3A_171] : memref<4x64x96xf32, #tpu.memory_space<vmem>> -> memref<1x64x96xf32, #tpu.memory_space<vmem>>
      %dma_wait3A_173 = tpu.memref_squeeze %dma_wait3A_172 : memref<1x64x96xf32, #tpu.memory_space<vmem>> -> memref<64x96xf32, #tpu.memory_space<vmem>>
      tpu.wait_dma2 semaphore(%run_scoped3A_149 : memref<!tpu.dma_semaphore, #tpu.memory_space<semaphore_mem>>) src(%dma_wait3A_173 : memref<64x96xf32, #tpu.memory_space<vmem>>) dst(%dma_wait3A_169 : memref<64x96xf32, #tpu.memory_space<vmem_shared>>)
      tpu.yield
    }) : () -> ()
    %add3A_39 = arith.constant 512 : i32
    %add3A_40 = arith.addi %mul3A_15, %add3A_39 : i32
    %run_scoped3A_41 = arith.constant 0 : i32
    "tpu.region"() ({
      %run_scoped3A_149 = tpu.sem_alloc : memref<!tpu.dma_semaphore, #tpu.memory_space<semaphore_mem>>
      %dma_start3A_150 = arith.constant 0 : i32
      %dma_start3A_151 = arith.constant 0 : i32
      %dma_start3A_152 = tpu.memref_slice %arg9[%run_scoped3A_41, %dma_start3A_150, %dma_start3A_151] : memref<4x64x96xf32, #tpu.memory_space<vmem>> -> memref<1x64x96xf32, #tpu.memory_space<vmem>>
      %dma_start3A_153 = tpu.memref_squeeze %dma_start3A_152 : memref<1x64x96xf32, #tpu.memory_space<vmem>> -> memref<64x96xf32, #tpu.memory_space<vmem>>
      %dma_start3A_154 = arith.constant 0 : i32
      %dma_start3A_155 = tpu.memref_slice %arg10[%add3A_40, %dma_start3A_154] : memref<10112x96xf32, #tpu.memory_space<vmem_shared>> -> memref<64x96xf32, #tpu.memory_space<vmem_shared>>
      %dma_start3A_156 = arith.constant 0 : i32
      %dma_start3A_157 = tpu.memref_slice %arg10[%add3A_40, %dma_start3A_156] : memref<10112x96xf32, #tpu.memory_space<vmem_shared>> -> memref<64x96xf32, #tpu.memory_space<vmem_shared>>
      %dma_start3A_158 = arith.constant 0 : i32
      %dma_start3A_159 = arith.constant 0 : i32
      %dma_start3A_160 = tpu.memref_slice %arg9[%run_scoped3A_41, %dma_start3A_158, %dma_start3A_159] : memref<4x64x96xf32, #tpu.memory_space<vmem>> -> memref<1x64x96xf32, #tpu.memory_space<vmem>>
      %dma_start3A_161 = tpu.memref_squeeze %dma_start3A_160 : memref<1x64x96xf32, #tpu.memory_space<vmem>> -> memref<64x96xf32, #tpu.memory_space<vmem>>
      tpu.enqueue_dma source(%dma_start3A_161 : memref<64x96xf32, #tpu.memory_space<vmem>>) target(%dma_start3A_157 : memref<64x96xf32, #tpu.memory_space<vmem_shared>>) target_semaphore(%run_scoped3A_149 : memref<!tpu.dma_semaphore, #tpu.memory_space<semaphore_mem>>)
      %dma_wait3A_162 = arith.constant 0 : i32
      %dma_wait3A_163 = arith.constant 0 : i32
      %dma_wait3A_164 = tpu.memref_slice %arg9[%run_scoped3A_41, %dma_wait3A_162, %dma_wait3A_163] : memref<4x64x96xf32, #tpu.memory_space<vmem>> -> memref<1x64x96xf32, #tpu.memory_space<vmem>>
      %dma_wait3A_165 = tpu.memref_squeeze %dma_wait3A_164 : memref<1x64x96xf32, #tpu.memory_space<vmem>> -> memref<64x96xf32, #tpu.memory_space<vmem>>
      %dma_wait3A_166 = arith.constant 0 : i32
      %dma_wait3A_167 = tpu.memref_slice %arg10[%add3A_40, %dma_wait3A_166] : memref<10112x96xf32, #tpu.memory_space<vmem_shared>> -> memref<64x96xf32, #tpu.memory_space<vmem_shared>>
      %dma_wait3A_168 = arith.constant 0 : i32
      %dma_wait3A_169 = tpu.memref_slice %arg10[%add3A_40, %dma_wait3A_168] : memref<10112x96xf32, #tpu.memory_space<vmem_shared>> -> memref<64x96xf32, #tpu.memory_space<vmem_shared>>
      %dma_wait3A_170 = arith.constant 0 : i32
      %dma_wait3A_171 = arith.constant 0 : i32
      %dma_wait3A_172 = tpu.memref_slice %arg9[%run_scoped3A_41, %dma_wait3A_170, %dma_wait3A_171] : memref<4x64x96xf32, #tpu.memory_space<vmem>> -> memref<1x64x96xf32, #tpu.memory_space<vmem>>
      %dma_wait3A_173 = tpu.memref_squeeze %dma_wait3A_172 : memref<1x64x96xf32, #tpu.memory_space<vmem>> -> memref<64x96xf32, #tpu.memory_space<vmem>>
      tpu.wait_dma2 semaphore(%run_scoped3A_149 : memref<!tpu.dma_semaphore, #tpu.memory_space<semaphore_mem>>) src(%dma_wait3A_173 : memref<64x96xf32, #tpu.memory_space<vmem>>) dst(%dma_wait3A_169 : memref<64x96xf32, #tpu.memory_space<vmem_shared>>)
      tpu.yield
    }) : () -> ()
    %add3A_42 = arith.constant 576 : i32
    %add3A_43 = arith.addi %mul3A_15, %add3A_42 : i32
    %run_scoped3A_44 = arith.constant 0 : i32
    "tpu.region"() ({
      %run_scoped3A_149 = tpu.sem_alloc : memref<!tpu.dma_semaphore, #tpu.memory_space<semaphore_mem>>
      %dma_start3A_150 = arith.constant 0 : i32
      %dma_start3A_151 = arith.constant 0 : i32
      %dma_start3A_152 = tpu.memref_slice %arg9[%run_scoped3A_44, %dma_start3A_150, %dma_start3A_151] : memref<4x64x96xf32, #tpu.memory_space<vmem>> -> memref<1x64x96xf32, #tpu.memory_space<vmem>>
      %dma_start3A_153 = tpu.memref_squeeze %dma_start3A_152 : memref<1x64x96xf32, #tpu.memory_space<vmem>> -> memref<64x96xf32, #tpu.memory_space<vmem>>
      %dma_start3A_154 = arith.constant 0 : i32
      %dma_start3A_155 = arith.constant 0 : i32
      %dma_start3A_156 = tpu.memref_slice %dma_start3A_153[%dma_start3A_154, %dma_start3A_155] : memref<64x96xf32, #tpu.memory_space<vmem>> -> memref<56x96xf32, #tpu.memory_space<vmem>>
      %dma_start3A_157 = arith.constant 0 : i32
      %dma_start3A_158 = tpu.memref_slice %arg10[%add3A_43, %dma_start3A_157] : memref<10112x96xf32, #tpu.memory_space<vmem_shared>> -> memref<56x96xf32, #tpu.memory_space<vmem_shared>>
      %dma_start3A_159 = arith.constant 0 : i32
      %dma_start3A_160 = tpu.memref_slice %arg10[%add3A_43, %dma_start3A_159] : memref<10112x96xf32, #tpu.memory_space<vmem_shared>> -> memref<56x96xf32, #tpu.memory_space<vmem_shared>>
      %dma_start3A_161 = arith.constant 0 : i32
      %dma_start3A_162 = arith.constant 0 : i32
      %dma_start3A_163 = tpu.memref_slice %arg9[%run_scoped3A_44, %dma_start3A_161, %dma_start3A_162] : memref<4x64x96xf32, #tpu.memory_space<vmem>> -> memref<1x64x96xf32, #tpu.memory_space<vmem>>
      %dma_start3A_164 = tpu.memref_squeeze %dma_start3A_163 : memref<1x64x96xf32, #tpu.memory_space<vmem>> -> memref<64x96xf32, #tpu.memory_space<vmem>>
      %dma_start3A_165 = arith.constant 0 : i32
      %dma_start3A_166 = arith.constant 0 : i32
      %dma_start3A_167 = tpu.memref_slice %dma_start3A_164[%dma_start3A_165, %dma_start3A_166] : memref<64x96xf32, #tpu.memory_space<vmem>> -> memref<56x96xf32, #tpu.memory_space<vmem>>
      tpu.enqueue_dma source(%dma_start3A_167 : memref<56x96xf32, #tpu.memory_space<vmem>>) target(%dma_start3A_160 : memref<56x96xf32, #tpu.memory_space<vmem_shared>>) target_semaphore(%run_scoped3A_149 : memref<!tpu.dma_semaphore, #tpu.memory_space<semaphore_mem>>)
      %dma_wait3A_168 = arith.constant 0 : i32
      %dma_wait3A_169 = arith.constant 0 : i32
      %dma_wait3A_170 = tpu.memref_slice %arg9[%run_scoped3A_44, %dma_wait3A_168, %dma_wait3A_169] : memref<4x64x96xf32, #tpu.memory_space<vmem>> -> memref<1x64x96xf32, #tpu.memory_space<vmem>>
      %dma_wait3A_171 = tpu.memref_squeeze %dma_wait3A_170 : memref<1x64x96xf32, #tpu.memory_space<vmem>> -> memref<64x96xf32, #tpu.memory_space<vmem>>
      %dma_wait3A_172 = arith.constant 0 : i32
      %dma_wait3A_173 = arith.constant 0 : i32
      %dma_wait3A_174 = tpu.memref_slice %dma_wait3A_171[%dma_wait3A_172, %dma_wait3A_173] : memref<64x96xf32, #tpu.memory_space<vmem>> -> memref<56x96xf32, #tpu.memory_space<vmem>>
      %dma_wait3A_175 = arith.constant 0 : i32
      %dma_wait3A_176 = tpu.memref_slice %arg10[%add3A_43, %dma_wait3A_175] : memref<10112x96xf32, #tpu.memory_space<vmem_shared>> -> memref<56x96xf32, #tpu.memory_space<vmem_shared>>
      %dma_wait3A_177 = arith.constant 0 : i32
      %dma_wait3A_178 = tpu.memref_slice %arg10[%add3A_43, %dma_wait3A_177] : memref<10112x96xf32, #tpu.memory_space<vmem_shared>> -> memref<56x96xf32, #tpu.memory_space<vmem_shared>>
      %dma_wait3A_179 = arith.constant 0 : i32
      %dma_wait3A_180 = arith.constant 0 : i32
      %dma_wait3A_181 = tpu.memref_slice %arg9[%run_scoped3A_44, %dma_wait3A_179, %dma_wait3A_180] : memref<4x64x96xf32, #tpu.memory_space<vmem>> -> memref<1x64x96xf32, #tpu.memory_space<vmem>>
      %dma_wait3A_182 = tpu.memref_squeeze %dma_wait3A_181 : memref<1x64x96xf32, #tpu.memory_space<vmem>> -> memref<64x96xf32, #tpu.memory_space<vmem>>
      %dma_wait3A_183 = arith.constant 0 : i32
      %dma_wait3A_184 = arith.constant 0 : i32
      %dma_wait3A_185 = tpu.memref_slice %dma_wait3A_182[%dma_wait3A_183, %dma_wait3A_184] : memref<64x96xf32, #tpu.memory_space<vmem>> -> memref<56x96xf32, #tpu.memory_space<vmem>>
      tpu.wait_dma2 semaphore(%run_scoped3A_149 : memref<!tpu.dma_semaphore, #tpu.memory_space<semaphore_mem>>) src(%dma_wait3A_185 : memref<56x96xf32, #tpu.memory_space<vmem>>) dst(%dma_wait3A_178 : memref<56x96xf32, #tpu.memory_space<vmem_shared>>)
      tpu.yield
    }) : () -> ()
    %dma_wait3A = arith.constant 0 : i32
    %dma_wait3A_45 = arith.constant 0 : i32
    %dma_wait3A_46 = tpu.memref_slice %arg3[%arg0, %arg1, %dma_wait3A, %dma_wait3A_45] : memref<2x16x160x64xi32, #tpu.memory_space<hbm>> -> memref<1x1x160x64xi32, #tpu.memory_space<hbm>>
    %dma_wait3A_47 = tpu.memref_squeeze %dma_wait3A_46 : memref<1x1x160x64xi32, #tpu.memory_space<hbm>> -> memref<160x64xi32, #tpu.memory_space<hbm>>
    %dma_wait3A_48 = arith.constant 0 : i32
    %dma_wait3A_49 = arith.constant 0 : i32
    %dma_wait3A_50 = tpu.memref_slice %arg3[%arg0, %arg1, %dma_wait3A_48, %dma_wait3A_49] : memref<2x16x160x64xi32, #tpu.memory_space<hbm>> -> memref<1x1x160x64xi32, #tpu.memory_space<hbm>>
    %dma_wait3A_51 = tpu.memref_squeeze %dma_wait3A_50 : memref<1x1x160x64xi32, #tpu.memory_space<hbm>> -> memref<160x64xi32, #tpu.memory_space<hbm>>
    tpu.wait_dma2 semaphore(%arg11 : memref<!tpu.dma_semaphore, #tpu.memory_space<semaphore_mem>>) src(%dma_wait3A_51 : memref<160x64xi32, #tpu.memory_space<hbm>>) dst(%arg7 : memref<160x64xi32, #tpu.memory_space<vmem>>)
    %dma_wait3A_52 = arith.constant 0 : i32
    %dma_wait3A_53 = arith.constant 0 : i32
    %dma_wait3A_54 = tpu.memref_slice %arg4[%arg1, %dma_wait3A_52, %dma_wait3A_53] : memref<16x160x64xi32, #tpu.memory_space<hbm>> -> memref<1x160x64xi32, #tpu.memory_space<hbm>>
    %dma_wait3A_55 = tpu.memref_squeeze %dma_wait3A_54 : memref<1x160x64xi32, #tpu.memory_space<hbm>> -> memref<160x64xi32, #tpu.memory_space<hbm>>
    %dma_wait3A_56 = arith.constant 0 : i32
    %dma_wait3A_57 = arith.constant 0 : i32
    %dma_wait3A_58 = tpu.memref_slice %arg4[%arg1, %dma_wait3A_56, %dma_wait3A_57] : memref<16x160x64xi32, #tpu.memory_space<hbm>> -> memref<1x160x64xi32, #tpu.memory_space<hbm>>
    %dma_wait3A_59 = tpu.memref_squeeze %dma_wait3A_58 : memref<1x160x64xi32, #tpu.memory_space<hbm>> -> memref<160x64xi32, #tpu.memory_space<hbm>>
    tpu.wait_dma2 semaphore(%arg11 : memref<!tpu.dma_semaphore, #tpu.memory_space<semaphore_mem>>) src(%dma_wait3A_59 : memref<160x64xi32, #tpu.memory_space<hbm>>) dst(%arg8 : memref<160x64xi32, #tpu.memory_space<vmem>>)
    %barrier3A = arith.constant 0 : index
    tpu.barrier barrier_id(%barrier3A)
    %dma_start3A_60 = arith.constant 0 : i32
    %dma_start3A_61 = arith.constant 0 : i32
    %dma_start3A_62 = arith.constant 0 : i32
    %dma_start3A_63 = arith.constant 0 : i32
    %dma_start3A_64 = tpu.memref_slice %arg9[%dma_start3A_61, %dma_start3A_62, %dma_start3A_63] : memref<4x64x96xf32, #tpu.memory_space<vmem>> -> memref<1x64x96xf32, #tpu.memory_space<vmem>>
    %dma_start3A_65 = tpu.memref_squeeze %dma_start3A_64 : memref<1x64x96xf32, #tpu.memory_space<vmem>> -> memref<64x96xf32, #tpu.memory_space<vmem>>
    %dma_start3A_66 = arith.constant 0 : i32
    %dma_start3A_67 = tpu.memref_slice %arg7[%dma_start3A_60, %dma_start3A_66] : memref<160x64xi32, #tpu.memory_space<vmem>> -> memref<1x64xi32, #tpu.memory_space<vmem>>
    %dma_start3A_68 = tpu.memref_squeeze %dma_start3A_67 : memref<1x64xi32, #tpu.memory_space<vmem>> -> memref<64xi32, #tpu.memory_space<vmem>>
    %dma_start3A_69 = arith.constant 0 : i32
    %dma_start3A_70 = arith.constant 0 : i32
    %dma_start3A_71 = tpu.memref_slice %arg2[%dma_start3A_69, %dma_start3A_70] : memref<20000x96xf32, #tpu.memory_space<hbm>> -> memref<20000x96xf32, #tpu.memory_space<hbm>>
    tpu.enqueue_indirect_dma source(%dma_start3A_71 : memref<20000x96xf32, #tpu.memory_space<hbm>>) target(%dma_start3A_65 : memref<64x96xf32, #tpu.memory_space<vmem>>) offsets(%dma_start3A_68 : memref<64xi32, #tpu.memory_space<vmem>>) semaphore(%arg11 : memref<!tpu.dma_semaphore, #tpu.memory_space<semaphore_mem>>)
    %dma_start3A_72 = arith.constant 1 : i32
    %dma_start3A_73 = arith.constant 1 : i32
    %dma_start3A_74 = arith.constant 0 : i32
    %dma_start3A_75 = arith.constant 0 : i32
    %dma_start3A_76 = tpu.memref_slice %arg9[%dma_start3A_73, %dma_start3A_74, %dma_start3A_75] : memref<4x64x96xf32, #tpu.memory_space<vmem>> -> memref<1x64x96xf32, #tpu.memory_space<vmem>>
    %dma_start3A_77 = tpu.memref_squeeze %dma_start3A_76 : memref<1x64x96xf32, #tpu.memory_space<vmem>> -> memref<64x96xf32, #tpu.memory_space<vmem>>
    %dma_start3A_78 = arith.constant 0 : i32
    %dma_start3A_79 = tpu.memref_slice %arg7[%dma_start3A_72, %dma_start3A_78] : memref<160x64xi32, #tpu.memory_space<vmem>> -> memref<1x64xi32, #tpu.memory_space<vmem>>
    %dma_start3A_80 = tpu.memref_squeeze %dma_start3A_79 : memref<1x64xi32, #tpu.memory_space<vmem>> -> memref<64xi32, #tpu.memory_space<vmem>>
    %dma_start3A_81 = arith.constant 0 : i32
    %dma_start3A_82 = arith.constant 0 : i32
    %dma_start3A_83 = tpu.memref_slice %arg2[%dma_start3A_81, %dma_start3A_82] : memref<20000x96xf32, #tpu.memory_space<hbm>> -> memref<20000x96xf32, #tpu.memory_space<hbm>>
    tpu.enqueue_indirect_dma source(%dma_start3A_83 : memref<20000x96xf32, #tpu.memory_space<hbm>>) target(%dma_start3A_77 : memref<64x96xf32, #tpu.memory_space<vmem>>) offsets(%dma_start3A_80 : memref<64xi32, #tpu.memory_space<vmem>>) semaphore(%arg12 : memref<!tpu.dma_semaphore, #tpu.memory_space<semaphore_mem>>)
    %dma_start3A_84 = arith.constant 2 : i32
    %dma_start3A_85 = arith.constant 2 : i32
    %dma_start3A_86 = arith.constant 0 : i32
    %dma_start3A_87 = arith.constant 0 : i32
    %dma_start3A_88 = tpu.memref_slice %arg9[%dma_start3A_85, %dma_start3A_86, %dma_start3A_87] : memref<4x64x96xf32, #tpu.memory_space<vmem>> -> memref<1x64x96xf32, #tpu.memory_space<vmem>>
    %dma_start3A_89 = tpu.memref_squeeze %dma_start3A_88 : memref<1x64x96xf32, #tpu.memory_space<vmem>> -> memref<64x96xf32, #tpu.memory_space<vmem>>
    %dma_start3A_90 = arith.constant 0 : i32
    %dma_start3A_91 = tpu.memref_slice %arg7[%dma_start3A_84, %dma_start3A_90] : memref<160x64xi32, #tpu.memory_space<vmem>> -> memref<1x64xi32, #tpu.memory_space<vmem>>
    %dma_start3A_92 = tpu.memref_squeeze %dma_start3A_91 : memref<1x64xi32, #tpu.memory_space<vmem>> -> memref<64xi32, #tpu.memory_space<vmem>>
    %dma_start3A_93 = arith.constant 0 : i32
    %dma_start3A_94 = arith.constant 0 : i32
    %dma_start3A_95 = tpu.memref_slice %arg2[%dma_start3A_93, %dma_start3A_94] : memref<20000x96xf32, #tpu.memory_space<hbm>> -> memref<20000x96xf32, #tpu.memory_space<hbm>>
    tpu.enqueue_indirect_dma source(%dma_start3A_95 : memref<20000x96xf32, #tpu.memory_space<hbm>>) target(%dma_start3A_89 : memref<64x96xf32, #tpu.memory_space<vmem>>) offsets(%dma_start3A_92 : memref<64xi32, #tpu.memory_space<vmem>>) semaphore(%arg13 : memref<!tpu.dma_semaphore, #tpu.memory_space<semaphore_mem>>)
    %scan3A = arith.constant 0 : i32
    %scan3A_96 = arith.constant 40 : i32
    %scan3A_97 = arith.addi %scan3A, %scan3A_96 : i32
    %scan3A_98 = arith.constant 1 : i32
    scf.for %scan3A_149 = %scan3A to %scan3A_97 step %scan3A_98  : i32 {
      %mul3A_150 = arith.constant 4 : i32
      %mul3A_151 = arith.muli %scan3A_149, %mul3A_150 : i32
      %add3A_152 = arith.constant 0 : i32
      %add3A_153 = arith.addi %add3A_152, %mul3A_151 : i32
      %add3A_154 = arith.constant 0 : i32
      %add3A_155 = arith.addi %add3A_153, %add3A_154 : i32
      %add3A_156 = arith.constant 3 : i32
      %add3A_157 = arith.addi %add3A_155, %add3A_156 : i32
      %lt3A = arith.constant 160 : i32
      %lt3A_158 = arith.cmpi slt, %add3A_157, %lt3A : i32
      %convert_element_type3A = arith.extui %lt3A_158 : i1 to i32
      %cond3A = arith.constant 0 : i32
      %cond3A_159 = arith.cmpi ne, %convert_element_type3A, %cond3A : i32
      scf.if %cond3A_159 {
        %ge3A = arith.constant 4 : i32
        %ge3A_291 = arith.cmpi sge, %add3A_157, %ge3A : i32
        %convert_element_type3A_292 = arith.extui %ge3A_291 : i1 to i32
        %cond3A_293 = arith.constant 0 : i32
        %cond3A_294 = arith.cmpi ne, %convert_element_type3A_292, %cond3A_293 : i32
        scf.if %cond3A_294 {
          %sub3A = arith.constant 4 : i32
          %sub3A_306 = arith.subi %add3A_157, %sub3A : i32
          %dma_wait3A_307 = arith.constant 3 : i32
          %dma_wait3A_308 = arith.constant 0 : i32
          %dma_wait3A_309 = arith.constant 0 : i32
          %dma_wait3A_310 = tpu.memref_slice %arg9[%dma_wait3A_307, %dma_wait3A_308, %dma_wait3A_309] : memref<4x64x96xf32, #tpu.memory_space<vmem>> -> memref<1x64x96xf32, #tpu.memory_space<vmem>>
          %dma_wait3A_311 = tpu.memref_squeeze %dma_wait3A_310 : memref<1x64x96xf32, #tpu.memory_space<vmem>> -> memref<64x96xf32, #tpu.memory_space<vmem>>
          %dma_wait3A_312 = arith.constant 0 : i32
          %dma_wait3A_313 = tpu.memref_slice %arg8[%sub3A_306, %dma_wait3A_312] : memref<160x64xi32, #tpu.memory_space<vmem>> -> memref<1x64xi32, #tpu.memory_space<vmem>>
          %dma_wait3A_314 = tpu.memref_squeeze %dma_wait3A_313 : memref<1x64xi32, #tpu.memory_space<vmem>> -> memref<64xi32, #tpu.memory_space<vmem>>
          %dma_wait3A_315 = arith.constant 0 : i32
          %dma_wait3A_316 = arith.constant 0 : i32
          %dma_wait3A_317 = tpu.memref_slice %arg10[%dma_wait3A_315, %dma_wait3A_316] : memref<10112x96xf32, #tpu.memory_space<vmem_shared>> -> memref<10112x96xf32, #tpu.memory_space<vmem_shared>>
          tpu.wait_indirect_dma semaphore(%arg18 : memref<!tpu.dma_semaphore, #tpu.memory_space<semaphore_mem>>) src(%dma_wait3A_311 : memref<64x96xf32, #tpu.memory_space<vmem>>) dst(%dma_wait3A_317 : memref<10112x96xf32, #tpu.memory_space<vmem_shared>>)
        } else {
        }
        %dma_start3A_295 = arith.constant 3 : i32
        %dma_start3A_296 = arith.constant 0 : i32
        %dma_start3A_297 = arith.constant 0 : i32
        %dma_start3A_298 = tpu.memref_slice %arg9[%dma_start3A_295, %dma_start3A_296, %dma_start3A_297] : memref<4x64x96xf32, #tpu.memory_space<vmem>> -> memref<1x64x96xf32, #tpu.memory_space<vmem>>
        %dma_start3A_299 = tpu.memref_squeeze %dma_start3A_298 : memref<1x64x96xf32, #tpu.memory_space<vmem>> -> memref<64x96xf32, #tpu.memory_space<vmem>>
        %dma_start3A_300 = arith.constant 0 : i32
        %dma_start3A_301 = tpu.memref_slice %arg7[%add3A_157, %dma_start3A_300] : memref<160x64xi32, #tpu.memory_space<vmem>> -> memref<1x64xi32, #tpu.memory_space<vmem>>
        %dma_start3A_302 = tpu.memref_squeeze %dma_start3A_301 : memref<1x64xi32, #tpu.memory_space<vmem>> -> memref<64xi32, #tpu.memory_space<vmem>>
        %dma_start3A_303 = arith.constant 0 : i32
        %dma_start3A_304 = arith.constant 0 : i32
        %dma_start3A_305 = tpu.memref_slice %arg2[%dma_start3A_303, %dma_start3A_304] : memref<20000x96xf32, #tpu.memory_space<hbm>> -> memref<20000x96xf32, #tpu.memory_space<hbm>>
        tpu.enqueue_indirect_dma source(%dma_start3A_305 : memref<20000x96xf32, #tpu.memory_space<hbm>>) target(%dma_start3A_299 : memref<64x96xf32, #tpu.memory_space<vmem>>) offsets(%dma_start3A_302 : memref<64xi32, #tpu.memory_space<vmem>>) semaphore(%arg14 : memref<!tpu.dma_semaphore, #tpu.memory_space<semaphore_mem>>)
      } else {
      }
      %add3A_160 = arith.constant 0 : i32
      %add3A_161 = arith.addi %add3A_153, %add3A_160 : i32
      %dma_wait3A_162 = arith.constant 0 : i32
      %dma_wait3A_163 = arith.constant 0 : i32
      %dma_wait3A_164 = arith.constant 0 : i32
      %dma_wait3A_165 = tpu.memref_slice %arg9[%dma_wait3A_162, %dma_wait3A_163, %dma_wait3A_164] : memref<4x64x96xf32, #tpu.memory_space<vmem>> -> memref<1x64x96xf32, #tpu.memory_space<vmem>>
      %dma_wait3A_166 = tpu.memref_squeeze %dma_wait3A_165 : memref<1x64x96xf32, #tpu.memory_space<vmem>> -> memref<64x96xf32, #tpu.memory_space<vmem>>
      %dma_wait3A_167 = arith.constant 0 : i32
      %dma_wait3A_168 = tpu.memref_slice %arg7[%add3A_161, %dma_wait3A_167] : memref<160x64xi32, #tpu.memory_space<vmem>> -> memref<1x64xi32, #tpu.memory_space<vmem>>
      %dma_wait3A_169 = tpu.memref_squeeze %dma_wait3A_168 : memref<1x64xi32, #tpu.memory_space<vmem>> -> memref<64xi32, #tpu.memory_space<vmem>>
      %dma_wait3A_170 = arith.constant 0 : i32
      %dma_wait3A_171 = arith.constant 0 : i32
      %dma_wait3A_172 = tpu.memref_slice %arg2[%dma_wait3A_170, %dma_wait3A_171] : memref<20000x96xf32, #tpu.memory_space<hbm>> -> memref<20000x96xf32, #tpu.memory_space<hbm>>
      tpu.wait_indirect_dma semaphore(%arg11 : memref<!tpu.dma_semaphore, #tpu.memory_space<semaphore_mem>>) src(%dma_wait3A_172 : memref<20000x96xf32, #tpu.memory_space<hbm>>) dst(%dma_wait3A_166 : memref<64x96xf32, #tpu.memory_space<vmem>>)
      %add3A_173 = arith.constant 0 : i32
      %add3A_174 = arith.addi %add3A_153, %add3A_173 : i32
      %dma_start3A_175 = arith.constant 0 : i32
      %dma_start3A_176 = arith.constant 0 : i32
      %dma_start3A_177 = arith.constant 0 : i32
      %dma_start3A_178 = tpu.memref_slice %arg9[%dma_start3A_175, %dma_start3A_176, %dma_start3A_177] : memref<4x64x96xf32, #tpu.memory_space<vmem>> -> memref<1x64x96xf32, #tpu.memory_space<vmem>>
      %dma_start3A_179 = tpu.memref_squeeze %dma_start3A_178 : memref<1x64x96xf32, #tpu.memory_space<vmem>> -> memref<64x96xf32, #tpu.memory_space<vmem>>
      %dma_start3A_180 = arith.constant 0 : i32
      %dma_start3A_181 = tpu.memref_slice %arg8[%add3A_174, %dma_start3A_180] : memref<160x64xi32, #tpu.memory_space<vmem>> -> memref<1x64xi32, #tpu.memory_space<vmem>>
      %dma_start3A_182 = tpu.memref_squeeze %dma_start3A_181 : memref<1x64xi32, #tpu.memory_space<vmem>> -> memref<64xi32, #tpu.memory_space<vmem>>
      %dma_start3A_183 = arith.constant 0 : i32
      %dma_start3A_184 = arith.constant 0 : i32
      %dma_start3A_185 = tpu.memref_slice %arg10[%dma_start3A_183, %dma_start3A_184] : memref<10112x96xf32, #tpu.memory_space<vmem_shared>> -> memref<10112x96xf32, #tpu.memory_space<vmem_shared>>
      tpu.enqueue_indirect_dma source(%dma_start3A_179 : memref<64x96xf32, #tpu.memory_space<vmem>>) target(%dma_start3A_185 : memref<10112x96xf32, #tpu.memory_space<vmem_shared>>) offsets(%dma_start3A_182 : memref<64xi32, #tpu.memory_space<vmem>>) semaphore(%arg15 : memref<!tpu.dma_semaphore, #tpu.memory_space<semaphore_mem>>) {add = true}
      %add3A_186 = arith.constant 1 : i32
      %add3A_187 = arith.addi %add3A_153, %add3A_186 : i32
      %add3A_188 = arith.constant 3 : i32
      %add3A_189 = arith.addi %add3A_187, %add3A_188 : i32
      %lt3A_190 = arith.constant 160 : i32
      %lt3A_191 = arith.cmpi slt, %add3A_189, %lt3A_190 : i32
      %convert_element_type3A_192 = arith.extui %lt3A_191 : i1 to i32
      %cond3A_193 = arith.constant 0 : i32
      %cond3A_194 = arith.cmpi ne, %convert_element_type3A_192, %cond3A_193 : i32
      scf.if %cond3A_194 {
        %ge3A = arith.constant 4 : i32
        %ge3A_291 = arith.cmpi sge, %add3A_189, %ge3A : i32
        %convert_element_type3A_292 = arith.extui %ge3A_291 : i1 to i32
        %cond3A_293 = arith.constant 0 : i32
        %cond3A_294 = arith.cmpi ne, %convert_element_type3A_292, %cond3A_293 : i32
        scf.if %cond3A_294 {
          %sub3A = arith.constant 4 : i32
          %sub3A_306 = arith.subi %add3A_189, %sub3A : i32
          %dma_wait3A_307 = arith.constant 0 : i32
          %dma_wait3A_308 = arith.constant 0 : i32
          %dma_wait3A_309 = arith.constant 0 : i32
          %dma_wait3A_310 = tpu.memref_slice %arg9[%dma_wait3A_307, %dma_wait3A_308, %dma_wait3A_309] : memref<4x64x96xf32, #tpu.memory_space<vmem>> -> memref<1x64x96xf32, #tpu.memory_space<vmem>>
          %dma_wait3A_311 = tpu.memref_squeeze %dma_wait3A_310 : memref<1x64x96xf32, #tpu.memory_space<vmem>> -> memref<64x96xf32, #tpu.memory_space<vmem>>
          %dma_wait3A_312 = arith.constant 0 : i32
          %dma_wait3A_313 = tpu.memref_slice %arg8[%sub3A_306, %dma_wait3A_312] : memref<160x64xi32, #tpu.memory_space<vmem>> -> memref<1x64xi32, #tpu.memory_space<vmem>>
          %dma_wait3A_314 = tpu.memref_squeeze %dma_wait3A_313 : memref<1x64xi32, #tpu.memory_space<vmem>> -> memref<64xi32, #tpu.memory_space<vmem>>
          %dma_wait3A_315 = arith.constant 0 : i32
          %dma_wait3A_316 = arith.constant 0 : i32
          %dma_wait3A_317 = tpu.memref_slice %arg10[%dma_wait3A_315, %dma_wait3A_316] : memref<10112x96xf32, #tpu.memory_space<vmem_shared>> -> memref<10112x96xf32, #tpu.memory_space<vmem_shared>>
          tpu.wait_indirect_dma semaphore(%arg15 : memref<!tpu.dma_semaphore, #tpu.memory_space<semaphore_mem>>) src(%dma_wait3A_311 : memref<64x96xf32, #tpu.memory_space<vmem>>) dst(%dma_wait3A_317 : memref<10112x96xf32, #tpu.memory_space<vmem_shared>>)
        } else {
        }
        %dma_start3A_295 = arith.constant 0 : i32
        %dma_start3A_296 = arith.constant 0 : i32
        %dma_start3A_297 = arith.constant 0 : i32
        %dma_start3A_298 = tpu.memref_slice %arg9[%dma_start3A_295, %dma_start3A_296, %dma_start3A_297] : memref<4x64x96xf32, #tpu.memory_space<vmem>> -> memref<1x64x96xf32, #tpu.memory_space<vmem>>
        %dma_start3A_299 = tpu.memref_squeeze %dma_start3A_298 : memref<1x64x96xf32, #tpu.memory_space<vmem>> -> memref<64x96xf32, #tpu.memory_space<vmem>>
        %dma_start3A_300 = arith.constant 0 : i32
        %dma_start3A_301 = tpu.memref_slice %arg7[%add3A_189, %dma_start3A_300] : memref<160x64xi32, #tpu.memory_space<vmem>> -> memref<1x64xi32, #tpu.memory_space<vmem>>
        %dma_start3A_302 = tpu.memref_squeeze %dma_start3A_301 : memref<1x64xi32, #tpu.memory_space<vmem>> -> memref<64xi32, #tpu.memory_space<vmem>>
        %dma_start3A_303 = arith.constant 0 : i32
        %dma_start3A_304 = arith.constant 0 : i32
        %dma_start3A_305 = tpu.memref_slice %arg2[%dma_start3A_303, %dma_start3A_304] : memref<20000x96xf32, #tpu.memory_space<hbm>> -> memref<20000x96xf32, #tpu.memory_space<hbm>>
        tpu.enqueue_indirect_dma source(%dma_start3A_305 : memref<20000x96xf32, #tpu.memory_space<hbm>>) target(%dma_start3A_299 : memref<64x96xf32, #tpu.memory_space<vmem>>) offsets(%dma_start3A_302 : memref<64xi32, #tpu.memory_space<vmem>>) semaphore(%arg11 : memref<!tpu.dma_semaphore, #tpu.memory_space<semaphore_mem>>)
      } else {
      }
      %add3A_195 = arith.constant 1 : i32
      %add3A_196 = arith.addi %add3A_153, %add3A_195 : i32
      %dma_wait3A_197 = arith.constant 1 : i32
      %dma_wait3A_198 = arith.constant 0 : i32
      %dma_wait3A_199 = arith.constant 0 : i32
      %dma_wait3A_200 = tpu.memref_slice %arg9[%dma_wait3A_197, %dma_wait3A_198, %dma_wait3A_199] : memref<4x64x96xf32, #tpu.memory_space<vmem>> -> memref<1x64x96xf32, #tpu.memory_space<vmem>>
      %dma_wait3A_201 = tpu.memref_squeeze %dma_wait3A_200 : memref<1x64x96xf32, #tpu.memory_space<vmem>> -> memref<64x96xf32, #tpu.memory_space<vmem>>
      %dma_wait3A_202 = arith.constant 0 : i32
      %dma_wait3A_203 = tpu.memref_slice %arg7[%add3A_196, %dma_wait3A_202] : memref<160x64xi32, #tpu.memory_space<vmem>> -> memref<1x64xi32, #tpu.memory_space<vmem>>
      %dma_wait3A_204 = tpu.memref_squeeze %dma_wait3A_203 : memref<1x64xi32, #tpu.memory_space<vmem>> -> memref<64xi32, #tpu.memory_space<vmem>>
      %dma_wait3A_205 = arith.constant 0 : i32
      %dma_wait3A_206 = arith.constant 0 : i32
      %dma_wait3A_207 = tpu.memref_slice %arg2[%dma_wait3A_205, %dma_wait3A_206] : memref<20000x96xf32, #tpu.memory_space<hbm>> -> memref<20000x96xf32, #tpu.memory_space<hbm>>
      tpu.wait_indirect_dma semaphore(%arg12 : memref<!tpu.dma_semaphore, #tpu.memory_space<semaphore_mem>>) src(%dma_wait3A_207 : memref<20000x96xf32, #tpu.memory_space<hbm>>) dst(%dma_wait3A_201 : memref<64x96xf32, #tpu.memory_space<vmem>>)
      %add3A_208 = arith.constant 1 : i32
      %add3A_209 = arith.addi %add3A_153, %add3A_208 : i32
      %dma_start3A_210 = arith.constant 1 : i32
      %dma_start3A_211 = arith.constant 0 : i32
      %dma_start3A_212 = arith.constant 0 : i32
      %dma_start3A_213 = tpu.memref_slice %arg9[%dma_start3A_210, %dma_start3A_211, %dma_start3A_212] : memref<4x64x96xf32, #tpu.memory_space<vmem>> -> memref<1x64x96xf32, #tpu.memory_space<vmem>>
      %dma_start3A_214 = tpu.memref_squeeze %dma_start3A_213 : memref<1x64x96xf32, #tpu.memory_space<vmem>> -> memref<64x96xf32, #tpu.memory_space<vmem>>
      %dma_start3A_215 = arith.constant 0 : i32
      %dma_start3A_216 = tpu.memref_slice %arg8[%add3A_209, %dma_start3A_215] : memref<160x64xi32, #tpu.memory_space<vmem>> -> memref<1x64xi32, #tpu.memory_space<vmem>>
      %dma_start3A_217 = tpu.memref_squeeze %dma_start3A_216 : memref<1x64xi32, #tpu.memory_space<vmem>> -> memref<64xi32, #tpu.memory_space<vmem>>
      %dma_start3A_218 = arith.constant 0 : i32
      %dma_start3A_219 = arith.constant 0 : i32
      %dma_start3A_220 = tpu.memref_slice %arg10[%dma_start3A_218, %dma_start3A_219] : memref<10112x96xf32, #tpu.memory_space<vmem_shared>> -> memref<10112x96xf32, #tpu.memory_space<vmem_shared>>
      tpu.enqueue_indirect_dma source(%dma_start3A_214 : memref<64x96xf32, #tpu.memory_space<vmem>>) target(%dma_start3A_220 : memref<10112x96xf32, #tpu.memory_space<vmem_shared>>) offsets(%dma_start3A_217 : memref<64xi32, #tpu.memory_space<vmem>>) semaphore(%arg16 : memref<!tpu.dma_semaphore, #tpu.memory_space<semaphore_mem>>) {add = true}
      %add3A_221 = arith.constant 2 : i32
      %add3A_222 = arith.addi %add3A_153, %add3A_221 : i32
      %add3A_223 = arith.constant 3 : i32
      %add3A_224 = arith.addi %add3A_222, %add3A_223 : i32
      %lt3A_225 = arith.constant 160 : i32
      %lt3A_226 = arith.cmpi slt, %add3A_224, %lt3A_225 : i32
      %convert_element_type3A_227 = arith.extui %lt3A_226 : i1 to i32
      %cond3A_228 = arith.constant 0 : i32
      %cond3A_229 = arith.cmpi ne, %convert_element_type3A_227, %cond3A_228 : i32
      scf.if %cond3A_229 {
        %ge3A = arith.constant 4 : i32
        %ge3A_291 = arith.cmpi sge, %add3A_224, %ge3A : i32
        %convert_element_type3A_292 = arith.extui %ge3A_291 : i1 to i32
        %cond3A_293 = arith.constant 0 : i32
        %cond3A_294 = arith.cmpi ne, %convert_element_type3A_292, %cond3A_293 : i32
        scf.if %cond3A_294 {
          %sub3A = arith.constant 4 : i32
          %sub3A_306 = arith.subi %add3A_224, %sub3A : i32
          %dma_wait3A_307 = arith.constant 1 : i32
          %dma_wait3A_308 = arith.constant 0 : i32
          %dma_wait3A_309 = arith.constant 0 : i32
          %dma_wait3A_310 = tpu.memref_slice %arg9[%dma_wait3A_307, %dma_wait3A_308, %dma_wait3A_309] : memref<4x64x96xf32, #tpu.memory_space<vmem>> -> memref<1x64x96xf32, #tpu.memory_space<vmem>>
          %dma_wait3A_311 = tpu.memref_squeeze %dma_wait3A_310 : memref<1x64x96xf32, #tpu.memory_space<vmem>> -> memref<64x96xf32, #tpu.memory_space<vmem>>
          %dma_wait3A_312 = arith.constant 0 : i32
          %dma_wait3A_313 = tpu.memref_slice %arg8[%sub3A_306, %dma_wait3A_312] : memref<160x64xi32, #tpu.memory_space<vmem>> -> memref<1x64xi32, #tpu.memory_space<vmem>>
          %dma_wait3A_314 = tpu.memref_squeeze %dma_wait3A_313 : memref<1x64xi32, #tpu.memory_space<vmem>> -> memref<64xi32, #tpu.memory_space<vmem>>
          %dma_wait3A_315 = arith.constant 0 : i32
          %dma_wait3A_316 = arith.constant 0 : i32
          %dma_wait3A_317 = tpu.memref_slice %arg10[%dma_wait3A_315, %dma_wait3A_316] : memref<10112x96xf32, #tpu.memory_space<vmem_shared>> -> memref<10112x96xf32, #tpu.memory_space<vmem_shared>>
          tpu.wait_indirect_dma semaphore(%arg16 : memref<!tpu.dma_semaphore, #tpu.memory_space<semaphore_mem>>) src(%dma_wait3A_311 : memref<64x96xf32, #tpu.memory_space<vmem>>) dst(%dma_wait3A_317 : memref<10112x96xf32, #tpu.memory_space<vmem_shared>>)
        } else {
        }
        %dma_start3A_295 = arith.constant 1 : i32
        %dma_start3A_296 = arith.constant 0 : i32
        %dma_start3A_297 = arith.constant 0 : i32
        %dma_start3A_298 = tpu.memref_slice %arg9[%dma_start3A_295, %dma_start3A_296, %dma_start3A_297] : memref<4x64x96xf32, #tpu.memory_space<vmem>> -> memref<1x64x96xf32, #tpu.memory_space<vmem>>
        %dma_start3A_299 = tpu.memref_squeeze %dma_start3A_298 : memref<1x64x96xf32, #tpu.memory_space<vmem>> -> memref<64x96xf32, #tpu.memory_space<vmem>>
        %dma_start3A_300 = arith.constant 0 : i32
        %dma_start3A_301 = tpu.memref_slice %arg7[%add3A_224, %dma_start3A_300] : memref<160x64xi32, #tpu.memory_space<vmem>> -> memref<1x64xi32, #tpu.memory_space<vmem>>
        %dma_start3A_302 = tpu.memref_squeeze %dma_start3A_301 : memref<1x64xi32, #tpu.memory_space<vmem>> -> memref<64xi32, #tpu.memory_space<vmem>>
        %dma_start3A_303 = arith.constant 0 : i32
        %dma_start3A_304 = arith.constant 0 : i32
        %dma_start3A_305 = tpu.memref_slice %arg2[%dma_start3A_303, %dma_start3A_304] : memref<20000x96xf32, #tpu.memory_space<hbm>> -> memref<20000x96xf32, #tpu.memory_space<hbm>>
        tpu.enqueue_indirect_dma source(%dma_start3A_305 : memref<20000x96xf32, #tpu.memory_space<hbm>>) target(%dma_start3A_299 : memref<64x96xf32, #tpu.memory_space<vmem>>) offsets(%dma_start3A_302 : memref<64xi32, #tpu.memory_space<vmem>>) semaphore(%arg12 : memref<!tpu.dma_semaphore, #tpu.memory_space<semaphore_mem>>)
      } else {
      }
      %add3A_230 = arith.constant 2 : i32
      %add3A_231 = arith.addi %add3A_153, %add3A_230 : i32
      %dma_wait3A_232 = arith.constant 2 : i32
      %dma_wait3A_233 = arith.constant 0 : i32
      %dma_wait3A_234 = arith.constant 0 : i32
      %dma_wait3A_235 = tpu.memref_slice %arg9[%dma_wait3A_232, %dma_wait3A_233, %dma_wait3A_234] : memref<4x64x96xf32, #tpu.memory_space<vmem>> -> memref<1x64x96xf32, #tpu.memory_space<vmem>>
      %dma_wait3A_236 = tpu.memref_squeeze %dma_wait3A_235 : memref<1x64x96xf32, #tpu.memory_space<vmem>> -> memref<64x96xf32, #tpu.memory_space<vmem>>
      %dma_wait3A_237 = arith.constant 0 : i32
      %dma_wait3A_238 = tpu.memref_slice %arg7[%add3A_231, %dma_wait3A_237] : memref<160x64xi32, #tpu.memory_space<vmem>> -> memref<1x64xi32, #tpu.memory_space<vmem>>
      %dma_wait3A_239 = tpu.memref_squeeze %dma_wait3A_238 : memref<1x64xi32, #tpu.memory_space<vmem>> -> memref<64xi32, #tpu.memory_space<vmem>>
      %dma_wait3A_240 = arith.constant 0 : i32
      %dma_wait3A_241 = arith.constant 0 : i32
      %dma_wait3A_242 = tpu.memref_slice %arg2[%dma_wait3A_240, %dma_wait3A_241] : memref<20000x96xf32, #tpu.memory_space<hbm>> -> memref<20000x96xf32, #tpu.memory_space<hbm>>
      tpu.wait_indirect_dma semaphore(%arg13 : memref<!tpu.dma_semaphore, #tpu.memory_space<semaphore_mem>>) src(%dma_wait3A_242 : memref<20000x96xf32, #tpu.memory_space<hbm>>) dst(%dma_wait3A_236 : memref<64x96xf32, #tpu.memory_space<vmem>>)
      %add3A_243 = arith.constant 2 : i32
      %add3A_244 = arith.addi %add3A_153, %add3A_243 : i32
      %dma_start3A_245 = arith.constant 2 : i32
      %dma_start3A_246 = arith.constant 0 : i32
      %dma_start3A_247 = arith.constant 0 : i32
      %dma_start3A_248 = tpu.memref_slice %arg9[%dma_start3A_245, %dma_start3A_246, %dma_start3A_247] : memref<4x64x96xf32, #tpu.memory_space<vmem>> -> memref<1x64x96xf32, #tpu.memory_space<vmem>>
      %dma_start3A_249 = tpu.memref_squeeze %dma_start3A_248 : memref<1x64x96xf32, #tpu.memory_space<vmem>> -> memref<64x96xf32, #tpu.memory_space<vmem>>
      %dma_start3A_250 = arith.constant 0 : i32
      %dma_start3A_251 = tpu.memref_slice %arg8[%add3A_244, %dma_start3A_250] : memref<160x64xi32, #tpu.memory_space<vmem>> -> memref<1x64xi32, #tpu.memory_space<vmem>>
      %dma_start3A_252 = tpu.memref_squeeze %dma_start3A_251 : memref<1x64xi32, #tpu.memory_space<vmem>> -> memref<64xi32, #tpu.memory_space<vmem>>
      %dma_start3A_253 = arith.constant 0 : i32
      %dma_start3A_254 = arith.constant 0 : i32
      %dma_start3A_255 = tpu.memref_slice %arg10[%dma_start3A_253, %dma_start3A_254] : memref<10112x96xf32, #tpu.memory_space<vmem_shared>> -> memref<10112x96xf32, #tpu.memory_space<vmem_shared>>
      tpu.enqueue_indirect_dma source(%dma_start3A_249 : memref<64x96xf32, #tpu.memory_space<vmem>>) target(%dma_start3A_255 : memref<10112x96xf32, #tpu.memory_space<vmem_shared>>) offsets(%dma_start3A_252 : memref<64xi32, #tpu.memory_space<vmem>>) semaphore(%arg17 : memref<!tpu.dma_semaphore, #tpu.memory_space<semaphore_mem>>) {add = true}
      %add3A_256 = arith.constant 3 : i32
      %add3A_257 = arith.addi %add3A_153, %add3A_256 : i32
      %add3A_258 = arith.constant 3 : i32
      %add3A_259 = arith.addi %add3A_257, %add3A_258 : i32
      %lt3A_260 = arith.constant 160 : i32
      %lt3A_261 = arith.cmpi slt, %add3A_259, %lt3A_260 : i32
      %convert_element_type3A_262 = arith.extui %lt3A_261 : i1 to i32
      %cond3A_263 = arith.constant 0 : i32
      %cond3A_264 = arith.cmpi ne, %convert_element_type3A_262, %cond3A_263 : i32
      scf.if %cond3A_264 {
        %ge3A = arith.constant 4 : i32
        %ge3A_291 = arith.cmpi sge, %add3A_259, %ge3A : i32
        %convert_element_type3A_292 = arith.extui %ge3A_291 : i1 to i32
        %cond3A_293 = arith.constant 0 : i32
        %cond3A_294 = arith.cmpi ne, %convert_element_type3A_292, %cond3A_293 : i32
        scf.if %cond3A_294 {
          %sub3A = arith.constant 4 : i32
          %sub3A_306 = arith.subi %add3A_259, %sub3A : i32
          %dma_wait3A_307 = arith.constant 2 : i32
          %dma_wait3A_308 = arith.constant 0 : i32
          %dma_wait3A_309 = arith.constant 0 : i32
          %dma_wait3A_310 = tpu.memref_slice %arg9[%dma_wait3A_307, %dma_wait3A_308, %dma_wait3A_309] : memref<4x64x96xf32, #tpu.memory_space<vmem>> -> memref<1x64x96xf32, #tpu.memory_space<vmem>>
          %dma_wait3A_311 = tpu.memref_squeeze %dma_wait3A_310 : memref<1x64x96xf32, #tpu.memory_space<vmem>> -> memref<64x96xf32, #tpu.memory_space<vmem>>
          %dma_wait3A_312 = arith.constant 0 : i32
          %dma_wait3A_313 = tpu.memref_slice %arg8[%sub3A_306, %dma_wait3A_312] : memref<160x64xi32, #tpu.memory_space<vmem>> -> memref<1x64xi32, #tpu.memory_space<vmem>>
          %dma_wait3A_314 = tpu.memref_squeeze %dma_wait3A_313 : memref<1x64xi32, #tpu.memory_space<vmem>> -> memref<64xi32, #tpu.memory_space<vmem>>
          %dma_wait3A_315 = arith.constant 0 : i32
          %dma_wait3A_316 = arith.constant 0 : i32
          %dma_wait3A_317 = tpu.memref_slice %arg10[%dma_wait3A_315, %dma_wait3A_316] : memref<10112x96xf32, #tpu.memory_space<vmem_shared>> -> memref<10112x96xf32, #tpu.memory_space<vmem_shared>>
          tpu.wait_indirect_dma semaphore(%arg17 : memref<!tpu.dma_semaphore, #tpu.memory_space<semaphore_mem>>) src(%dma_wait3A_311 : memref<64x96xf32, #tpu.memory_space<vmem>>) dst(%dma_wait3A_317 : memref<10112x96xf32, #tpu.memory_space<vmem_shared>>)
        } else {
        }
        %dma_start3A_295 = arith.constant 2 : i32
        %dma_start3A_296 = arith.constant 0 : i32
        %dma_start3A_297 = arith.constant 0 : i32
        %dma_start3A_298 = tpu.memref_slice %arg9[%dma_start3A_295, %dma_start3A_296, %dma_start3A_297] : memref<4x64x96xf32, #tpu.memory_space<vmem>> -> memref<1x64x96xf32, #tpu.memory_space<vmem>>
        %dma_start3A_299 = tpu.memref_squeeze %dma_start3A_298 : memref<1x64x96xf32, #tpu.memory_space<vmem>> -> memref<64x96xf32, #tpu.memory_space<vmem>>
        %dma_start3A_300 = arith.constant 0 : i32
        %dma_start3A_301 = tpu.memref_slice %arg7[%add3A_259, %dma_start3A_300] : memref<160x64xi32, #tpu.memory_space<vmem>> -> memref<1x64xi32, #tpu.memory_space<vmem>>
        %dma_start3A_302 = tpu.memref_squeeze %dma_start3A_301 : memref<1x64xi32, #tpu.memory_space<vmem>> -> memref<64xi32, #tpu.memory_space<vmem>>
        %dma_start3A_303 = arith.constant 0 : i32
        %dma_start3A_304 = arith.constant 0 : i32
        %dma_start3A_305 = tpu.memref_slice %arg2[%dma_start3A_303, %dma_start3A_304] : memref<20000x96xf32, #tpu.memory_space<hbm>> -> memref<20000x96xf32, #tpu.memory_space<hbm>>
        tpu.enqueue_indirect_dma source(%dma_start3A_305 : memref<20000x96xf32, #tpu.memory_space<hbm>>) target(%dma_start3A_299 : memref<64x96xf32, #tpu.memory_space<vmem>>) offsets(%dma_start3A_302 : memref<64xi32, #tpu.memory_space<vmem>>) semaphore(%arg13 : memref<!tpu.dma_semaphore, #tpu.memory_space<semaphore_mem>>)
      } else {
      }
      %add3A_265 = arith.constant 3 : i32
      %add3A_266 = arith.addi %add3A_153, %add3A_265 : i32
      %dma_wait3A_267 = arith.constant 3 : i32
      %dma_wait3A_268 = arith.constant 0 : i32
      %dma_wait3A_269 = arith.constant 0 : i32
      %dma_wait3A_270 = tpu.memref_slice %arg9[%dma_wait3A_267, %dma_wait3A_268, %dma_wait3A_269] : memref<4x64x96xf32, #tpu.memory_space<vmem>> -> memref<1x64x96xf32, #tpu.memory_space<vmem>>
      %dma_wait3A_271 = tpu.memref_squeeze %dma_wait3A_270 : memref<1x64x96xf32, #tpu.memory_space<vmem>> -> memref<64x96xf32, #tpu.memory_space<vmem>>
      %dma_wait3A_272 = arith.constant 0 : i32
      %dma_wait3A_273 = tpu.memref_slice %arg7[%add3A_266, %dma_wait3A_272] : memref<160x64xi32, #tpu.memory_space<vmem>> -> memref<1x64xi32, #tpu.memory_space<vmem>>
      %dma_wait3A_274 = tpu.memref_squeeze %dma_wait3A_273 : memref<1x64xi32, #tpu.memory_space<vmem>> -> memref<64xi32, #tpu.memory_space<vmem>>
      %dma_wait3A_275 = arith.constant 0 : i32
      %dma_wait3A_276 = arith.constant 0 : i32
      %dma_wait3A_277 = tpu.memref_slice %arg2[%dma_wait3A_275, %dma_wait3A_276] : memref<20000x96xf32, #tpu.memory_space<hbm>> -> memref<20000x96xf32, #tpu.memory_space<hbm>>
      tpu.wait_indirect_dma semaphore(%arg14 : memref<!tpu.dma_semaphore, #tpu.memory_space<semaphore_mem>>) src(%dma_wait3A_277 : memref<20000x96xf32, #tpu.memory_space<hbm>>) dst(%dma_wait3A_271 : memref<64x96xf32, #tpu.memory_space<vmem>>)
      %add3A_278 = arith.constant 3 : i32
      %add3A_279 = arith.addi %add3A_153, %add3A_278 : i32
      %dma_start3A_280 = arith.constant 3 : i32
      %dma_start3A_281 = arith.constant 0 : i32
      %dma_start3A_282 = arith.constant 0 : i32
      %dma_start3A_283 = tpu.memref_slice %arg9[%dma_start3A_280, %dma_start3A_281, %dma_start3A_282] : memref<4x64x96xf32, #tpu.memory_space<vmem>> -> memref<1x64x96xf32, #tpu.memory_space<vmem>>
      %dma_start3A_284 = tpu.memref_squeeze %dma_start3A_283 : memref<1x64x96xf32, #tpu.memory_space<vmem>> -> memref<64x96xf32, #tpu.memory_space<vmem>>
      %dma_start3A_285 = arith.constant 0 : i32
      %dma_start3A_286 = tpu.memref_slice %arg8[%add3A_279, %dma_start3A_285] : memref<160x64xi32, #tpu.memory_space<vmem>> -> memref<1x64xi32, #tpu.memory_space<vmem>>
      %dma_start3A_287 = tpu.memref_squeeze %dma_start3A_286 : memref<1x64xi32, #tpu.memory_space<vmem>> -> memref<64xi32, #tpu.memory_space<vmem>>
      %dma_start3A_288 = arith.constant 0 : i32
      %dma_start3A_289 = arith.constant 0 : i32
      %dma_start3A_290 = tpu.memref_slice %arg10[%dma_start3A_288, %dma_start3A_289] : memref<10112x96xf32, #tpu.memory_space<vmem_shared>> -> memref<10112x96xf32, #tpu.memory_space<vmem_shared>>
      tpu.enqueue_indirect_dma source(%dma_start3A_284 : memref<64x96xf32, #tpu.memory_space<vmem>>) target(%dma_start3A_290 : memref<10112x96xf32, #tpu.memory_space<vmem_shared>>) offsets(%dma_start3A_287 : memref<64xi32, #tpu.memory_space<vmem>>) semaphore(%arg18 : memref<!tpu.dma_semaphore, #tpu.memory_space<semaphore_mem>>) {add = true}
    }
    %scan3A_99 = arith.constant 40 : i32
    %dma_wait3A_100 = arith.constant 0 : i32
    %dma_wait3A_101 = arith.constant 156 : i32
    %dma_wait3A_102 = arith.constant 0 : i32
    %dma_wait3A_103 = arith.constant 0 : i32
    %dma_wait3A_104 = tpu.memref_slice %arg9[%dma_wait3A_100, %dma_wait3A_102, %dma_wait3A_103] : memref<4x64x96xf32, #tpu.memory_space<vmem>> -> memref<1x64x96xf32, #tpu.memory_space<vmem>>
    %dma_wait3A_105 = tpu.memref_squeeze %dma_wait3A_104 : memref<1x64x96xf32, #tpu.memory_space<vmem>> -> memref<64x96xf32, #tpu.memory_space<vmem>>
    %dma_wait3A_106 = arith.constant 0 : i32
    %dma_wait3A_107 = tpu.memref_slice %arg8[%dma_wait3A_101, %dma_wait3A_106] : memref<160x64xi32, #tpu.memory_space<vmem>> -> memref<1x64xi32, #tpu.memory_space<vmem>>
    %dma_wait3A_108 = tpu.memref_squeeze %dma_wait3A_107 : memref<1x64xi32, #tpu.memory_space<vmem>> -> memref<64xi32, #tpu.memory_space<vmem>>
    %dma_wait3A_109 = arith.constant 0 : i32
    %dma_wait3A_110 = arith.constant 0 : i32
    %dma_wait3A_111 = tpu.memref_slice %arg10[%dma_wait3A_109, %dma_wait3A_110] : memref<10112x96xf32, #tpu.memory_space<vmem_shared>> -> memref<10112x96xf32, #tpu.memory_space<vmem_shared>>
    tpu.wait_indirect_dma semaphore(%arg15 : memref<!tpu.dma_semaphore, #tpu.memory_space<semaphore_mem>>) src(%dma_wait3A_105 : memref<64x96xf32, #tpu.memory_space<vmem>>) dst(%dma_wait3A_111 : memref<10112x96xf32, #tpu.memory_space<vmem_shared>>)
    %dma_wait3A_112 = arith.constant 1 : i32
    %dma_wait3A_113 = arith.constant 157 : i32
    %dma_wait3A_114 = arith.constant 0 : i32
    %dma_wait3A_115 = arith.constant 0 : i32
    %dma_wait3A_116 = tpu.memref_slice %arg9[%dma_wait3A_112, %dma_wait3A_114, %dma_wait3A_115] : memref<4x64x96xf32, #tpu.memory_space<vmem>> -> memref<1x64x96xf32, #tpu.memory_space<vmem>>
    %dma_wait3A_117 = tpu.memref_squeeze %dma_wait3A_116 : memref<1x64x96xf32, #tpu.memory_space<vmem>> -> memref<64x96xf32, #tpu.memory_space<vmem>>
    %dma_wait3A_118 = arith.constant 0 : i32
    %dma_wait3A_119 = tpu.memref_slice %arg8[%dma_wait3A_113, %dma_wait3A_118] : memref<160x64xi32, #tpu.memory_space<vmem>> -> memref<1x64xi32, #tpu.memory_space<vmem>>
    %dma_wait3A_120 = tpu.memref_squeeze %dma_wait3A_119 : memref<1x64xi32, #tpu.memory_space<vmem>> -> memref<64xi32, #tpu.memory_space<vmem>>
    %dma_wait3A_121 = arith.constant 0 : i32
    %dma_wait3A_122 = arith.constant 0 : i32
    %dma_wait3A_123 = tpu.memref_slice %arg10[%dma_wait3A_121, %dma_wait3A_122] : memref<10112x96xf32, #tpu.memory_space<vmem_shared>> -> memref<10112x96xf32, #tpu.memory_space<vmem_shared>>
    tpu.wait_indirect_dma semaphore(%arg16 : memref<!tpu.dma_semaphore, #tpu.memory_space<semaphore_mem>>) src(%dma_wait3A_117 : memref<64x96xf32, #tpu.memory_space<vmem>>) dst(%dma_wait3A_123 : memref<10112x96xf32, #tpu.memory_space<vmem_shared>>)
    %dma_wait3A_124 = arith.constant 2 : i32
    %dma_wait3A_125 = arith.constant 158 : i32
    %dma_wait3A_126 = arith.constant 0 : i32
    %dma_wait3A_127 = arith.constant 0 : i32
    %dma_wait3A_128 = tpu.memref_slice %arg9[%dma_wait3A_124, %dma_wait3A_126, %dma_wait3A_127] : memref<4x64x96xf32, #tpu.memory_space<vmem>> -> memref<1x64x96xf32, #tpu.memory_space<vmem>>
    %dma_wait3A_129 = tpu.memref_squeeze %dma_wait3A_128 : memref<1x64x96xf32, #tpu.memory_space<vmem>> -> memref<64x96xf32, #tpu.memory_space<vmem>>
    %dma_wait3A_130 = arith.constant 0 : i32
    %dma_wait3A_131 = tpu.memref_slice %arg8[%dma_wait3A_125, %dma_wait3A_130] : memref<160x64xi32, #tpu.memory_space<vmem>> -> memref<1x64xi32, #tpu.memory_space<vmem>>
    %dma_wait3A_132 = tpu.memref_squeeze %dma_wait3A_131 : memref<1x64xi32, #tpu.memory_space<vmem>> -> memref<64xi32, #tpu.memory_space<vmem>>
    %dma_wait3A_133 = arith.constant 0 : i32
    %dma_wait3A_134 = arith.constant 0 : i32
    %dma_wait3A_135 = tpu.memref_slice %arg10[%dma_wait3A_133, %dma_wait3A_134] : memref<10112x96xf32, #tpu.memory_space<vmem_shared>> -> memref<10112x96xf32, #tpu.memory_space<vmem_shared>>
    tpu.wait_indirect_dma semaphore(%arg17 : memref<!tpu.dma_semaphore, #tpu.memory_space<semaphore_mem>>) src(%dma_wait3A_129 : memref<64x96xf32, #tpu.memory_space<vmem>>) dst(%dma_wait3A_135 : memref<10112x96xf32, #tpu.memory_space<vmem_shared>>)
    %dma_wait3A_136 = arith.constant 3 : i32
    %dma_wait3A_137 = arith.constant 159 : i32
    %dma_wait3A_138 = arith.constant 0 : i32
    %dma_wait3A_139 = arith.constant 0 : i32
    %dma_wait3A_140 = tpu.memref_slice %arg9[%dma_wait3A_136, %dma_wait3A_138, %dma_wait3A_139] : memref<4x64x96xf32, #tpu.memory_space<vmem>> -> memref<1x64x96xf32, #tpu.memory_space<vmem>>
    %dma_wait3A_141 = tpu.memref_squeeze %dma_wait3A_140 : memref<1x64x96xf32, #tpu.memory_space<vmem>> -> memref<64x96xf32, #tpu.memory_space<vmem>>
    %dma_wait3A_142 = arith.constant 0 : i32
    %dma_wait3A_143 = tpu.memref_slice %arg8[%dma_wait3A_137, %dma_wait3A_142] : memref<160x64xi32, #tpu.memory_space<vmem>> -> memref<1x64xi32, #tpu.memory_space<vmem>>
    %dma_wait3A_144 = tpu.memref_squeeze %dma_wait3A_143 : memref<1x64xi32, #tpu.memory_space<vmem>> -> memref<64xi32, #tpu.memory_space<vmem>>
    %dma_wait3A_145 = arith.constant 0 : i32
    %dma_wait3A_146 = arith.constant 0 : i32
    %dma_wait3A_147 = tpu.memref_slice %arg10[%dma_wait3A_145, %dma_wait3A_146] : memref<10112x96xf32, #tpu.memory_space<vmem_shared>> -> memref<10112x96xf32, #tpu.memory_space<vmem_shared>>
    tpu.wait_indirect_dma semaphore(%arg18 : memref<!tpu.dma_semaphore, #tpu.memory_space<semaphore_mem>>) src(%dma_wait3A_141 : memref<64x96xf32, #tpu.memory_space<vmem>>) dst(%dma_wait3A_147 : memref<10112x96xf32, #tpu.memory_space<vmem_shared>>)
    %barrier3A_148 = arith.constant 0 : index
    tpu.barrier barrier_id(%barrier3A_148)
    "tpu.region"() ({
      %run_scoped3A_149 = tpu.sem_alloc : memref<!tpu.dma_semaphore, #tpu.memory_space<semaphore_mem>>
      %dma_start3A_150 = arith.constant 0 : i32
      %dma_start3A_151 = tpu.memref_slice %arg6[%arg0, %mul3A_15, %dma_start3A_150] : memref<2x10112x96xf32, #tpu.memory_space<hbm>> -> memref<1x632x96xf32, #tpu.memory_space<hbm>>
      %dma_start3A_152 = tpu.memref_squeeze %dma_start3A_151 : memref<1x632x96xf32, #tpu.memory_space<hbm>> -> memref<632x96xf32, #tpu.memory_space<hbm>>
      %dma_start3A_153 = arith.constant 0 : i32
      %dma_start3A_154 = tpu.memref_slice %arg10[%mul3A_15, %dma_start3A_153] : memref<10112x96xf32, #tpu.memory_space<vmem_shared>> -> memref<632x96xf32, #tpu.memory_space<vmem_shared>>
      tpu.enqueue_dma source(%dma_start3A_154 : memref<632x96xf32, #tpu.memory_space<vmem_shared>>) target(%dma_start3A_152 : memref<632x96xf32, #tpu.memory_space<hbm>>) target_semaphore(%run_scoped3A_149 : memref<!tpu.dma_semaphore, #tpu.memory_space<semaphore_mem>>)
      %dma_wait3A_155 = arith.constant 0 : i32
      %dma_wait3A_156 = tpu.memref_slice %arg6[%arg0, %mul3A_15, %dma_wait3A_155] : memref<2x10112x96xf32, #tpu.memory_space<hbm>> -> memref<1x632x96xf32, #tpu.memory_space<hbm>>
      %dma_wait3A_157 = tpu.memref_squeeze %dma_wait3A_156 : memref<1x632x96xf32, #tpu.memory_space<hbm>> -> memref<632x96xf32, #tpu.memory_space<hbm>>
      %dma_wait3A_158 = arith.constant 0 : i32
      %dma_wait3A_159 = tpu.memref_slice %arg10[%mul3A_15, %dma_wait3A_158] : memref<10112x96xf32, #tpu.memory_space<vmem_shared>> -> memref<632x96xf32, #tpu.memory_space<vmem_shared>>
      tpu.wait_dma2 semaphore(%run_scoped3A_149 : memref<!tpu.dma_semaphore, #tpu.memory_space<semaphore_mem>>) src(%dma_wait3A_159 : memref<632x96xf32, #tpu.memory_space<vmem_shared>>) dst(%dma_wait3A_157 : memref<632x96xf32, #tpu.memory_space<hbm>>)
      tpu.yield
    }) : () -> ()
    return
  }
}

#map = affine_map<(d0, d1) -> (0, 0)>
#map1 = affine_map<(d0, d1) -> (0, 0, 0)>
module attributes {stable_mosaic.version = 14 : i64} {
  func.func @agg(%arg0: i32, %arg1: i32, %arg2: memref<10000x128xf32, #tpu.memory_space<hbm>>, %arg3: memref<32x80x64xi32, #tpu.memory_space<hbm>>, %arg4: memref<32x80x64xi32, #tpu.memory_space<hbm>>, %arg5: memref<64x128xf32, #tpu.memory_space<hbm>>, %arg6: memref<2x10112x128xf32, #tpu.memory_space<hbm>>, %arg7: memref<80x64xi32, #tpu.memory_space<vmem>>, %arg8: memref<80x64xi32, #tpu.memory_space<vmem>>, %arg9: memref<4x64x128xf32, #tpu.memory_space<vmem>>, %arg10: memref<10112x128xf32, #tpu.memory_space<vmem_shared>>, %arg11: memref<!tpu.dma_semaphore, #tpu.memory_space<semaphore_mem>>, %arg12: memref<!tpu.dma_semaphore, #tpu.memory_space<semaphore_mem>>, %arg13: memref<!tpu.dma_semaphore, #tpu.memory_space<semaphore_mem>>, %arg14: memref<!tpu.dma_semaphore, #tpu.memory_space<semaphore_mem>>, %arg15: memref<!tpu.dma_semaphore, #tpu.memory_space<semaphore_mem>>, %arg16: memref<!tpu.dma_semaphore, #tpu.memory_space<semaphore_mem>>, %arg17: memref<!tpu.dma_semaphore, #tpu.memory_space<semaphore_mem>>, %arg18: memref<!tpu.dma_semaphore, #tpu.memory_space<semaphore_mem>>) attributes {dimension_semantics = [#tpu.dimension_semantics<core_parallel>, #tpu.dimension_semantics<subcore_parallel>], iteration_bounds = array<i64: 2, 16>, scalar_prefetch = 0 : i64, scratch_operands = 12 : i64, tpu.core_type = #tpu.core_type<sc_vector_subcore>, window_params = [{transform_indices = #map}, {transform_indices = #map1}, {transform_indices = #map1}, {transform_indices = #map}, {transform_indices = #map1}]} {
    %mul3A = arith.constant 16 : i32
    %mul3A_0 = arith.muli %arg0, %mul3A : i32
    %add3A = arith.addi %mul3A_0, %arg1 : i32
    %dma_start3A = arith.constant 0 : i32
    %dma_start3A_1 = arith.constant 0 : i32
    %dma_start3A_2 = tpu.memref_slice %arg3[%add3A, %dma_start3A, %dma_start3A_1] : memref<32x80x64xi32, #tpu.memory_space<hbm>> -> memref<1x80x64xi32, #tpu.memory_space<hbm>>
    %dma_start3A_3 = tpu.memref_squeeze %dma_start3A_2 : memref<1x80x64xi32, #tpu.memory_space<hbm>> -> memref<80x64xi32, #tpu.memory_space<hbm>>
    %dma_start3A_4 = arith.constant 0 : i32
    %dma_start3A_5 = arith.constant 0 : i32
    %dma_start3A_6 = tpu.memref_slice %arg3[%add3A, %dma_start3A_4, %dma_start3A_5] : memref<32x80x64xi32, #tpu.memory_space<hbm>> -> memref<1x80x64xi32, #tpu.memory_space<hbm>>
    %dma_start3A_7 = tpu.memref_squeeze %dma_start3A_6 : memref<1x80x64xi32, #tpu.memory_space<hbm>> -> memref<80x64xi32, #tpu.memory_space<hbm>>
    tpu.enqueue_dma source(%dma_start3A_7 : memref<80x64xi32, #tpu.memory_space<hbm>>) target(%arg7 : memref<80x64xi32, #tpu.memory_space<vmem>>) target_semaphore(%arg11 : memref<!tpu.dma_semaphore, #tpu.memory_space<semaphore_mem>>)
    %dma_start3A_8 = arith.constant 0 : i32
    %dma_start3A_9 = arith.constant 0 : i32
    %dma_start3A_10 = tpu.memref_slice %arg4[%add3A, %dma_start3A_8, %dma_start3A_9] : memref<32x80x64xi32, #tpu.memory_space<hbm>> -> memref<1x80x64xi32, #tpu.memory_space<hbm>>
    %dma_start3A_11 = tpu.memref_squeeze %dma_start3A_10 : memref<1x80x64xi32, #tpu.memory_space<hbm>> -> memref<80x64xi32, #tpu.memory_space<hbm>>
    %dma_start3A_12 = arith.constant 0 : i32
    %dma_start3A_13 = arith.constant 0 : i32
    %dma_start3A_14 = tpu.memref_slice %arg4[%add3A, %dma_start3A_12, %dma_start3A_13] : memref<32x80x64xi32, #tpu.memory_space<hbm>> -> memref<1x80x64xi32, #tpu.memory_space<hbm>>
    %dma_start3A_15 = tpu.memref_squeeze %dma_start3A_14 : memref<1x80x64xi32, #tpu.memory_space<hbm>> -> memref<80x64xi32, #tpu.memory_space<hbm>>
    tpu.enqueue_dma source(%dma_start3A_15 : memref<80x64xi32, #tpu.memory_space<hbm>>) target(%arg8 : memref<80x64xi32, #tpu.memory_space<vmem>>) target_semaphore(%arg11 : memref<!tpu.dma_semaphore, #tpu.memory_space<semaphore_mem>>)
    %run_scoped3A = arith.constant 0 : i32
    "tpu.region"() ({
      %run_scoped3A_152 = tpu.sem_alloc : memref<!tpu.dma_semaphore, #tpu.memory_space<semaphore_mem>>
      %dma_start3A_153 = arith.constant 0 : i32
      %dma_start3A_154 = arith.constant 0 : i32
      %dma_start3A_155 = tpu.memref_slice %arg9[%run_scoped3A, %dma_start3A_153, %dma_start3A_154] : memref<4x64x128xf32, #tpu.memory_space<vmem>> -> memref<1x64x128xf32, #tpu.memory_space<vmem>>
      %dma_start3A_156 = tpu.memref_squeeze %dma_start3A_155 : memref<1x64x128xf32, #tpu.memory_space<vmem>> -> memref<64x128xf32, #tpu.memory_space<vmem>>
      %dma_start3A_157 = arith.constant 0 : i32
      %dma_start3A_158 = arith.constant 0 : i32
      %dma_start3A_159 = tpu.memref_slice %arg9[%run_scoped3A, %dma_start3A_157, %dma_start3A_158] : memref<4x64x128xf32, #tpu.memory_space<vmem>> -> memref<1x64x128xf32, #tpu.memory_space<vmem>>
      %dma_start3A_160 = tpu.memref_squeeze %dma_start3A_159 : memref<1x64x128xf32, #tpu.memory_space<vmem>> -> memref<64x128xf32, #tpu.memory_space<vmem>>
      tpu.enqueue_dma source(%arg5 : memref<64x128xf32, #tpu.memory_space<hbm>>) target(%dma_start3A_160 : memref<64x128xf32, #tpu.memory_space<vmem>>) target_semaphore(%run_scoped3A_152 : memref<!tpu.dma_semaphore, #tpu.memory_space<semaphore_mem>>)
      %dma_wait3A_161 = arith.constant 0 : i32
      %dma_wait3A_162 = arith.constant 0 : i32
      %dma_wait3A_163 = tpu.memref_slice %arg9[%run_scoped3A, %dma_wait3A_161, %dma_wait3A_162] : memref<4x64x128xf32, #tpu.memory_space<vmem>> -> memref<1x64x128xf32, #tpu.memory_space<vmem>>
      %dma_wait3A_164 = tpu.memref_squeeze %dma_wait3A_163 : memref<1x64x128xf32, #tpu.memory_space<vmem>> -> memref<64x128xf32, #tpu.memory_space<vmem>>
      %dma_wait3A_165 = arith.constant 0 : i32
      %dma_wait3A_166 = arith.constant 0 : i32
      %dma_wait3A_167 = tpu.memref_slice %arg9[%run_scoped3A, %dma_wait3A_165, %dma_wait3A_166] : memref<4x64x128xf32, #tpu.memory_space<vmem>> -> memref<1x64x128xf32, #tpu.memory_space<vmem>>
      %dma_wait3A_168 = tpu.memref_squeeze %dma_wait3A_167 : memref<1x64x128xf32, #tpu.memory_space<vmem>> -> memref<64x128xf32, #tpu.memory_space<vmem>>
      tpu.wait_dma2 semaphore(%run_scoped3A_152 : memref<!tpu.dma_semaphore, #tpu.memory_space<semaphore_mem>>) src(%arg5 : memref<64x128xf32, #tpu.memory_space<hbm>>) dst(%dma_wait3A_168 : memref<64x128xf32, #tpu.memory_space<vmem>>)
      tpu.yield
    }) : () -> ()
    %mul3A_16 = arith.constant 632 : i32
    %mul3A_17 = arith.muli %arg1, %mul3A_16 : i32
    %add3A_18 = arith.constant 0 : i32
    %add3A_19 = arith.addi %mul3A_17, %add3A_18 : i32
    %run_scoped3A_20 = arith.constant 0 : i32
    "tpu.region"() ({
      %run_scoped3A_152 = tpu.sem_alloc : memref<!tpu.dma_semaphore, #tpu.memory_space<semaphore_mem>>
      %dma_start3A_153 = arith.constant 0 : i32
      %dma_start3A_154 = arith.constant 0 : i32
      %dma_start3A_155 = tpu.memref_slice %arg9[%run_scoped3A_20, %dma_start3A_153, %dma_start3A_154] : memref<4x64x128xf32, #tpu.memory_space<vmem>> -> memref<1x64x128xf32, #tpu.memory_space<vmem>>
      %dma_start3A_156 = tpu.memref_squeeze %dma_start3A_155 : memref<1x64x128xf32, #tpu.memory_space<vmem>> -> memref<64x128xf32, #tpu.memory_space<vmem>>
      %dma_start3A_157 = arith.constant 0 : i32
      %dma_start3A_158 = tpu.memref_slice %arg10[%add3A_19, %dma_start3A_157] : memref<10112x128xf32, #tpu.memory_space<vmem_shared>> -> memref<64x128xf32, #tpu.memory_space<vmem_shared>>
      %dma_start3A_159 = arith.constant 0 : i32
      %dma_start3A_160 = tpu.memref_slice %arg10[%add3A_19, %dma_start3A_159] : memref<10112x128xf32, #tpu.memory_space<vmem_shared>> -> memref<64x128xf32, #tpu.memory_space<vmem_shared>>
      %dma_start3A_161 = arith.constant 0 : i32
      %dma_start3A_162 = arith.constant 0 : i32
      %dma_start3A_163 = tpu.memref_slice %arg9[%run_scoped3A_20, %dma_start3A_161, %dma_start3A_162] : memref<4x64x128xf32, #tpu.memory_space<vmem>> -> memref<1x64x128xf32, #tpu.memory_space<vmem>>
      %dma_start3A_164 = tpu.memref_squeeze %dma_start3A_163 : memref<1x64x128xf32, #tpu.memory_space<vmem>> -> memref<64x128xf32, #tpu.memory_space<vmem>>
      tpu.enqueue_dma source(%dma_start3A_164 : memref<64x128xf32, #tpu.memory_space<vmem>>) target(%dma_start3A_160 : memref<64x128xf32, #tpu.memory_space<vmem_shared>>) target_semaphore(%run_scoped3A_152 : memref<!tpu.dma_semaphore, #tpu.memory_space<semaphore_mem>>)
      %dma_wait3A_165 = arith.constant 0 : i32
      %dma_wait3A_166 = arith.constant 0 : i32
      %dma_wait3A_167 = tpu.memref_slice %arg9[%run_scoped3A_20, %dma_wait3A_165, %dma_wait3A_166] : memref<4x64x128xf32, #tpu.memory_space<vmem>> -> memref<1x64x128xf32, #tpu.memory_space<vmem>>
      %dma_wait3A_168 = tpu.memref_squeeze %dma_wait3A_167 : memref<1x64x128xf32, #tpu.memory_space<vmem>> -> memref<64x128xf32, #tpu.memory_space<vmem>>
      %dma_wait3A_169 = arith.constant 0 : i32
      %dma_wait3A_170 = tpu.memref_slice %arg10[%add3A_19, %dma_wait3A_169] : memref<10112x128xf32, #tpu.memory_space<vmem_shared>> -> memref<64x128xf32, #tpu.memory_space<vmem_shared>>
      %dma_wait3A_171 = arith.constant 0 : i32
      %dma_wait3A_172 = tpu.memref_slice %arg10[%add3A_19, %dma_wait3A_171] : memref<10112x128xf32, #tpu.memory_space<vmem_shared>> -> memref<64x128xf32, #tpu.memory_space<vmem_shared>>
      %dma_wait3A_173 = arith.constant 0 : i32
      %dma_wait3A_174 = arith.constant 0 : i32
      %dma_wait3A_175 = tpu.memref_slice %arg9[%run_scoped3A_20, %dma_wait3A_173, %dma_wait3A_174] : memref<4x64x128xf32, #tpu.memory_space<vmem>> -> memref<1x64x128xf32, #tpu.memory_space<vmem>>
      %dma_wait3A_176 = tpu.memref_squeeze %dma_wait3A_175 : memref<1x64x128xf32, #tpu.memory_space<vmem>> -> memref<64x128xf32, #tpu.memory_space<vmem>>
      tpu.wait_dma2 semaphore(%run_scoped3A_152 : memref<!tpu.dma_semaphore, #tpu.memory_space<semaphore_mem>>) src(%dma_wait3A_176 : memref<64x128xf32, #tpu.memory_space<vmem>>) dst(%dma_wait3A_172 : memref<64x128xf32, #tpu.memory_space<vmem_shared>>)
      tpu.yield
    }) : () -> ()
    %add3A_21 = arith.constant 64 : i32
    %add3A_22 = arith.addi %mul3A_17, %add3A_21 : i32
    %run_scoped3A_23 = arith.constant 0 : i32
    "tpu.region"() ({
      %run_scoped3A_152 = tpu.sem_alloc : memref<!tpu.dma_semaphore, #tpu.memory_space<semaphore_mem>>
      %dma_start3A_153 = arith.constant 0 : i32
      %dma_start3A_154 = arith.constant 0 : i32
      %dma_start3A_155 = tpu.memref_slice %arg9[%run_scoped3A_23, %dma_start3A_153, %dma_start3A_154] : memref<4x64x128xf32, #tpu.memory_space<vmem>> -> memref<1x64x128xf32, #tpu.memory_space<vmem>>
      %dma_start3A_156 = tpu.memref_squeeze %dma_start3A_155 : memref<1x64x128xf32, #tpu.memory_space<vmem>> -> memref<64x128xf32, #tpu.memory_space<vmem>>
      %dma_start3A_157 = arith.constant 0 : i32
      %dma_start3A_158 = tpu.memref_slice %arg10[%add3A_22, %dma_start3A_157] : memref<10112x128xf32, #tpu.memory_space<vmem_shared>> -> memref<64x128xf32, #tpu.memory_space<vmem_shared>>
      %dma_start3A_159 = arith.constant 0 : i32
      %dma_start3A_160 = tpu.memref_slice %arg10[%add3A_22, %dma_start3A_159] : memref<10112x128xf32, #tpu.memory_space<vmem_shared>> -> memref<64x128xf32, #tpu.memory_space<vmem_shared>>
      %dma_start3A_161 = arith.constant 0 : i32
      %dma_start3A_162 = arith.constant 0 : i32
      %dma_start3A_163 = tpu.memref_slice %arg9[%run_scoped3A_23, %dma_start3A_161, %dma_start3A_162] : memref<4x64x128xf32, #tpu.memory_space<vmem>> -> memref<1x64x128xf32, #tpu.memory_space<vmem>>
      %dma_start3A_164 = tpu.memref_squeeze %dma_start3A_163 : memref<1x64x128xf32, #tpu.memory_space<vmem>> -> memref<64x128xf32, #tpu.memory_space<vmem>>
      tpu.enqueue_dma source(%dma_start3A_164 : memref<64x128xf32, #tpu.memory_space<vmem>>) target(%dma_start3A_160 : memref<64x128xf32, #tpu.memory_space<vmem_shared>>) target_semaphore(%run_scoped3A_152 : memref<!tpu.dma_semaphore, #tpu.memory_space<semaphore_mem>>)
      %dma_wait3A_165 = arith.constant 0 : i32
      %dma_wait3A_166 = arith.constant 0 : i32
      %dma_wait3A_167 = tpu.memref_slice %arg9[%run_scoped3A_23, %dma_wait3A_165, %dma_wait3A_166] : memref<4x64x128xf32, #tpu.memory_space<vmem>> -> memref<1x64x128xf32, #tpu.memory_space<vmem>>
      %dma_wait3A_168 = tpu.memref_squeeze %dma_wait3A_167 : memref<1x64x128xf32, #tpu.memory_space<vmem>> -> memref<64x128xf32, #tpu.memory_space<vmem>>
      %dma_wait3A_169 = arith.constant 0 : i32
      %dma_wait3A_170 = tpu.memref_slice %arg10[%add3A_22, %dma_wait3A_169] : memref<10112x128xf32, #tpu.memory_space<vmem_shared>> -> memref<64x128xf32, #tpu.memory_space<vmem_shared>>
      %dma_wait3A_171 = arith.constant 0 : i32
      %dma_wait3A_172 = tpu.memref_slice %arg10[%add3A_22, %dma_wait3A_171] : memref<10112x128xf32, #tpu.memory_space<vmem_shared>> -> memref<64x128xf32, #tpu.memory_space<vmem_shared>>
      %dma_wait3A_173 = arith.constant 0 : i32
      %dma_wait3A_174 = arith.constant 0 : i32
      %dma_wait3A_175 = tpu.memref_slice %arg9[%run_scoped3A_23, %dma_wait3A_173, %dma_wait3A_174] : memref<4x64x128xf32, #tpu.memory_space<vmem>> -> memref<1x64x128xf32, #tpu.memory_space<vmem>>
      %dma_wait3A_176 = tpu.memref_squeeze %dma_wait3A_175 : memref<1x64x128xf32, #tpu.memory_space<vmem>> -> memref<64x128xf32, #tpu.memory_space<vmem>>
      tpu.wait_dma2 semaphore(%run_scoped3A_152 : memref<!tpu.dma_semaphore, #tpu.memory_space<semaphore_mem>>) src(%dma_wait3A_176 : memref<64x128xf32, #tpu.memory_space<vmem>>) dst(%dma_wait3A_172 : memref<64x128xf32, #tpu.memory_space<vmem_shared>>)
      tpu.yield
    }) : () -> ()
    %add3A_24 = arith.constant 128 : i32
    %add3A_25 = arith.addi %mul3A_17, %add3A_24 : i32
    %run_scoped3A_26 = arith.constant 0 : i32
    "tpu.region"() ({
      %run_scoped3A_152 = tpu.sem_alloc : memref<!tpu.dma_semaphore, #tpu.memory_space<semaphore_mem>>
      %dma_start3A_153 = arith.constant 0 : i32
      %dma_start3A_154 = arith.constant 0 : i32
      %dma_start3A_155 = tpu.memref_slice %arg9[%run_scoped3A_26, %dma_start3A_153, %dma_start3A_154] : memref<4x64x128xf32, #tpu.memory_space<vmem>> -> memref<1x64x128xf32, #tpu.memory_space<vmem>>
      %dma_start3A_156 = tpu.memref_squeeze %dma_start3A_155 : memref<1x64x128xf32, #tpu.memory_space<vmem>> -> memref<64x128xf32, #tpu.memory_space<vmem>>
      %dma_start3A_157 = arith.constant 0 : i32
      %dma_start3A_158 = tpu.memref_slice %arg10[%add3A_25, %dma_start3A_157] : memref<10112x128xf32, #tpu.memory_space<vmem_shared>> -> memref<64x128xf32, #tpu.memory_space<vmem_shared>>
      %dma_start3A_159 = arith.constant 0 : i32
      %dma_start3A_160 = tpu.memref_slice %arg10[%add3A_25, %dma_start3A_159] : memref<10112x128xf32, #tpu.memory_space<vmem_shared>> -> memref<64x128xf32, #tpu.memory_space<vmem_shared>>
      %dma_start3A_161 = arith.constant 0 : i32
      %dma_start3A_162 = arith.constant 0 : i32
      %dma_start3A_163 = tpu.memref_slice %arg9[%run_scoped3A_26, %dma_start3A_161, %dma_start3A_162] : memref<4x64x128xf32, #tpu.memory_space<vmem>> -> memref<1x64x128xf32, #tpu.memory_space<vmem>>
      %dma_start3A_164 = tpu.memref_squeeze %dma_start3A_163 : memref<1x64x128xf32, #tpu.memory_space<vmem>> -> memref<64x128xf32, #tpu.memory_space<vmem>>
      tpu.enqueue_dma source(%dma_start3A_164 : memref<64x128xf32, #tpu.memory_space<vmem>>) target(%dma_start3A_160 : memref<64x128xf32, #tpu.memory_space<vmem_shared>>) target_semaphore(%run_scoped3A_152 : memref<!tpu.dma_semaphore, #tpu.memory_space<semaphore_mem>>)
      %dma_wait3A_165 = arith.constant 0 : i32
      %dma_wait3A_166 = arith.constant 0 : i32
      %dma_wait3A_167 = tpu.memref_slice %arg9[%run_scoped3A_26, %dma_wait3A_165, %dma_wait3A_166] : memref<4x64x128xf32, #tpu.memory_space<vmem>> -> memref<1x64x128xf32, #tpu.memory_space<vmem>>
      %dma_wait3A_168 = tpu.memref_squeeze %dma_wait3A_167 : memref<1x64x128xf32, #tpu.memory_space<vmem>> -> memref<64x128xf32, #tpu.memory_space<vmem>>
      %dma_wait3A_169 = arith.constant 0 : i32
      %dma_wait3A_170 = tpu.memref_slice %arg10[%add3A_25, %dma_wait3A_169] : memref<10112x128xf32, #tpu.memory_space<vmem_shared>> -> memref<64x128xf32, #tpu.memory_space<vmem_shared>>
      %dma_wait3A_171 = arith.constant 0 : i32
      %dma_wait3A_172 = tpu.memref_slice %arg10[%add3A_25, %dma_wait3A_171] : memref<10112x128xf32, #tpu.memory_space<vmem_shared>> -> memref<64x128xf32, #tpu.memory_space<vmem_shared>>
      %dma_wait3A_173 = arith.constant 0 : i32
      %dma_wait3A_174 = arith.constant 0 : i32
      %dma_wait3A_175 = tpu.memref_slice %arg9[%run_scoped3A_26, %dma_wait3A_173, %dma_wait3A_174] : memref<4x64x128xf32, #tpu.memory_space<vmem>> -> memref<1x64x128xf32, #tpu.memory_space<vmem>>
      %dma_wait3A_176 = tpu.memref_squeeze %dma_wait3A_175 : memref<1x64x128xf32, #tpu.memory_space<vmem>> -> memref<64x128xf32, #tpu.memory_space<vmem>>
      tpu.wait_dma2 semaphore(%run_scoped3A_152 : memref<!tpu.dma_semaphore, #tpu.memory_space<semaphore_mem>>) src(%dma_wait3A_176 : memref<64x128xf32, #tpu.memory_space<vmem>>) dst(%dma_wait3A_172 : memref<64x128xf32, #tpu.memory_space<vmem_shared>>)
      tpu.yield
    }) : () -> ()
    %add3A_27 = arith.constant 192 : i32
    %add3A_28 = arith.addi %mul3A_17, %add3A_27 : i32
    %run_scoped3A_29 = arith.constant 0 : i32
    "tpu.region"() ({
      %run_scoped3A_152 = tpu.sem_alloc : memref<!tpu.dma_semaphore, #tpu.memory_space<semaphore_mem>>
      %dma_start3A_153 = arith.constant 0 : i32
      %dma_start3A_154 = arith.constant 0 : i32
      %dma_start3A_155 = tpu.memref_slice %arg9[%run_scoped3A_29, %dma_start3A_153, %dma_start3A_154] : memref<4x64x128xf32, #tpu.memory_space<vmem>> -> memref<1x64x128xf32, #tpu.memory_space<vmem>>
      %dma_start3A_156 = tpu.memref_squeeze %dma_start3A_155 : memref<1x64x128xf32, #tpu.memory_space<vmem>> -> memref<64x128xf32, #tpu.memory_space<vmem>>
      %dma_start3A_157 = arith.constant 0 : i32
      %dma_start3A_158 = tpu.memref_slice %arg10[%add3A_28, %dma_start3A_157] : memref<10112x128xf32, #tpu.memory_space<vmem_shared>> -> memref<64x128xf32, #tpu.memory_space<vmem_shared>>
      %dma_start3A_159 = arith.constant 0 : i32
      %dma_start3A_160 = tpu.memref_slice %arg10[%add3A_28, %dma_start3A_159] : memref<10112x128xf32, #tpu.memory_space<vmem_shared>> -> memref<64x128xf32, #tpu.memory_space<vmem_shared>>
      %dma_start3A_161 = arith.constant 0 : i32
      %dma_start3A_162 = arith.constant 0 : i32
      %dma_start3A_163 = tpu.memref_slice %arg9[%run_scoped3A_29, %dma_start3A_161, %dma_start3A_162] : memref<4x64x128xf32, #tpu.memory_space<vmem>> -> memref<1x64x128xf32, #tpu.memory_space<vmem>>
      %dma_start3A_164 = tpu.memref_squeeze %dma_start3A_163 : memref<1x64x128xf32, #tpu.memory_space<vmem>> -> memref<64x128xf32, #tpu.memory_space<vmem>>
      tpu.enqueue_dma source(%dma_start3A_164 : memref<64x128xf32, #tpu.memory_space<vmem>>) target(%dma_start3A_160 : memref<64x128xf32, #tpu.memory_space<vmem_shared>>) target_semaphore(%run_scoped3A_152 : memref<!tpu.dma_semaphore, #tpu.memory_space<semaphore_mem>>)
      %dma_wait3A_165 = arith.constant 0 : i32
      %dma_wait3A_166 = arith.constant 0 : i32
      %dma_wait3A_167 = tpu.memref_slice %arg9[%run_scoped3A_29, %dma_wait3A_165, %dma_wait3A_166] : memref<4x64x128xf32, #tpu.memory_space<vmem>> -> memref<1x64x128xf32, #tpu.memory_space<vmem>>
      %dma_wait3A_168 = tpu.memref_squeeze %dma_wait3A_167 : memref<1x64x128xf32, #tpu.memory_space<vmem>> -> memref<64x128xf32, #tpu.memory_space<vmem>>
      %dma_wait3A_169 = arith.constant 0 : i32
      %dma_wait3A_170 = tpu.memref_slice %arg10[%add3A_28, %dma_wait3A_169] : memref<10112x128xf32, #tpu.memory_space<vmem_shared>> -> memref<64x128xf32, #tpu.memory_space<vmem_shared>>
      %dma_wait3A_171 = arith.constant 0 : i32
      %dma_wait3A_172 = tpu.memref_slice %arg10[%add3A_28, %dma_wait3A_171] : memref<10112x128xf32, #tpu.memory_space<vmem_shared>> -> memref<64x128xf32, #tpu.memory_space<vmem_shared>>
      %dma_wait3A_173 = arith.constant 0 : i32
      %dma_wait3A_174 = arith.constant 0 : i32
      %dma_wait3A_175 = tpu.memref_slice %arg9[%run_scoped3A_29, %dma_wait3A_173, %dma_wait3A_174] : memref<4x64x128xf32, #tpu.memory_space<vmem>> -> memref<1x64x128xf32, #tpu.memory_space<vmem>>
      %dma_wait3A_176 = tpu.memref_squeeze %dma_wait3A_175 : memref<1x64x128xf32, #tpu.memory_space<vmem>> -> memref<64x128xf32, #tpu.memory_space<vmem>>
      tpu.wait_dma2 semaphore(%run_scoped3A_152 : memref<!tpu.dma_semaphore, #tpu.memory_space<semaphore_mem>>) src(%dma_wait3A_176 : memref<64x128xf32, #tpu.memory_space<vmem>>) dst(%dma_wait3A_172 : memref<64x128xf32, #tpu.memory_space<vmem_shared>>)
      tpu.yield
    }) : () -> ()
    %add3A_30 = arith.constant 256 : i32
    %add3A_31 = arith.addi %mul3A_17, %add3A_30 : i32
    %run_scoped3A_32 = arith.constant 0 : i32
    "tpu.region"() ({
      %run_scoped3A_152 = tpu.sem_alloc : memref<!tpu.dma_semaphore, #tpu.memory_space<semaphore_mem>>
      %dma_start3A_153 = arith.constant 0 : i32
      %dma_start3A_154 = arith.constant 0 : i32
      %dma_start3A_155 = tpu.memref_slice %arg9[%run_scoped3A_32, %dma_start3A_153, %dma_start3A_154] : memref<4x64x128xf32, #tpu.memory_space<vmem>> -> memref<1x64x128xf32, #tpu.memory_space<vmem>>
      %dma_start3A_156 = tpu.memref_squeeze %dma_start3A_155 : memref<1x64x128xf32, #tpu.memory_space<vmem>> -> memref<64x128xf32, #tpu.memory_space<vmem>>
      %dma_start3A_157 = arith.constant 0 : i32
      %dma_start3A_158 = tpu.memref_slice %arg10[%add3A_31, %dma_start3A_157] : memref<10112x128xf32, #tpu.memory_space<vmem_shared>> -> memref<64x128xf32, #tpu.memory_space<vmem_shared>>
      %dma_start3A_159 = arith.constant 0 : i32
      %dma_start3A_160 = tpu.memref_slice %arg10[%add3A_31, %dma_start3A_159] : memref<10112x128xf32, #tpu.memory_space<vmem_shared>> -> memref<64x128xf32, #tpu.memory_space<vmem_shared>>
      %dma_start3A_161 = arith.constant 0 : i32
      %dma_start3A_162 = arith.constant 0 : i32
      %dma_start3A_163 = tpu.memref_slice %arg9[%run_scoped3A_32, %dma_start3A_161, %dma_start3A_162] : memref<4x64x128xf32, #tpu.memory_space<vmem>> -> memref<1x64x128xf32, #tpu.memory_space<vmem>>
      %dma_start3A_164 = tpu.memref_squeeze %dma_start3A_163 : memref<1x64x128xf32, #tpu.memory_space<vmem>> -> memref<64x128xf32, #tpu.memory_space<vmem>>
      tpu.enqueue_dma source(%dma_start3A_164 : memref<64x128xf32, #tpu.memory_space<vmem>>) target(%dma_start3A_160 : memref<64x128xf32, #tpu.memory_space<vmem_shared>>) target_semaphore(%run_scoped3A_152 : memref<!tpu.dma_semaphore, #tpu.memory_space<semaphore_mem>>)
      %dma_wait3A_165 = arith.constant 0 : i32
      %dma_wait3A_166 = arith.constant 0 : i32
      %dma_wait3A_167 = tpu.memref_slice %arg9[%run_scoped3A_32, %dma_wait3A_165, %dma_wait3A_166] : memref<4x64x128xf32, #tpu.memory_space<vmem>> -> memref<1x64x128xf32, #tpu.memory_space<vmem>>
      %dma_wait3A_168 = tpu.memref_squeeze %dma_wait3A_167 : memref<1x64x128xf32, #tpu.memory_space<vmem>> -> memref<64x128xf32, #tpu.memory_space<vmem>>
      %dma_wait3A_169 = arith.constant 0 : i32
      %dma_wait3A_170 = tpu.memref_slice %arg10[%add3A_31, %dma_wait3A_169] : memref<10112x128xf32, #tpu.memory_space<vmem_shared>> -> memref<64x128xf32, #tpu.memory_space<vmem_shared>>
      %dma_wait3A_171 = arith.constant 0 : i32
      %dma_wait3A_172 = tpu.memref_slice %arg10[%add3A_31, %dma_wait3A_171] : memref<10112x128xf32, #tpu.memory_space<vmem_shared>> -> memref<64x128xf32, #tpu.memory_space<vmem_shared>>
      %dma_wait3A_173 = arith.constant 0 : i32
      %dma_wait3A_174 = arith.constant 0 : i32
      %dma_wait3A_175 = tpu.memref_slice %arg9[%run_scoped3A_32, %dma_wait3A_173, %dma_wait3A_174] : memref<4x64x128xf32, #tpu.memory_space<vmem>> -> memref<1x64x128xf32, #tpu.memory_space<vmem>>
      %dma_wait3A_176 = tpu.memref_squeeze %dma_wait3A_175 : memref<1x64x128xf32, #tpu.memory_space<vmem>> -> memref<64x128xf32, #tpu.memory_space<vmem>>
      tpu.wait_dma2 semaphore(%run_scoped3A_152 : memref<!tpu.dma_semaphore, #tpu.memory_space<semaphore_mem>>) src(%dma_wait3A_176 : memref<64x128xf32, #tpu.memory_space<vmem>>) dst(%dma_wait3A_172 : memref<64x128xf32, #tpu.memory_space<vmem_shared>>)
      tpu.yield
    }) : () -> ()
    %add3A_33 = arith.constant 320 : i32
    %add3A_34 = arith.addi %mul3A_17, %add3A_33 : i32
    %run_scoped3A_35 = arith.constant 0 : i32
    "tpu.region"() ({
      %run_scoped3A_152 = tpu.sem_alloc : memref<!tpu.dma_semaphore, #tpu.memory_space<semaphore_mem>>
      %dma_start3A_153 = arith.constant 0 : i32
      %dma_start3A_154 = arith.constant 0 : i32
      %dma_start3A_155 = tpu.memref_slice %arg9[%run_scoped3A_35, %dma_start3A_153, %dma_start3A_154] : memref<4x64x128xf32, #tpu.memory_space<vmem>> -> memref<1x64x128xf32, #tpu.memory_space<vmem>>
      %dma_start3A_156 = tpu.memref_squeeze %dma_start3A_155 : memref<1x64x128xf32, #tpu.memory_space<vmem>> -> memref<64x128xf32, #tpu.memory_space<vmem>>
      %dma_start3A_157 = arith.constant 0 : i32
      %dma_start3A_158 = tpu.memref_slice %arg10[%add3A_34, %dma_start3A_157] : memref<10112x128xf32, #tpu.memory_space<vmem_shared>> -> memref<64x128xf32, #tpu.memory_space<vmem_shared>>
      %dma_start3A_159 = arith.constant 0 : i32
      %dma_start3A_160 = tpu.memref_slice %arg10[%add3A_34, %dma_start3A_159] : memref<10112x128xf32, #tpu.memory_space<vmem_shared>> -> memref<64x128xf32, #tpu.memory_space<vmem_shared>>
      %dma_start3A_161 = arith.constant 0 : i32
      %dma_start3A_162 = arith.constant 0 : i32
      %dma_start3A_163 = tpu.memref_slice %arg9[%run_scoped3A_35, %dma_start3A_161, %dma_start3A_162] : memref<4x64x128xf32, #tpu.memory_space<vmem>> -> memref<1x64x128xf32, #tpu.memory_space<vmem>>
      %dma_start3A_164 = tpu.memref_squeeze %dma_start3A_163 : memref<1x64x128xf32, #tpu.memory_space<vmem>> -> memref<64x128xf32, #tpu.memory_space<vmem>>
      tpu.enqueue_dma source(%dma_start3A_164 : memref<64x128xf32, #tpu.memory_space<vmem>>) target(%dma_start3A_160 : memref<64x128xf32, #tpu.memory_space<vmem_shared>>) target_semaphore(%run_scoped3A_152 : memref<!tpu.dma_semaphore, #tpu.memory_space<semaphore_mem>>)
      %dma_wait3A_165 = arith.constant 0 : i32
      %dma_wait3A_166 = arith.constant 0 : i32
      %dma_wait3A_167 = tpu.memref_slice %arg9[%run_scoped3A_35, %dma_wait3A_165, %dma_wait3A_166] : memref<4x64x128xf32, #tpu.memory_space<vmem>> -> memref<1x64x128xf32, #tpu.memory_space<vmem>>
      %dma_wait3A_168 = tpu.memref_squeeze %dma_wait3A_167 : memref<1x64x128xf32, #tpu.memory_space<vmem>> -> memref<64x128xf32, #tpu.memory_space<vmem>>
      %dma_wait3A_169 = arith.constant 0 : i32
      %dma_wait3A_170 = tpu.memref_slice %arg10[%add3A_34, %dma_wait3A_169] : memref<10112x128xf32, #tpu.memory_space<vmem_shared>> -> memref<64x128xf32, #tpu.memory_space<vmem_shared>>
      %dma_wait3A_171 = arith.constant 0 : i32
      %dma_wait3A_172 = tpu.memref_slice %arg10[%add3A_34, %dma_wait3A_171] : memref<10112x128xf32, #tpu.memory_space<vmem_shared>> -> memref<64x128xf32, #tpu.memory_space<vmem_shared>>
      %dma_wait3A_173 = arith.constant 0 : i32
      %dma_wait3A_174 = arith.constant 0 : i32
      %dma_wait3A_175 = tpu.memref_slice %arg9[%run_scoped3A_35, %dma_wait3A_173, %dma_wait3A_174] : memref<4x64x128xf32, #tpu.memory_space<vmem>> -> memref<1x64x128xf32, #tpu.memory_space<vmem>>
      %dma_wait3A_176 = tpu.memref_squeeze %dma_wait3A_175 : memref<1x64x128xf32, #tpu.memory_space<vmem>> -> memref<64x128xf32, #tpu.memory_space<vmem>>
      tpu.wait_dma2 semaphore(%run_scoped3A_152 : memref<!tpu.dma_semaphore, #tpu.memory_space<semaphore_mem>>) src(%dma_wait3A_176 : memref<64x128xf32, #tpu.memory_space<vmem>>) dst(%dma_wait3A_172 : memref<64x128xf32, #tpu.memory_space<vmem_shared>>)
      tpu.yield
    }) : () -> ()
    %add3A_36 = arith.constant 384 : i32
    %add3A_37 = arith.addi %mul3A_17, %add3A_36 : i32
    %run_scoped3A_38 = arith.constant 0 : i32
    "tpu.region"() ({
      %run_scoped3A_152 = tpu.sem_alloc : memref<!tpu.dma_semaphore, #tpu.memory_space<semaphore_mem>>
      %dma_start3A_153 = arith.constant 0 : i32
      %dma_start3A_154 = arith.constant 0 : i32
      %dma_start3A_155 = tpu.memref_slice %arg9[%run_scoped3A_38, %dma_start3A_153, %dma_start3A_154] : memref<4x64x128xf32, #tpu.memory_space<vmem>> -> memref<1x64x128xf32, #tpu.memory_space<vmem>>
      %dma_start3A_156 = tpu.memref_squeeze %dma_start3A_155 : memref<1x64x128xf32, #tpu.memory_space<vmem>> -> memref<64x128xf32, #tpu.memory_space<vmem>>
      %dma_start3A_157 = arith.constant 0 : i32
      %dma_start3A_158 = tpu.memref_slice %arg10[%add3A_37, %dma_start3A_157] : memref<10112x128xf32, #tpu.memory_space<vmem_shared>> -> memref<64x128xf32, #tpu.memory_space<vmem_shared>>
      %dma_start3A_159 = arith.constant 0 : i32
      %dma_start3A_160 = tpu.memref_slice %arg10[%add3A_37, %dma_start3A_159] : memref<10112x128xf32, #tpu.memory_space<vmem_shared>> -> memref<64x128xf32, #tpu.memory_space<vmem_shared>>
      %dma_start3A_161 = arith.constant 0 : i32
      %dma_start3A_162 = arith.constant 0 : i32
      %dma_start3A_163 = tpu.memref_slice %arg9[%run_scoped3A_38, %dma_start3A_161, %dma_start3A_162] : memref<4x64x128xf32, #tpu.memory_space<vmem>> -> memref<1x64x128xf32, #tpu.memory_space<vmem>>
      %dma_start3A_164 = tpu.memref_squeeze %dma_start3A_163 : memref<1x64x128xf32, #tpu.memory_space<vmem>> -> memref<64x128xf32, #tpu.memory_space<vmem>>
      tpu.enqueue_dma source(%dma_start3A_164 : memref<64x128xf32, #tpu.memory_space<vmem>>) target(%dma_start3A_160 : memref<64x128xf32, #tpu.memory_space<vmem_shared>>) target_semaphore(%run_scoped3A_152 : memref<!tpu.dma_semaphore, #tpu.memory_space<semaphore_mem>>)
      %dma_wait3A_165 = arith.constant 0 : i32
      %dma_wait3A_166 = arith.constant 0 : i32
      %dma_wait3A_167 = tpu.memref_slice %arg9[%run_scoped3A_38, %dma_wait3A_165, %dma_wait3A_166] : memref<4x64x128xf32, #tpu.memory_space<vmem>> -> memref<1x64x128xf32, #tpu.memory_space<vmem>>
      %dma_wait3A_168 = tpu.memref_squeeze %dma_wait3A_167 : memref<1x64x128xf32, #tpu.memory_space<vmem>> -> memref<64x128xf32, #tpu.memory_space<vmem>>
      %dma_wait3A_169 = arith.constant 0 : i32
      %dma_wait3A_170 = tpu.memref_slice %arg10[%add3A_37, %dma_wait3A_169] : memref<10112x128xf32, #tpu.memory_space<vmem_shared>> -> memref<64x128xf32, #tpu.memory_space<vmem_shared>>
      %dma_wait3A_171 = arith.constant 0 : i32
      %dma_wait3A_172 = tpu.memref_slice %arg10[%add3A_37, %dma_wait3A_171] : memref<10112x128xf32, #tpu.memory_space<vmem_shared>> -> memref<64x128xf32, #tpu.memory_space<vmem_shared>>
      %dma_wait3A_173 = arith.constant 0 : i32
      %dma_wait3A_174 = arith.constant 0 : i32
      %dma_wait3A_175 = tpu.memref_slice %arg9[%run_scoped3A_38, %dma_wait3A_173, %dma_wait3A_174] : memref<4x64x128xf32, #tpu.memory_space<vmem>> -> memref<1x64x128xf32, #tpu.memory_space<vmem>>
      %dma_wait3A_176 = tpu.memref_squeeze %dma_wait3A_175 : memref<1x64x128xf32, #tpu.memory_space<vmem>> -> memref<64x128xf32, #tpu.memory_space<vmem>>
      tpu.wait_dma2 semaphore(%run_scoped3A_152 : memref<!tpu.dma_semaphore, #tpu.memory_space<semaphore_mem>>) src(%dma_wait3A_176 : memref<64x128xf32, #tpu.memory_space<vmem>>) dst(%dma_wait3A_172 : memref<64x128xf32, #tpu.memory_space<vmem_shared>>)
      tpu.yield
    }) : () -> ()
    %add3A_39 = arith.constant 448 : i32
    %add3A_40 = arith.addi %mul3A_17, %add3A_39 : i32
    %run_scoped3A_41 = arith.constant 0 : i32
    "tpu.region"() ({
      %run_scoped3A_152 = tpu.sem_alloc : memref<!tpu.dma_semaphore, #tpu.memory_space<semaphore_mem>>
      %dma_start3A_153 = arith.constant 0 : i32
      %dma_start3A_154 = arith.constant 0 : i32
      %dma_start3A_155 = tpu.memref_slice %arg9[%run_scoped3A_41, %dma_start3A_153, %dma_start3A_154] : memref<4x64x128xf32, #tpu.memory_space<vmem>> -> memref<1x64x128xf32, #tpu.memory_space<vmem>>
      %dma_start3A_156 = tpu.memref_squeeze %dma_start3A_155 : memref<1x64x128xf32, #tpu.memory_space<vmem>> -> memref<64x128xf32, #tpu.memory_space<vmem>>
      %dma_start3A_157 = arith.constant 0 : i32
      %dma_start3A_158 = tpu.memref_slice %arg10[%add3A_40, %dma_start3A_157] : memref<10112x128xf32, #tpu.memory_space<vmem_shared>> -> memref<64x128xf32, #tpu.memory_space<vmem_shared>>
      %dma_start3A_159 = arith.constant 0 : i32
      %dma_start3A_160 = tpu.memref_slice %arg10[%add3A_40, %dma_start3A_159] : memref<10112x128xf32, #tpu.memory_space<vmem_shared>> -> memref<64x128xf32, #tpu.memory_space<vmem_shared>>
      %dma_start3A_161 = arith.constant 0 : i32
      %dma_start3A_162 = arith.constant 0 : i32
      %dma_start3A_163 = tpu.memref_slice %arg9[%run_scoped3A_41, %dma_start3A_161, %dma_start3A_162] : memref<4x64x128xf32, #tpu.memory_space<vmem>> -> memref<1x64x128xf32, #tpu.memory_space<vmem>>
      %dma_start3A_164 = tpu.memref_squeeze %dma_start3A_163 : memref<1x64x128xf32, #tpu.memory_space<vmem>> -> memref<64x128xf32, #tpu.memory_space<vmem>>
      tpu.enqueue_dma source(%dma_start3A_164 : memref<64x128xf32, #tpu.memory_space<vmem>>) target(%dma_start3A_160 : memref<64x128xf32, #tpu.memory_space<vmem_shared>>) target_semaphore(%run_scoped3A_152 : memref<!tpu.dma_semaphore, #tpu.memory_space<semaphore_mem>>)
      %dma_wait3A_165 = arith.constant 0 : i32
      %dma_wait3A_166 = arith.constant 0 : i32
      %dma_wait3A_167 = tpu.memref_slice %arg9[%run_scoped3A_41, %dma_wait3A_165, %dma_wait3A_166] : memref<4x64x128xf32, #tpu.memory_space<vmem>> -> memref<1x64x128xf32, #tpu.memory_space<vmem>>
      %dma_wait3A_168 = tpu.memref_squeeze %dma_wait3A_167 : memref<1x64x128xf32, #tpu.memory_space<vmem>> -> memref<64x128xf32, #tpu.memory_space<vmem>>
      %dma_wait3A_169 = arith.constant 0 : i32
      %dma_wait3A_170 = tpu.memref_slice %arg10[%add3A_40, %dma_wait3A_169] : memref<10112x128xf32, #tpu.memory_space<vmem_shared>> -> memref<64x128xf32, #tpu.memory_space<vmem_shared>>
      %dma_wait3A_171 = arith.constant 0 : i32
      %dma_wait3A_172 = tpu.memref_slice %arg10[%add3A_40, %dma_wait3A_171] : memref<10112x128xf32, #tpu.memory_space<vmem_shared>> -> memref<64x128xf32, #tpu.memory_space<vmem_shared>>
      %dma_wait3A_173 = arith.constant 0 : i32
      %dma_wait3A_174 = arith.constant 0 : i32
      %dma_wait3A_175 = tpu.memref_slice %arg9[%run_scoped3A_41, %dma_wait3A_173, %dma_wait3A_174] : memref<4x64x128xf32, #tpu.memory_space<vmem>> -> memref<1x64x128xf32, #tpu.memory_space<vmem>>
      %dma_wait3A_176 = tpu.memref_squeeze %dma_wait3A_175 : memref<1x64x128xf32, #tpu.memory_space<vmem>> -> memref<64x128xf32, #tpu.memory_space<vmem>>
      tpu.wait_dma2 semaphore(%run_scoped3A_152 : memref<!tpu.dma_semaphore, #tpu.memory_space<semaphore_mem>>) src(%dma_wait3A_176 : memref<64x128xf32, #tpu.memory_space<vmem>>) dst(%dma_wait3A_172 : memref<64x128xf32, #tpu.memory_space<vmem_shared>>)
      tpu.yield
    }) : () -> ()
    %add3A_42 = arith.constant 512 : i32
    %add3A_43 = arith.addi %mul3A_17, %add3A_42 : i32
    %run_scoped3A_44 = arith.constant 0 : i32
    "tpu.region"() ({
      %run_scoped3A_152 = tpu.sem_alloc : memref<!tpu.dma_semaphore, #tpu.memory_space<semaphore_mem>>
      %dma_start3A_153 = arith.constant 0 : i32
      %dma_start3A_154 = arith.constant 0 : i32
      %dma_start3A_155 = tpu.memref_slice %arg9[%run_scoped3A_44, %dma_start3A_153, %dma_start3A_154] : memref<4x64x128xf32, #tpu.memory_space<vmem>> -> memref<1x64x128xf32, #tpu.memory_space<vmem>>
      %dma_start3A_156 = tpu.memref_squeeze %dma_start3A_155 : memref<1x64x128xf32, #tpu.memory_space<vmem>> -> memref<64x128xf32, #tpu.memory_space<vmem>>
      %dma_start3A_157 = arith.constant 0 : i32
      %dma_start3A_158 = tpu.memref_slice %arg10[%add3A_43, %dma_start3A_157] : memref<10112x128xf32, #tpu.memory_space<vmem_shared>> -> memref<64x128xf32, #tpu.memory_space<vmem_shared>>
      %dma_start3A_159 = arith.constant 0 : i32
      %dma_start3A_160 = tpu.memref_slice %arg10[%add3A_43, %dma_start3A_159] : memref<10112x128xf32, #tpu.memory_space<vmem_shared>> -> memref<64x128xf32, #tpu.memory_space<vmem_shared>>
      %dma_start3A_161 = arith.constant 0 : i32
      %dma_start3A_162 = arith.constant 0 : i32
      %dma_start3A_163 = tpu.memref_slice %arg9[%run_scoped3A_44, %dma_start3A_161, %dma_start3A_162] : memref<4x64x128xf32, #tpu.memory_space<vmem>> -> memref<1x64x128xf32, #tpu.memory_space<vmem>>
      %dma_start3A_164 = tpu.memref_squeeze %dma_start3A_163 : memref<1x64x128xf32, #tpu.memory_space<vmem>> -> memref<64x128xf32, #tpu.memory_space<vmem>>
      tpu.enqueue_dma source(%dma_start3A_164 : memref<64x128xf32, #tpu.memory_space<vmem>>) target(%dma_start3A_160 : memref<64x128xf32, #tpu.memory_space<vmem_shared>>) target_semaphore(%run_scoped3A_152 : memref<!tpu.dma_semaphore, #tpu.memory_space<semaphore_mem>>)
      %dma_wait3A_165 = arith.constant 0 : i32
      %dma_wait3A_166 = arith.constant 0 : i32
      %dma_wait3A_167 = tpu.memref_slice %arg9[%run_scoped3A_44, %dma_wait3A_165, %dma_wait3A_166] : memref<4x64x128xf32, #tpu.memory_space<vmem>> -> memref<1x64x128xf32, #tpu.memory_space<vmem>>
      %dma_wait3A_168 = tpu.memref_squeeze %dma_wait3A_167 : memref<1x64x128xf32, #tpu.memory_space<vmem>> -> memref<64x128xf32, #tpu.memory_space<vmem>>
      %dma_wait3A_169 = arith.constant 0 : i32
      %dma_wait3A_170 = tpu.memref_slice %arg10[%add3A_43, %dma_wait3A_169] : memref<10112x128xf32, #tpu.memory_space<vmem_shared>> -> memref<64x128xf32, #tpu.memory_space<vmem_shared>>
      %dma_wait3A_171 = arith.constant 0 : i32
      %dma_wait3A_172 = tpu.memref_slice %arg10[%add3A_43, %dma_wait3A_171] : memref<10112x128xf32, #tpu.memory_space<vmem_shared>> -> memref<64x128xf32, #tpu.memory_space<vmem_shared>>
      %dma_wait3A_173 = arith.constant 0 : i32
      %dma_wait3A_174 = arith.constant 0 : i32
      %dma_wait3A_175 = tpu.memref_slice %arg9[%run_scoped3A_44, %dma_wait3A_173, %dma_wait3A_174] : memref<4x64x128xf32, #tpu.memory_space<vmem>> -> memref<1x64x128xf32, #tpu.memory_space<vmem>>
      %dma_wait3A_176 = tpu.memref_squeeze %dma_wait3A_175 : memref<1x64x128xf32, #tpu.memory_space<vmem>> -> memref<64x128xf32, #tpu.memory_space<vmem>>
      tpu.wait_dma2 semaphore(%run_scoped3A_152 : memref<!tpu.dma_semaphore, #tpu.memory_space<semaphore_mem>>) src(%dma_wait3A_176 : memref<64x128xf32, #tpu.memory_space<vmem>>) dst(%dma_wait3A_172 : memref<64x128xf32, #tpu.memory_space<vmem_shared>>)
      tpu.yield
    }) : () -> ()
    %add3A_45 = arith.constant 576 : i32
    %add3A_46 = arith.addi %mul3A_17, %add3A_45 : i32
    %run_scoped3A_47 = arith.constant 0 : i32
    "tpu.region"() ({
      %run_scoped3A_152 = tpu.sem_alloc : memref<!tpu.dma_semaphore, #tpu.memory_space<semaphore_mem>>
      %dma_start3A_153 = arith.constant 0 : i32
      %dma_start3A_154 = arith.constant 0 : i32
      %dma_start3A_155 = tpu.memref_slice %arg9[%run_scoped3A_47, %dma_start3A_153, %dma_start3A_154] : memref<4x64x128xf32, #tpu.memory_space<vmem>> -> memref<1x64x128xf32, #tpu.memory_space<vmem>>
      %dma_start3A_156 = tpu.memref_squeeze %dma_start3A_155 : memref<1x64x128xf32, #tpu.memory_space<vmem>> -> memref<64x128xf32, #tpu.memory_space<vmem>>
      %dma_start3A_157 = arith.constant 0 : i32
      %dma_start3A_158 = arith.constant 0 : i32
      %dma_start3A_159 = tpu.memref_slice %dma_start3A_156[%dma_start3A_157, %dma_start3A_158] : memref<64x128xf32, #tpu.memory_space<vmem>> -> memref<56x128xf32, #tpu.memory_space<vmem>>
      %dma_start3A_160 = arith.constant 0 : i32
      %dma_start3A_161 = tpu.memref_slice %arg10[%add3A_46, %dma_start3A_160] : memref<10112x128xf32, #tpu.memory_space<vmem_shared>> -> memref<56x128xf32, #tpu.memory_space<vmem_shared>>
      %dma_start3A_162 = arith.constant 0 : i32
      %dma_start3A_163 = tpu.memref_slice %arg10[%add3A_46, %dma_start3A_162] : memref<10112x128xf32, #tpu.memory_space<vmem_shared>> -> memref<56x128xf32, #tpu.memory_space<vmem_shared>>
      %dma_start3A_164 = arith.constant 0 : i32
      %dma_start3A_165 = arith.constant 0 : i32
      %dma_start3A_166 = tpu.memref_slice %arg9[%run_scoped3A_47, %dma_start3A_164, %dma_start3A_165] : memref<4x64x128xf32, #tpu.memory_space<vmem>> -> memref<1x64x128xf32, #tpu.memory_space<vmem>>
      %dma_start3A_167 = tpu.memref_squeeze %dma_start3A_166 : memref<1x64x128xf32, #tpu.memory_space<vmem>> -> memref<64x128xf32, #tpu.memory_space<vmem>>
      %dma_start3A_168 = arith.constant 0 : i32
      %dma_start3A_169 = arith.constant 0 : i32
      %dma_start3A_170 = tpu.memref_slice %dma_start3A_167[%dma_start3A_168, %dma_start3A_169] : memref<64x128xf32, #tpu.memory_space<vmem>> -> memref<56x128xf32, #tpu.memory_space<vmem>>
      tpu.enqueue_dma source(%dma_start3A_170 : memref<56x128xf32, #tpu.memory_space<vmem>>) target(%dma_start3A_163 : memref<56x128xf32, #tpu.memory_space<vmem_shared>>) target_semaphore(%run_scoped3A_152 : memref<!tpu.dma_semaphore, #tpu.memory_space<semaphore_mem>>)
      %dma_wait3A_171 = arith.constant 0 : i32
      %dma_wait3A_172 = arith.constant 0 : i32
      %dma_wait3A_173 = tpu.memref_slice %arg9[%run_scoped3A_47, %dma_wait3A_171, %dma_wait3A_172] : memref<4x64x128xf32, #tpu.memory_space<vmem>> -> memref<1x64x128xf32, #tpu.memory_space<vmem>>
      %dma_wait3A_174 = tpu.memref_squeeze %dma_wait3A_173 : memref<1x64x128xf32, #tpu.memory_space<vmem>> -> memref<64x128xf32, #tpu.memory_space<vmem>>
      %dma_wait3A_175 = arith.constant 0 : i32
      %dma_wait3A_176 = arith.constant 0 : i32
      %dma_wait3A_177 = tpu.memref_slice %dma_wait3A_174[%dma_wait3A_175, %dma_wait3A_176] : memref<64x128xf32, #tpu.memory_space<vmem>> -> memref<56x128xf32, #tpu.memory_space<vmem>>
      %dma_wait3A_178 = arith.constant 0 : i32
      %dma_wait3A_179 = tpu.memref_slice %arg10[%add3A_46, %dma_wait3A_178] : memref<10112x128xf32, #tpu.memory_space<vmem_shared>> -> memref<56x128xf32, #tpu.memory_space<vmem_shared>>
      %dma_wait3A_180 = arith.constant 0 : i32
      %dma_wait3A_181 = tpu.memref_slice %arg10[%add3A_46, %dma_wait3A_180] : memref<10112x128xf32, #tpu.memory_space<vmem_shared>> -> memref<56x128xf32, #tpu.memory_space<vmem_shared>>
      %dma_wait3A_182 = arith.constant 0 : i32
      %dma_wait3A_183 = arith.constant 0 : i32
      %dma_wait3A_184 = tpu.memref_slice %arg9[%run_scoped3A_47, %dma_wait3A_182, %dma_wait3A_183] : memref<4x64x128xf32, #tpu.memory_space<vmem>> -> memref<1x64x128xf32, #tpu.memory_space<vmem>>
      %dma_wait3A_185 = tpu.memref_squeeze %dma_wait3A_184 : memref<1x64x128xf32, #tpu.memory_space<vmem>> -> memref<64x128xf32, #tpu.memory_space<vmem>>
      %dma_wait3A_186 = arith.constant 0 : i32
      %dma_wait3A_187 = arith.constant 0 : i32
      %dma_wait3A_188 = tpu.memref_slice %dma_wait3A_185[%dma_wait3A_186, %dma_wait3A_187] : memref<64x128xf32, #tpu.memory_space<vmem>> -> memref<56x128xf32, #tpu.memory_space<vmem>>
      tpu.wait_dma2 semaphore(%run_scoped3A_152 : memref<!tpu.dma_semaphore, #tpu.memory_space<semaphore_mem>>) src(%dma_wait3A_188 : memref<56x128xf32, #tpu.memory_space<vmem>>) dst(%dma_wait3A_181 : memref<56x128xf32, #tpu.memory_space<vmem_shared>>)
      tpu.yield
    }) : () -> ()
    %dma_wait3A = arith.constant 0 : i32
    %dma_wait3A_48 = arith.constant 0 : i32
    %dma_wait3A_49 = tpu.memref_slice %arg3[%add3A, %dma_wait3A, %dma_wait3A_48] : memref<32x80x64xi32, #tpu.memory_space<hbm>> -> memref<1x80x64xi32, #tpu.memory_space<hbm>>
    %dma_wait3A_50 = tpu.memref_squeeze %dma_wait3A_49 : memref<1x80x64xi32, #tpu.memory_space<hbm>> -> memref<80x64xi32, #tpu.memory_space<hbm>>
    %dma_wait3A_51 = arith.constant 0 : i32
    %dma_wait3A_52 = arith.constant 0 : i32
    %dma_wait3A_53 = tpu.memref_slice %arg3[%add3A, %dma_wait3A_51, %dma_wait3A_52] : memref<32x80x64xi32, #tpu.memory_space<hbm>> -> memref<1x80x64xi32, #tpu.memory_space<hbm>>
    %dma_wait3A_54 = tpu.memref_squeeze %dma_wait3A_53 : memref<1x80x64xi32, #tpu.memory_space<hbm>> -> memref<80x64xi32, #tpu.memory_space<hbm>>
    tpu.wait_dma2 semaphore(%arg11 : memref<!tpu.dma_semaphore, #tpu.memory_space<semaphore_mem>>) src(%dma_wait3A_54 : memref<80x64xi32, #tpu.memory_space<hbm>>) dst(%arg7 : memref<80x64xi32, #tpu.memory_space<vmem>>)
    %dma_wait3A_55 = arith.constant 0 : i32
    %dma_wait3A_56 = arith.constant 0 : i32
    %dma_wait3A_57 = tpu.memref_slice %arg4[%add3A, %dma_wait3A_55, %dma_wait3A_56] : memref<32x80x64xi32, #tpu.memory_space<hbm>> -> memref<1x80x64xi32, #tpu.memory_space<hbm>>
    %dma_wait3A_58 = tpu.memref_squeeze %dma_wait3A_57 : memref<1x80x64xi32, #tpu.memory_space<hbm>> -> memref<80x64xi32, #tpu.memory_space<hbm>>
    %dma_wait3A_59 = arith.constant 0 : i32
    %dma_wait3A_60 = arith.constant 0 : i32
    %dma_wait3A_61 = tpu.memref_slice %arg4[%add3A, %dma_wait3A_59, %dma_wait3A_60] : memref<32x80x64xi32, #tpu.memory_space<hbm>> -> memref<1x80x64xi32, #tpu.memory_space<hbm>>
    %dma_wait3A_62 = tpu.memref_squeeze %dma_wait3A_61 : memref<1x80x64xi32, #tpu.memory_space<hbm>> -> memref<80x64xi32, #tpu.memory_space<hbm>>
    tpu.wait_dma2 semaphore(%arg11 : memref<!tpu.dma_semaphore, #tpu.memory_space<semaphore_mem>>) src(%dma_wait3A_62 : memref<80x64xi32, #tpu.memory_space<hbm>>) dst(%arg8 : memref<80x64xi32, #tpu.memory_space<vmem>>)
    %barrier3A = arith.constant 0 : index
    tpu.barrier barrier_id(%barrier3A)
    %dma_start3A_63 = arith.constant 0 : i32
    %dma_start3A_64 = arith.constant 0 : i32
    %dma_start3A_65 = arith.constant 0 : i32
    %dma_start3A_66 = arith.constant 0 : i32
    %dma_start3A_67 = tpu.memref_slice %arg9[%dma_start3A_64, %dma_start3A_65, %dma_start3A_66] : memref<4x64x128xf32, #tpu.memory_space<vmem>> -> memref<1x64x128xf32, #tpu.memory_space<vmem>>
    %dma_start3A_68 = tpu.memref_squeeze %dma_start3A_67 : memref<1x64x128xf32, #tpu.memory_space<vmem>> -> memref<64x128xf32, #tpu.memory_space<vmem>>
    %dma_start3A_69 = arith.constant 0 : i32
    %dma_start3A_70 = tpu.memref_slice %arg7[%dma_start3A_63, %dma_start3A_69] : memref<80x64xi32, #tpu.memory_space<vmem>> -> memref<1x64xi32, #tpu.memory_space<vmem>>
    %dma_start3A_71 = tpu.memref_squeeze %dma_start3A_70 : memref<1x64xi32, #tpu.memory_space<vmem>> -> memref<64xi32, #tpu.memory_space<vmem>>
    %dma_start3A_72 = arith.constant 0 : i32
    %dma_start3A_73 = arith.constant 0 : i32
    %dma_start3A_74 = tpu.memref_slice %arg2[%dma_start3A_72, %dma_start3A_73] : memref<10000x128xf32, #tpu.memory_space<hbm>> -> memref<10000x128xf32, #tpu.memory_space<hbm>>
    tpu.enqueue_indirect_dma source(%dma_start3A_74 : memref<10000x128xf32, #tpu.memory_space<hbm>>) target(%dma_start3A_68 : memref<64x128xf32, #tpu.memory_space<vmem>>) offsets(%dma_start3A_71 : memref<64xi32, #tpu.memory_space<vmem>>) semaphore(%arg11 : memref<!tpu.dma_semaphore, #tpu.memory_space<semaphore_mem>>)
    %dma_start3A_75 = arith.constant 1 : i32
    %dma_start3A_76 = arith.constant 1 : i32
    %dma_start3A_77 = arith.constant 0 : i32
    %dma_start3A_78 = arith.constant 0 : i32
    %dma_start3A_79 = tpu.memref_slice %arg9[%dma_start3A_76, %dma_start3A_77, %dma_start3A_78] : memref<4x64x128xf32, #tpu.memory_space<vmem>> -> memref<1x64x128xf32, #tpu.memory_space<vmem>>
    %dma_start3A_80 = tpu.memref_squeeze %dma_start3A_79 : memref<1x64x128xf32, #tpu.memory_space<vmem>> -> memref<64x128xf32, #tpu.memory_space<vmem>>
    %dma_start3A_81 = arith.constant 0 : i32
    %dma_start3A_82 = tpu.memref_slice %arg7[%dma_start3A_75, %dma_start3A_81] : memref<80x64xi32, #tpu.memory_space<vmem>> -> memref<1x64xi32, #tpu.memory_space<vmem>>
    %dma_start3A_83 = tpu.memref_squeeze %dma_start3A_82 : memref<1x64xi32, #tpu.memory_space<vmem>> -> memref<64xi32, #tpu.memory_space<vmem>>
    %dma_start3A_84 = arith.constant 0 : i32
    %dma_start3A_85 = arith.constant 0 : i32
    %dma_start3A_86 = tpu.memref_slice %arg2[%dma_start3A_84, %dma_start3A_85] : memref<10000x128xf32, #tpu.memory_space<hbm>> -> memref<10000x128xf32, #tpu.memory_space<hbm>>
    tpu.enqueue_indirect_dma source(%dma_start3A_86 : memref<10000x128xf32, #tpu.memory_space<hbm>>) target(%dma_start3A_80 : memref<64x128xf32, #tpu.memory_space<vmem>>) offsets(%dma_start3A_83 : memref<64xi32, #tpu.memory_space<vmem>>) semaphore(%arg12 : memref<!tpu.dma_semaphore, #tpu.memory_space<semaphore_mem>>)
    %dma_start3A_87 = arith.constant 2 : i32
    %dma_start3A_88 = arith.constant 2 : i32
    %dma_start3A_89 = arith.constant 0 : i32
    %dma_start3A_90 = arith.constant 0 : i32
    %dma_start3A_91 = tpu.memref_slice %arg9[%dma_start3A_88, %dma_start3A_89, %dma_start3A_90] : memref<4x64x128xf32, #tpu.memory_space<vmem>> -> memref<1x64x128xf32, #tpu.memory_space<vmem>>
    %dma_start3A_92 = tpu.memref_squeeze %dma_start3A_91 : memref<1x64x128xf32, #tpu.memory_space<vmem>> -> memref<64x128xf32, #tpu.memory_space<vmem>>
    %dma_start3A_93 = arith.constant 0 : i32
    %dma_start3A_94 = tpu.memref_slice %arg7[%dma_start3A_87, %dma_start3A_93] : memref<80x64xi32, #tpu.memory_space<vmem>> -> memref<1x64xi32, #tpu.memory_space<vmem>>
    %dma_start3A_95 = tpu.memref_squeeze %dma_start3A_94 : memref<1x64xi32, #tpu.memory_space<vmem>> -> memref<64xi32, #tpu.memory_space<vmem>>
    %dma_start3A_96 = arith.constant 0 : i32
    %dma_start3A_97 = arith.constant 0 : i32
    %dma_start3A_98 = tpu.memref_slice %arg2[%dma_start3A_96, %dma_start3A_97] : memref<10000x128xf32, #tpu.memory_space<hbm>> -> memref<10000x128xf32, #tpu.memory_space<hbm>>
    tpu.enqueue_indirect_dma source(%dma_start3A_98 : memref<10000x128xf32, #tpu.memory_space<hbm>>) target(%dma_start3A_92 : memref<64x128xf32, #tpu.memory_space<vmem>>) offsets(%dma_start3A_95 : memref<64xi32, #tpu.memory_space<vmem>>) semaphore(%arg13 : memref<!tpu.dma_semaphore, #tpu.memory_space<semaphore_mem>>)
    %scan3A = arith.constant 0 : i32
    %scan3A_99 = arith.constant 20 : i32
    %scan3A_100 = arith.addi %scan3A, %scan3A_99 : i32
    %scan3A_101 = arith.constant 1 : i32
    scf.for %scan3A_152 = %scan3A to %scan3A_100 step %scan3A_101  : i32 {
      %mul3A_153 = arith.constant 4 : i32
      %mul3A_154 = arith.muli %scan3A_152, %mul3A_153 : i32
      %add3A_155 = arith.constant 0 : i32
      %add3A_156 = arith.addi %add3A_155, %mul3A_154 : i32
      %add3A_157 = arith.constant 0 : i32
      %add3A_158 = arith.addi %add3A_156, %add3A_157 : i32
      %add3A_159 = arith.constant 3 : i32
      %add3A_160 = arith.addi %add3A_158, %add3A_159 : i32
      %lt3A = arith.constant 80 : i32
      %lt3A_161 = arith.cmpi slt, %add3A_160, %lt3A : i32
      %convert_element_type3A = arith.extui %lt3A_161 : i1 to i32
      %cond3A = arith.constant 0 : i32
      %cond3A_162 = arith.cmpi ne, %convert_element_type3A, %cond3A : i32
      scf.if %cond3A_162 {
        %ge3A = arith.constant 4 : i32
        %ge3A_294 = arith.cmpi sge, %add3A_160, %ge3A : i32
        %convert_element_type3A_295 = arith.extui %ge3A_294 : i1 to i32
        %cond3A_296 = arith.constant 0 : i32
        %cond3A_297 = arith.cmpi ne, %convert_element_type3A_295, %cond3A_296 : i32
        scf.if %cond3A_297 {
          %sub3A = arith.constant 4 : i32
          %sub3A_309 = arith.subi %add3A_160, %sub3A : i32
          %dma_wait3A_310 = arith.constant 3 : i32
          %dma_wait3A_311 = arith.constant 0 : i32
          %dma_wait3A_312 = arith.constant 0 : i32
          %dma_wait3A_313 = tpu.memref_slice %arg9[%dma_wait3A_310, %dma_wait3A_311, %dma_wait3A_312] : memref<4x64x128xf32, #tpu.memory_space<vmem>> -> memref<1x64x128xf32, #tpu.memory_space<vmem>>
          %dma_wait3A_314 = tpu.memref_squeeze %dma_wait3A_313 : memref<1x64x128xf32, #tpu.memory_space<vmem>> -> memref<64x128xf32, #tpu.memory_space<vmem>>
          %dma_wait3A_315 = arith.constant 0 : i32
          %dma_wait3A_316 = tpu.memref_slice %arg8[%sub3A_309, %dma_wait3A_315] : memref<80x64xi32, #tpu.memory_space<vmem>> -> memref<1x64xi32, #tpu.memory_space<vmem>>
          %dma_wait3A_317 = tpu.memref_squeeze %dma_wait3A_316 : memref<1x64xi32, #tpu.memory_space<vmem>> -> memref<64xi32, #tpu.memory_space<vmem>>
          %dma_wait3A_318 = arith.constant 0 : i32
          %dma_wait3A_319 = arith.constant 0 : i32
          %dma_wait3A_320 = tpu.memref_slice %arg10[%dma_wait3A_318, %dma_wait3A_319] : memref<10112x128xf32, #tpu.memory_space<vmem_shared>> -> memref<10112x128xf32, #tpu.memory_space<vmem_shared>>
          tpu.wait_indirect_dma semaphore(%arg18 : memref<!tpu.dma_semaphore, #tpu.memory_space<semaphore_mem>>) src(%dma_wait3A_314 : memref<64x128xf32, #tpu.memory_space<vmem>>) dst(%dma_wait3A_320 : memref<10112x128xf32, #tpu.memory_space<vmem_shared>>)
        } else {
        }
        %dma_start3A_298 = arith.constant 3 : i32
        %dma_start3A_299 = arith.constant 0 : i32
        %dma_start3A_300 = arith.constant 0 : i32
        %dma_start3A_301 = tpu.memref_slice %arg9[%dma_start3A_298, %dma_start3A_299, %dma_start3A_300] : memref<4x64x128xf32, #tpu.memory_space<vmem>> -> memref<1x64x128xf32, #tpu.memory_space<vmem>>
        %dma_start3A_302 = tpu.memref_squeeze %dma_start3A_301 : memref<1x64x128xf32, #tpu.memory_space<vmem>> -> memref<64x128xf32, #tpu.memory_space<vmem>>
        %dma_start3A_303 = arith.constant 0 : i32
        %dma_start3A_304 = tpu.memref_slice %arg7[%add3A_160, %dma_start3A_303] : memref<80x64xi32, #tpu.memory_space<vmem>> -> memref<1x64xi32, #tpu.memory_space<vmem>>
        %dma_start3A_305 = tpu.memref_squeeze %dma_start3A_304 : memref<1x64xi32, #tpu.memory_space<vmem>> -> memref<64xi32, #tpu.memory_space<vmem>>
        %dma_start3A_306 = arith.constant 0 : i32
        %dma_start3A_307 = arith.constant 0 : i32
        %dma_start3A_308 = tpu.memref_slice %arg2[%dma_start3A_306, %dma_start3A_307] : memref<10000x128xf32, #tpu.memory_space<hbm>> -> memref<10000x128xf32, #tpu.memory_space<hbm>>
        tpu.enqueue_indirect_dma source(%dma_start3A_308 : memref<10000x128xf32, #tpu.memory_space<hbm>>) target(%dma_start3A_302 : memref<64x128xf32, #tpu.memory_space<vmem>>) offsets(%dma_start3A_305 : memref<64xi32, #tpu.memory_space<vmem>>) semaphore(%arg14 : memref<!tpu.dma_semaphore, #tpu.memory_space<semaphore_mem>>)
      } else {
      }
      %add3A_163 = arith.constant 0 : i32
      %add3A_164 = arith.addi %add3A_156, %add3A_163 : i32
      %dma_wait3A_165 = arith.constant 0 : i32
      %dma_wait3A_166 = arith.constant 0 : i32
      %dma_wait3A_167 = arith.constant 0 : i32
      %dma_wait3A_168 = tpu.memref_slice %arg9[%dma_wait3A_165, %dma_wait3A_166, %dma_wait3A_167] : memref<4x64x128xf32, #tpu.memory_space<vmem>> -> memref<1x64x128xf32, #tpu.memory_space<vmem>>
      %dma_wait3A_169 = tpu.memref_squeeze %dma_wait3A_168 : memref<1x64x128xf32, #tpu.memory_space<vmem>> -> memref<64x128xf32, #tpu.memory_space<vmem>>
      %dma_wait3A_170 = arith.constant 0 : i32
      %dma_wait3A_171 = tpu.memref_slice %arg7[%add3A_164, %dma_wait3A_170] : memref<80x64xi32, #tpu.memory_space<vmem>> -> memref<1x64xi32, #tpu.memory_space<vmem>>
      %dma_wait3A_172 = tpu.memref_squeeze %dma_wait3A_171 : memref<1x64xi32, #tpu.memory_space<vmem>> -> memref<64xi32, #tpu.memory_space<vmem>>
      %dma_wait3A_173 = arith.constant 0 : i32
      %dma_wait3A_174 = arith.constant 0 : i32
      %dma_wait3A_175 = tpu.memref_slice %arg2[%dma_wait3A_173, %dma_wait3A_174] : memref<10000x128xf32, #tpu.memory_space<hbm>> -> memref<10000x128xf32, #tpu.memory_space<hbm>>
      tpu.wait_indirect_dma semaphore(%arg11 : memref<!tpu.dma_semaphore, #tpu.memory_space<semaphore_mem>>) src(%dma_wait3A_175 : memref<10000x128xf32, #tpu.memory_space<hbm>>) dst(%dma_wait3A_169 : memref<64x128xf32, #tpu.memory_space<vmem>>)
      %add3A_176 = arith.constant 0 : i32
      %add3A_177 = arith.addi %add3A_156, %add3A_176 : i32
      %dma_start3A_178 = arith.constant 0 : i32
      %dma_start3A_179 = arith.constant 0 : i32
      %dma_start3A_180 = arith.constant 0 : i32
      %dma_start3A_181 = tpu.memref_slice %arg9[%dma_start3A_178, %dma_start3A_179, %dma_start3A_180] : memref<4x64x128xf32, #tpu.memory_space<vmem>> -> memref<1x64x128xf32, #tpu.memory_space<vmem>>
      %dma_start3A_182 = tpu.memref_squeeze %dma_start3A_181 : memref<1x64x128xf32, #tpu.memory_space<vmem>> -> memref<64x128xf32, #tpu.memory_space<vmem>>
      %dma_start3A_183 = arith.constant 0 : i32
      %dma_start3A_184 = tpu.memref_slice %arg8[%add3A_177, %dma_start3A_183] : memref<80x64xi32, #tpu.memory_space<vmem>> -> memref<1x64xi32, #tpu.memory_space<vmem>>
      %dma_start3A_185 = tpu.memref_squeeze %dma_start3A_184 : memref<1x64xi32, #tpu.memory_space<vmem>> -> memref<64xi32, #tpu.memory_space<vmem>>
      %dma_start3A_186 = arith.constant 0 : i32
      %dma_start3A_187 = arith.constant 0 : i32
      %dma_start3A_188 = tpu.memref_slice %arg10[%dma_start3A_186, %dma_start3A_187] : memref<10112x128xf32, #tpu.memory_space<vmem_shared>> -> memref<10112x128xf32, #tpu.memory_space<vmem_shared>>
      tpu.enqueue_indirect_dma source(%dma_start3A_182 : memref<64x128xf32, #tpu.memory_space<vmem>>) target(%dma_start3A_188 : memref<10112x128xf32, #tpu.memory_space<vmem_shared>>) offsets(%dma_start3A_185 : memref<64xi32, #tpu.memory_space<vmem>>) semaphore(%arg15 : memref<!tpu.dma_semaphore, #tpu.memory_space<semaphore_mem>>) {add = true}
      %add3A_189 = arith.constant 1 : i32
      %add3A_190 = arith.addi %add3A_156, %add3A_189 : i32
      %add3A_191 = arith.constant 3 : i32
      %add3A_192 = arith.addi %add3A_190, %add3A_191 : i32
      %lt3A_193 = arith.constant 80 : i32
      %lt3A_194 = arith.cmpi slt, %add3A_192, %lt3A_193 : i32
      %convert_element_type3A_195 = arith.extui %lt3A_194 : i1 to i32
      %cond3A_196 = arith.constant 0 : i32
      %cond3A_197 = arith.cmpi ne, %convert_element_type3A_195, %cond3A_196 : i32
      scf.if %cond3A_197 {
        %ge3A = arith.constant 4 : i32
        %ge3A_294 = arith.cmpi sge, %add3A_192, %ge3A : i32
        %convert_element_type3A_295 = arith.extui %ge3A_294 : i1 to i32
        %cond3A_296 = arith.constant 0 : i32
        %cond3A_297 = arith.cmpi ne, %convert_element_type3A_295, %cond3A_296 : i32
        scf.if %cond3A_297 {
          %sub3A = arith.constant 4 : i32
          %sub3A_309 = arith.subi %add3A_192, %sub3A : i32
          %dma_wait3A_310 = arith.constant 0 : i32
          %dma_wait3A_311 = arith.constant 0 : i32
          %dma_wait3A_312 = arith.constant 0 : i32
          %dma_wait3A_313 = tpu.memref_slice %arg9[%dma_wait3A_310, %dma_wait3A_311, %dma_wait3A_312] : memref<4x64x128xf32, #tpu.memory_space<vmem>> -> memref<1x64x128xf32, #tpu.memory_space<vmem>>
          %dma_wait3A_314 = tpu.memref_squeeze %dma_wait3A_313 : memref<1x64x128xf32, #tpu.memory_space<vmem>> -> memref<64x128xf32, #tpu.memory_space<vmem>>
          %dma_wait3A_315 = arith.constant 0 : i32
          %dma_wait3A_316 = tpu.memref_slice %arg8[%sub3A_309, %dma_wait3A_315] : memref<80x64xi32, #tpu.memory_space<vmem>> -> memref<1x64xi32, #tpu.memory_space<vmem>>
          %dma_wait3A_317 = tpu.memref_squeeze %dma_wait3A_316 : memref<1x64xi32, #tpu.memory_space<vmem>> -> memref<64xi32, #tpu.memory_space<vmem>>
          %dma_wait3A_318 = arith.constant 0 : i32
          %dma_wait3A_319 = arith.constant 0 : i32
          %dma_wait3A_320 = tpu.memref_slice %arg10[%dma_wait3A_318, %dma_wait3A_319] : memref<10112x128xf32, #tpu.memory_space<vmem_shared>> -> memref<10112x128xf32, #tpu.memory_space<vmem_shared>>
          tpu.wait_indirect_dma semaphore(%arg15 : memref<!tpu.dma_semaphore, #tpu.memory_space<semaphore_mem>>) src(%dma_wait3A_314 : memref<64x128xf32, #tpu.memory_space<vmem>>) dst(%dma_wait3A_320 : memref<10112x128xf32, #tpu.memory_space<vmem_shared>>)
        } else {
        }
        %dma_start3A_298 = arith.constant 0 : i32
        %dma_start3A_299 = arith.constant 0 : i32
        %dma_start3A_300 = arith.constant 0 : i32
        %dma_start3A_301 = tpu.memref_slice %arg9[%dma_start3A_298, %dma_start3A_299, %dma_start3A_300] : memref<4x64x128xf32, #tpu.memory_space<vmem>> -> memref<1x64x128xf32, #tpu.memory_space<vmem>>
        %dma_start3A_302 = tpu.memref_squeeze %dma_start3A_301 : memref<1x64x128xf32, #tpu.memory_space<vmem>> -> memref<64x128xf32, #tpu.memory_space<vmem>>
        %dma_start3A_303 = arith.constant 0 : i32
        %dma_start3A_304 = tpu.memref_slice %arg7[%add3A_192, %dma_start3A_303] : memref<80x64xi32, #tpu.memory_space<vmem>> -> memref<1x64xi32, #tpu.memory_space<vmem>>
        %dma_start3A_305 = tpu.memref_squeeze %dma_start3A_304 : memref<1x64xi32, #tpu.memory_space<vmem>> -> memref<64xi32, #tpu.memory_space<vmem>>
        %dma_start3A_306 = arith.constant 0 : i32
        %dma_start3A_307 = arith.constant 0 : i32
        %dma_start3A_308 = tpu.memref_slice %arg2[%dma_start3A_306, %dma_start3A_307] : memref<10000x128xf32, #tpu.memory_space<hbm>> -> memref<10000x128xf32, #tpu.memory_space<hbm>>
        tpu.enqueue_indirect_dma source(%dma_start3A_308 : memref<10000x128xf32, #tpu.memory_space<hbm>>) target(%dma_start3A_302 : memref<64x128xf32, #tpu.memory_space<vmem>>) offsets(%dma_start3A_305 : memref<64xi32, #tpu.memory_space<vmem>>) semaphore(%arg11 : memref<!tpu.dma_semaphore, #tpu.memory_space<semaphore_mem>>)
      } else {
      }
      %add3A_198 = arith.constant 1 : i32
      %add3A_199 = arith.addi %add3A_156, %add3A_198 : i32
      %dma_wait3A_200 = arith.constant 1 : i32
      %dma_wait3A_201 = arith.constant 0 : i32
      %dma_wait3A_202 = arith.constant 0 : i32
      %dma_wait3A_203 = tpu.memref_slice %arg9[%dma_wait3A_200, %dma_wait3A_201, %dma_wait3A_202] : memref<4x64x128xf32, #tpu.memory_space<vmem>> -> memref<1x64x128xf32, #tpu.memory_space<vmem>>
      %dma_wait3A_204 = tpu.memref_squeeze %dma_wait3A_203 : memref<1x64x128xf32, #tpu.memory_space<vmem>> -> memref<64x128xf32, #tpu.memory_space<vmem>>
      %dma_wait3A_205 = arith.constant 0 : i32
      %dma_wait3A_206 = tpu.memref_slice %arg7[%add3A_199, %dma_wait3A_205] : memref<80x64xi32, #tpu.memory_space<vmem>> -> memref<1x64xi32, #tpu.memory_space<vmem>>
      %dma_wait3A_207 = tpu.memref_squeeze %dma_wait3A_206 : memref<1x64xi32, #tpu.memory_space<vmem>> -> memref<64xi32, #tpu.memory_space<vmem>>
      %dma_wait3A_208 = arith.constant 0 : i32
      %dma_wait3A_209 = arith.constant 0 : i32
      %dma_wait3A_210 = tpu.memref_slice %arg2[%dma_wait3A_208, %dma_wait3A_209] : memref<10000x128xf32, #tpu.memory_space<hbm>> -> memref<10000x128xf32, #tpu.memory_space<hbm>>
      tpu.wait_indirect_dma semaphore(%arg12 : memref<!tpu.dma_semaphore, #tpu.memory_space<semaphore_mem>>) src(%dma_wait3A_210 : memref<10000x128xf32, #tpu.memory_space<hbm>>) dst(%dma_wait3A_204 : memref<64x128xf32, #tpu.memory_space<vmem>>)
      %add3A_211 = arith.constant 1 : i32
      %add3A_212 = arith.addi %add3A_156, %add3A_211 : i32
      %dma_start3A_213 = arith.constant 1 : i32
      %dma_start3A_214 = arith.constant 0 : i32
      %dma_start3A_215 = arith.constant 0 : i32
      %dma_start3A_216 = tpu.memref_slice %arg9[%dma_start3A_213, %dma_start3A_214, %dma_start3A_215] : memref<4x64x128xf32, #tpu.memory_space<vmem>> -> memref<1x64x128xf32, #tpu.memory_space<vmem>>
      %dma_start3A_217 = tpu.memref_squeeze %dma_start3A_216 : memref<1x64x128xf32, #tpu.memory_space<vmem>> -> memref<64x128xf32, #tpu.memory_space<vmem>>
      %dma_start3A_218 = arith.constant 0 : i32
      %dma_start3A_219 = tpu.memref_slice %arg8[%add3A_212, %dma_start3A_218] : memref<80x64xi32, #tpu.memory_space<vmem>> -> memref<1x64xi32, #tpu.memory_space<vmem>>
      %dma_start3A_220 = tpu.memref_squeeze %dma_start3A_219 : memref<1x64xi32, #tpu.memory_space<vmem>> -> memref<64xi32, #tpu.memory_space<vmem>>
      %dma_start3A_221 = arith.constant 0 : i32
      %dma_start3A_222 = arith.constant 0 : i32
      %dma_start3A_223 = tpu.memref_slice %arg10[%dma_start3A_221, %dma_start3A_222] : memref<10112x128xf32, #tpu.memory_space<vmem_shared>> -> memref<10112x128xf32, #tpu.memory_space<vmem_shared>>
      tpu.enqueue_indirect_dma source(%dma_start3A_217 : memref<64x128xf32, #tpu.memory_space<vmem>>) target(%dma_start3A_223 : memref<10112x128xf32, #tpu.memory_space<vmem_shared>>) offsets(%dma_start3A_220 : memref<64xi32, #tpu.memory_space<vmem>>) semaphore(%arg16 : memref<!tpu.dma_semaphore, #tpu.memory_space<semaphore_mem>>) {add = true}
      %add3A_224 = arith.constant 2 : i32
      %add3A_225 = arith.addi %add3A_156, %add3A_224 : i32
      %add3A_226 = arith.constant 3 : i32
      %add3A_227 = arith.addi %add3A_225, %add3A_226 : i32
      %lt3A_228 = arith.constant 80 : i32
      %lt3A_229 = arith.cmpi slt, %add3A_227, %lt3A_228 : i32
      %convert_element_type3A_230 = arith.extui %lt3A_229 : i1 to i32
      %cond3A_231 = arith.constant 0 : i32
      %cond3A_232 = arith.cmpi ne, %convert_element_type3A_230, %cond3A_231 : i32
      scf.if %cond3A_232 {
        %ge3A = arith.constant 4 : i32
        %ge3A_294 = arith.cmpi sge, %add3A_227, %ge3A : i32
        %convert_element_type3A_295 = arith.extui %ge3A_294 : i1 to i32
        %cond3A_296 = arith.constant 0 : i32
        %cond3A_297 = arith.cmpi ne, %convert_element_type3A_295, %cond3A_296 : i32
        scf.if %cond3A_297 {
          %sub3A = arith.constant 4 : i32
          %sub3A_309 = arith.subi %add3A_227, %sub3A : i32
          %dma_wait3A_310 = arith.constant 1 : i32
          %dma_wait3A_311 = arith.constant 0 : i32
          %dma_wait3A_312 = arith.constant 0 : i32
          %dma_wait3A_313 = tpu.memref_slice %arg9[%dma_wait3A_310, %dma_wait3A_311, %dma_wait3A_312] : memref<4x64x128xf32, #tpu.memory_space<vmem>> -> memref<1x64x128xf32, #tpu.memory_space<vmem>>
          %dma_wait3A_314 = tpu.memref_squeeze %dma_wait3A_313 : memref<1x64x128xf32, #tpu.memory_space<vmem>> -> memref<64x128xf32, #tpu.memory_space<vmem>>
          %dma_wait3A_315 = arith.constant 0 : i32
          %dma_wait3A_316 = tpu.memref_slice %arg8[%sub3A_309, %dma_wait3A_315] : memref<80x64xi32, #tpu.memory_space<vmem>> -> memref<1x64xi32, #tpu.memory_space<vmem>>
          %dma_wait3A_317 = tpu.memref_squeeze %dma_wait3A_316 : memref<1x64xi32, #tpu.memory_space<vmem>> -> memref<64xi32, #tpu.memory_space<vmem>>
          %dma_wait3A_318 = arith.constant 0 : i32
          %dma_wait3A_319 = arith.constant 0 : i32
          %dma_wait3A_320 = tpu.memref_slice %arg10[%dma_wait3A_318, %dma_wait3A_319] : memref<10112x128xf32, #tpu.memory_space<vmem_shared>> -> memref<10112x128xf32, #tpu.memory_space<vmem_shared>>
          tpu.wait_indirect_dma semaphore(%arg16 : memref<!tpu.dma_semaphore, #tpu.memory_space<semaphore_mem>>) src(%dma_wait3A_314 : memref<64x128xf32, #tpu.memory_space<vmem>>) dst(%dma_wait3A_320 : memref<10112x128xf32, #tpu.memory_space<vmem_shared>>)
        } else {
        }
        %dma_start3A_298 = arith.constant 1 : i32
        %dma_start3A_299 = arith.constant 0 : i32
        %dma_start3A_300 = arith.constant 0 : i32
        %dma_start3A_301 = tpu.memref_slice %arg9[%dma_start3A_298, %dma_start3A_299, %dma_start3A_300] : memref<4x64x128xf32, #tpu.memory_space<vmem>> -> memref<1x64x128xf32, #tpu.memory_space<vmem>>
        %dma_start3A_302 = tpu.memref_squeeze %dma_start3A_301 : memref<1x64x128xf32, #tpu.memory_space<vmem>> -> memref<64x128xf32, #tpu.memory_space<vmem>>
        %dma_start3A_303 = arith.constant 0 : i32
        %dma_start3A_304 = tpu.memref_slice %arg7[%add3A_227, %dma_start3A_303] : memref<80x64xi32, #tpu.memory_space<vmem>> -> memref<1x64xi32, #tpu.memory_space<vmem>>
        %dma_start3A_305 = tpu.memref_squeeze %dma_start3A_304 : memref<1x64xi32, #tpu.memory_space<vmem>> -> memref<64xi32, #tpu.memory_space<vmem>>
        %dma_start3A_306 = arith.constant 0 : i32
        %dma_start3A_307 = arith.constant 0 : i32
        %dma_start3A_308 = tpu.memref_slice %arg2[%dma_start3A_306, %dma_start3A_307] : memref<10000x128xf32, #tpu.memory_space<hbm>> -> memref<10000x128xf32, #tpu.memory_space<hbm>>
        tpu.enqueue_indirect_dma source(%dma_start3A_308 : memref<10000x128xf32, #tpu.memory_space<hbm>>) target(%dma_start3A_302 : memref<64x128xf32, #tpu.memory_space<vmem>>) offsets(%dma_start3A_305 : memref<64xi32, #tpu.memory_space<vmem>>) semaphore(%arg12 : memref<!tpu.dma_semaphore, #tpu.memory_space<semaphore_mem>>)
      } else {
      }
      %add3A_233 = arith.constant 2 : i32
      %add3A_234 = arith.addi %add3A_156, %add3A_233 : i32
      %dma_wait3A_235 = arith.constant 2 : i32
      %dma_wait3A_236 = arith.constant 0 : i32
      %dma_wait3A_237 = arith.constant 0 : i32
      %dma_wait3A_238 = tpu.memref_slice %arg9[%dma_wait3A_235, %dma_wait3A_236, %dma_wait3A_237] : memref<4x64x128xf32, #tpu.memory_space<vmem>> -> memref<1x64x128xf32, #tpu.memory_space<vmem>>
      %dma_wait3A_239 = tpu.memref_squeeze %dma_wait3A_238 : memref<1x64x128xf32, #tpu.memory_space<vmem>> -> memref<64x128xf32, #tpu.memory_space<vmem>>
      %dma_wait3A_240 = arith.constant 0 : i32
      %dma_wait3A_241 = tpu.memref_slice %arg7[%add3A_234, %dma_wait3A_240] : memref<80x64xi32, #tpu.memory_space<vmem>> -> memref<1x64xi32, #tpu.memory_space<vmem>>
      %dma_wait3A_242 = tpu.memref_squeeze %dma_wait3A_241 : memref<1x64xi32, #tpu.memory_space<vmem>> -> memref<64xi32, #tpu.memory_space<vmem>>
      %dma_wait3A_243 = arith.constant 0 : i32
      %dma_wait3A_244 = arith.constant 0 : i32
      %dma_wait3A_245 = tpu.memref_slice %arg2[%dma_wait3A_243, %dma_wait3A_244] : memref<10000x128xf32, #tpu.memory_space<hbm>> -> memref<10000x128xf32, #tpu.memory_space<hbm>>
      tpu.wait_indirect_dma semaphore(%arg13 : memref<!tpu.dma_semaphore, #tpu.memory_space<semaphore_mem>>) src(%dma_wait3A_245 : memref<10000x128xf32, #tpu.memory_space<hbm>>) dst(%dma_wait3A_239 : memref<64x128xf32, #tpu.memory_space<vmem>>)
      %add3A_246 = arith.constant 2 : i32
      %add3A_247 = arith.addi %add3A_156, %add3A_246 : i32
      %dma_start3A_248 = arith.constant 2 : i32
      %dma_start3A_249 = arith.constant 0 : i32
      %dma_start3A_250 = arith.constant 0 : i32
      %dma_start3A_251 = tpu.memref_slice %arg9[%dma_start3A_248, %dma_start3A_249, %dma_start3A_250] : memref<4x64x128xf32, #tpu.memory_space<vmem>> -> memref<1x64x128xf32, #tpu.memory_space<vmem>>
      %dma_start3A_252 = tpu.memref_squeeze %dma_start3A_251 : memref<1x64x128xf32, #tpu.memory_space<vmem>> -> memref<64x128xf32, #tpu.memory_space<vmem>>
      %dma_start3A_253 = arith.constant 0 : i32
      %dma_start3A_254 = tpu.memref_slice %arg8[%add3A_247, %dma_start3A_253] : memref<80x64xi32, #tpu.memory_space<vmem>> -> memref<1x64xi32, #tpu.memory_space<vmem>>
      %dma_start3A_255 = tpu.memref_squeeze %dma_start3A_254 : memref<1x64xi32, #tpu.memory_space<vmem>> -> memref<64xi32, #tpu.memory_space<vmem>>
      %dma_start3A_256 = arith.constant 0 : i32
      %dma_start3A_257 = arith.constant 0 : i32
      %dma_start3A_258 = tpu.memref_slice %arg10[%dma_start3A_256, %dma_start3A_257] : memref<10112x128xf32, #tpu.memory_space<vmem_shared>> -> memref<10112x128xf32, #tpu.memory_space<vmem_shared>>
      tpu.enqueue_indirect_dma source(%dma_start3A_252 : memref<64x128xf32, #tpu.memory_space<vmem>>) target(%dma_start3A_258 : memref<10112x128xf32, #tpu.memory_space<vmem_shared>>) offsets(%dma_start3A_255 : memref<64xi32, #tpu.memory_space<vmem>>) semaphore(%arg17 : memref<!tpu.dma_semaphore, #tpu.memory_space<semaphore_mem>>) {add = true}
      %add3A_259 = arith.constant 3 : i32
      %add3A_260 = arith.addi %add3A_156, %add3A_259 : i32
      %add3A_261 = arith.constant 3 : i32
      %add3A_262 = arith.addi %add3A_260, %add3A_261 : i32
      %lt3A_263 = arith.constant 80 : i32
      %lt3A_264 = arith.cmpi slt, %add3A_262, %lt3A_263 : i32
      %convert_element_type3A_265 = arith.extui %lt3A_264 : i1 to i32
      %cond3A_266 = arith.constant 0 : i32
      %cond3A_267 = arith.cmpi ne, %convert_element_type3A_265, %cond3A_266 : i32
      scf.if %cond3A_267 {
        %ge3A = arith.constant 4 : i32
        %ge3A_294 = arith.cmpi sge, %add3A_262, %ge3A : i32
        %convert_element_type3A_295 = arith.extui %ge3A_294 : i1 to i32
        %cond3A_296 = arith.constant 0 : i32
        %cond3A_297 = arith.cmpi ne, %convert_element_type3A_295, %cond3A_296 : i32
        scf.if %cond3A_297 {
          %sub3A = arith.constant 4 : i32
          %sub3A_309 = arith.subi %add3A_262, %sub3A : i32
          %dma_wait3A_310 = arith.constant 2 : i32
          %dma_wait3A_311 = arith.constant 0 : i32
          %dma_wait3A_312 = arith.constant 0 : i32
          %dma_wait3A_313 = tpu.memref_slice %arg9[%dma_wait3A_310, %dma_wait3A_311, %dma_wait3A_312] : memref<4x64x128xf32, #tpu.memory_space<vmem>> -> memref<1x64x128xf32, #tpu.memory_space<vmem>>
          %dma_wait3A_314 = tpu.memref_squeeze %dma_wait3A_313 : memref<1x64x128xf32, #tpu.memory_space<vmem>> -> memref<64x128xf32, #tpu.memory_space<vmem>>
          %dma_wait3A_315 = arith.constant 0 : i32
          %dma_wait3A_316 = tpu.memref_slice %arg8[%sub3A_309, %dma_wait3A_315] : memref<80x64xi32, #tpu.memory_space<vmem>> -> memref<1x64xi32, #tpu.memory_space<vmem>>
          %dma_wait3A_317 = tpu.memref_squeeze %dma_wait3A_316 : memref<1x64xi32, #tpu.memory_space<vmem>> -> memref<64xi32, #tpu.memory_space<vmem>>
          %dma_wait3A_318 = arith.constant 0 : i32
          %dma_wait3A_319 = arith.constant 0 : i32
          %dma_wait3A_320 = tpu.memref_slice %arg10[%dma_wait3A_318, %dma_wait3A_319] : memref<10112x128xf32, #tpu.memory_space<vmem_shared>> -> memref<10112x128xf32, #tpu.memory_space<vmem_shared>>
          tpu.wait_indirect_dma semaphore(%arg17 : memref<!tpu.dma_semaphore, #tpu.memory_space<semaphore_mem>>) src(%dma_wait3A_314 : memref<64x128xf32, #tpu.memory_space<vmem>>) dst(%dma_wait3A_320 : memref<10112x128xf32, #tpu.memory_space<vmem_shared>>)
        } else {
        }
        %dma_start3A_298 = arith.constant 2 : i32
        %dma_start3A_299 = arith.constant 0 : i32
        %dma_start3A_300 = arith.constant 0 : i32
        %dma_start3A_301 = tpu.memref_slice %arg9[%dma_start3A_298, %dma_start3A_299, %dma_start3A_300] : memref<4x64x128xf32, #tpu.memory_space<vmem>> -> memref<1x64x128xf32, #tpu.memory_space<vmem>>
        %dma_start3A_302 = tpu.memref_squeeze %dma_start3A_301 : memref<1x64x128xf32, #tpu.memory_space<vmem>> -> memref<64x128xf32, #tpu.memory_space<vmem>>
        %dma_start3A_303 = arith.constant 0 : i32
        %dma_start3A_304 = tpu.memref_slice %arg7[%add3A_262, %dma_start3A_303] : memref<80x64xi32, #tpu.memory_space<vmem>> -> memref<1x64xi32, #tpu.memory_space<vmem>>
        %dma_start3A_305 = tpu.memref_squeeze %dma_start3A_304 : memref<1x64xi32, #tpu.memory_space<vmem>> -> memref<64xi32, #tpu.memory_space<vmem>>
        %dma_start3A_306 = arith.constant 0 : i32
        %dma_start3A_307 = arith.constant 0 : i32
        %dma_start3A_308 = tpu.memref_slice %arg2[%dma_start3A_306, %dma_start3A_307] : memref<10000x128xf32, #tpu.memory_space<hbm>> -> memref<10000x128xf32, #tpu.memory_space<hbm>>
        tpu.enqueue_indirect_dma source(%dma_start3A_308 : memref<10000x128xf32, #tpu.memory_space<hbm>>) target(%dma_start3A_302 : memref<64x128xf32, #tpu.memory_space<vmem>>) offsets(%dma_start3A_305 : memref<64xi32, #tpu.memory_space<vmem>>) semaphore(%arg13 : memref<!tpu.dma_semaphore, #tpu.memory_space<semaphore_mem>>)
      } else {
      }
      %add3A_268 = arith.constant 3 : i32
      %add3A_269 = arith.addi %add3A_156, %add3A_268 : i32
      %dma_wait3A_270 = arith.constant 3 : i32
      %dma_wait3A_271 = arith.constant 0 : i32
      %dma_wait3A_272 = arith.constant 0 : i32
      %dma_wait3A_273 = tpu.memref_slice %arg9[%dma_wait3A_270, %dma_wait3A_271, %dma_wait3A_272] : memref<4x64x128xf32, #tpu.memory_space<vmem>> -> memref<1x64x128xf32, #tpu.memory_space<vmem>>
      %dma_wait3A_274 = tpu.memref_squeeze %dma_wait3A_273 : memref<1x64x128xf32, #tpu.memory_space<vmem>> -> memref<64x128xf32, #tpu.memory_space<vmem>>
      %dma_wait3A_275 = arith.constant 0 : i32
      %dma_wait3A_276 = tpu.memref_slice %arg7[%add3A_269, %dma_wait3A_275] : memref<80x64xi32, #tpu.memory_space<vmem>> -> memref<1x64xi32, #tpu.memory_space<vmem>>
      %dma_wait3A_277 = tpu.memref_squeeze %dma_wait3A_276 : memref<1x64xi32, #tpu.memory_space<vmem>> -> memref<64xi32, #tpu.memory_space<vmem>>
      %dma_wait3A_278 = arith.constant 0 : i32
      %dma_wait3A_279 = arith.constant 0 : i32
      %dma_wait3A_280 = tpu.memref_slice %arg2[%dma_wait3A_278, %dma_wait3A_279] : memref<10000x128xf32, #tpu.memory_space<hbm>> -> memref<10000x128xf32, #tpu.memory_space<hbm>>
      tpu.wait_indirect_dma semaphore(%arg14 : memref<!tpu.dma_semaphore, #tpu.memory_space<semaphore_mem>>) src(%dma_wait3A_280 : memref<10000x128xf32, #tpu.memory_space<hbm>>) dst(%dma_wait3A_274 : memref<64x128xf32, #tpu.memory_space<vmem>>)
      %add3A_281 = arith.constant 3 : i32
      %add3A_282 = arith.addi %add3A_156, %add3A_281 : i32
      %dma_start3A_283 = arith.constant 3 : i32
      %dma_start3A_284 = arith.constant 0 : i32
      %dma_start3A_285 = arith.constant 0 : i32
      %dma_start3A_286 = tpu.memref_slice %arg9[%dma_start3A_283, %dma_start3A_284, %dma_start3A_285] : memref<4x64x128xf32, #tpu.memory_space<vmem>> -> memref<1x64x128xf32, #tpu.memory_space<vmem>>
      %dma_start3A_287 = tpu.memref_squeeze %dma_start3A_286 : memref<1x64x128xf32, #tpu.memory_space<vmem>> -> memref<64x128xf32, #tpu.memory_space<vmem>>
      %dma_start3A_288 = arith.constant 0 : i32
      %dma_start3A_289 = tpu.memref_slice %arg8[%add3A_282, %dma_start3A_288] : memref<80x64xi32, #tpu.memory_space<vmem>> -> memref<1x64xi32, #tpu.memory_space<vmem>>
      %dma_start3A_290 = tpu.memref_squeeze %dma_start3A_289 : memref<1x64xi32, #tpu.memory_space<vmem>> -> memref<64xi32, #tpu.memory_space<vmem>>
      %dma_start3A_291 = arith.constant 0 : i32
      %dma_start3A_292 = arith.constant 0 : i32
      %dma_start3A_293 = tpu.memref_slice %arg10[%dma_start3A_291, %dma_start3A_292] : memref<10112x128xf32, #tpu.memory_space<vmem_shared>> -> memref<10112x128xf32, #tpu.memory_space<vmem_shared>>
      tpu.enqueue_indirect_dma source(%dma_start3A_287 : memref<64x128xf32, #tpu.memory_space<vmem>>) target(%dma_start3A_293 : memref<10112x128xf32, #tpu.memory_space<vmem_shared>>) offsets(%dma_start3A_290 : memref<64xi32, #tpu.memory_space<vmem>>) semaphore(%arg18 : memref<!tpu.dma_semaphore, #tpu.memory_space<semaphore_mem>>) {add = true}
    }
    %scan3A_102 = arith.constant 20 : i32
    %dma_wait3A_103 = arith.constant 0 : i32
    %dma_wait3A_104 = arith.constant 76 : i32
    %dma_wait3A_105 = arith.constant 0 : i32
    %dma_wait3A_106 = arith.constant 0 : i32
    %dma_wait3A_107 = tpu.memref_slice %arg9[%dma_wait3A_103, %dma_wait3A_105, %dma_wait3A_106] : memref<4x64x128xf32, #tpu.memory_space<vmem>> -> memref<1x64x128xf32, #tpu.memory_space<vmem>>
    %dma_wait3A_108 = tpu.memref_squeeze %dma_wait3A_107 : memref<1x64x128xf32, #tpu.memory_space<vmem>> -> memref<64x128xf32, #tpu.memory_space<vmem>>
    %dma_wait3A_109 = arith.constant 0 : i32
    %dma_wait3A_110 = tpu.memref_slice %arg8[%dma_wait3A_104, %dma_wait3A_109] : memref<80x64xi32, #tpu.memory_space<vmem>> -> memref<1x64xi32, #tpu.memory_space<vmem>>
    %dma_wait3A_111 = tpu.memref_squeeze %dma_wait3A_110 : memref<1x64xi32, #tpu.memory_space<vmem>> -> memref<64xi32, #tpu.memory_space<vmem>>
    %dma_wait3A_112 = arith.constant 0 : i32
    %dma_wait3A_113 = arith.constant 0 : i32
    %dma_wait3A_114 = tpu.memref_slice %arg10[%dma_wait3A_112, %dma_wait3A_113] : memref<10112x128xf32, #tpu.memory_space<vmem_shared>> -> memref<10112x128xf32, #tpu.memory_space<vmem_shared>>
    tpu.wait_indirect_dma semaphore(%arg15 : memref<!tpu.dma_semaphore, #tpu.memory_space<semaphore_mem>>) src(%dma_wait3A_108 : memref<64x128xf32, #tpu.memory_space<vmem>>) dst(%dma_wait3A_114 : memref<10112x128xf32, #tpu.memory_space<vmem_shared>>)
    %dma_wait3A_115 = arith.constant 1 : i32
    %dma_wait3A_116 = arith.constant 77 : i32
    %dma_wait3A_117 = arith.constant 0 : i32
    %dma_wait3A_118 = arith.constant 0 : i32
    %dma_wait3A_119 = tpu.memref_slice %arg9[%dma_wait3A_115, %dma_wait3A_117, %dma_wait3A_118] : memref<4x64x128xf32, #tpu.memory_space<vmem>> -> memref<1x64x128xf32, #tpu.memory_space<vmem>>
    %dma_wait3A_120 = tpu.memref_squeeze %dma_wait3A_119 : memref<1x64x128xf32, #tpu.memory_space<vmem>> -> memref<64x128xf32, #tpu.memory_space<vmem>>
    %dma_wait3A_121 = arith.constant 0 : i32
    %dma_wait3A_122 = tpu.memref_slice %arg8[%dma_wait3A_116, %dma_wait3A_121] : memref<80x64xi32, #tpu.memory_space<vmem>> -> memref<1x64xi32, #tpu.memory_space<vmem>>
    %dma_wait3A_123 = tpu.memref_squeeze %dma_wait3A_122 : memref<1x64xi32, #tpu.memory_space<vmem>> -> memref<64xi32, #tpu.memory_space<vmem>>
    %dma_wait3A_124 = arith.constant 0 : i32
    %dma_wait3A_125 = arith.constant 0 : i32
    %dma_wait3A_126 = tpu.memref_slice %arg10[%dma_wait3A_124, %dma_wait3A_125] : memref<10112x128xf32, #tpu.memory_space<vmem_shared>> -> memref<10112x128xf32, #tpu.memory_space<vmem_shared>>
    tpu.wait_indirect_dma semaphore(%arg16 : memref<!tpu.dma_semaphore, #tpu.memory_space<semaphore_mem>>) src(%dma_wait3A_120 : memref<64x128xf32, #tpu.memory_space<vmem>>) dst(%dma_wait3A_126 : memref<10112x128xf32, #tpu.memory_space<vmem_shared>>)
    %dma_wait3A_127 = arith.constant 2 : i32
    %dma_wait3A_128 = arith.constant 78 : i32
    %dma_wait3A_129 = arith.constant 0 : i32
    %dma_wait3A_130 = arith.constant 0 : i32
    %dma_wait3A_131 = tpu.memref_slice %arg9[%dma_wait3A_127, %dma_wait3A_129, %dma_wait3A_130] : memref<4x64x128xf32, #tpu.memory_space<vmem>> -> memref<1x64x128xf32, #tpu.memory_space<vmem>>
    %dma_wait3A_132 = tpu.memref_squeeze %dma_wait3A_131 : memref<1x64x128xf32, #tpu.memory_space<vmem>> -> memref<64x128xf32, #tpu.memory_space<vmem>>
    %dma_wait3A_133 = arith.constant 0 : i32
    %dma_wait3A_134 = tpu.memref_slice %arg8[%dma_wait3A_128, %dma_wait3A_133] : memref<80x64xi32, #tpu.memory_space<vmem>> -> memref<1x64xi32, #tpu.memory_space<vmem>>
    %dma_wait3A_135 = tpu.memref_squeeze %dma_wait3A_134 : memref<1x64xi32, #tpu.memory_space<vmem>> -> memref<64xi32, #tpu.memory_space<vmem>>
    %dma_wait3A_136 = arith.constant 0 : i32
    %dma_wait3A_137 = arith.constant 0 : i32
    %dma_wait3A_138 = tpu.memref_slice %arg10[%dma_wait3A_136, %dma_wait3A_137] : memref<10112x128xf32, #tpu.memory_space<vmem_shared>> -> memref<10112x128xf32, #tpu.memory_space<vmem_shared>>
    tpu.wait_indirect_dma semaphore(%arg17 : memref<!tpu.dma_semaphore, #tpu.memory_space<semaphore_mem>>) src(%dma_wait3A_132 : memref<64x128xf32, #tpu.memory_space<vmem>>) dst(%dma_wait3A_138 : memref<10112x128xf32, #tpu.memory_space<vmem_shared>>)
    %dma_wait3A_139 = arith.constant 3 : i32
    %dma_wait3A_140 = arith.constant 79 : i32
    %dma_wait3A_141 = arith.constant 0 : i32
    %dma_wait3A_142 = arith.constant 0 : i32
    %dma_wait3A_143 = tpu.memref_slice %arg9[%dma_wait3A_139, %dma_wait3A_141, %dma_wait3A_142] : memref<4x64x128xf32, #tpu.memory_space<vmem>> -> memref<1x64x128xf32, #tpu.memory_space<vmem>>
    %dma_wait3A_144 = tpu.memref_squeeze %dma_wait3A_143 : memref<1x64x128xf32, #tpu.memory_space<vmem>> -> memref<64x128xf32, #tpu.memory_space<vmem>>
    %dma_wait3A_145 = arith.constant 0 : i32
    %dma_wait3A_146 = tpu.memref_slice %arg8[%dma_wait3A_140, %dma_wait3A_145] : memref<80x64xi32, #tpu.memory_space<vmem>> -> memref<1x64xi32, #tpu.memory_space<vmem>>
    %dma_wait3A_147 = tpu.memref_squeeze %dma_wait3A_146 : memref<1x64xi32, #tpu.memory_space<vmem>> -> memref<64xi32, #tpu.memory_space<vmem>>
    %dma_wait3A_148 = arith.constant 0 : i32
    %dma_wait3A_149 = arith.constant 0 : i32
    %dma_wait3A_150 = tpu.memref_slice %arg10[%dma_wait3A_148, %dma_wait3A_149] : memref<10112x128xf32, #tpu.memory_space<vmem_shared>> -> memref<10112x128xf32, #tpu.memory_space<vmem_shared>>
    tpu.wait_indirect_dma semaphore(%arg18 : memref<!tpu.dma_semaphore, #tpu.memory_space<semaphore_mem>>) src(%dma_wait3A_144 : memref<64x128xf32, #tpu.memory_space<vmem>>) dst(%dma_wait3A_150 : memref<10112x128xf32, #tpu.memory_space<vmem_shared>>)
    %barrier3A_151 = arith.constant 0 : index
    tpu.barrier barrier_id(%barrier3A_151)
    "tpu.region"() ({
      %run_scoped3A_152 = tpu.sem_alloc : memref<!tpu.dma_semaphore, #tpu.memory_space<semaphore_mem>>
      %dma_start3A_153 = arith.constant 0 : i32
      %dma_start3A_154 = tpu.memref_slice %arg6[%arg0, %mul3A_17, %dma_start3A_153] : memref<2x10112x128xf32, #tpu.memory_space<hbm>> -> memref<1x632x128xf32, #tpu.memory_space<hbm>>
      %dma_start3A_155 = tpu.memref_squeeze %dma_start3A_154 : memref<1x632x128xf32, #tpu.memory_space<hbm>> -> memref<632x128xf32, #tpu.memory_space<hbm>>
      %dma_start3A_156 = arith.constant 0 : i32
      %dma_start3A_157 = tpu.memref_slice %arg10[%mul3A_17, %dma_start3A_156] : memref<10112x128xf32, #tpu.memory_space<vmem_shared>> -> memref<632x128xf32, #tpu.memory_space<vmem_shared>>
      tpu.enqueue_dma source(%dma_start3A_157 : memref<632x128xf32, #tpu.memory_space<vmem_shared>>) target(%dma_start3A_155 : memref<632x128xf32, #tpu.memory_space<hbm>>) target_semaphore(%run_scoped3A_152 : memref<!tpu.dma_semaphore, #tpu.memory_space<semaphore_mem>>)
      %dma_wait3A_158 = arith.constant 0 : i32
      %dma_wait3A_159 = tpu.memref_slice %arg6[%arg0, %mul3A_17, %dma_wait3A_158] : memref<2x10112x128xf32, #tpu.memory_space<hbm>> -> memref<1x632x128xf32, #tpu.memory_space<hbm>>
      %dma_wait3A_160 = tpu.memref_squeeze %dma_wait3A_159 : memref<1x632x128xf32, #tpu.memory_space<hbm>> -> memref<632x128xf32, #tpu.memory_space<hbm>>
      %dma_wait3A_161 = arith.constant 0 : i32
      %dma_wait3A_162 = tpu.memref_slice %arg10[%mul3A_17, %dma_wait3A_161] : memref<10112x128xf32, #tpu.memory_space<vmem_shared>> -> memref<632x128xf32, #tpu.memory_space<vmem_shared>>
      tpu.wait_dma2 semaphore(%run_scoped3A_152 : memref<!tpu.dma_semaphore, #tpu.memory_space<semaphore_mem>>) src(%dma_wait3A_162 : memref<632x128xf32, #tpu.memory_space<vmem_shared>>) dst(%dma_wait3A_160 : memref<632x128xf32, #tpu.memory_space<hbm>>)
      tpu.yield
    }) : () -> ()
    return
  }
}

#map = affine_map<(d0, d1) -> (0, 0)>
#map1 = affine_map<(d0, d1) -> (0, 0, 0)>
module attributes {stable_mosaic.version = 14 : i64} {
  func.func @agg(%arg0: i32, %arg1: i32, %arg2: memref<10000x16xf32, #tpu.memory_space<hbm>>, %arg3: memref<32x40x128xi32, #tpu.memory_space<hbm>>, %arg4: memref<32x40x128xi32, #tpu.memory_space<hbm>>, %arg5: memref<128x16xf32, #tpu.memory_space<hbm>>, %arg6: memref<2x10112x16xf32, #tpu.memory_space<hbm>>, %arg7: memref<40x128xi32, #tpu.memory_space<vmem>>, %arg8: memref<40x128xi32, #tpu.memory_space<vmem>>, %arg9: memref<4x128x16xf32, #tpu.memory_space<vmem>>, %arg10: memref<10112x16xf32, #tpu.memory_space<vmem_shared>>, %arg11: memref<!tpu.dma_semaphore, #tpu.memory_space<semaphore_mem>>, %arg12: memref<!tpu.dma_semaphore, #tpu.memory_space<semaphore_mem>>, %arg13: memref<!tpu.dma_semaphore, #tpu.memory_space<semaphore_mem>>, %arg14: memref<!tpu.dma_semaphore, #tpu.memory_space<semaphore_mem>>, %arg15: memref<!tpu.dma_semaphore, #tpu.memory_space<semaphore_mem>>, %arg16: memref<!tpu.dma_semaphore, #tpu.memory_space<semaphore_mem>>, %arg17: memref<!tpu.dma_semaphore, #tpu.memory_space<semaphore_mem>>, %arg18: memref<!tpu.dma_semaphore, #tpu.memory_space<semaphore_mem>>) attributes {dimension_semantics = [#tpu.dimension_semantics<core_parallel>, #tpu.dimension_semantics<subcore_parallel>], iteration_bounds = array<i64: 2, 16>, scalar_prefetch = 0 : i64, scratch_operands = 12 : i64, tpu.core_type = #tpu.core_type<sc_vector_subcore>, window_params = [{transform_indices = #map}, {transform_indices = #map1}, {transform_indices = #map1}, {transform_indices = #map}, {transform_indices = #map1}]} {
    %mul3A = arith.constant 16 : i32
    %mul3A_0 = arith.muli %arg0, %mul3A : i32
    %add3A = arith.addi %mul3A_0, %arg1 : i32
    %dma_start3A = arith.constant 0 : i32
    %dma_start3A_1 = arith.constant 0 : i32
    %dma_start3A_2 = tpu.memref_slice %arg3[%add3A, %dma_start3A, %dma_start3A_1] : memref<32x40x128xi32, #tpu.memory_space<hbm>> -> memref<1x40x128xi32, #tpu.memory_space<hbm>>
    %dma_start3A_3 = tpu.memref_squeeze %dma_start3A_2 : memref<1x40x128xi32, #tpu.memory_space<hbm>> -> memref<40x128xi32, #tpu.memory_space<hbm>>
    %dma_start3A_4 = arith.constant 0 : i32
    %dma_start3A_5 = arith.constant 0 : i32
    %dma_start3A_6 = tpu.memref_slice %arg3[%add3A, %dma_start3A_4, %dma_start3A_5] : memref<32x40x128xi32, #tpu.memory_space<hbm>> -> memref<1x40x128xi32, #tpu.memory_space<hbm>>
    %dma_start3A_7 = tpu.memref_squeeze %dma_start3A_6 : memref<1x40x128xi32, #tpu.memory_space<hbm>> -> memref<40x128xi32, #tpu.memory_space<hbm>>
    tpu.enqueue_dma source(%dma_start3A_7 : memref<40x128xi32, #tpu.memory_space<hbm>>) target(%arg7 : memref<40x128xi32, #tpu.memory_space<vmem>>) target_semaphore(%arg11 : memref<!tpu.dma_semaphore, #tpu.memory_space<semaphore_mem>>)
    %dma_start3A_8 = arith.constant 0 : i32
    %dma_start3A_9 = arith.constant 0 : i32
    %dma_start3A_10 = tpu.memref_slice %arg4[%add3A, %dma_start3A_8, %dma_start3A_9] : memref<32x40x128xi32, #tpu.memory_space<hbm>> -> memref<1x40x128xi32, #tpu.memory_space<hbm>>
    %dma_start3A_11 = tpu.memref_squeeze %dma_start3A_10 : memref<1x40x128xi32, #tpu.memory_space<hbm>> -> memref<40x128xi32, #tpu.memory_space<hbm>>
    %dma_start3A_12 = arith.constant 0 : i32
    %dma_start3A_13 = arith.constant 0 : i32
    %dma_start3A_14 = tpu.memref_slice %arg4[%add3A, %dma_start3A_12, %dma_start3A_13] : memref<32x40x128xi32, #tpu.memory_space<hbm>> -> memref<1x40x128xi32, #tpu.memory_space<hbm>>
    %dma_start3A_15 = tpu.memref_squeeze %dma_start3A_14 : memref<1x40x128xi32, #tpu.memory_space<hbm>> -> memref<40x128xi32, #tpu.memory_space<hbm>>
    tpu.enqueue_dma source(%dma_start3A_15 : memref<40x128xi32, #tpu.memory_space<hbm>>) target(%arg8 : memref<40x128xi32, #tpu.memory_space<vmem>>) target_semaphore(%arg11 : memref<!tpu.dma_semaphore, #tpu.memory_space<semaphore_mem>>)
    %run_scoped3A = arith.constant 0 : i32
    "tpu.region"() ({
      %run_scoped3A_137 = tpu.sem_alloc : memref<!tpu.dma_semaphore, #tpu.memory_space<semaphore_mem>>
      %dma_start3A_138 = arith.constant 0 : i32
      %dma_start3A_139 = arith.constant 0 : i32
      %dma_start3A_140 = tpu.memref_slice %arg9[%run_scoped3A, %dma_start3A_138, %dma_start3A_139] : memref<4x128x16xf32, #tpu.memory_space<vmem>> -> memref<1x128x16xf32, #tpu.memory_space<vmem>>
      %dma_start3A_141 = tpu.memref_squeeze %dma_start3A_140 : memref<1x128x16xf32, #tpu.memory_space<vmem>> -> memref<128x16xf32, #tpu.memory_space<vmem>>
      %dma_start3A_142 = arith.constant 0 : i32
      %dma_start3A_143 = arith.constant 0 : i32
      %dma_start3A_144 = tpu.memref_slice %arg9[%run_scoped3A, %dma_start3A_142, %dma_start3A_143] : memref<4x128x16xf32, #tpu.memory_space<vmem>> -> memref<1x128x16xf32, #tpu.memory_space<vmem>>
      %dma_start3A_145 = tpu.memref_squeeze %dma_start3A_144 : memref<1x128x16xf32, #tpu.memory_space<vmem>> -> memref<128x16xf32, #tpu.memory_space<vmem>>
      tpu.enqueue_dma source(%arg5 : memref<128x16xf32, #tpu.memory_space<hbm>>) target(%dma_start3A_145 : memref<128x16xf32, #tpu.memory_space<vmem>>) target_semaphore(%run_scoped3A_137 : memref<!tpu.dma_semaphore, #tpu.memory_space<semaphore_mem>>)
      %dma_wait3A_146 = arith.constant 0 : i32
      %dma_wait3A_147 = arith.constant 0 : i32
      %dma_wait3A_148 = tpu.memref_slice %arg9[%run_scoped3A, %dma_wait3A_146, %dma_wait3A_147] : memref<4x128x16xf32, #tpu.memory_space<vmem>> -> memref<1x128x16xf32, #tpu.memory_space<vmem>>
      %dma_wait3A_149 = tpu.memref_squeeze %dma_wait3A_148 : memref<1x128x16xf32, #tpu.memory_space<vmem>> -> memref<128x16xf32, #tpu.memory_space<vmem>>
      %dma_wait3A_150 = arith.constant 0 : i32
      %dma_wait3A_151 = arith.constant 0 : i32
      %dma_wait3A_152 = tpu.memref_slice %arg9[%run_scoped3A, %dma_wait3A_150, %dma_wait3A_151] : memref<4x128x16xf32, #tpu.memory_space<vmem>> -> memref<1x128x16xf32, #tpu.memory_space<vmem>>
      %dma_wait3A_153 = tpu.memref_squeeze %dma_wait3A_152 : memref<1x128x16xf32, #tpu.memory_space<vmem>> -> memref<128x16xf32, #tpu.memory_space<vmem>>
      tpu.wait_dma2 semaphore(%run_scoped3A_137 : memref<!tpu.dma_semaphore, #tpu.memory_space<semaphore_mem>>) src(%arg5 : memref<128x16xf32, #tpu.memory_space<hbm>>) dst(%dma_wait3A_153 : memref<128x16xf32, #tpu.memory_space<vmem>>)
      tpu.yield
    }) : () -> ()
    %mul3A_16 = arith.constant 632 : i32
    %mul3A_17 = arith.muli %arg1, %mul3A_16 : i32
    %add3A_18 = arith.constant 0 : i32
    %add3A_19 = arith.addi %mul3A_17, %add3A_18 : i32
    %run_scoped3A_20 = arith.constant 0 : i32
    "tpu.region"() ({
      %run_scoped3A_137 = tpu.sem_alloc : memref<!tpu.dma_semaphore, #tpu.memory_space<semaphore_mem>>
      %dma_start3A_138 = arith.constant 0 : i32
      %dma_start3A_139 = arith.constant 0 : i32
      %dma_start3A_140 = tpu.memref_slice %arg9[%run_scoped3A_20, %dma_start3A_138, %dma_start3A_139] : memref<4x128x16xf32, #tpu.memory_space<vmem>> -> memref<1x128x16xf32, #tpu.memory_space<vmem>>
      %dma_start3A_141 = tpu.memref_squeeze %dma_start3A_140 : memref<1x128x16xf32, #tpu.memory_space<vmem>> -> memref<128x16xf32, #tpu.memory_space<vmem>>
      %dma_start3A_142 = arith.constant 0 : i32
      %dma_start3A_143 = tpu.memref_slice %arg10[%add3A_19, %dma_start3A_142] : memref<10112x16xf32, #tpu.memory_space<vmem_shared>> -> memref<128x16xf32, #tpu.memory_space<vmem_shared>>
      %dma_start3A_144 = arith.constant 0 : i32
      %dma_start3A_145 = tpu.memref_slice %arg10[%add3A_19, %dma_start3A_144] : memref<10112x16xf32, #tpu.memory_space<vmem_shared>> -> memref<128x16xf32, #tpu.memory_space<vmem_shared>>
      %dma_start3A_146 = arith.constant 0 : i32
      %dma_start3A_147 = arith.constant 0 : i32
      %dma_start3A_148 = tpu.memref_slice %arg9[%run_scoped3A_20, %dma_start3A_146, %dma_start3A_147] : memref<4x128x16xf32, #tpu.memory_space<vmem>> -> memref<1x128x16xf32, #tpu.memory_space<vmem>>
      %dma_start3A_149 = tpu.memref_squeeze %dma_start3A_148 : memref<1x128x16xf32, #tpu.memory_space<vmem>> -> memref<128x16xf32, #tpu.memory_space<vmem>>
      tpu.enqueue_dma source(%dma_start3A_149 : memref<128x16xf32, #tpu.memory_space<vmem>>) target(%dma_start3A_145 : memref<128x16xf32, #tpu.memory_space<vmem_shared>>) target_semaphore(%run_scoped3A_137 : memref<!tpu.dma_semaphore, #tpu.memory_space<semaphore_mem>>)
      %dma_wait3A_150 = arith.constant 0 : i32
      %dma_wait3A_151 = arith.constant 0 : i32
      %dma_wait3A_152 = tpu.memref_slice %arg9[%run_scoped3A_20, %dma_wait3A_150, %dma_wait3A_151] : memref<4x128x16xf32, #tpu.memory_space<vmem>> -> memref<1x128x16xf32, #tpu.memory_space<vmem>>
      %dma_wait3A_153 = tpu.memref_squeeze %dma_wait3A_152 : memref<1x128x16xf32, #tpu.memory_space<vmem>> -> memref<128x16xf32, #tpu.memory_space<vmem>>
      %dma_wait3A_154 = arith.constant 0 : i32
      %dma_wait3A_155 = tpu.memref_slice %arg10[%add3A_19, %dma_wait3A_154] : memref<10112x16xf32, #tpu.memory_space<vmem_shared>> -> memref<128x16xf32, #tpu.memory_space<vmem_shared>>
      %dma_wait3A_156 = arith.constant 0 : i32
      %dma_wait3A_157 = tpu.memref_slice %arg10[%add3A_19, %dma_wait3A_156] : memref<10112x16xf32, #tpu.memory_space<vmem_shared>> -> memref<128x16xf32, #tpu.memory_space<vmem_shared>>
      %dma_wait3A_158 = arith.constant 0 : i32
      %dma_wait3A_159 = arith.constant 0 : i32
      %dma_wait3A_160 = tpu.memref_slice %arg9[%run_scoped3A_20, %dma_wait3A_158, %dma_wait3A_159] : memref<4x128x16xf32, #tpu.memory_space<vmem>> -> memref<1x128x16xf32, #tpu.memory_space<vmem>>
      %dma_wait3A_161 = tpu.memref_squeeze %dma_wait3A_160 : memref<1x128x16xf32, #tpu.memory_space<vmem>> -> memref<128x16xf32, #tpu.memory_space<vmem>>
      tpu.wait_dma2 semaphore(%run_scoped3A_137 : memref<!tpu.dma_semaphore, #tpu.memory_space<semaphore_mem>>) src(%dma_wait3A_161 : memref<128x16xf32, #tpu.memory_space<vmem>>) dst(%dma_wait3A_157 : memref<128x16xf32, #tpu.memory_space<vmem_shared>>)
      tpu.yield
    }) : () -> ()
    %add3A_21 = arith.constant 128 : i32
    %add3A_22 = arith.addi %mul3A_17, %add3A_21 : i32
    %run_scoped3A_23 = arith.constant 0 : i32
    "tpu.region"() ({
      %run_scoped3A_137 = tpu.sem_alloc : memref<!tpu.dma_semaphore, #tpu.memory_space<semaphore_mem>>
      %dma_start3A_138 = arith.constant 0 : i32
      %dma_start3A_139 = arith.constant 0 : i32
      %dma_start3A_140 = tpu.memref_slice %arg9[%run_scoped3A_23, %dma_start3A_138, %dma_start3A_139] : memref<4x128x16xf32, #tpu.memory_space<vmem>> -> memref<1x128x16xf32, #tpu.memory_space<vmem>>
      %dma_start3A_141 = tpu.memref_squeeze %dma_start3A_140 : memref<1x128x16xf32, #tpu.memory_space<vmem>> -> memref<128x16xf32, #tpu.memory_space<vmem>>
      %dma_start3A_142 = arith.constant 0 : i32
      %dma_start3A_143 = tpu.memref_slice %arg10[%add3A_22, %dma_start3A_142] : memref<10112x16xf32, #tpu.memory_space<vmem_shared>> -> memref<128x16xf32, #tpu.memory_space<vmem_shared>>
      %dma_start3A_144 = arith.constant 0 : i32
      %dma_start3A_145 = tpu.memref_slice %arg10[%add3A_22, %dma_start3A_144] : memref<10112x16xf32, #tpu.memory_space<vmem_shared>> -> memref<128x16xf32, #tpu.memory_space<vmem_shared>>
      %dma_start3A_146 = arith.constant 0 : i32
      %dma_start3A_147 = arith.constant 0 : i32
      %dma_start3A_148 = tpu.memref_slice %arg9[%run_scoped3A_23, %dma_start3A_146, %dma_start3A_147] : memref<4x128x16xf32, #tpu.memory_space<vmem>> -> memref<1x128x16xf32, #tpu.memory_space<vmem>>
      %dma_start3A_149 = tpu.memref_squeeze %dma_start3A_148 : memref<1x128x16xf32, #tpu.memory_space<vmem>> -> memref<128x16xf32, #tpu.memory_space<vmem>>
      tpu.enqueue_dma source(%dma_start3A_149 : memref<128x16xf32, #tpu.memory_space<vmem>>) target(%dma_start3A_145 : memref<128x16xf32, #tpu.memory_space<vmem_shared>>) target_semaphore(%run_scoped3A_137 : memref<!tpu.dma_semaphore, #tpu.memory_space<semaphore_mem>>)
      %dma_wait3A_150 = arith.constant 0 : i32
      %dma_wait3A_151 = arith.constant 0 : i32
      %dma_wait3A_152 = tpu.memref_slice %arg9[%run_scoped3A_23, %dma_wait3A_150, %dma_wait3A_151] : memref<4x128x16xf32, #tpu.memory_space<vmem>> -> memref<1x128x16xf32, #tpu.memory_space<vmem>>
      %dma_wait3A_153 = tpu.memref_squeeze %dma_wait3A_152 : memref<1x128x16xf32, #tpu.memory_space<vmem>> -> memref<128x16xf32, #tpu.memory_space<vmem>>
      %dma_wait3A_154 = arith.constant 0 : i32
      %dma_wait3A_155 = tpu.memref_slice %arg10[%add3A_22, %dma_wait3A_154] : memref<10112x16xf32, #tpu.memory_space<vmem_shared>> -> memref<128x16xf32, #tpu.memory_space<vmem_shared>>
      %dma_wait3A_156 = arith.constant 0 : i32
      %dma_wait3A_157 = tpu.memref_slice %arg10[%add3A_22, %dma_wait3A_156] : memref<10112x16xf32, #tpu.memory_space<vmem_shared>> -> memref<128x16xf32, #tpu.memory_space<vmem_shared>>
      %dma_wait3A_158 = arith.constant 0 : i32
      %dma_wait3A_159 = arith.constant 0 : i32
      %dma_wait3A_160 = tpu.memref_slice %arg9[%run_scoped3A_23, %dma_wait3A_158, %dma_wait3A_159] : memref<4x128x16xf32, #tpu.memory_space<vmem>> -> memref<1x128x16xf32, #tpu.memory_space<vmem>>
      %dma_wait3A_161 = tpu.memref_squeeze %dma_wait3A_160 : memref<1x128x16xf32, #tpu.memory_space<vmem>> -> memref<128x16xf32, #tpu.memory_space<vmem>>
      tpu.wait_dma2 semaphore(%run_scoped3A_137 : memref<!tpu.dma_semaphore, #tpu.memory_space<semaphore_mem>>) src(%dma_wait3A_161 : memref<128x16xf32, #tpu.memory_space<vmem>>) dst(%dma_wait3A_157 : memref<128x16xf32, #tpu.memory_space<vmem_shared>>)
      tpu.yield
    }) : () -> ()
    %add3A_24 = arith.constant 256 : i32
    %add3A_25 = arith.addi %mul3A_17, %add3A_24 : i32
    %run_scoped3A_26 = arith.constant 0 : i32
    "tpu.region"() ({
      %run_scoped3A_137 = tpu.sem_alloc : memref<!tpu.dma_semaphore, #tpu.memory_space<semaphore_mem>>
      %dma_start3A_138 = arith.constant 0 : i32
      %dma_start3A_139 = arith.constant 0 : i32
      %dma_start3A_140 = tpu.memref_slice %arg9[%run_scoped3A_26, %dma_start3A_138, %dma_start3A_139] : memref<4x128x16xf32, #tpu.memory_space<vmem>> -> memref<1x128x16xf32, #tpu.memory_space<vmem>>
      %dma_start3A_141 = tpu.memref_squeeze %dma_start3A_140 : memref<1x128x16xf32, #tpu.memory_space<vmem>> -> memref<128x16xf32, #tpu.memory_space<vmem>>
      %dma_start3A_142 = arith.constant 0 : i32
      %dma_start3A_143 = tpu.memref_slice %arg10[%add3A_25, %dma_start3A_142] : memref<10112x16xf32, #tpu.memory_space<vmem_shared>> -> memref<128x16xf32, #tpu.memory_space<vmem_shared>>
      %dma_start3A_144 = arith.constant 0 : i32
      %dma_start3A_145 = tpu.memref_slice %arg10[%add3A_25, %dma_start3A_144] : memref<10112x16xf32, #tpu.memory_space<vmem_shared>> -> memref<128x16xf32, #tpu.memory_space<vmem_shared>>
      %dma_start3A_146 = arith.constant 0 : i32
      %dma_start3A_147 = arith.constant 0 : i32
      %dma_start3A_148 = tpu.memref_slice %arg9[%run_scoped3A_26, %dma_start3A_146, %dma_start3A_147] : memref<4x128x16xf32, #tpu.memory_space<vmem>> -> memref<1x128x16xf32, #tpu.memory_space<vmem>>
      %dma_start3A_149 = tpu.memref_squeeze %dma_start3A_148 : memref<1x128x16xf32, #tpu.memory_space<vmem>> -> memref<128x16xf32, #tpu.memory_space<vmem>>
      tpu.enqueue_dma source(%dma_start3A_149 : memref<128x16xf32, #tpu.memory_space<vmem>>) target(%dma_start3A_145 : memref<128x16xf32, #tpu.memory_space<vmem_shared>>) target_semaphore(%run_scoped3A_137 : memref<!tpu.dma_semaphore, #tpu.memory_space<semaphore_mem>>)
      %dma_wait3A_150 = arith.constant 0 : i32
      %dma_wait3A_151 = arith.constant 0 : i32
      %dma_wait3A_152 = tpu.memref_slice %arg9[%run_scoped3A_26, %dma_wait3A_150, %dma_wait3A_151] : memref<4x128x16xf32, #tpu.memory_space<vmem>> -> memref<1x128x16xf32, #tpu.memory_space<vmem>>
      %dma_wait3A_153 = tpu.memref_squeeze %dma_wait3A_152 : memref<1x128x16xf32, #tpu.memory_space<vmem>> -> memref<128x16xf32, #tpu.memory_space<vmem>>
      %dma_wait3A_154 = arith.constant 0 : i32
      %dma_wait3A_155 = tpu.memref_slice %arg10[%add3A_25, %dma_wait3A_154] : memref<10112x16xf32, #tpu.memory_space<vmem_shared>> -> memref<128x16xf32, #tpu.memory_space<vmem_shared>>
      %dma_wait3A_156 = arith.constant 0 : i32
      %dma_wait3A_157 = tpu.memref_slice %arg10[%add3A_25, %dma_wait3A_156] : memref<10112x16xf32, #tpu.memory_space<vmem_shared>> -> memref<128x16xf32, #tpu.memory_space<vmem_shared>>
      %dma_wait3A_158 = arith.constant 0 : i32
      %dma_wait3A_159 = arith.constant 0 : i32
      %dma_wait3A_160 = tpu.memref_slice %arg9[%run_scoped3A_26, %dma_wait3A_158, %dma_wait3A_159] : memref<4x128x16xf32, #tpu.memory_space<vmem>> -> memref<1x128x16xf32, #tpu.memory_space<vmem>>
      %dma_wait3A_161 = tpu.memref_squeeze %dma_wait3A_160 : memref<1x128x16xf32, #tpu.memory_space<vmem>> -> memref<128x16xf32, #tpu.memory_space<vmem>>
      tpu.wait_dma2 semaphore(%run_scoped3A_137 : memref<!tpu.dma_semaphore, #tpu.memory_space<semaphore_mem>>) src(%dma_wait3A_161 : memref<128x16xf32, #tpu.memory_space<vmem>>) dst(%dma_wait3A_157 : memref<128x16xf32, #tpu.memory_space<vmem_shared>>)
      tpu.yield
    }) : () -> ()
    %add3A_27 = arith.constant 384 : i32
    %add3A_28 = arith.addi %mul3A_17, %add3A_27 : i32
    %run_scoped3A_29 = arith.constant 0 : i32
    "tpu.region"() ({
      %run_scoped3A_137 = tpu.sem_alloc : memref<!tpu.dma_semaphore, #tpu.memory_space<semaphore_mem>>
      %dma_start3A_138 = arith.constant 0 : i32
      %dma_start3A_139 = arith.constant 0 : i32
      %dma_start3A_140 = tpu.memref_slice %arg9[%run_scoped3A_29, %dma_start3A_138, %dma_start3A_139] : memref<4x128x16xf32, #tpu.memory_space<vmem>> -> memref<1x128x16xf32, #tpu.memory_space<vmem>>
      %dma_start3A_141 = tpu.memref_squeeze %dma_start3A_140 : memref<1x128x16xf32, #tpu.memory_space<vmem>> -> memref<128x16xf32, #tpu.memory_space<vmem>>
      %dma_start3A_142 = arith.constant 0 : i32
      %dma_start3A_143 = tpu.memref_slice %arg10[%add3A_28, %dma_start3A_142] : memref<10112x16xf32, #tpu.memory_space<vmem_shared>> -> memref<128x16xf32, #tpu.memory_space<vmem_shared>>
      %dma_start3A_144 = arith.constant 0 : i32
      %dma_start3A_145 = tpu.memref_slice %arg10[%add3A_28, %dma_start3A_144] : memref<10112x16xf32, #tpu.memory_space<vmem_shared>> -> memref<128x16xf32, #tpu.memory_space<vmem_shared>>
      %dma_start3A_146 = arith.constant 0 : i32
      %dma_start3A_147 = arith.constant 0 : i32
      %dma_start3A_148 = tpu.memref_slice %arg9[%run_scoped3A_29, %dma_start3A_146, %dma_start3A_147] : memref<4x128x16xf32, #tpu.memory_space<vmem>> -> memref<1x128x16xf32, #tpu.memory_space<vmem>>
      %dma_start3A_149 = tpu.memref_squeeze %dma_start3A_148 : memref<1x128x16xf32, #tpu.memory_space<vmem>> -> memref<128x16xf32, #tpu.memory_space<vmem>>
      tpu.enqueue_dma source(%dma_start3A_149 : memref<128x16xf32, #tpu.memory_space<vmem>>) target(%dma_start3A_145 : memref<128x16xf32, #tpu.memory_space<vmem_shared>>) target_semaphore(%run_scoped3A_137 : memref<!tpu.dma_semaphore, #tpu.memory_space<semaphore_mem>>)
      %dma_wait3A_150 = arith.constant 0 : i32
      %dma_wait3A_151 = arith.constant 0 : i32
      %dma_wait3A_152 = tpu.memref_slice %arg9[%run_scoped3A_29, %dma_wait3A_150, %dma_wait3A_151] : memref<4x128x16xf32, #tpu.memory_space<vmem>> -> memref<1x128x16xf32, #tpu.memory_space<vmem>>
      %dma_wait3A_153 = tpu.memref_squeeze %dma_wait3A_152 : memref<1x128x16xf32, #tpu.memory_space<vmem>> -> memref<128x16xf32, #tpu.memory_space<vmem>>
      %dma_wait3A_154 = arith.constant 0 : i32
      %dma_wait3A_155 = tpu.memref_slice %arg10[%add3A_28, %dma_wait3A_154] : memref<10112x16xf32, #tpu.memory_space<vmem_shared>> -> memref<128x16xf32, #tpu.memory_space<vmem_shared>>
      %dma_wait3A_156 = arith.constant 0 : i32
      %dma_wait3A_157 = tpu.memref_slice %arg10[%add3A_28, %dma_wait3A_156] : memref<10112x16xf32, #tpu.memory_space<vmem_shared>> -> memref<128x16xf32, #tpu.memory_space<vmem_shared>>
      %dma_wait3A_158 = arith.constant 0 : i32
      %dma_wait3A_159 = arith.constant 0 : i32
      %dma_wait3A_160 = tpu.memref_slice %arg9[%run_scoped3A_29, %dma_wait3A_158, %dma_wait3A_159] : memref<4x128x16xf32, #tpu.memory_space<vmem>> -> memref<1x128x16xf32, #tpu.memory_space<vmem>>
      %dma_wait3A_161 = tpu.memref_squeeze %dma_wait3A_160 : memref<1x128x16xf32, #tpu.memory_space<vmem>> -> memref<128x16xf32, #tpu.memory_space<vmem>>
      tpu.wait_dma2 semaphore(%run_scoped3A_137 : memref<!tpu.dma_semaphore, #tpu.memory_space<semaphore_mem>>) src(%dma_wait3A_161 : memref<128x16xf32, #tpu.memory_space<vmem>>) dst(%dma_wait3A_157 : memref<128x16xf32, #tpu.memory_space<vmem_shared>>)
      tpu.yield
    }) : () -> ()
    %add3A_30 = arith.constant 512 : i32
    %add3A_31 = arith.addi %mul3A_17, %add3A_30 : i32
    %run_scoped3A_32 = arith.constant 0 : i32
    "tpu.region"() ({
      %run_scoped3A_137 = tpu.sem_alloc : memref<!tpu.dma_semaphore, #tpu.memory_space<semaphore_mem>>
      %dma_start3A_138 = arith.constant 0 : i32
      %dma_start3A_139 = arith.constant 0 : i32
      %dma_start3A_140 = tpu.memref_slice %arg9[%run_scoped3A_32, %dma_start3A_138, %dma_start3A_139] : memref<4x128x16xf32, #tpu.memory_space<vmem>> -> memref<1x128x16xf32, #tpu.memory_space<vmem>>
      %dma_start3A_141 = tpu.memref_squeeze %dma_start3A_140 : memref<1x128x16xf32, #tpu.memory_space<vmem>> -> memref<128x16xf32, #tpu.memory_space<vmem>>
      %dma_start3A_142 = arith.constant 0 : i32
      %dma_start3A_143 = arith.constant 0 : i32
      %dma_start3A_144 = tpu.memref_slice %dma_start3A_141[%dma_start3A_142, %dma_start3A_143] : memref<128x16xf32, #tpu.memory_space<vmem>> -> memref<120x16xf32, #tpu.memory_space<vmem>>
      %dma_start3A_145 = arith.constant 0 : i32
      %dma_start3A_146 = tpu.memref_slice %arg10[%add3A_31, %dma_start3A_145] : memref<10112x16xf32, #tpu.memory_space<vmem_shared>> -> memref<120x16xf32, #tpu.memory_space<vmem_shared>>
      %dma_start3A_147 = arith.constant 0 : i32
      %dma_start3A_148 = tpu.memref_slice %arg10[%add3A_31, %dma_start3A_147] : memref<10112x16xf32, #tpu.memory_space<vmem_shared>> -> memref<120x16xf32, #tpu.memory_space<vmem_shared>>
      %dma_start3A_149 = arith.constant 0 : i32
      %dma_start3A_150 = arith.constant 0 : i32
      %dma_start3A_151 = tpu.memref_slice %arg9[%run_scoped3A_32, %dma_start3A_149, %dma_start3A_150] : memref<4x128x16xf32, #tpu.memory_space<vmem>> -> memref<1x128x16xf32, #tpu.memory_space<vmem>>
      %dma_start3A_152 = tpu.memref_squeeze %dma_start3A_151 : memref<1x128x16xf32, #tpu.memory_space<vmem>> -> memref<128x16xf32, #tpu.memory_space<vmem>>
      %dma_start3A_153 = arith.constant 0 : i32
      %dma_start3A_154 = arith.constant 0 : i32
      %dma_start3A_155 = tpu.memref_slice %dma_start3A_152[%dma_start3A_153, %dma_start3A_154] : memref<128x16xf32, #tpu.memory_space<vmem>> -> memref<120x16xf32, #tpu.memory_space<vmem>>
      tpu.enqueue_dma source(%dma_start3A_155 : memref<120x16xf32, #tpu.memory_space<vmem>>) target(%dma_start3A_148 : memref<120x16xf32, #tpu.memory_space<vmem_shared>>) target_semaphore(%run_scoped3A_137 : memref<!tpu.dma_semaphore, #tpu.memory_space<semaphore_mem>>)
      %dma_wait3A_156 = arith.constant 0 : i32
      %dma_wait3A_157 = arith.constant 0 : i32
      %dma_wait3A_158 = tpu.memref_slice %arg9[%run_scoped3A_32, %dma_wait3A_156, %dma_wait3A_157] : memref<4x128x16xf32, #tpu.memory_space<vmem>> -> memref<1x128x16xf32, #tpu.memory_space<vmem>>
      %dma_wait3A_159 = tpu.memref_squeeze %dma_wait3A_158 : memref<1x128x16xf32, #tpu.memory_space<vmem>> -> memref<128x16xf32, #tpu.memory_space<vmem>>
      %dma_wait3A_160 = arith.constant 0 : i32
      %dma_wait3A_161 = arith.constant 0 : i32
      %dma_wait3A_162 = tpu.memref_slice %dma_wait3A_159[%dma_wait3A_160, %dma_wait3A_161] : memref<128x16xf32, #tpu.memory_space<vmem>> -> memref<120x16xf32, #tpu.memory_space<vmem>>
      %dma_wait3A_163 = arith.constant 0 : i32
      %dma_wait3A_164 = tpu.memref_slice %arg10[%add3A_31, %dma_wait3A_163] : memref<10112x16xf32, #tpu.memory_space<vmem_shared>> -> memref<120x16xf32, #tpu.memory_space<vmem_shared>>
      %dma_wait3A_165 = arith.constant 0 : i32
      %dma_wait3A_166 = tpu.memref_slice %arg10[%add3A_31, %dma_wait3A_165] : memref<10112x16xf32, #tpu.memory_space<vmem_shared>> -> memref<120x16xf32, #tpu.memory_space<vmem_shared>>
      %dma_wait3A_167 = arith.constant 0 : i32
      %dma_wait3A_168 = arith.constant 0 : i32
      %dma_wait3A_169 = tpu.memref_slice %arg9[%run_scoped3A_32, %dma_wait3A_167, %dma_wait3A_168] : memref<4x128x16xf32, #tpu.memory_space<vmem>> -> memref<1x128x16xf32, #tpu.memory_space<vmem>>
      %dma_wait3A_170 = tpu.memref_squeeze %dma_wait3A_169 : memref<1x128x16xf32, #tpu.memory_space<vmem>> -> memref<128x16xf32, #tpu.memory_space<vmem>>
      %dma_wait3A_171 = arith.constant 0 : i32
      %dma_wait3A_172 = arith.constant 0 : i32
      %dma_wait3A_173 = tpu.memref_slice %dma_wait3A_170[%dma_wait3A_171, %dma_wait3A_172] : memref<128x16xf32, #tpu.memory_space<vmem>> -> memref<120x16xf32, #tpu.memory_space<vmem>>
      tpu.wait_dma2 semaphore(%run_scoped3A_137 : memref<!tpu.dma_semaphore, #tpu.memory_space<semaphore_mem>>) src(%dma_wait3A_173 : memref<120x16xf32, #tpu.memory_space<vmem>>) dst(%dma_wait3A_166 : memref<120x16xf32, #tpu.memory_space<vmem_shared>>)
      tpu.yield
    }) : () -> ()
    %dma_wait3A = arith.constant 0 : i32
    %dma_wait3A_33 = arith.constant 0 : i32
    %dma_wait3A_34 = tpu.memref_slice %arg3[%add3A, %dma_wait3A, %dma_wait3A_33] : memref<32x40x128xi32, #tpu.memory_space<hbm>> -> memref<1x40x128xi32, #tpu.memory_space<hbm>>
    %dma_wait3A_35 = tpu.memref_squeeze %dma_wait3A_34 : memref<1x40x128xi32, #tpu.memory_space<hbm>> -> memref<40x128xi32, #tpu.memory_space<hbm>>
    %dma_wait3A_36 = arith.constant 0 : i32
    %dma_wait3A_37 = arith.constant 0 : i32
    %dma_wait3A_38 = tpu.memref_slice %arg3[%add3A, %dma_wait3A_36, %dma_wait3A_37] : memref<32x40x128xi32, #tpu.memory_space<hbm>> -> memref<1x40x128xi32, #tpu.memory_space<hbm>>
    %dma_wait3A_39 = tpu.memref_squeeze %dma_wait3A_38 : memref<1x40x128xi32, #tpu.memory_space<hbm>> -> memref<40x128xi32, #tpu.memory_space<hbm>>
    tpu.wait_dma2 semaphore(%arg11 : memref<!tpu.dma_semaphore, #tpu.memory_space<semaphore_mem>>) src(%dma_wait3A_39 : memref<40x128xi32, #tpu.memory_space<hbm>>) dst(%arg7 : memref<40x128xi32, #tpu.memory_space<vmem>>)
    %dma_wait3A_40 = arith.constant 0 : i32
    %dma_wait3A_41 = arith.constant 0 : i32
    %dma_wait3A_42 = tpu.memref_slice %arg4[%add3A, %dma_wait3A_40, %dma_wait3A_41] : memref<32x40x128xi32, #tpu.memory_space<hbm>> -> memref<1x40x128xi32, #tpu.memory_space<hbm>>
    %dma_wait3A_43 = tpu.memref_squeeze %dma_wait3A_42 : memref<1x40x128xi32, #tpu.memory_space<hbm>> -> memref<40x128xi32, #tpu.memory_space<hbm>>
    %dma_wait3A_44 = arith.constant 0 : i32
    %dma_wait3A_45 = arith.constant 0 : i32
    %dma_wait3A_46 = tpu.memref_slice %arg4[%add3A, %dma_wait3A_44, %dma_wait3A_45] : memref<32x40x128xi32, #tpu.memory_space<hbm>> -> memref<1x40x128xi32, #tpu.memory_space<hbm>>
    %dma_wait3A_47 = tpu.memref_squeeze %dma_wait3A_46 : memref<1x40x128xi32, #tpu.memory_space<hbm>> -> memref<40x128xi32, #tpu.memory_space<hbm>>
    tpu.wait_dma2 semaphore(%arg11 : memref<!tpu.dma_semaphore, #tpu.memory_space<semaphore_mem>>) src(%dma_wait3A_47 : memref<40x128xi32, #tpu.memory_space<hbm>>) dst(%arg8 : memref<40x128xi32, #tpu.memory_space<vmem>>)
    %barrier3A = arith.constant 0 : index
    tpu.barrier barrier_id(%barrier3A)
    %dma_start3A_48 = arith.constant 0 : i32
    %dma_start3A_49 = arith.constant 0 : i32
    %dma_start3A_50 = arith.constant 0 : i32
    %dma_start3A_51 = arith.constant 0 : i32
    %dma_start3A_52 = tpu.memref_slice %arg9[%dma_start3A_49, %dma_start3A_50, %dma_start3A_51] : memref<4x128x16xf32, #tpu.memory_space<vmem>> -> memref<1x128x16xf32, #tpu.memory_space<vmem>>
    %dma_start3A_53 = tpu.memref_squeeze %dma_start3A_52 : memref<1x128x16xf32, #tpu.memory_space<vmem>> -> memref<128x16xf32, #tpu.memory_space<vmem>>
    %dma_start3A_54 = arith.constant 0 : i32
    %dma_start3A_55 = tpu.memref_slice %arg7[%dma_start3A_48, %dma_start3A_54] : memref<40x128xi32, #tpu.memory_space<vmem>> -> memref<1x128xi32, #tpu.memory_space<vmem>>
    %dma_start3A_56 = tpu.memref_squeeze %dma_start3A_55 : memref<1x128xi32, #tpu.memory_space<vmem>> -> memref<128xi32, #tpu.memory_space<vmem>>
    %dma_start3A_57 = arith.constant 0 : i32
    %dma_start3A_58 = arith.constant 0 : i32
    %dma_start3A_59 = tpu.memref_slice %arg2[%dma_start3A_57, %dma_start3A_58] : memref<10000x16xf32, #tpu.memory_space<hbm>> -> memref<10000x16xf32, #tpu.memory_space<hbm>>
    tpu.enqueue_indirect_dma source(%dma_start3A_59 : memref<10000x16xf32, #tpu.memory_space<hbm>>) target(%dma_start3A_53 : memref<128x16xf32, #tpu.memory_space<vmem>>) offsets(%dma_start3A_56 : memref<128xi32, #tpu.memory_space<vmem>>) semaphore(%arg11 : memref<!tpu.dma_semaphore, #tpu.memory_space<semaphore_mem>>)
    %dma_start3A_60 = arith.constant 1 : i32
    %dma_start3A_61 = arith.constant 1 : i32
    %dma_start3A_62 = arith.constant 0 : i32
    %dma_start3A_63 = arith.constant 0 : i32
    %dma_start3A_64 = tpu.memref_slice %arg9[%dma_start3A_61, %dma_start3A_62, %dma_start3A_63] : memref<4x128x16xf32, #tpu.memory_space<vmem>> -> memref<1x128x16xf32, #tpu.memory_space<vmem>>
    %dma_start3A_65 = tpu.memref_squeeze %dma_start3A_64 : memref<1x128x16xf32, #tpu.memory_space<vmem>> -> memref<128x16xf32, #tpu.memory_space<vmem>>
    %dma_start3A_66 = arith.constant 0 : i32
    %dma_start3A_67 = tpu.memref_slice %arg7[%dma_start3A_60, %dma_start3A_66] : memref<40x128xi32, #tpu.memory_space<vmem>> -> memref<1x128xi32, #tpu.memory_space<vmem>>
    %dma_start3A_68 = tpu.memref_squeeze %dma_start3A_67 : memref<1x128xi32, #tpu.memory_space<vmem>> -> memref<128xi32, #tpu.memory_space<vmem>>
    %dma_start3A_69 = arith.constant 0 : i32
    %dma_start3A_70 = arith.constant 0 : i32
    %dma_start3A_71 = tpu.memref_slice %arg2[%dma_start3A_69, %dma_start3A_70] : memref<10000x16xf32, #tpu.memory_space<hbm>> -> memref<10000x16xf32, #tpu.memory_space<hbm>>
    tpu.enqueue_indirect_dma source(%dma_start3A_71 : memref<10000x16xf32, #tpu.memory_space<hbm>>) target(%dma_start3A_65 : memref<128x16xf32, #tpu.memory_space<vmem>>) offsets(%dma_start3A_68 : memref<128xi32, #tpu.memory_space<vmem>>) semaphore(%arg12 : memref<!tpu.dma_semaphore, #tpu.memory_space<semaphore_mem>>)
    %dma_start3A_72 = arith.constant 2 : i32
    %dma_start3A_73 = arith.constant 2 : i32
    %dma_start3A_74 = arith.constant 0 : i32
    %dma_start3A_75 = arith.constant 0 : i32
    %dma_start3A_76 = tpu.memref_slice %arg9[%dma_start3A_73, %dma_start3A_74, %dma_start3A_75] : memref<4x128x16xf32, #tpu.memory_space<vmem>> -> memref<1x128x16xf32, #tpu.memory_space<vmem>>
    %dma_start3A_77 = tpu.memref_squeeze %dma_start3A_76 : memref<1x128x16xf32, #tpu.memory_space<vmem>> -> memref<128x16xf32, #tpu.memory_space<vmem>>
    %dma_start3A_78 = arith.constant 0 : i32
    %dma_start3A_79 = tpu.memref_slice %arg7[%dma_start3A_72, %dma_start3A_78] : memref<40x128xi32, #tpu.memory_space<vmem>> -> memref<1x128xi32, #tpu.memory_space<vmem>>
    %dma_start3A_80 = tpu.memref_squeeze %dma_start3A_79 : memref<1x128xi32, #tpu.memory_space<vmem>> -> memref<128xi32, #tpu.memory_space<vmem>>
    %dma_start3A_81 = arith.constant 0 : i32
    %dma_start3A_82 = arith.constant 0 : i32
    %dma_start3A_83 = tpu.memref_slice %arg2[%dma_start3A_81, %dma_start3A_82] : memref<10000x16xf32, #tpu.memory_space<hbm>> -> memref<10000x16xf32, #tpu.memory_space<hbm>>
    tpu.enqueue_indirect_dma source(%dma_start3A_83 : memref<10000x16xf32, #tpu.memory_space<hbm>>) target(%dma_start3A_77 : memref<128x16xf32, #tpu.memory_space<vmem>>) offsets(%dma_start3A_80 : memref<128xi32, #tpu.memory_space<vmem>>) semaphore(%arg13 : memref<!tpu.dma_semaphore, #tpu.memory_space<semaphore_mem>>)
    %scan3A = arith.constant 0 : i32
    %scan3A_84 = arith.constant 10 : i32
    %scan3A_85 = arith.addi %scan3A, %scan3A_84 : i32
    %scan3A_86 = arith.constant 1 : i32
    scf.for %scan3A_137 = %scan3A to %scan3A_85 step %scan3A_86  : i32 {
      %mul3A_138 = arith.constant 4 : i32
      %mul3A_139 = arith.muli %scan3A_137, %mul3A_138 : i32
      %add3A_140 = arith.constant 0 : i32
      %add3A_141 = arith.addi %add3A_140, %mul3A_139 : i32
      %add3A_142 = arith.constant 0 : i32
      %add3A_143 = arith.addi %add3A_141, %add3A_142 : i32
      %add3A_144 = arith.constant 3 : i32
      %add3A_145 = arith.addi %add3A_143, %add3A_144 : i32
      %lt3A = arith.constant 40 : i32
      %lt3A_146 = arith.cmpi slt, %add3A_145, %lt3A : i32
      %convert_element_type3A = arith.extui %lt3A_146 : i1 to i32
      %cond3A = arith.constant 0 : i32
      %cond3A_147 = arith.cmpi ne, %convert_element_type3A, %cond3A : i32
      scf.if %cond3A_147 {
        %ge3A = arith.constant 4 : i32
        %ge3A_279 = arith.cmpi sge, %add3A_145, %ge3A : i32
        %convert_element_type3A_280 = arith.extui %ge3A_279 : i1 to i32
        %cond3A_281 = arith.constant 0 : i32
        %cond3A_282 = arith.cmpi ne, %convert_element_type3A_280, %cond3A_281 : i32
        scf.if %cond3A_282 {
          %sub3A = arith.constant 4 : i32
          %sub3A_294 = arith.subi %add3A_145, %sub3A : i32
          %dma_wait3A_295 = arith.constant 3 : i32
          %dma_wait3A_296 = arith.constant 0 : i32
          %dma_wait3A_297 = arith.constant 0 : i32
          %dma_wait3A_298 = tpu.memref_slice %arg9[%dma_wait3A_295, %dma_wait3A_296, %dma_wait3A_297] : memref<4x128x16xf32, #tpu.memory_space<vmem>> -> memref<1x128x16xf32, #tpu.memory_space<vmem>>
          %dma_wait3A_299 = tpu.memref_squeeze %dma_wait3A_298 : memref<1x128x16xf32, #tpu.memory_space<vmem>> -> memref<128x16xf32, #tpu.memory_space<vmem>>
          %dma_wait3A_300 = arith.constant 0 : i32
          %dma_wait3A_301 = tpu.memref_slice %arg8[%sub3A_294, %dma_wait3A_300] : memref<40x128xi32, #tpu.memory_space<vmem>> -> memref<1x128xi32, #tpu.memory_space<vmem>>
          %dma_wait3A_302 = tpu.memref_squeeze %dma_wait3A_301 : memref<1x128xi32, #tpu.memory_space<vmem>> -> memref<128xi32, #tpu.memory_space<vmem>>
          %dma_wait3A_303 = arith.constant 0 : i32
          %dma_wait3A_304 = arith.constant 0 : i32
          %dma_wait3A_305 = tpu.memref_slice %arg10[%dma_wait3A_303, %dma_wait3A_304] : memref<10112x16xf32, #tpu.memory_space<vmem_shared>> -> memref<10112x16xf32, #tpu.memory_space<vmem_shared>>
          tpu.wait_indirect_dma semaphore(%arg18 : memref<!tpu.dma_semaphore, #tpu.memory_space<semaphore_mem>>) src(%dma_wait3A_299 : memref<128x16xf32, #tpu.memory_space<vmem>>) dst(%dma_wait3A_305 : memref<10112x16xf32, #tpu.memory_space<vmem_shared>>)
        } else {
        }
        %dma_start3A_283 = arith.constant 3 : i32
        %dma_start3A_284 = arith.constant 0 : i32
        %dma_start3A_285 = arith.constant 0 : i32
        %dma_start3A_286 = tpu.memref_slice %arg9[%dma_start3A_283, %dma_start3A_284, %dma_start3A_285] : memref<4x128x16xf32, #tpu.memory_space<vmem>> -> memref<1x128x16xf32, #tpu.memory_space<vmem>>
        %dma_start3A_287 = tpu.memref_squeeze %dma_start3A_286 : memref<1x128x16xf32, #tpu.memory_space<vmem>> -> memref<128x16xf32, #tpu.memory_space<vmem>>
        %dma_start3A_288 = arith.constant 0 : i32
        %dma_start3A_289 = tpu.memref_slice %arg7[%add3A_145, %dma_start3A_288] : memref<40x128xi32, #tpu.memory_space<vmem>> -> memref<1x128xi32, #tpu.memory_space<vmem>>
        %dma_start3A_290 = tpu.memref_squeeze %dma_start3A_289 : memref<1x128xi32, #tpu.memory_space<vmem>> -> memref<128xi32, #tpu.memory_space<vmem>>
        %dma_start3A_291 = arith.constant 0 : i32
        %dma_start3A_292 = arith.constant 0 : i32
        %dma_start3A_293 = tpu.memref_slice %arg2[%dma_start3A_291, %dma_start3A_292] : memref<10000x16xf32, #tpu.memory_space<hbm>> -> memref<10000x16xf32, #tpu.memory_space<hbm>>
        tpu.enqueue_indirect_dma source(%dma_start3A_293 : memref<10000x16xf32, #tpu.memory_space<hbm>>) target(%dma_start3A_287 : memref<128x16xf32, #tpu.memory_space<vmem>>) offsets(%dma_start3A_290 : memref<128xi32, #tpu.memory_space<vmem>>) semaphore(%arg14 : memref<!tpu.dma_semaphore, #tpu.memory_space<semaphore_mem>>)
      } else {
      }
      %add3A_148 = arith.constant 0 : i32
      %add3A_149 = arith.addi %add3A_141, %add3A_148 : i32
      %dma_wait3A_150 = arith.constant 0 : i32
      %dma_wait3A_151 = arith.constant 0 : i32
      %dma_wait3A_152 = arith.constant 0 : i32
      %dma_wait3A_153 = tpu.memref_slice %arg9[%dma_wait3A_150, %dma_wait3A_151, %dma_wait3A_152] : memref<4x128x16xf32, #tpu.memory_space<vmem>> -> memref<1x128x16xf32, #tpu.memory_space<vmem>>
      %dma_wait3A_154 = tpu.memref_squeeze %dma_wait3A_153 : memref<1x128x16xf32, #tpu.memory_space<vmem>> -> memref<128x16xf32, #tpu.memory_space<vmem>>
      %dma_wait3A_155 = arith.constant 0 : i32
      %dma_wait3A_156 = tpu.memref_slice %arg7[%add3A_149, %dma_wait3A_155] : memref<40x128xi32, #tpu.memory_space<vmem>> -> memref<1x128xi32, #tpu.memory_space<vmem>>
      %dma_wait3A_157 = tpu.memref_squeeze %dma_wait3A_156 : memref<1x128xi32, #tpu.memory_space<vmem>> -> memref<128xi32, #tpu.memory_space<vmem>>
      %dma_wait3A_158 = arith.constant 0 : i32
      %dma_wait3A_159 = arith.constant 0 : i32
      %dma_wait3A_160 = tpu.memref_slice %arg2[%dma_wait3A_158, %dma_wait3A_159] : memref<10000x16xf32, #tpu.memory_space<hbm>> -> memref<10000x16xf32, #tpu.memory_space<hbm>>
      tpu.wait_indirect_dma semaphore(%arg11 : memref<!tpu.dma_semaphore, #tpu.memory_space<semaphore_mem>>) src(%dma_wait3A_160 : memref<10000x16xf32, #tpu.memory_space<hbm>>) dst(%dma_wait3A_154 : memref<128x16xf32, #tpu.memory_space<vmem>>)
      %add3A_161 = arith.constant 0 : i32
      %add3A_162 = arith.addi %add3A_141, %add3A_161 : i32
      %dma_start3A_163 = arith.constant 0 : i32
      %dma_start3A_164 = arith.constant 0 : i32
      %dma_start3A_165 = arith.constant 0 : i32
      %dma_start3A_166 = tpu.memref_slice %arg9[%dma_start3A_163, %dma_start3A_164, %dma_start3A_165] : memref<4x128x16xf32, #tpu.memory_space<vmem>> -> memref<1x128x16xf32, #tpu.memory_space<vmem>>
      %dma_start3A_167 = tpu.memref_squeeze %dma_start3A_166 : memref<1x128x16xf32, #tpu.memory_space<vmem>> -> memref<128x16xf32, #tpu.memory_space<vmem>>
      %dma_start3A_168 = arith.constant 0 : i32
      %dma_start3A_169 = tpu.memref_slice %arg8[%add3A_162, %dma_start3A_168] : memref<40x128xi32, #tpu.memory_space<vmem>> -> memref<1x128xi32, #tpu.memory_space<vmem>>
      %dma_start3A_170 = tpu.memref_squeeze %dma_start3A_169 : memref<1x128xi32, #tpu.memory_space<vmem>> -> memref<128xi32, #tpu.memory_space<vmem>>
      %dma_start3A_171 = arith.constant 0 : i32
      %dma_start3A_172 = arith.constant 0 : i32
      %dma_start3A_173 = tpu.memref_slice %arg10[%dma_start3A_171, %dma_start3A_172] : memref<10112x16xf32, #tpu.memory_space<vmem_shared>> -> memref<10112x16xf32, #tpu.memory_space<vmem_shared>>
      tpu.enqueue_indirect_dma source(%dma_start3A_167 : memref<128x16xf32, #tpu.memory_space<vmem>>) target(%dma_start3A_173 : memref<10112x16xf32, #tpu.memory_space<vmem_shared>>) offsets(%dma_start3A_170 : memref<128xi32, #tpu.memory_space<vmem>>) semaphore(%arg15 : memref<!tpu.dma_semaphore, #tpu.memory_space<semaphore_mem>>) {add = true}
      %add3A_174 = arith.constant 1 : i32
      %add3A_175 = arith.addi %add3A_141, %add3A_174 : i32
      %add3A_176 = arith.constant 3 : i32
      %add3A_177 = arith.addi %add3A_175, %add3A_176 : i32
      %lt3A_178 = arith.constant 40 : i32
      %lt3A_179 = arith.cmpi slt, %add3A_177, %lt3A_178 : i32
      %convert_element_type3A_180 = arith.extui %lt3A_179 : i1 to i32
      %cond3A_181 = arith.constant 0 : i32
      %cond3A_182 = arith.cmpi ne, %convert_element_type3A_180, %cond3A_181 : i32
      scf.if %cond3A_182 {
        %ge3A = arith.constant 4 : i32
        %ge3A_279 = arith.cmpi sge, %add3A_177, %ge3A : i32
        %convert_element_type3A_280 = arith.extui %ge3A_279 : i1 to i32
        %cond3A_281 = arith.constant 0 : i32
        %cond3A_282 = arith.cmpi ne, %convert_element_type3A_280, %cond3A_281 : i32
        scf.if %cond3A_282 {
          %sub3A = arith.constant 4 : i32
          %sub3A_294 = arith.subi %add3A_177, %sub3A : i32
          %dma_wait3A_295 = arith.constant 0 : i32
          %dma_wait3A_296 = arith.constant 0 : i32
          %dma_wait3A_297 = arith.constant 0 : i32
          %dma_wait3A_298 = tpu.memref_slice %arg9[%dma_wait3A_295, %dma_wait3A_296, %dma_wait3A_297] : memref<4x128x16xf32, #tpu.memory_space<vmem>> -> memref<1x128x16xf32, #tpu.memory_space<vmem>>
          %dma_wait3A_299 = tpu.memref_squeeze %dma_wait3A_298 : memref<1x128x16xf32, #tpu.memory_space<vmem>> -> memref<128x16xf32, #tpu.memory_space<vmem>>
          %dma_wait3A_300 = arith.constant 0 : i32
          %dma_wait3A_301 = tpu.memref_slice %arg8[%sub3A_294, %dma_wait3A_300] : memref<40x128xi32, #tpu.memory_space<vmem>> -> memref<1x128xi32, #tpu.memory_space<vmem>>
          %dma_wait3A_302 = tpu.memref_squeeze %dma_wait3A_301 : memref<1x128xi32, #tpu.memory_space<vmem>> -> memref<128xi32, #tpu.memory_space<vmem>>
          %dma_wait3A_303 = arith.constant 0 : i32
          %dma_wait3A_304 = arith.constant 0 : i32
          %dma_wait3A_305 = tpu.memref_slice %arg10[%dma_wait3A_303, %dma_wait3A_304] : memref<10112x16xf32, #tpu.memory_space<vmem_shared>> -> memref<10112x16xf32, #tpu.memory_space<vmem_shared>>
          tpu.wait_indirect_dma semaphore(%arg15 : memref<!tpu.dma_semaphore, #tpu.memory_space<semaphore_mem>>) src(%dma_wait3A_299 : memref<128x16xf32, #tpu.memory_space<vmem>>) dst(%dma_wait3A_305 : memref<10112x16xf32, #tpu.memory_space<vmem_shared>>)
        } else {
        }
        %dma_start3A_283 = arith.constant 0 : i32
        %dma_start3A_284 = arith.constant 0 : i32
        %dma_start3A_285 = arith.constant 0 : i32
        %dma_start3A_286 = tpu.memref_slice %arg9[%dma_start3A_283, %dma_start3A_284, %dma_start3A_285] : memref<4x128x16xf32, #tpu.memory_space<vmem>> -> memref<1x128x16xf32, #tpu.memory_space<vmem>>
        %dma_start3A_287 = tpu.memref_squeeze %dma_start3A_286 : memref<1x128x16xf32, #tpu.memory_space<vmem>> -> memref<128x16xf32, #tpu.memory_space<vmem>>
        %dma_start3A_288 = arith.constant 0 : i32
        %dma_start3A_289 = tpu.memref_slice %arg7[%add3A_177, %dma_start3A_288] : memref<40x128xi32, #tpu.memory_space<vmem>> -> memref<1x128xi32, #tpu.memory_space<vmem>>
        %dma_start3A_290 = tpu.memref_squeeze %dma_start3A_289 : memref<1x128xi32, #tpu.memory_space<vmem>> -> memref<128xi32, #tpu.memory_space<vmem>>
        %dma_start3A_291 = arith.constant 0 : i32
        %dma_start3A_292 = arith.constant 0 : i32
        %dma_start3A_293 = tpu.memref_slice %arg2[%dma_start3A_291, %dma_start3A_292] : memref<10000x16xf32, #tpu.memory_space<hbm>> -> memref<10000x16xf32, #tpu.memory_space<hbm>>
        tpu.enqueue_indirect_dma source(%dma_start3A_293 : memref<10000x16xf32, #tpu.memory_space<hbm>>) target(%dma_start3A_287 : memref<128x16xf32, #tpu.memory_space<vmem>>) offsets(%dma_start3A_290 : memref<128xi32, #tpu.memory_space<vmem>>) semaphore(%arg11 : memref<!tpu.dma_semaphore, #tpu.memory_space<semaphore_mem>>)
      } else {
      }
      %add3A_183 = arith.constant 1 : i32
      %add3A_184 = arith.addi %add3A_141, %add3A_183 : i32
      %dma_wait3A_185 = arith.constant 1 : i32
      %dma_wait3A_186 = arith.constant 0 : i32
      %dma_wait3A_187 = arith.constant 0 : i32
      %dma_wait3A_188 = tpu.memref_slice %arg9[%dma_wait3A_185, %dma_wait3A_186, %dma_wait3A_187] : memref<4x128x16xf32, #tpu.memory_space<vmem>> -> memref<1x128x16xf32, #tpu.memory_space<vmem>>
      %dma_wait3A_189 = tpu.memref_squeeze %dma_wait3A_188 : memref<1x128x16xf32, #tpu.memory_space<vmem>> -> memref<128x16xf32, #tpu.memory_space<vmem>>
      %dma_wait3A_190 = arith.constant 0 : i32
      %dma_wait3A_191 = tpu.memref_slice %arg7[%add3A_184, %dma_wait3A_190] : memref<40x128xi32, #tpu.memory_space<vmem>> -> memref<1x128xi32, #tpu.memory_space<vmem>>
      %dma_wait3A_192 = tpu.memref_squeeze %dma_wait3A_191 : memref<1x128xi32, #tpu.memory_space<vmem>> -> memref<128xi32, #tpu.memory_space<vmem>>
      %dma_wait3A_193 = arith.constant 0 : i32
      %dma_wait3A_194 = arith.constant 0 : i32
      %dma_wait3A_195 = tpu.memref_slice %arg2[%dma_wait3A_193, %dma_wait3A_194] : memref<10000x16xf32, #tpu.memory_space<hbm>> -> memref<10000x16xf32, #tpu.memory_space<hbm>>
      tpu.wait_indirect_dma semaphore(%arg12 : memref<!tpu.dma_semaphore, #tpu.memory_space<semaphore_mem>>) src(%dma_wait3A_195 : memref<10000x16xf32, #tpu.memory_space<hbm>>) dst(%dma_wait3A_189 : memref<128x16xf32, #tpu.memory_space<vmem>>)
      %add3A_196 = arith.constant 1 : i32
      %add3A_197 = arith.addi %add3A_141, %add3A_196 : i32
      %dma_start3A_198 = arith.constant 1 : i32
      %dma_start3A_199 = arith.constant 0 : i32
      %dma_start3A_200 = arith.constant 0 : i32
      %dma_start3A_201 = tpu.memref_slice %arg9[%dma_start3A_198, %dma_start3A_199, %dma_start3A_200] : memref<4x128x16xf32, #tpu.memory_space<vmem>> -> memref<1x128x16xf32, #tpu.memory_space<vmem>>
      %dma_start3A_202 = tpu.memref_squeeze %dma_start3A_201 : memref<1x128x16xf32, #tpu.memory_space<vmem>> -> memref<128x16xf32, #tpu.memory_space<vmem>>
      %dma_start3A_203 = arith.constant 0 : i32
      %dma_start3A_204 = tpu.memref_slice %arg8[%add3A_197, %dma_start3A_203] : memref<40x128xi32, #tpu.memory_space<vmem>> -> memref<1x128xi32, #tpu.memory_space<vmem>>
      %dma_start3A_205 = tpu.memref_squeeze %dma_start3A_204 : memref<1x128xi32, #tpu.memory_space<vmem>> -> memref<128xi32, #tpu.memory_space<vmem>>
      %dma_start3A_206 = arith.constant 0 : i32
      %dma_start3A_207 = arith.constant 0 : i32
      %dma_start3A_208 = tpu.memref_slice %arg10[%dma_start3A_206, %dma_start3A_207] : memref<10112x16xf32, #tpu.memory_space<vmem_shared>> -> memref<10112x16xf32, #tpu.memory_space<vmem_shared>>
      tpu.enqueue_indirect_dma source(%dma_start3A_202 : memref<128x16xf32, #tpu.memory_space<vmem>>) target(%dma_start3A_208 : memref<10112x16xf32, #tpu.memory_space<vmem_shared>>) offsets(%dma_start3A_205 : memref<128xi32, #tpu.memory_space<vmem>>) semaphore(%arg16 : memref<!tpu.dma_semaphore, #tpu.memory_space<semaphore_mem>>) {add = true}
      %add3A_209 = arith.constant 2 : i32
      %add3A_210 = arith.addi %add3A_141, %add3A_209 : i32
      %add3A_211 = arith.constant 3 : i32
      %add3A_212 = arith.addi %add3A_210, %add3A_211 : i32
      %lt3A_213 = arith.constant 40 : i32
      %lt3A_214 = arith.cmpi slt, %add3A_212, %lt3A_213 : i32
      %convert_element_type3A_215 = arith.extui %lt3A_214 : i1 to i32
      %cond3A_216 = arith.constant 0 : i32
      %cond3A_217 = arith.cmpi ne, %convert_element_type3A_215, %cond3A_216 : i32
      scf.if %cond3A_217 {
        %ge3A = arith.constant 4 : i32
        %ge3A_279 = arith.cmpi sge, %add3A_212, %ge3A : i32
        %convert_element_type3A_280 = arith.extui %ge3A_279 : i1 to i32
        %cond3A_281 = arith.constant 0 : i32
        %cond3A_282 = arith.cmpi ne, %convert_element_type3A_280, %cond3A_281 : i32
        scf.if %cond3A_282 {
          %sub3A = arith.constant 4 : i32
          %sub3A_294 = arith.subi %add3A_212, %sub3A : i32
          %dma_wait3A_295 = arith.constant 1 : i32
          %dma_wait3A_296 = arith.constant 0 : i32
          %dma_wait3A_297 = arith.constant 0 : i32
          %dma_wait3A_298 = tpu.memref_slice %arg9[%dma_wait3A_295, %dma_wait3A_296, %dma_wait3A_297] : memref<4x128x16xf32, #tpu.memory_space<vmem>> -> memref<1x128x16xf32, #tpu.memory_space<vmem>>
          %dma_wait3A_299 = tpu.memref_squeeze %dma_wait3A_298 : memref<1x128x16xf32, #tpu.memory_space<vmem>> -> memref<128x16xf32, #tpu.memory_space<vmem>>
          %dma_wait3A_300 = arith.constant 0 : i32
          %dma_wait3A_301 = tpu.memref_slice %arg8[%sub3A_294, %dma_wait3A_300] : memref<40x128xi32, #tpu.memory_space<vmem>> -> memref<1x128xi32, #tpu.memory_space<vmem>>
          %dma_wait3A_302 = tpu.memref_squeeze %dma_wait3A_301 : memref<1x128xi32, #tpu.memory_space<vmem>> -> memref<128xi32, #tpu.memory_space<vmem>>
          %dma_wait3A_303 = arith.constant 0 : i32
          %dma_wait3A_304 = arith.constant 0 : i32
          %dma_wait3A_305 = tpu.memref_slice %arg10[%dma_wait3A_303, %dma_wait3A_304] : memref<10112x16xf32, #tpu.memory_space<vmem_shared>> -> memref<10112x16xf32, #tpu.memory_space<vmem_shared>>
          tpu.wait_indirect_dma semaphore(%arg16 : memref<!tpu.dma_semaphore, #tpu.memory_space<semaphore_mem>>) src(%dma_wait3A_299 : memref<128x16xf32, #tpu.memory_space<vmem>>) dst(%dma_wait3A_305 : memref<10112x16xf32, #tpu.memory_space<vmem_shared>>)
        } else {
        }
        %dma_start3A_283 = arith.constant 1 : i32
        %dma_start3A_284 = arith.constant 0 : i32
        %dma_start3A_285 = arith.constant 0 : i32
        %dma_start3A_286 = tpu.memref_slice %arg9[%dma_start3A_283, %dma_start3A_284, %dma_start3A_285] : memref<4x128x16xf32, #tpu.memory_space<vmem>> -> memref<1x128x16xf32, #tpu.memory_space<vmem>>
        %dma_start3A_287 = tpu.memref_squeeze %dma_start3A_286 : memref<1x128x16xf32, #tpu.memory_space<vmem>> -> memref<128x16xf32, #tpu.memory_space<vmem>>
        %dma_start3A_288 = arith.constant 0 : i32
        %dma_start3A_289 = tpu.memref_slice %arg7[%add3A_212, %dma_start3A_288] : memref<40x128xi32, #tpu.memory_space<vmem>> -> memref<1x128xi32, #tpu.memory_space<vmem>>
        %dma_start3A_290 = tpu.memref_squeeze %dma_start3A_289 : memref<1x128xi32, #tpu.memory_space<vmem>> -> memref<128xi32, #tpu.memory_space<vmem>>
        %dma_start3A_291 = arith.constant 0 : i32
        %dma_start3A_292 = arith.constant 0 : i32
        %dma_start3A_293 = tpu.memref_slice %arg2[%dma_start3A_291, %dma_start3A_292] : memref<10000x16xf32, #tpu.memory_space<hbm>> -> memref<10000x16xf32, #tpu.memory_space<hbm>>
        tpu.enqueue_indirect_dma source(%dma_start3A_293 : memref<10000x16xf32, #tpu.memory_space<hbm>>) target(%dma_start3A_287 : memref<128x16xf32, #tpu.memory_space<vmem>>) offsets(%dma_start3A_290 : memref<128xi32, #tpu.memory_space<vmem>>) semaphore(%arg12 : memref<!tpu.dma_semaphore, #tpu.memory_space<semaphore_mem>>)
      } else {
      }
      %add3A_218 = arith.constant 2 : i32
      %add3A_219 = arith.addi %add3A_141, %add3A_218 : i32
      %dma_wait3A_220 = arith.constant 2 : i32
      %dma_wait3A_221 = arith.constant 0 : i32
      %dma_wait3A_222 = arith.constant 0 : i32
      %dma_wait3A_223 = tpu.memref_slice %arg9[%dma_wait3A_220, %dma_wait3A_221, %dma_wait3A_222] : memref<4x128x16xf32, #tpu.memory_space<vmem>> -> memref<1x128x16xf32, #tpu.memory_space<vmem>>
      %dma_wait3A_224 = tpu.memref_squeeze %dma_wait3A_223 : memref<1x128x16xf32, #tpu.memory_space<vmem>> -> memref<128x16xf32, #tpu.memory_space<vmem>>
      %dma_wait3A_225 = arith.constant 0 : i32
      %dma_wait3A_226 = tpu.memref_slice %arg7[%add3A_219, %dma_wait3A_225] : memref<40x128xi32, #tpu.memory_space<vmem>> -> memref<1x128xi32, #tpu.memory_space<vmem>>
      %dma_wait3A_227 = tpu.memref_squeeze %dma_wait3A_226 : memref<1x128xi32, #tpu.memory_space<vmem>> -> memref<128xi32, #tpu.memory_space<vmem>>
      %dma_wait3A_228 = arith.constant 0 : i32
      %dma_wait3A_229 = arith.constant 0 : i32
      %dma_wait3A_230 = tpu.memref_slice %arg2[%dma_wait3A_228, %dma_wait3A_229] : memref<10000x16xf32, #tpu.memory_space<hbm>> -> memref<10000x16xf32, #tpu.memory_space<hbm>>
      tpu.wait_indirect_dma semaphore(%arg13 : memref<!tpu.dma_semaphore, #tpu.memory_space<semaphore_mem>>) src(%dma_wait3A_230 : memref<10000x16xf32, #tpu.memory_space<hbm>>) dst(%dma_wait3A_224 : memref<128x16xf32, #tpu.memory_space<vmem>>)
      %add3A_231 = arith.constant 2 : i32
      %add3A_232 = arith.addi %add3A_141, %add3A_231 : i32
      %dma_start3A_233 = arith.constant 2 : i32
      %dma_start3A_234 = arith.constant 0 : i32
      %dma_start3A_235 = arith.constant 0 : i32
      %dma_start3A_236 = tpu.memref_slice %arg9[%dma_start3A_233, %dma_start3A_234, %dma_start3A_235] : memref<4x128x16xf32, #tpu.memory_space<vmem>> -> memref<1x128x16xf32, #tpu.memory_space<vmem>>
      %dma_start3A_237 = tpu.memref_squeeze %dma_start3A_236 : memref<1x128x16xf32, #tpu.memory_space<vmem>> -> memref<128x16xf32, #tpu.memory_space<vmem>>
      %dma_start3A_238 = arith.constant 0 : i32
      %dma_start3A_239 = tpu.memref_slice %arg8[%add3A_232, %dma_start3A_238] : memref<40x128xi32, #tpu.memory_space<vmem>> -> memref<1x128xi32, #tpu.memory_space<vmem>>
      %dma_start3A_240 = tpu.memref_squeeze %dma_start3A_239 : memref<1x128xi32, #tpu.memory_space<vmem>> -> memref<128xi32, #tpu.memory_space<vmem>>
      %dma_start3A_241 = arith.constant 0 : i32
      %dma_start3A_242 = arith.constant 0 : i32
      %dma_start3A_243 = tpu.memref_slice %arg10[%dma_start3A_241, %dma_start3A_242] : memref<10112x16xf32, #tpu.memory_space<vmem_shared>> -> memref<10112x16xf32, #tpu.memory_space<vmem_shared>>
      tpu.enqueue_indirect_dma source(%dma_start3A_237 : memref<128x16xf32, #tpu.memory_space<vmem>>) target(%dma_start3A_243 : memref<10112x16xf32, #tpu.memory_space<vmem_shared>>) offsets(%dma_start3A_240 : memref<128xi32, #tpu.memory_space<vmem>>) semaphore(%arg17 : memref<!tpu.dma_semaphore, #tpu.memory_space<semaphore_mem>>) {add = true}
      %add3A_244 = arith.constant 3 : i32
      %add3A_245 = arith.addi %add3A_141, %add3A_244 : i32
      %add3A_246 = arith.constant 3 : i32
      %add3A_247 = arith.addi %add3A_245, %add3A_246 : i32
      %lt3A_248 = arith.constant 40 : i32
      %lt3A_249 = arith.cmpi slt, %add3A_247, %lt3A_248 : i32
      %convert_element_type3A_250 = arith.extui %lt3A_249 : i1 to i32
      %cond3A_251 = arith.constant 0 : i32
      %cond3A_252 = arith.cmpi ne, %convert_element_type3A_250, %cond3A_251 : i32
      scf.if %cond3A_252 {
        %ge3A = arith.constant 4 : i32
        %ge3A_279 = arith.cmpi sge, %add3A_247, %ge3A : i32
        %convert_element_type3A_280 = arith.extui %ge3A_279 : i1 to i32
        %cond3A_281 = arith.constant 0 : i32
        %cond3A_282 = arith.cmpi ne, %convert_element_type3A_280, %cond3A_281 : i32
        scf.if %cond3A_282 {
          %sub3A = arith.constant 4 : i32
          %sub3A_294 = arith.subi %add3A_247, %sub3A : i32
          %dma_wait3A_295 = arith.constant 2 : i32
          %dma_wait3A_296 = arith.constant 0 : i32
          %dma_wait3A_297 = arith.constant 0 : i32
          %dma_wait3A_298 = tpu.memref_slice %arg9[%dma_wait3A_295, %dma_wait3A_296, %dma_wait3A_297] : memref<4x128x16xf32, #tpu.memory_space<vmem>> -> memref<1x128x16xf32, #tpu.memory_space<vmem>>
          %dma_wait3A_299 = tpu.memref_squeeze %dma_wait3A_298 : memref<1x128x16xf32, #tpu.memory_space<vmem>> -> memref<128x16xf32, #tpu.memory_space<vmem>>
          %dma_wait3A_300 = arith.constant 0 : i32
          %dma_wait3A_301 = tpu.memref_slice %arg8[%sub3A_294, %dma_wait3A_300] : memref<40x128xi32, #tpu.memory_space<vmem>> -> memref<1x128xi32, #tpu.memory_space<vmem>>
          %dma_wait3A_302 = tpu.memref_squeeze %dma_wait3A_301 : memref<1x128xi32, #tpu.memory_space<vmem>> -> memref<128xi32, #tpu.memory_space<vmem>>
          %dma_wait3A_303 = arith.constant 0 : i32
          %dma_wait3A_304 = arith.constant 0 : i32
          %dma_wait3A_305 = tpu.memref_slice %arg10[%dma_wait3A_303, %dma_wait3A_304] : memref<10112x16xf32, #tpu.memory_space<vmem_shared>> -> memref<10112x16xf32, #tpu.memory_space<vmem_shared>>
          tpu.wait_indirect_dma semaphore(%arg17 : memref<!tpu.dma_semaphore, #tpu.memory_space<semaphore_mem>>) src(%dma_wait3A_299 : memref<128x16xf32, #tpu.memory_space<vmem>>) dst(%dma_wait3A_305 : memref<10112x16xf32, #tpu.memory_space<vmem_shared>>)
        } else {
        }
        %dma_start3A_283 = arith.constant 2 : i32
        %dma_start3A_284 = arith.constant 0 : i32
        %dma_start3A_285 = arith.constant 0 : i32
        %dma_start3A_286 = tpu.memref_slice %arg9[%dma_start3A_283, %dma_start3A_284, %dma_start3A_285] : memref<4x128x16xf32, #tpu.memory_space<vmem>> -> memref<1x128x16xf32, #tpu.memory_space<vmem>>
        %dma_start3A_287 = tpu.memref_squeeze %dma_start3A_286 : memref<1x128x16xf32, #tpu.memory_space<vmem>> -> memref<128x16xf32, #tpu.memory_space<vmem>>
        %dma_start3A_288 = arith.constant 0 : i32
        %dma_start3A_289 = tpu.memref_slice %arg7[%add3A_247, %dma_start3A_288] : memref<40x128xi32, #tpu.memory_space<vmem>> -> memref<1x128xi32, #tpu.memory_space<vmem>>
        %dma_start3A_290 = tpu.memref_squeeze %dma_start3A_289 : memref<1x128xi32, #tpu.memory_space<vmem>> -> memref<128xi32, #tpu.memory_space<vmem>>
        %dma_start3A_291 = arith.constant 0 : i32
        %dma_start3A_292 = arith.constant 0 : i32
        %dma_start3A_293 = tpu.memref_slice %arg2[%dma_start3A_291, %dma_start3A_292] : memref<10000x16xf32, #tpu.memory_space<hbm>> -> memref<10000x16xf32, #tpu.memory_space<hbm>>
        tpu.enqueue_indirect_dma source(%dma_start3A_293 : memref<10000x16xf32, #tpu.memory_space<hbm>>) target(%dma_start3A_287 : memref<128x16xf32, #tpu.memory_space<vmem>>) offsets(%dma_start3A_290 : memref<128xi32, #tpu.memory_space<vmem>>) semaphore(%arg13 : memref<!tpu.dma_semaphore, #tpu.memory_space<semaphore_mem>>)
      } else {
      }
      %add3A_253 = arith.constant 3 : i32
      %add3A_254 = arith.addi %add3A_141, %add3A_253 : i32
      %dma_wait3A_255 = arith.constant 3 : i32
      %dma_wait3A_256 = arith.constant 0 : i32
      %dma_wait3A_257 = arith.constant 0 : i32
      %dma_wait3A_258 = tpu.memref_slice %arg9[%dma_wait3A_255, %dma_wait3A_256, %dma_wait3A_257] : memref<4x128x16xf32, #tpu.memory_space<vmem>> -> memref<1x128x16xf32, #tpu.memory_space<vmem>>
      %dma_wait3A_259 = tpu.memref_squeeze %dma_wait3A_258 : memref<1x128x16xf32, #tpu.memory_space<vmem>> -> memref<128x16xf32, #tpu.memory_space<vmem>>
      %dma_wait3A_260 = arith.constant 0 : i32
      %dma_wait3A_261 = tpu.memref_slice %arg7[%add3A_254, %dma_wait3A_260] : memref<40x128xi32, #tpu.memory_space<vmem>> -> memref<1x128xi32, #tpu.memory_space<vmem>>
      %dma_wait3A_262 = tpu.memref_squeeze %dma_wait3A_261 : memref<1x128xi32, #tpu.memory_space<vmem>> -> memref<128xi32, #tpu.memory_space<vmem>>
      %dma_wait3A_263 = arith.constant 0 : i32
      %dma_wait3A_264 = arith.constant 0 : i32
      %dma_wait3A_265 = tpu.memref_slice %arg2[%dma_wait3A_263, %dma_wait3A_264] : memref<10000x16xf32, #tpu.memory_space<hbm>> -> memref<10000x16xf32, #tpu.memory_space<hbm>>
      tpu.wait_indirect_dma semaphore(%arg14 : memref<!tpu.dma_semaphore, #tpu.memory_space<semaphore_mem>>) src(%dma_wait3A_265 : memref<10000x16xf32, #tpu.memory_space<hbm>>) dst(%dma_wait3A_259 : memref<128x16xf32, #tpu.memory_space<vmem>>)
      %add3A_266 = arith.constant 3 : i32
      %add3A_267 = arith.addi %add3A_141, %add3A_266 : i32
      %dma_start3A_268 = arith.constant 3 : i32
      %dma_start3A_269 = arith.constant 0 : i32
      %dma_start3A_270 = arith.constant 0 : i32
      %dma_start3A_271 = tpu.memref_slice %arg9[%dma_start3A_268, %dma_start3A_269, %dma_start3A_270] : memref<4x128x16xf32, #tpu.memory_space<vmem>> -> memref<1x128x16xf32, #tpu.memory_space<vmem>>
      %dma_start3A_272 = tpu.memref_squeeze %dma_start3A_271 : memref<1x128x16xf32, #tpu.memory_space<vmem>> -> memref<128x16xf32, #tpu.memory_space<vmem>>
      %dma_start3A_273 = arith.constant 0 : i32
      %dma_start3A_274 = tpu.memref_slice %arg8[%add3A_267, %dma_start3A_273] : memref<40x128xi32, #tpu.memory_space<vmem>> -> memref<1x128xi32, #tpu.memory_space<vmem>>
      %dma_start3A_275 = tpu.memref_squeeze %dma_start3A_274 : memref<1x128xi32, #tpu.memory_space<vmem>> -> memref<128xi32, #tpu.memory_space<vmem>>
      %dma_start3A_276 = arith.constant 0 : i32
      %dma_start3A_277 = arith.constant 0 : i32
      %dma_start3A_278 = tpu.memref_slice %arg10[%dma_start3A_276, %dma_start3A_277] : memref<10112x16xf32, #tpu.memory_space<vmem_shared>> -> memref<10112x16xf32, #tpu.memory_space<vmem_shared>>
      tpu.enqueue_indirect_dma source(%dma_start3A_272 : memref<128x16xf32, #tpu.memory_space<vmem>>) target(%dma_start3A_278 : memref<10112x16xf32, #tpu.memory_space<vmem_shared>>) offsets(%dma_start3A_275 : memref<128xi32, #tpu.memory_space<vmem>>) semaphore(%arg18 : memref<!tpu.dma_semaphore, #tpu.memory_space<semaphore_mem>>) {add = true}
    }
    %scan3A_87 = arith.constant 10 : i32
    %dma_wait3A_88 = arith.constant 0 : i32
    %dma_wait3A_89 = arith.constant 36 : i32
    %dma_wait3A_90 = arith.constant 0 : i32
    %dma_wait3A_91 = arith.constant 0 : i32
    %dma_wait3A_92 = tpu.memref_slice %arg9[%dma_wait3A_88, %dma_wait3A_90, %dma_wait3A_91] : memref<4x128x16xf32, #tpu.memory_space<vmem>> -> memref<1x128x16xf32, #tpu.memory_space<vmem>>
    %dma_wait3A_93 = tpu.memref_squeeze %dma_wait3A_92 : memref<1x128x16xf32, #tpu.memory_space<vmem>> -> memref<128x16xf32, #tpu.memory_space<vmem>>
    %dma_wait3A_94 = arith.constant 0 : i32
    %dma_wait3A_95 = tpu.memref_slice %arg8[%dma_wait3A_89, %dma_wait3A_94] : memref<40x128xi32, #tpu.memory_space<vmem>> -> memref<1x128xi32, #tpu.memory_space<vmem>>
    %dma_wait3A_96 = tpu.memref_squeeze %dma_wait3A_95 : memref<1x128xi32, #tpu.memory_space<vmem>> -> memref<128xi32, #tpu.memory_space<vmem>>
    %dma_wait3A_97 = arith.constant 0 : i32
    %dma_wait3A_98 = arith.constant 0 : i32
    %dma_wait3A_99 = tpu.memref_slice %arg10[%dma_wait3A_97, %dma_wait3A_98] : memref<10112x16xf32, #tpu.memory_space<vmem_shared>> -> memref<10112x16xf32, #tpu.memory_space<vmem_shared>>
    tpu.wait_indirect_dma semaphore(%arg15 : memref<!tpu.dma_semaphore, #tpu.memory_space<semaphore_mem>>) src(%dma_wait3A_93 : memref<128x16xf32, #tpu.memory_space<vmem>>) dst(%dma_wait3A_99 : memref<10112x16xf32, #tpu.memory_space<vmem_shared>>)
    %dma_wait3A_100 = arith.constant 1 : i32
    %dma_wait3A_101 = arith.constant 37 : i32
    %dma_wait3A_102 = arith.constant 0 : i32
    %dma_wait3A_103 = arith.constant 0 : i32
    %dma_wait3A_104 = tpu.memref_slice %arg9[%dma_wait3A_100, %dma_wait3A_102, %dma_wait3A_103] : memref<4x128x16xf32, #tpu.memory_space<vmem>> -> memref<1x128x16xf32, #tpu.memory_space<vmem>>
    %dma_wait3A_105 = tpu.memref_squeeze %dma_wait3A_104 : memref<1x128x16xf32, #tpu.memory_space<vmem>> -> memref<128x16xf32, #tpu.memory_space<vmem>>
    %dma_wait3A_106 = arith.constant 0 : i32
    %dma_wait3A_107 = tpu.memref_slice %arg8[%dma_wait3A_101, %dma_wait3A_106] : memref<40x128xi32, #tpu.memory_space<vmem>> -> memref<1x128xi32, #tpu.memory_space<vmem>>
    %dma_wait3A_108 = tpu.memref_squeeze %dma_wait3A_107 : memref<1x128xi32, #tpu.memory_space<vmem>> -> memref<128xi32, #tpu.memory_space<vmem>>
    %dma_wait3A_109 = arith.constant 0 : i32
    %dma_wait3A_110 = arith.constant 0 : i32
    %dma_wait3A_111 = tpu.memref_slice %arg10[%dma_wait3A_109, %dma_wait3A_110] : memref<10112x16xf32, #tpu.memory_space<vmem_shared>> -> memref<10112x16xf32, #tpu.memory_space<vmem_shared>>
    tpu.wait_indirect_dma semaphore(%arg16 : memref<!tpu.dma_semaphore, #tpu.memory_space<semaphore_mem>>) src(%dma_wait3A_105 : memref<128x16xf32, #tpu.memory_space<vmem>>) dst(%dma_wait3A_111 : memref<10112x16xf32, #tpu.memory_space<vmem_shared>>)
    %dma_wait3A_112 = arith.constant 2 : i32
    %dma_wait3A_113 = arith.constant 38 : i32
    %dma_wait3A_114 = arith.constant 0 : i32
    %dma_wait3A_115 = arith.constant 0 : i32
    %dma_wait3A_116 = tpu.memref_slice %arg9[%dma_wait3A_112, %dma_wait3A_114, %dma_wait3A_115] : memref<4x128x16xf32, #tpu.memory_space<vmem>> -> memref<1x128x16xf32, #tpu.memory_space<vmem>>
    %dma_wait3A_117 = tpu.memref_squeeze %dma_wait3A_116 : memref<1x128x16xf32, #tpu.memory_space<vmem>> -> memref<128x16xf32, #tpu.memory_space<vmem>>
    %dma_wait3A_118 = arith.constant 0 : i32
    %dma_wait3A_119 = tpu.memref_slice %arg8[%dma_wait3A_113, %dma_wait3A_118] : memref<40x128xi32, #tpu.memory_space<vmem>> -> memref<1x128xi32, #tpu.memory_space<vmem>>
    %dma_wait3A_120 = tpu.memref_squeeze %dma_wait3A_119 : memref<1x128xi32, #tpu.memory_space<vmem>> -> memref<128xi32, #tpu.memory_space<vmem>>
    %dma_wait3A_121 = arith.constant 0 : i32
    %dma_wait3A_122 = arith.constant 0 : i32
    %dma_wait3A_123 = tpu.memref_slice %arg10[%dma_wait3A_121, %dma_wait3A_122] : memref<10112x16xf32, #tpu.memory_space<vmem_shared>> -> memref<10112x16xf32, #tpu.memory_space<vmem_shared>>
    tpu.wait_indirect_dma semaphore(%arg17 : memref<!tpu.dma_semaphore, #tpu.memory_space<semaphore_mem>>) src(%dma_wait3A_117 : memref<128x16xf32, #tpu.memory_space<vmem>>) dst(%dma_wait3A_123 : memref<10112x16xf32, #tpu.memory_space<vmem_shared>>)
    %dma_wait3A_124 = arith.constant 3 : i32
    %dma_wait3A_125 = arith.constant 39 : i32
    %dma_wait3A_126 = arith.constant 0 : i32
    %dma_wait3A_127 = arith.constant 0 : i32
    %dma_wait3A_128 = tpu.memref_slice %arg9[%dma_wait3A_124, %dma_wait3A_126, %dma_wait3A_127] : memref<4x128x16xf32, #tpu.memory_space<vmem>> -> memref<1x128x16xf32, #tpu.memory_space<vmem>>
    %dma_wait3A_129 = tpu.memref_squeeze %dma_wait3A_128 : memref<1x128x16xf32, #tpu.memory_space<vmem>> -> memref<128x16xf32, #tpu.memory_space<vmem>>
    %dma_wait3A_130 = arith.constant 0 : i32
    %dma_wait3A_131 = tpu.memref_slice %arg8[%dma_wait3A_125, %dma_wait3A_130] : memref<40x128xi32, #tpu.memory_space<vmem>> -> memref<1x128xi32, #tpu.memory_space<vmem>>
    %dma_wait3A_132 = tpu.memref_squeeze %dma_wait3A_131 : memref<1x128xi32, #tpu.memory_space<vmem>> -> memref<128xi32, #tpu.memory_space<vmem>>
    %dma_wait3A_133 = arith.constant 0 : i32
    %dma_wait3A_134 = arith.constant 0 : i32
    %dma_wait3A_135 = tpu.memref_slice %arg10[%dma_wait3A_133, %dma_wait3A_134] : memref<10112x16xf32, #tpu.memory_space<vmem_shared>> -> memref<10112x16xf32, #tpu.memory_space<vmem_shared>>
    tpu.wait_indirect_dma semaphore(%arg18 : memref<!tpu.dma_semaphore, #tpu.memory_space<semaphore_mem>>) src(%dma_wait3A_129 : memref<128x16xf32, #tpu.memory_space<vmem>>) dst(%dma_wait3A_135 : memref<10112x16xf32, #tpu.memory_space<vmem_shared>>)
    %barrier3A_136 = arith.constant 0 : index
    tpu.barrier barrier_id(%barrier3A_136)
    "tpu.region"() ({
      %run_scoped3A_137 = tpu.sem_alloc : memref<!tpu.dma_semaphore, #tpu.memory_space<semaphore_mem>>
      %dma_start3A_138 = arith.constant 0 : i32
      %dma_start3A_139 = tpu.memref_slice %arg6[%arg0, %mul3A_17, %dma_start3A_138] : memref<2x10112x16xf32, #tpu.memory_space<hbm>> -> memref<1x632x16xf32, #tpu.memory_space<hbm>>
      %dma_start3A_140 = tpu.memref_squeeze %dma_start3A_139 : memref<1x632x16xf32, #tpu.memory_space<hbm>> -> memref<632x16xf32, #tpu.memory_space<hbm>>
      %dma_start3A_141 = arith.constant 0 : i32
      %dma_start3A_142 = tpu.memref_slice %arg10[%mul3A_17, %dma_start3A_141] : memref<10112x16xf32, #tpu.memory_space<vmem_shared>> -> memref<632x16xf32, #tpu.memory_space<vmem_shared>>
      tpu.enqueue_dma source(%dma_start3A_142 : memref<632x16xf32, #tpu.memory_space<vmem_shared>>) target(%dma_start3A_140 : memref<632x16xf32, #tpu.memory_space<hbm>>) target_semaphore(%run_scoped3A_137 : memref<!tpu.dma_semaphore, #tpu.memory_space<semaphore_mem>>)
      %dma_wait3A_143 = arith.constant 0 : i32
      %dma_wait3A_144 = tpu.memref_slice %arg6[%arg0, %mul3A_17, %dma_wait3A_143] : memref<2x10112x16xf32, #tpu.memory_space<hbm>> -> memref<1x632x16xf32, #tpu.memory_space<hbm>>
      %dma_wait3A_145 = tpu.memref_squeeze %dma_wait3A_144 : memref<1x632x16xf32, #tpu.memory_space<hbm>> -> memref<632x16xf32, #tpu.memory_space<hbm>>
      %dma_wait3A_146 = arith.constant 0 : i32
      %dma_wait3A_147 = tpu.memref_slice %arg10[%mul3A_17, %dma_wait3A_146] : memref<10112x16xf32, #tpu.memory_space<vmem_shared>> -> memref<632x16xf32, #tpu.memory_space<vmem_shared>>
      tpu.wait_dma2 semaphore(%run_scoped3A_137 : memref<!tpu.dma_semaphore, #tpu.memory_space<semaphore_mem>>) src(%dma_wait3A_147 : memref<632x16xf32, #tpu.memory_space<vmem_shared>>) dst(%dma_wait3A_145 : memref<632x16xf32, #tpu.memory_space<hbm>>)
      tpu.yield
    }) : () -> ()
    return
  }
}

#map = affine_map<(d0, d1) -> (0, 0)>
#map1 = affine_map<(d0, d1) -> (0, 0, 0)>
module attributes {stable_mosaic.version = 14 : i64} {
  func.func @agg(%arg0: i32, %arg1: i32, %arg2: memref<10000x64xf32, #tpu.memory_space<hbm>>, %arg3: memref<32x40x128xi32, #tpu.memory_space<hbm>>, %arg4: memref<32x40x128xi32, #tpu.memory_space<hbm>>, %arg5: memref<128x64xf32, #tpu.memory_space<hbm>>, %arg6: memref<2x10112x64xf32, #tpu.memory_space<hbm>>, %arg7: memref<40x128xi32, #tpu.memory_space<vmem>>, %arg8: memref<40x128xi32, #tpu.memory_space<vmem>>, %arg9: memref<4x128x64xf32, #tpu.memory_space<vmem>>, %arg10: memref<10112x64xf32, #tpu.memory_space<vmem_shared>>, %arg11: memref<!tpu.dma_semaphore, #tpu.memory_space<semaphore_mem>>, %arg12: memref<!tpu.dma_semaphore, #tpu.memory_space<semaphore_mem>>, %arg13: memref<!tpu.dma_semaphore, #tpu.memory_space<semaphore_mem>>, %arg14: memref<!tpu.dma_semaphore, #tpu.memory_space<semaphore_mem>>, %arg15: memref<!tpu.dma_semaphore, #tpu.memory_space<semaphore_mem>>, %arg16: memref<!tpu.dma_semaphore, #tpu.memory_space<semaphore_mem>>, %arg17: memref<!tpu.dma_semaphore, #tpu.memory_space<semaphore_mem>>, %arg18: memref<!tpu.dma_semaphore, #tpu.memory_space<semaphore_mem>>) attributes {dimension_semantics = [#tpu.dimension_semantics<core_parallel>, #tpu.dimension_semantics<subcore_parallel>], iteration_bounds = array<i64: 2, 16>, scalar_prefetch = 0 : i64, scratch_operands = 12 : i64, tpu.core_type = #tpu.core_type<sc_vector_subcore>, window_params = [{transform_indices = #map}, {transform_indices = #map1}, {transform_indices = #map1}, {transform_indices = #map}, {transform_indices = #map1}]} {
    %mul3A = arith.constant 16 : i32
    %mul3A_0 = arith.muli %arg0, %mul3A : i32
    %add3A = arith.addi %mul3A_0, %arg1 : i32
    %dma_start3A = arith.constant 0 : i32
    %dma_start3A_1 = arith.constant 0 : i32
    %dma_start3A_2 = tpu.memref_slice %arg3[%add3A, %dma_start3A, %dma_start3A_1] : memref<32x40x128xi32, #tpu.memory_space<hbm>> -> memref<1x40x128xi32, #tpu.memory_space<hbm>>
    %dma_start3A_3 = tpu.memref_squeeze %dma_start3A_2 : memref<1x40x128xi32, #tpu.memory_space<hbm>> -> memref<40x128xi32, #tpu.memory_space<hbm>>
    %dma_start3A_4 = arith.constant 0 : i32
    %dma_start3A_5 = arith.constant 0 : i32
    %dma_start3A_6 = tpu.memref_slice %arg3[%add3A, %dma_start3A_4, %dma_start3A_5] : memref<32x40x128xi32, #tpu.memory_space<hbm>> -> memref<1x40x128xi32, #tpu.memory_space<hbm>>
    %dma_start3A_7 = tpu.memref_squeeze %dma_start3A_6 : memref<1x40x128xi32, #tpu.memory_space<hbm>> -> memref<40x128xi32, #tpu.memory_space<hbm>>
    tpu.enqueue_dma source(%dma_start3A_7 : memref<40x128xi32, #tpu.memory_space<hbm>>) target(%arg7 : memref<40x128xi32, #tpu.memory_space<vmem>>) target_semaphore(%arg11 : memref<!tpu.dma_semaphore, #tpu.memory_space<semaphore_mem>>)
    %dma_start3A_8 = arith.constant 0 : i32
    %dma_start3A_9 = arith.constant 0 : i32
    %dma_start3A_10 = tpu.memref_slice %arg4[%add3A, %dma_start3A_8, %dma_start3A_9] : memref<32x40x128xi32, #tpu.memory_space<hbm>> -> memref<1x40x128xi32, #tpu.memory_space<hbm>>
    %dma_start3A_11 = tpu.memref_squeeze %dma_start3A_10 : memref<1x40x128xi32, #tpu.memory_space<hbm>> -> memref<40x128xi32, #tpu.memory_space<hbm>>
    %dma_start3A_12 = arith.constant 0 : i32
    %dma_start3A_13 = arith.constant 0 : i32
    %dma_start3A_14 = tpu.memref_slice %arg4[%add3A, %dma_start3A_12, %dma_start3A_13] : memref<32x40x128xi32, #tpu.memory_space<hbm>> -> memref<1x40x128xi32, #tpu.memory_space<hbm>>
    %dma_start3A_15 = tpu.memref_squeeze %dma_start3A_14 : memref<1x40x128xi32, #tpu.memory_space<hbm>> -> memref<40x128xi32, #tpu.memory_space<hbm>>
    tpu.enqueue_dma source(%dma_start3A_15 : memref<40x128xi32, #tpu.memory_space<hbm>>) target(%arg8 : memref<40x128xi32, #tpu.memory_space<vmem>>) target_semaphore(%arg11 : memref<!tpu.dma_semaphore, #tpu.memory_space<semaphore_mem>>)
    %run_scoped3A = arith.constant 0 : i32
    "tpu.region"() ({
      %run_scoped3A_137 = tpu.sem_alloc : memref<!tpu.dma_semaphore, #tpu.memory_space<semaphore_mem>>
      %dma_start3A_138 = arith.constant 0 : i32
      %dma_start3A_139 = arith.constant 0 : i32
      %dma_start3A_140 = tpu.memref_slice %arg9[%run_scoped3A, %dma_start3A_138, %dma_start3A_139] : memref<4x128x64xf32, #tpu.memory_space<vmem>> -> memref<1x128x64xf32, #tpu.memory_space<vmem>>
      %dma_start3A_141 = tpu.memref_squeeze %dma_start3A_140 : memref<1x128x64xf32, #tpu.memory_space<vmem>> -> memref<128x64xf32, #tpu.memory_space<vmem>>
      %dma_start3A_142 = arith.constant 0 : i32
      %dma_start3A_143 = arith.constant 0 : i32
      %dma_start3A_144 = tpu.memref_slice %arg9[%run_scoped3A, %dma_start3A_142, %dma_start3A_143] : memref<4x128x64xf32, #tpu.memory_space<vmem>> -> memref<1x128x64xf32, #tpu.memory_space<vmem>>
      %dma_start3A_145 = tpu.memref_squeeze %dma_start3A_144 : memref<1x128x64xf32, #tpu.memory_space<vmem>> -> memref<128x64xf32, #tpu.memory_space<vmem>>
      tpu.enqueue_dma source(%arg5 : memref<128x64xf32, #tpu.memory_space<hbm>>) target(%dma_start3A_145 : memref<128x64xf32, #tpu.memory_space<vmem>>) target_semaphore(%run_scoped3A_137 : memref<!tpu.dma_semaphore, #tpu.memory_space<semaphore_mem>>)
      %dma_wait3A_146 = arith.constant 0 : i32
      %dma_wait3A_147 = arith.constant 0 : i32
      %dma_wait3A_148 = tpu.memref_slice %arg9[%run_scoped3A, %dma_wait3A_146, %dma_wait3A_147] : memref<4x128x64xf32, #tpu.memory_space<vmem>> -> memref<1x128x64xf32, #tpu.memory_space<vmem>>
      %dma_wait3A_149 = tpu.memref_squeeze %dma_wait3A_148 : memref<1x128x64xf32, #tpu.memory_space<vmem>> -> memref<128x64xf32, #tpu.memory_space<vmem>>
      %dma_wait3A_150 = arith.constant 0 : i32
      %dma_wait3A_151 = arith.constant 0 : i32
      %dma_wait3A_152 = tpu.memref_slice %arg9[%run_scoped3A, %dma_wait3A_150, %dma_wait3A_151] : memref<4x128x64xf32, #tpu.memory_space<vmem>> -> memref<1x128x64xf32, #tpu.memory_space<vmem>>
      %dma_wait3A_153 = tpu.memref_squeeze %dma_wait3A_152 : memref<1x128x64xf32, #tpu.memory_space<vmem>> -> memref<128x64xf32, #tpu.memory_space<vmem>>
      tpu.wait_dma2 semaphore(%run_scoped3A_137 : memref<!tpu.dma_semaphore, #tpu.memory_space<semaphore_mem>>) src(%arg5 : memref<128x64xf32, #tpu.memory_space<hbm>>) dst(%dma_wait3A_153 : memref<128x64xf32, #tpu.memory_space<vmem>>)
      tpu.yield
    }) : () -> ()
    %mul3A_16 = arith.constant 632 : i32
    %mul3A_17 = arith.muli %arg1, %mul3A_16 : i32
    %add3A_18 = arith.constant 0 : i32
    %add3A_19 = arith.addi %mul3A_17, %add3A_18 : i32
    %run_scoped3A_20 = arith.constant 0 : i32
    "tpu.region"() ({
      %run_scoped3A_137 = tpu.sem_alloc : memref<!tpu.dma_semaphore, #tpu.memory_space<semaphore_mem>>
      %dma_start3A_138 = arith.constant 0 : i32
      %dma_start3A_139 = arith.constant 0 : i32
      %dma_start3A_140 = tpu.memref_slice %arg9[%run_scoped3A_20, %dma_start3A_138, %dma_start3A_139] : memref<4x128x64xf32, #tpu.memory_space<vmem>> -> memref<1x128x64xf32, #tpu.memory_space<vmem>>
      %dma_start3A_141 = tpu.memref_squeeze %dma_start3A_140 : memref<1x128x64xf32, #tpu.memory_space<vmem>> -> memref<128x64xf32, #tpu.memory_space<vmem>>
      %dma_start3A_142 = arith.constant 0 : i32
      %dma_start3A_143 = tpu.memref_slice %arg10[%add3A_19, %dma_start3A_142] : memref<10112x64xf32, #tpu.memory_space<vmem_shared>> -> memref<128x64xf32, #tpu.memory_space<vmem_shared>>
      %dma_start3A_144 = arith.constant 0 : i32
      %dma_start3A_145 = tpu.memref_slice %arg10[%add3A_19, %dma_start3A_144] : memref<10112x64xf32, #tpu.memory_space<vmem_shared>> -> memref<128x64xf32, #tpu.memory_space<vmem_shared>>
      %dma_start3A_146 = arith.constant 0 : i32
      %dma_start3A_147 = arith.constant 0 : i32
      %dma_start3A_148 = tpu.memref_slice %arg9[%run_scoped3A_20, %dma_start3A_146, %dma_start3A_147] : memref<4x128x64xf32, #tpu.memory_space<vmem>> -> memref<1x128x64xf32, #tpu.memory_space<vmem>>
      %dma_start3A_149 = tpu.memref_squeeze %dma_start3A_148 : memref<1x128x64xf32, #tpu.memory_space<vmem>> -> memref<128x64xf32, #tpu.memory_space<vmem>>
      tpu.enqueue_dma source(%dma_start3A_149 : memref<128x64xf32, #tpu.memory_space<vmem>>) target(%dma_start3A_145 : memref<128x64xf32, #tpu.memory_space<vmem_shared>>) target_semaphore(%run_scoped3A_137 : memref<!tpu.dma_semaphore, #tpu.memory_space<semaphore_mem>>)
      %dma_wait3A_150 = arith.constant 0 : i32
      %dma_wait3A_151 = arith.constant 0 : i32
      %dma_wait3A_152 = tpu.memref_slice %arg9[%run_scoped3A_20, %dma_wait3A_150, %dma_wait3A_151] : memref<4x128x64xf32, #tpu.memory_space<vmem>> -> memref<1x128x64xf32, #tpu.memory_space<vmem>>
      %dma_wait3A_153 = tpu.memref_squeeze %dma_wait3A_152 : memref<1x128x64xf32, #tpu.memory_space<vmem>> -> memref<128x64xf32, #tpu.memory_space<vmem>>
      %dma_wait3A_154 = arith.constant 0 : i32
      %dma_wait3A_155 = tpu.memref_slice %arg10[%add3A_19, %dma_wait3A_154] : memref<10112x64xf32, #tpu.memory_space<vmem_shared>> -> memref<128x64xf32, #tpu.memory_space<vmem_shared>>
      %dma_wait3A_156 = arith.constant 0 : i32
      %dma_wait3A_157 = tpu.memref_slice %arg10[%add3A_19, %dma_wait3A_156] : memref<10112x64xf32, #tpu.memory_space<vmem_shared>> -> memref<128x64xf32, #tpu.memory_space<vmem_shared>>
      %dma_wait3A_158 = arith.constant 0 : i32
      %dma_wait3A_159 = arith.constant 0 : i32
      %dma_wait3A_160 = tpu.memref_slice %arg9[%run_scoped3A_20, %dma_wait3A_158, %dma_wait3A_159] : memref<4x128x64xf32, #tpu.memory_space<vmem>> -> memref<1x128x64xf32, #tpu.memory_space<vmem>>
      %dma_wait3A_161 = tpu.memref_squeeze %dma_wait3A_160 : memref<1x128x64xf32, #tpu.memory_space<vmem>> -> memref<128x64xf32, #tpu.memory_space<vmem>>
      tpu.wait_dma2 semaphore(%run_scoped3A_137 : memref<!tpu.dma_semaphore, #tpu.memory_space<semaphore_mem>>) src(%dma_wait3A_161 : memref<128x64xf32, #tpu.memory_space<vmem>>) dst(%dma_wait3A_157 : memref<128x64xf32, #tpu.memory_space<vmem_shared>>)
      tpu.yield
    }) : () -> ()
    %add3A_21 = arith.constant 128 : i32
    %add3A_22 = arith.addi %mul3A_17, %add3A_21 : i32
    %run_scoped3A_23 = arith.constant 0 : i32
    "tpu.region"() ({
      %run_scoped3A_137 = tpu.sem_alloc : memref<!tpu.dma_semaphore, #tpu.memory_space<semaphore_mem>>
      %dma_start3A_138 = arith.constant 0 : i32
      %dma_start3A_139 = arith.constant 0 : i32
      %dma_start3A_140 = tpu.memref_slice %arg9[%run_scoped3A_23, %dma_start3A_138, %dma_start3A_139] : memref<4x128x64xf32, #tpu.memory_space<vmem>> -> memref<1x128x64xf32, #tpu.memory_space<vmem>>
      %dma_start3A_141 = tpu.memref_squeeze %dma_start3A_140 : memref<1x128x64xf32, #tpu.memory_space<vmem>> -> memref<128x64xf32, #tpu.memory_space<vmem>>
      %dma_start3A_142 = arith.constant 0 : i32
      %dma_start3A_143 = tpu.memref_slice %arg10[%add3A_22, %dma_start3A_142] : memref<10112x64xf32, #tpu.memory_space<vmem_shared>> -> memref<128x64xf32, #tpu.memory_space<vmem_shared>>
      %dma_start3A_144 = arith.constant 0 : i32
      %dma_start3A_145 = tpu.memref_slice %arg10[%add3A_22, %dma_start3A_144] : memref<10112x64xf32, #tpu.memory_space<vmem_shared>> -> memref<128x64xf32, #tpu.memory_space<vmem_shared>>
      %dma_start3A_146 = arith.constant 0 : i32
      %dma_start3A_147 = arith.constant 0 : i32
      %dma_start3A_148 = tpu.memref_slice %arg9[%run_scoped3A_23, %dma_start3A_146, %dma_start3A_147] : memref<4x128x64xf32, #tpu.memory_space<vmem>> -> memref<1x128x64xf32, #tpu.memory_space<vmem>>
      %dma_start3A_149 = tpu.memref_squeeze %dma_start3A_148 : memref<1x128x64xf32, #tpu.memory_space<vmem>> -> memref<128x64xf32, #tpu.memory_space<vmem>>
      tpu.enqueue_dma source(%dma_start3A_149 : memref<128x64xf32, #tpu.memory_space<vmem>>) target(%dma_start3A_145 : memref<128x64xf32, #tpu.memory_space<vmem_shared>>) target_semaphore(%run_scoped3A_137 : memref<!tpu.dma_semaphore, #tpu.memory_space<semaphore_mem>>)
      %dma_wait3A_150 = arith.constant 0 : i32
      %dma_wait3A_151 = arith.constant 0 : i32
      %dma_wait3A_152 = tpu.memref_slice %arg9[%run_scoped3A_23, %dma_wait3A_150, %dma_wait3A_151] : memref<4x128x64xf32, #tpu.memory_space<vmem>> -> memref<1x128x64xf32, #tpu.memory_space<vmem>>
      %dma_wait3A_153 = tpu.memref_squeeze %dma_wait3A_152 : memref<1x128x64xf32, #tpu.memory_space<vmem>> -> memref<128x64xf32, #tpu.memory_space<vmem>>
      %dma_wait3A_154 = arith.constant 0 : i32
      %dma_wait3A_155 = tpu.memref_slice %arg10[%add3A_22, %dma_wait3A_154] : memref<10112x64xf32, #tpu.memory_space<vmem_shared>> -> memref<128x64xf32, #tpu.memory_space<vmem_shared>>
      %dma_wait3A_156 = arith.constant 0 : i32
      %dma_wait3A_157 = tpu.memref_slice %arg10[%add3A_22, %dma_wait3A_156] : memref<10112x64xf32, #tpu.memory_space<vmem_shared>> -> memref<128x64xf32, #tpu.memory_space<vmem_shared>>
      %dma_wait3A_158 = arith.constant 0 : i32
      %dma_wait3A_159 = arith.constant 0 : i32
      %dma_wait3A_160 = tpu.memref_slice %arg9[%run_scoped3A_23, %dma_wait3A_158, %dma_wait3A_159] : memref<4x128x64xf32, #tpu.memory_space<vmem>> -> memref<1x128x64xf32, #tpu.memory_space<vmem>>
      %dma_wait3A_161 = tpu.memref_squeeze %dma_wait3A_160 : memref<1x128x64xf32, #tpu.memory_space<vmem>> -> memref<128x64xf32, #tpu.memory_space<vmem>>
      tpu.wait_dma2 semaphore(%run_scoped3A_137 : memref<!tpu.dma_semaphore, #tpu.memory_space<semaphore_mem>>) src(%dma_wait3A_161 : memref<128x64xf32, #tpu.memory_space<vmem>>) dst(%dma_wait3A_157 : memref<128x64xf32, #tpu.memory_space<vmem_shared>>)
      tpu.yield
    }) : () -> ()
    %add3A_24 = arith.constant 256 : i32
    %add3A_25 = arith.addi %mul3A_17, %add3A_24 : i32
    %run_scoped3A_26 = arith.constant 0 : i32
    "tpu.region"() ({
      %run_scoped3A_137 = tpu.sem_alloc : memref<!tpu.dma_semaphore, #tpu.memory_space<semaphore_mem>>
      %dma_start3A_138 = arith.constant 0 : i32
      %dma_start3A_139 = arith.constant 0 : i32
      %dma_start3A_140 = tpu.memref_slice %arg9[%run_scoped3A_26, %dma_start3A_138, %dma_start3A_139] : memref<4x128x64xf32, #tpu.memory_space<vmem>> -> memref<1x128x64xf32, #tpu.memory_space<vmem>>
      %dma_start3A_141 = tpu.memref_squeeze %dma_start3A_140 : memref<1x128x64xf32, #tpu.memory_space<vmem>> -> memref<128x64xf32, #tpu.memory_space<vmem>>
      %dma_start3A_142 = arith.constant 0 : i32
      %dma_start3A_143 = tpu.memref_slice %arg10[%add3A_25, %dma_start3A_142] : memref<10112x64xf32, #tpu.memory_space<vmem_shared>> -> memref<128x64xf32, #tpu.memory_space<vmem_shared>>
      %dma_start3A_144 = arith.constant 0 : i32
      %dma_start3A_145 = tpu.memref_slice %arg10[%add3A_25, %dma_start3A_144] : memref<10112x64xf32, #tpu.memory_space<vmem_shared>> -> memref<128x64xf32, #tpu.memory_space<vmem_shared>>
      %dma_start3A_146 = arith.constant 0 : i32
      %dma_start3A_147 = arith.constant 0 : i32
      %dma_start3A_148 = tpu.memref_slice %arg9[%run_scoped3A_26, %dma_start3A_146, %dma_start3A_147] : memref<4x128x64xf32, #tpu.memory_space<vmem>> -> memref<1x128x64xf32, #tpu.memory_space<vmem>>
      %dma_start3A_149 = tpu.memref_squeeze %dma_start3A_148 : memref<1x128x64xf32, #tpu.memory_space<vmem>> -> memref<128x64xf32, #tpu.memory_space<vmem>>
      tpu.enqueue_dma source(%dma_start3A_149 : memref<128x64xf32, #tpu.memory_space<vmem>>) target(%dma_start3A_145 : memref<128x64xf32, #tpu.memory_space<vmem_shared>>) target_semaphore(%run_scoped3A_137 : memref<!tpu.dma_semaphore, #tpu.memory_space<semaphore_mem>>)
      %dma_wait3A_150 = arith.constant 0 : i32
      %dma_wait3A_151 = arith.constant 0 : i32
      %dma_wait3A_152 = tpu.memref_slice %arg9[%run_scoped3A_26, %dma_wait3A_150, %dma_wait3A_151] : memref<4x128x64xf32, #tpu.memory_space<vmem>> -> memref<1x128x64xf32, #tpu.memory_space<vmem>>
      %dma_wait3A_153 = tpu.memref_squeeze %dma_wait3A_152 : memref<1x128x64xf32, #tpu.memory_space<vmem>> -> memref<128x64xf32, #tpu.memory_space<vmem>>
      %dma_wait3A_154 = arith.constant 0 : i32
      %dma_wait3A_155 = tpu.memref_slice %arg10[%add3A_25, %dma_wait3A_154] : memref<10112x64xf32, #tpu.memory_space<vmem_shared>> -> memref<128x64xf32, #tpu.memory_space<vmem_shared>>
      %dma_wait3A_156 = arith.constant 0 : i32
      %dma_wait3A_157 = tpu.memref_slice %arg10[%add3A_25, %dma_wait3A_156] : memref<10112x64xf32, #tpu.memory_space<vmem_shared>> -> memref<128x64xf32, #tpu.memory_space<vmem_shared>>
      %dma_wait3A_158 = arith.constant 0 : i32
      %dma_wait3A_159 = arith.constant 0 : i32
      %dma_wait3A_160 = tpu.memref_slice %arg9[%run_scoped3A_26, %dma_wait3A_158, %dma_wait3A_159] : memref<4x128x64xf32, #tpu.memory_space<vmem>> -> memref<1x128x64xf32, #tpu.memory_space<vmem>>
      %dma_wait3A_161 = tpu.memref_squeeze %dma_wait3A_160 : memref<1x128x64xf32, #tpu.memory_space<vmem>> -> memref<128x64xf32, #tpu.memory_space<vmem>>
      tpu.wait_dma2 semaphore(%run_scoped3A_137 : memref<!tpu.dma_semaphore, #tpu.memory_space<semaphore_mem>>) src(%dma_wait3A_161 : memref<128x64xf32, #tpu.memory_space<vmem>>) dst(%dma_wait3A_157 : memref<128x64xf32, #tpu.memory_space<vmem_shared>>)
      tpu.yield
    }) : () -> ()
    %add3A_27 = arith.constant 384 : i32
    %add3A_28 = arith.addi %mul3A_17, %add3A_27 : i32
    %run_scoped3A_29 = arith.constant 0 : i32
    "tpu.region"() ({
      %run_scoped3A_137 = tpu.sem_alloc : memref<!tpu.dma_semaphore, #tpu.memory_space<semaphore_mem>>
      %dma_start3A_138 = arith.constant 0 : i32
      %dma_start3A_139 = arith.constant 0 : i32
      %dma_start3A_140 = tpu.memref_slice %arg9[%run_scoped3A_29, %dma_start3A_138, %dma_start3A_139] : memref<4x128x64xf32, #tpu.memory_space<vmem>> -> memref<1x128x64xf32, #tpu.memory_space<vmem>>
      %dma_start3A_141 = tpu.memref_squeeze %dma_start3A_140 : memref<1x128x64xf32, #tpu.memory_space<vmem>> -> memref<128x64xf32, #tpu.memory_space<vmem>>
      %dma_start3A_142 = arith.constant 0 : i32
      %dma_start3A_143 = tpu.memref_slice %arg10[%add3A_28, %dma_start3A_142] : memref<10112x64xf32, #tpu.memory_space<vmem_shared>> -> memref<128x64xf32, #tpu.memory_space<vmem_shared>>
      %dma_start3A_144 = arith.constant 0 : i32
      %dma_start3A_145 = tpu.memref_slice %arg10[%add3A_28, %dma_start3A_144] : memref<10112x64xf32, #tpu.memory_space<vmem_shared>> -> memref<128x64xf32, #tpu.memory_space<vmem_shared>>
      %dma_start3A_146 = arith.constant 0 : i32
      %dma_start3A_147 = arith.constant 0 : i32
      %dma_start3A_148 = tpu.memref_slice %arg9[%run_scoped3A_29, %dma_start3A_146, %dma_start3A_147] : memref<4x128x64xf32, #tpu.memory_space<vmem>> -> memref<1x128x64xf32, #tpu.memory_space<vmem>>
      %dma_start3A_149 = tpu.memref_squeeze %dma_start3A_148 : memref<1x128x64xf32, #tpu.memory_space<vmem>> -> memref<128x64xf32, #tpu.memory_space<vmem>>
      tpu.enqueue_dma source(%dma_start3A_149 : memref<128x64xf32, #tpu.memory_space<vmem>>) target(%dma_start3A_145 : memref<128x64xf32, #tpu.memory_space<vmem_shared>>) target_semaphore(%run_scoped3A_137 : memref<!tpu.dma_semaphore, #tpu.memory_space<semaphore_mem>>)
      %dma_wait3A_150 = arith.constant 0 : i32
      %dma_wait3A_151 = arith.constant 0 : i32
      %dma_wait3A_152 = tpu.memref_slice %arg9[%run_scoped3A_29, %dma_wait3A_150, %dma_wait3A_151] : memref<4x128x64xf32, #tpu.memory_space<vmem>> -> memref<1x128x64xf32, #tpu.memory_space<vmem>>
      %dma_wait3A_153 = tpu.memref_squeeze %dma_wait3A_152 : memref<1x128x64xf32, #tpu.memory_space<vmem>> -> memref<128x64xf32, #tpu.memory_space<vmem>>
      %dma_wait3A_154 = arith.constant 0 : i32
      %dma_wait3A_155 = tpu.memref_slice %arg10[%add3A_28, %dma_wait3A_154] : memref<10112x64xf32, #tpu.memory_space<vmem_shared>> -> memref<128x64xf32, #tpu.memory_space<vmem_shared>>
      %dma_wait3A_156 = arith.constant 0 : i32
      %dma_wait3A_157 = tpu.memref_slice %arg10[%add3A_28, %dma_wait3A_156] : memref<10112x64xf32, #tpu.memory_space<vmem_shared>> -> memref<128x64xf32, #tpu.memory_space<vmem_shared>>
      %dma_wait3A_158 = arith.constant 0 : i32
      %dma_wait3A_159 = arith.constant 0 : i32
      %dma_wait3A_160 = tpu.memref_slice %arg9[%run_scoped3A_29, %dma_wait3A_158, %dma_wait3A_159] : memref<4x128x64xf32, #tpu.memory_space<vmem>> -> memref<1x128x64xf32, #tpu.memory_space<vmem>>
      %dma_wait3A_161 = tpu.memref_squeeze %dma_wait3A_160 : memref<1x128x64xf32, #tpu.memory_space<vmem>> -> memref<128x64xf32, #tpu.memory_space<vmem>>
      tpu.wait_dma2 semaphore(%run_scoped3A_137 : memref<!tpu.dma_semaphore, #tpu.memory_space<semaphore_mem>>) src(%dma_wait3A_161 : memref<128x64xf32, #tpu.memory_space<vmem>>) dst(%dma_wait3A_157 : memref<128x64xf32, #tpu.memory_space<vmem_shared>>)
      tpu.yield
    }) : () -> ()
    %add3A_30 = arith.constant 512 : i32
    %add3A_31 = arith.addi %mul3A_17, %add3A_30 : i32
    %run_scoped3A_32 = arith.constant 0 : i32
    "tpu.region"() ({
      %run_scoped3A_137 = tpu.sem_alloc : memref<!tpu.dma_semaphore, #tpu.memory_space<semaphore_mem>>
      %dma_start3A_138 = arith.constant 0 : i32
      %dma_start3A_139 = arith.constant 0 : i32
      %dma_start3A_140 = tpu.memref_slice %arg9[%run_scoped3A_32, %dma_start3A_138, %dma_start3A_139] : memref<4x128x64xf32, #tpu.memory_space<vmem>> -> memref<1x128x64xf32, #tpu.memory_space<vmem>>
      %dma_start3A_141 = tpu.memref_squeeze %dma_start3A_140 : memref<1x128x64xf32, #tpu.memory_space<vmem>> -> memref<128x64xf32, #tpu.memory_space<vmem>>
      %dma_start3A_142 = arith.constant 0 : i32
      %dma_start3A_143 = arith.constant 0 : i32
      %dma_start3A_144 = tpu.memref_slice %dma_start3A_141[%dma_start3A_142, %dma_start3A_143] : memref<128x64xf32, #tpu.memory_space<vmem>> -> memref<120x64xf32, #tpu.memory_space<vmem>>
      %dma_start3A_145 = arith.constant 0 : i32
      %dma_start3A_146 = tpu.memref_slice %arg10[%add3A_31, %dma_start3A_145] : memref<10112x64xf32, #tpu.memory_space<vmem_shared>> -> memref<120x64xf32, #tpu.memory_space<vmem_shared>>
      %dma_start3A_147 = arith.constant 0 : i32
      %dma_start3A_148 = tpu.memref_slice %arg10[%add3A_31, %dma_start3A_147] : memref<10112x64xf32, #tpu.memory_space<vmem_shared>> -> memref<120x64xf32, #tpu.memory_space<vmem_shared>>
      %dma_start3A_149 = arith.constant 0 : i32
      %dma_start3A_150 = arith.constant 0 : i32
      %dma_start3A_151 = tpu.memref_slice %arg9[%run_scoped3A_32, %dma_start3A_149, %dma_start3A_150] : memref<4x128x64xf32, #tpu.memory_space<vmem>> -> memref<1x128x64xf32, #tpu.memory_space<vmem>>
      %dma_start3A_152 = tpu.memref_squeeze %dma_start3A_151 : memref<1x128x64xf32, #tpu.memory_space<vmem>> -> memref<128x64xf32, #tpu.memory_space<vmem>>
      %dma_start3A_153 = arith.constant 0 : i32
      %dma_start3A_154 = arith.constant 0 : i32
      %dma_start3A_155 = tpu.memref_slice %dma_start3A_152[%dma_start3A_153, %dma_start3A_154] : memref<128x64xf32, #tpu.memory_space<vmem>> -> memref<120x64xf32, #tpu.memory_space<vmem>>
      tpu.enqueue_dma source(%dma_start3A_155 : memref<120x64xf32, #tpu.memory_space<vmem>>) target(%dma_start3A_148 : memref<120x64xf32, #tpu.memory_space<vmem_shared>>) target_semaphore(%run_scoped3A_137 : memref<!tpu.dma_semaphore, #tpu.memory_space<semaphore_mem>>)
      %dma_wait3A_156 = arith.constant 0 : i32
      %dma_wait3A_157 = arith.constant 0 : i32
      %dma_wait3A_158 = tpu.memref_slice %arg9[%run_scoped3A_32, %dma_wait3A_156, %dma_wait3A_157] : memref<4x128x64xf32, #tpu.memory_space<vmem>> -> memref<1x128x64xf32, #tpu.memory_space<vmem>>
      %dma_wait3A_159 = tpu.memref_squeeze %dma_wait3A_158 : memref<1x128x64xf32, #tpu.memory_space<vmem>> -> memref<128x64xf32, #tpu.memory_space<vmem>>
      %dma_wait3A_160 = arith.constant 0 : i32
      %dma_wait3A_161 = arith.constant 0 : i32
      %dma_wait3A_162 = tpu.memref_slice %dma_wait3A_159[%dma_wait3A_160, %dma_wait3A_161] : memref<128x64xf32, #tpu.memory_space<vmem>> -> memref<120x64xf32, #tpu.memory_space<vmem>>
      %dma_wait3A_163 = arith.constant 0 : i32
      %dma_wait3A_164 = tpu.memref_slice %arg10[%add3A_31, %dma_wait3A_163] : memref<10112x64xf32, #tpu.memory_space<vmem_shared>> -> memref<120x64xf32, #tpu.memory_space<vmem_shared>>
      %dma_wait3A_165 = arith.constant 0 : i32
      %dma_wait3A_166 = tpu.memref_slice %arg10[%add3A_31, %dma_wait3A_165] : memref<10112x64xf32, #tpu.memory_space<vmem_shared>> -> memref<120x64xf32, #tpu.memory_space<vmem_shared>>
      %dma_wait3A_167 = arith.constant 0 : i32
      %dma_wait3A_168 = arith.constant 0 : i32
      %dma_wait3A_169 = tpu.memref_slice %arg9[%run_scoped3A_32, %dma_wait3A_167, %dma_wait3A_168] : memref<4x128x64xf32, #tpu.memory_space<vmem>> -> memref<1x128x64xf32, #tpu.memory_space<vmem>>
      %dma_wait3A_170 = tpu.memref_squeeze %dma_wait3A_169 : memref<1x128x64xf32, #tpu.memory_space<vmem>> -> memref<128x64xf32, #tpu.memory_space<vmem>>
      %dma_wait3A_171 = arith.constant 0 : i32
      %dma_wait3A_172 = arith.constant 0 : i32
      %dma_wait3A_173 = tpu.memref_slice %dma_wait3A_170[%dma_wait3A_171, %dma_wait3A_172] : memref<128x64xf32, #tpu.memory_space<vmem>> -> memref<120x64xf32, #tpu.memory_space<vmem>>
      tpu.wait_dma2 semaphore(%run_scoped3A_137 : memref<!tpu.dma_semaphore, #tpu.memory_space<semaphore_mem>>) src(%dma_wait3A_173 : memref<120x64xf32, #tpu.memory_space<vmem>>) dst(%dma_wait3A_166 : memref<120x64xf32, #tpu.memory_space<vmem_shared>>)
      tpu.yield
    }) : () -> ()
    %dma_wait3A = arith.constant 0 : i32
    %dma_wait3A_33 = arith.constant 0 : i32
    %dma_wait3A_34 = tpu.memref_slice %arg3[%add3A, %dma_wait3A, %dma_wait3A_33] : memref<32x40x128xi32, #tpu.memory_space<hbm>> -> memref<1x40x128xi32, #tpu.memory_space<hbm>>
    %dma_wait3A_35 = tpu.memref_squeeze %dma_wait3A_34 : memref<1x40x128xi32, #tpu.memory_space<hbm>> -> memref<40x128xi32, #tpu.memory_space<hbm>>
    %dma_wait3A_36 = arith.constant 0 : i32
    %dma_wait3A_37 = arith.constant 0 : i32
    %dma_wait3A_38 = tpu.memref_slice %arg3[%add3A, %dma_wait3A_36, %dma_wait3A_37] : memref<32x40x128xi32, #tpu.memory_space<hbm>> -> memref<1x40x128xi32, #tpu.memory_space<hbm>>
    %dma_wait3A_39 = tpu.memref_squeeze %dma_wait3A_38 : memref<1x40x128xi32, #tpu.memory_space<hbm>> -> memref<40x128xi32, #tpu.memory_space<hbm>>
    tpu.wait_dma2 semaphore(%arg11 : memref<!tpu.dma_semaphore, #tpu.memory_space<semaphore_mem>>) src(%dma_wait3A_39 : memref<40x128xi32, #tpu.memory_space<hbm>>) dst(%arg7 : memref<40x128xi32, #tpu.memory_space<vmem>>)
    %dma_wait3A_40 = arith.constant 0 : i32
    %dma_wait3A_41 = arith.constant 0 : i32
    %dma_wait3A_42 = tpu.memref_slice %arg4[%add3A, %dma_wait3A_40, %dma_wait3A_41] : memref<32x40x128xi32, #tpu.memory_space<hbm>> -> memref<1x40x128xi32, #tpu.memory_space<hbm>>
    %dma_wait3A_43 = tpu.memref_squeeze %dma_wait3A_42 : memref<1x40x128xi32, #tpu.memory_space<hbm>> -> memref<40x128xi32, #tpu.memory_space<hbm>>
    %dma_wait3A_44 = arith.constant 0 : i32
    %dma_wait3A_45 = arith.constant 0 : i32
    %dma_wait3A_46 = tpu.memref_slice %arg4[%add3A, %dma_wait3A_44, %dma_wait3A_45] : memref<32x40x128xi32, #tpu.memory_space<hbm>> -> memref<1x40x128xi32, #tpu.memory_space<hbm>>
    %dma_wait3A_47 = tpu.memref_squeeze %dma_wait3A_46 : memref<1x40x128xi32, #tpu.memory_space<hbm>> -> memref<40x128xi32, #tpu.memory_space<hbm>>
    tpu.wait_dma2 semaphore(%arg11 : memref<!tpu.dma_semaphore, #tpu.memory_space<semaphore_mem>>) src(%dma_wait3A_47 : memref<40x128xi32, #tpu.memory_space<hbm>>) dst(%arg8 : memref<40x128xi32, #tpu.memory_space<vmem>>)
    %barrier3A = arith.constant 0 : index
    tpu.barrier barrier_id(%barrier3A)
    %dma_start3A_48 = arith.constant 0 : i32
    %dma_start3A_49 = arith.constant 0 : i32
    %dma_start3A_50 = arith.constant 0 : i32
    %dma_start3A_51 = arith.constant 0 : i32
    %dma_start3A_52 = tpu.memref_slice %arg9[%dma_start3A_49, %dma_start3A_50, %dma_start3A_51] : memref<4x128x64xf32, #tpu.memory_space<vmem>> -> memref<1x128x64xf32, #tpu.memory_space<vmem>>
    %dma_start3A_53 = tpu.memref_squeeze %dma_start3A_52 : memref<1x128x64xf32, #tpu.memory_space<vmem>> -> memref<128x64xf32, #tpu.memory_space<vmem>>
    %dma_start3A_54 = arith.constant 0 : i32
    %dma_start3A_55 = tpu.memref_slice %arg7[%dma_start3A_48, %dma_start3A_54] : memref<40x128xi32, #tpu.memory_space<vmem>> -> memref<1x128xi32, #tpu.memory_space<vmem>>
    %dma_start3A_56 = tpu.memref_squeeze %dma_start3A_55 : memref<1x128xi32, #tpu.memory_space<vmem>> -> memref<128xi32, #tpu.memory_space<vmem>>
    %dma_start3A_57 = arith.constant 0 : i32
    %dma_start3A_58 = arith.constant 0 : i32
    %dma_start3A_59 = tpu.memref_slice %arg2[%dma_start3A_57, %dma_start3A_58] : memref<10000x64xf32, #tpu.memory_space<hbm>> -> memref<10000x64xf32, #tpu.memory_space<hbm>>
    tpu.enqueue_indirect_dma source(%dma_start3A_59 : memref<10000x64xf32, #tpu.memory_space<hbm>>) target(%dma_start3A_53 : memref<128x64xf32, #tpu.memory_space<vmem>>) offsets(%dma_start3A_56 : memref<128xi32, #tpu.memory_space<vmem>>) semaphore(%arg11 : memref<!tpu.dma_semaphore, #tpu.memory_space<semaphore_mem>>)
    %dma_start3A_60 = arith.constant 1 : i32
    %dma_start3A_61 = arith.constant 1 : i32
    %dma_start3A_62 = arith.constant 0 : i32
    %dma_start3A_63 = arith.constant 0 : i32
    %dma_start3A_64 = tpu.memref_slice %arg9[%dma_start3A_61, %dma_start3A_62, %dma_start3A_63] : memref<4x128x64xf32, #tpu.memory_space<vmem>> -> memref<1x128x64xf32, #tpu.memory_space<vmem>>
    %dma_start3A_65 = tpu.memref_squeeze %dma_start3A_64 : memref<1x128x64xf32, #tpu.memory_space<vmem>> -> memref<128x64xf32, #tpu.memory_space<vmem>>
    %dma_start3A_66 = arith.constant 0 : i32
    %dma_start3A_67 = tpu.memref_slice %arg7[%dma_start3A_60, %dma_start3A_66] : memref<40x128xi32, #tpu.memory_space<vmem>> -> memref<1x128xi32, #tpu.memory_space<vmem>>
    %dma_start3A_68 = tpu.memref_squeeze %dma_start3A_67 : memref<1x128xi32, #tpu.memory_space<vmem>> -> memref<128xi32, #tpu.memory_space<vmem>>
    %dma_start3A_69 = arith.constant 0 : i32
    %dma_start3A_70 = arith.constant 0 : i32
    %dma_start3A_71 = tpu.memref_slice %arg2[%dma_start3A_69, %dma_start3A_70] : memref<10000x64xf32, #tpu.memory_space<hbm>> -> memref<10000x64xf32, #tpu.memory_space<hbm>>
    tpu.enqueue_indirect_dma source(%dma_start3A_71 : memref<10000x64xf32, #tpu.memory_space<hbm>>) target(%dma_start3A_65 : memref<128x64xf32, #tpu.memory_space<vmem>>) offsets(%dma_start3A_68 : memref<128xi32, #tpu.memory_space<vmem>>) semaphore(%arg12 : memref<!tpu.dma_semaphore, #tpu.memory_space<semaphore_mem>>)
    %dma_start3A_72 = arith.constant 2 : i32
    %dma_start3A_73 = arith.constant 2 : i32
    %dma_start3A_74 = arith.constant 0 : i32
    %dma_start3A_75 = arith.constant 0 : i32
    %dma_start3A_76 = tpu.memref_slice %arg9[%dma_start3A_73, %dma_start3A_74, %dma_start3A_75] : memref<4x128x64xf32, #tpu.memory_space<vmem>> -> memref<1x128x64xf32, #tpu.memory_space<vmem>>
    %dma_start3A_77 = tpu.memref_squeeze %dma_start3A_76 : memref<1x128x64xf32, #tpu.memory_space<vmem>> -> memref<128x64xf32, #tpu.memory_space<vmem>>
    %dma_start3A_78 = arith.constant 0 : i32
    %dma_start3A_79 = tpu.memref_slice %arg7[%dma_start3A_72, %dma_start3A_78] : memref<40x128xi32, #tpu.memory_space<vmem>> -> memref<1x128xi32, #tpu.memory_space<vmem>>
    %dma_start3A_80 = tpu.memref_squeeze %dma_start3A_79 : memref<1x128xi32, #tpu.memory_space<vmem>> -> memref<128xi32, #tpu.memory_space<vmem>>
    %dma_start3A_81 = arith.constant 0 : i32
    %dma_start3A_82 = arith.constant 0 : i32
    %dma_start3A_83 = tpu.memref_slice %arg2[%dma_start3A_81, %dma_start3A_82] : memref<10000x64xf32, #tpu.memory_space<hbm>> -> memref<10000x64xf32, #tpu.memory_space<hbm>>
    tpu.enqueue_indirect_dma source(%dma_start3A_83 : memref<10000x64xf32, #tpu.memory_space<hbm>>) target(%dma_start3A_77 : memref<128x64xf32, #tpu.memory_space<vmem>>) offsets(%dma_start3A_80 : memref<128xi32, #tpu.memory_space<vmem>>) semaphore(%arg13 : memref<!tpu.dma_semaphore, #tpu.memory_space<semaphore_mem>>)
    %scan3A = arith.constant 0 : i32
    %scan3A_84 = arith.constant 10 : i32
    %scan3A_85 = arith.addi %scan3A, %scan3A_84 : i32
    %scan3A_86 = arith.constant 1 : i32
    scf.for %scan3A_137 = %scan3A to %scan3A_85 step %scan3A_86  : i32 {
      %mul3A_138 = arith.constant 4 : i32
      %mul3A_139 = arith.muli %scan3A_137, %mul3A_138 : i32
      %add3A_140 = arith.constant 0 : i32
      %add3A_141 = arith.addi %add3A_140, %mul3A_139 : i32
      %add3A_142 = arith.constant 0 : i32
      %add3A_143 = arith.addi %add3A_141, %add3A_142 : i32
      %add3A_144 = arith.constant 3 : i32
      %add3A_145 = arith.addi %add3A_143, %add3A_144 : i32
      %lt3A = arith.constant 40 : i32
      %lt3A_146 = arith.cmpi slt, %add3A_145, %lt3A : i32
      %convert_element_type3A = arith.extui %lt3A_146 : i1 to i32
      %cond3A = arith.constant 0 : i32
      %cond3A_147 = arith.cmpi ne, %convert_element_type3A, %cond3A : i32
      scf.if %cond3A_147 {
        %ge3A = arith.constant 4 : i32
        %ge3A_279 = arith.cmpi sge, %add3A_145, %ge3A : i32
        %convert_element_type3A_280 = arith.extui %ge3A_279 : i1 to i32
        %cond3A_281 = arith.constant 0 : i32
        %cond3A_282 = arith.cmpi ne, %convert_element_type3A_280, %cond3A_281 : i32
        scf.if %cond3A_282 {
          %sub3A = arith.constant 4 : i32
          %sub3A_294 = arith.subi %add3A_145, %sub3A : i32
          %dma_wait3A_295 = arith.constant 3 : i32
          %dma_wait3A_296 = arith.constant 0 : i32
          %dma_wait3A_297 = arith.constant 0 : i32
          %dma_wait3A_298 = tpu.memref_slice %arg9[%dma_wait3A_295, %dma_wait3A_296, %dma_wait3A_297] : memref<4x128x64xf32, #tpu.memory_space<vmem>> -> memref<1x128x64xf32, #tpu.memory_space<vmem>>
          %dma_wait3A_299 = tpu.memref_squeeze %dma_wait3A_298 : memref<1x128x64xf32, #tpu.memory_space<vmem>> -> memref<128x64xf32, #tpu.memory_space<vmem>>
          %dma_wait3A_300 = arith.constant 0 : i32
          %dma_wait3A_301 = tpu.memref_slice %arg8[%sub3A_294, %dma_wait3A_300] : memref<40x128xi32, #tpu.memory_space<vmem>> -> memref<1x128xi32, #tpu.memory_space<vmem>>
          %dma_wait3A_302 = tpu.memref_squeeze %dma_wait3A_301 : memref<1x128xi32, #tpu.memory_space<vmem>> -> memref<128xi32, #tpu.memory_space<vmem>>
          %dma_wait3A_303 = arith.constant 0 : i32
          %dma_wait3A_304 = arith.constant 0 : i32
          %dma_wait3A_305 = tpu.memref_slice %arg10[%dma_wait3A_303, %dma_wait3A_304] : memref<10112x64xf32, #tpu.memory_space<vmem_shared>> -> memref<10112x64xf32, #tpu.memory_space<vmem_shared>>
          tpu.wait_indirect_dma semaphore(%arg18 : memref<!tpu.dma_semaphore, #tpu.memory_space<semaphore_mem>>) src(%dma_wait3A_299 : memref<128x64xf32, #tpu.memory_space<vmem>>) dst(%dma_wait3A_305 : memref<10112x64xf32, #tpu.memory_space<vmem_shared>>)
        } else {
        }
        %dma_start3A_283 = arith.constant 3 : i32
        %dma_start3A_284 = arith.constant 0 : i32
        %dma_start3A_285 = arith.constant 0 : i32
        %dma_start3A_286 = tpu.memref_slice %arg9[%dma_start3A_283, %dma_start3A_284, %dma_start3A_285] : memref<4x128x64xf32, #tpu.memory_space<vmem>> -> memref<1x128x64xf32, #tpu.memory_space<vmem>>
        %dma_start3A_287 = tpu.memref_squeeze %dma_start3A_286 : memref<1x128x64xf32, #tpu.memory_space<vmem>> -> memref<128x64xf32, #tpu.memory_space<vmem>>
        %dma_start3A_288 = arith.constant 0 : i32
        %dma_start3A_289 = tpu.memref_slice %arg7[%add3A_145, %dma_start3A_288] : memref<40x128xi32, #tpu.memory_space<vmem>> -> memref<1x128xi32, #tpu.memory_space<vmem>>
        %dma_start3A_290 = tpu.memref_squeeze %dma_start3A_289 : memref<1x128xi32, #tpu.memory_space<vmem>> -> memref<128xi32, #tpu.memory_space<vmem>>
        %dma_start3A_291 = arith.constant 0 : i32
        %dma_start3A_292 = arith.constant 0 : i32
        %dma_start3A_293 = tpu.memref_slice %arg2[%dma_start3A_291, %dma_start3A_292] : memref<10000x64xf32, #tpu.memory_space<hbm>> -> memref<10000x64xf32, #tpu.memory_space<hbm>>
        tpu.enqueue_indirect_dma source(%dma_start3A_293 : memref<10000x64xf32, #tpu.memory_space<hbm>>) target(%dma_start3A_287 : memref<128x64xf32, #tpu.memory_space<vmem>>) offsets(%dma_start3A_290 : memref<128xi32, #tpu.memory_space<vmem>>) semaphore(%arg14 : memref<!tpu.dma_semaphore, #tpu.memory_space<semaphore_mem>>)
      } else {
      }
      %add3A_148 = arith.constant 0 : i32
      %add3A_149 = arith.addi %add3A_141, %add3A_148 : i32
      %dma_wait3A_150 = arith.constant 0 : i32
      %dma_wait3A_151 = arith.constant 0 : i32
      %dma_wait3A_152 = arith.constant 0 : i32
      %dma_wait3A_153 = tpu.memref_slice %arg9[%dma_wait3A_150, %dma_wait3A_151, %dma_wait3A_152] : memref<4x128x64xf32, #tpu.memory_space<vmem>> -> memref<1x128x64xf32, #tpu.memory_space<vmem>>
      %dma_wait3A_154 = tpu.memref_squeeze %dma_wait3A_153 : memref<1x128x64xf32, #tpu.memory_space<vmem>> -> memref<128x64xf32, #tpu.memory_space<vmem>>
      %dma_wait3A_155 = arith.constant 0 : i32
      %dma_wait3A_156 = tpu.memref_slice %arg7[%add3A_149, %dma_wait3A_155] : memref<40x128xi32, #tpu.memory_space<vmem>> -> memref<1x128xi32, #tpu.memory_space<vmem>>
      %dma_wait3A_157 = tpu.memref_squeeze %dma_wait3A_156 : memref<1x128xi32, #tpu.memory_space<vmem>> -> memref<128xi32, #tpu.memory_space<vmem>>
      %dma_wait3A_158 = arith.constant 0 : i32
      %dma_wait3A_159 = arith.constant 0 : i32
      %dma_wait3A_160 = tpu.memref_slice %arg2[%dma_wait3A_158, %dma_wait3A_159] : memref<10000x64xf32, #tpu.memory_space<hbm>> -> memref<10000x64xf32, #tpu.memory_space<hbm>>
      tpu.wait_indirect_dma semaphore(%arg11 : memref<!tpu.dma_semaphore, #tpu.memory_space<semaphore_mem>>) src(%dma_wait3A_160 : memref<10000x64xf32, #tpu.memory_space<hbm>>) dst(%dma_wait3A_154 : memref<128x64xf32, #tpu.memory_space<vmem>>)
      %add3A_161 = arith.constant 0 : i32
      %add3A_162 = arith.addi %add3A_141, %add3A_161 : i32
      %dma_start3A_163 = arith.constant 0 : i32
      %dma_start3A_164 = arith.constant 0 : i32
      %dma_start3A_165 = arith.constant 0 : i32
      %dma_start3A_166 = tpu.memref_slice %arg9[%dma_start3A_163, %dma_start3A_164, %dma_start3A_165] : memref<4x128x64xf32, #tpu.memory_space<vmem>> -> memref<1x128x64xf32, #tpu.memory_space<vmem>>
      %dma_start3A_167 = tpu.memref_squeeze %dma_start3A_166 : memref<1x128x64xf32, #tpu.memory_space<vmem>> -> memref<128x64xf32, #tpu.memory_space<vmem>>
      %dma_start3A_168 = arith.constant 0 : i32
      %dma_start3A_169 = tpu.memref_slice %arg8[%add3A_162, %dma_start3A_168] : memref<40x128xi32, #tpu.memory_space<vmem>> -> memref<1x128xi32, #tpu.memory_space<vmem>>
      %dma_start3A_170 = tpu.memref_squeeze %dma_start3A_169 : memref<1x128xi32, #tpu.memory_space<vmem>> -> memref<128xi32, #tpu.memory_space<vmem>>
      %dma_start3A_171 = arith.constant 0 : i32
      %dma_start3A_172 = arith.constant 0 : i32
      %dma_start3A_173 = tpu.memref_slice %arg10[%dma_start3A_171, %dma_start3A_172] : memref<10112x64xf32, #tpu.memory_space<vmem_shared>> -> memref<10112x64xf32, #tpu.memory_space<vmem_shared>>
      tpu.enqueue_indirect_dma source(%dma_start3A_167 : memref<128x64xf32, #tpu.memory_space<vmem>>) target(%dma_start3A_173 : memref<10112x64xf32, #tpu.memory_space<vmem_shared>>) offsets(%dma_start3A_170 : memref<128xi32, #tpu.memory_space<vmem>>) semaphore(%arg15 : memref<!tpu.dma_semaphore, #tpu.memory_space<semaphore_mem>>) {add = true}
      %add3A_174 = arith.constant 1 : i32
      %add3A_175 = arith.addi %add3A_141, %add3A_174 : i32
      %add3A_176 = arith.constant 3 : i32
      %add3A_177 = arith.addi %add3A_175, %add3A_176 : i32
      %lt3A_178 = arith.constant 40 : i32
      %lt3A_179 = arith.cmpi slt, %add3A_177, %lt3A_178 : i32
      %convert_element_type3A_180 = arith.extui %lt3A_179 : i1 to i32
      %cond3A_181 = arith.constant 0 : i32
      %cond3A_182 = arith.cmpi ne, %convert_element_type3A_180, %cond3A_181 : i32
      scf.if %cond3A_182 {
        %ge3A = arith.constant 4 : i32
        %ge3A_279 = arith.cmpi sge, %add3A_177, %ge3A : i32
        %convert_element_type3A_280 = arith.extui %ge3A_279 : i1 to i32
        %cond3A_281 = arith.constant 0 : i32
        %cond3A_282 = arith.cmpi ne, %convert_element_type3A_280, %cond3A_281 : i32
        scf.if %cond3A_282 {
          %sub3A = arith.constant 4 : i32
          %sub3A_294 = arith.subi %add3A_177, %sub3A : i32
          %dma_wait3A_295 = arith.constant 0 : i32
          %dma_wait3A_296 = arith.constant 0 : i32
          %dma_wait3A_297 = arith.constant 0 : i32
          %dma_wait3A_298 = tpu.memref_slice %arg9[%dma_wait3A_295, %dma_wait3A_296, %dma_wait3A_297] : memref<4x128x64xf32, #tpu.memory_space<vmem>> -> memref<1x128x64xf32, #tpu.memory_space<vmem>>
          %dma_wait3A_299 = tpu.memref_squeeze %dma_wait3A_298 : memref<1x128x64xf32, #tpu.memory_space<vmem>> -> memref<128x64xf32, #tpu.memory_space<vmem>>
          %dma_wait3A_300 = arith.constant 0 : i32
          %dma_wait3A_301 = tpu.memref_slice %arg8[%sub3A_294, %dma_wait3A_300] : memref<40x128xi32, #tpu.memory_space<vmem>> -> memref<1x128xi32, #tpu.memory_space<vmem>>
          %dma_wait3A_302 = tpu.memref_squeeze %dma_wait3A_301 : memref<1x128xi32, #tpu.memory_space<vmem>> -> memref<128xi32, #tpu.memory_space<vmem>>
          %dma_wait3A_303 = arith.constant 0 : i32
          %dma_wait3A_304 = arith.constant 0 : i32
          %dma_wait3A_305 = tpu.memref_slice %arg10[%dma_wait3A_303, %dma_wait3A_304] : memref<10112x64xf32, #tpu.memory_space<vmem_shared>> -> memref<10112x64xf32, #tpu.memory_space<vmem_shared>>
          tpu.wait_indirect_dma semaphore(%arg15 : memref<!tpu.dma_semaphore, #tpu.memory_space<semaphore_mem>>) src(%dma_wait3A_299 : memref<128x64xf32, #tpu.memory_space<vmem>>) dst(%dma_wait3A_305 : memref<10112x64xf32, #tpu.memory_space<vmem_shared>>)
        } else {
        }
        %dma_start3A_283 = arith.constant 0 : i32
        %dma_start3A_284 = arith.constant 0 : i32
        %dma_start3A_285 = arith.constant 0 : i32
        %dma_start3A_286 = tpu.memref_slice %arg9[%dma_start3A_283, %dma_start3A_284, %dma_start3A_285] : memref<4x128x64xf32, #tpu.memory_space<vmem>> -> memref<1x128x64xf32, #tpu.memory_space<vmem>>
        %dma_start3A_287 = tpu.memref_squeeze %dma_start3A_286 : memref<1x128x64xf32, #tpu.memory_space<vmem>> -> memref<128x64xf32, #tpu.memory_space<vmem>>
        %dma_start3A_288 = arith.constant 0 : i32
        %dma_start3A_289 = tpu.memref_slice %arg7[%add3A_177, %dma_start3A_288] : memref<40x128xi32, #tpu.memory_space<vmem>> -> memref<1x128xi32, #tpu.memory_space<vmem>>
        %dma_start3A_290 = tpu.memref_squeeze %dma_start3A_289 : memref<1x128xi32, #tpu.memory_space<vmem>> -> memref<128xi32, #tpu.memory_space<vmem>>
        %dma_start3A_291 = arith.constant 0 : i32
        %dma_start3A_292 = arith.constant 0 : i32
        %dma_start3A_293 = tpu.memref_slice %arg2[%dma_start3A_291, %dma_start3A_292] : memref<10000x64xf32, #tpu.memory_space<hbm>> -> memref<10000x64xf32, #tpu.memory_space<hbm>>
        tpu.enqueue_indirect_dma source(%dma_start3A_293 : memref<10000x64xf32, #tpu.memory_space<hbm>>) target(%dma_start3A_287 : memref<128x64xf32, #tpu.memory_space<vmem>>) offsets(%dma_start3A_290 : memref<128xi32, #tpu.memory_space<vmem>>) semaphore(%arg11 : memref<!tpu.dma_semaphore, #tpu.memory_space<semaphore_mem>>)
      } else {
      }
      %add3A_183 = arith.constant 1 : i32
      %add3A_184 = arith.addi %add3A_141, %add3A_183 : i32
      %dma_wait3A_185 = arith.constant 1 : i32
      %dma_wait3A_186 = arith.constant 0 : i32
      %dma_wait3A_187 = arith.constant 0 : i32
      %dma_wait3A_188 = tpu.memref_slice %arg9[%dma_wait3A_185, %dma_wait3A_186, %dma_wait3A_187] : memref<4x128x64xf32, #tpu.memory_space<vmem>> -> memref<1x128x64xf32, #tpu.memory_space<vmem>>
      %dma_wait3A_189 = tpu.memref_squeeze %dma_wait3A_188 : memref<1x128x64xf32, #tpu.memory_space<vmem>> -> memref<128x64xf32, #tpu.memory_space<vmem>>
      %dma_wait3A_190 = arith.constant 0 : i32
      %dma_wait3A_191 = tpu.memref_slice %arg7[%add3A_184, %dma_wait3A_190] : memref<40x128xi32, #tpu.memory_space<vmem>> -> memref<1x128xi32, #tpu.memory_space<vmem>>
      %dma_wait3A_192 = tpu.memref_squeeze %dma_wait3A_191 : memref<1x128xi32, #tpu.memory_space<vmem>> -> memref<128xi32, #tpu.memory_space<vmem>>
      %dma_wait3A_193 = arith.constant 0 : i32
      %dma_wait3A_194 = arith.constant 0 : i32
      %dma_wait3A_195 = tpu.memref_slice %arg2[%dma_wait3A_193, %dma_wait3A_194] : memref<10000x64xf32, #tpu.memory_space<hbm>> -> memref<10000x64xf32, #tpu.memory_space<hbm>>
      tpu.wait_indirect_dma semaphore(%arg12 : memref<!tpu.dma_semaphore, #tpu.memory_space<semaphore_mem>>) src(%dma_wait3A_195 : memref<10000x64xf32, #tpu.memory_space<hbm>>) dst(%dma_wait3A_189 : memref<128x64xf32, #tpu.memory_space<vmem>>)
      %add3A_196 = arith.constant 1 : i32
      %add3A_197 = arith.addi %add3A_141, %add3A_196 : i32
      %dma_start3A_198 = arith.constant 1 : i32
      %dma_start3A_199 = arith.constant 0 : i32
      %dma_start3A_200 = arith.constant 0 : i32
      %dma_start3A_201 = tpu.memref_slice %arg9[%dma_start3A_198, %dma_start3A_199, %dma_start3A_200] : memref<4x128x64xf32, #tpu.memory_space<vmem>> -> memref<1x128x64xf32, #tpu.memory_space<vmem>>
      %dma_start3A_202 = tpu.memref_squeeze %dma_start3A_201 : memref<1x128x64xf32, #tpu.memory_space<vmem>> -> memref<128x64xf32, #tpu.memory_space<vmem>>
      %dma_start3A_203 = arith.constant 0 : i32
      %dma_start3A_204 = tpu.memref_slice %arg8[%add3A_197, %dma_start3A_203] : memref<40x128xi32, #tpu.memory_space<vmem>> -> memref<1x128xi32, #tpu.memory_space<vmem>>
      %dma_start3A_205 = tpu.memref_squeeze %dma_start3A_204 : memref<1x128xi32, #tpu.memory_space<vmem>> -> memref<128xi32, #tpu.memory_space<vmem>>
      %dma_start3A_206 = arith.constant 0 : i32
      %dma_start3A_207 = arith.constant 0 : i32
      %dma_start3A_208 = tpu.memref_slice %arg10[%dma_start3A_206, %dma_start3A_207] : memref<10112x64xf32, #tpu.memory_space<vmem_shared>> -> memref<10112x64xf32, #tpu.memory_space<vmem_shared>>
      tpu.enqueue_indirect_dma source(%dma_start3A_202 : memref<128x64xf32, #tpu.memory_space<vmem>>) target(%dma_start3A_208 : memref<10112x64xf32, #tpu.memory_space<vmem_shared>>) offsets(%dma_start3A_205 : memref<128xi32, #tpu.memory_space<vmem>>) semaphore(%arg16 : memref<!tpu.dma_semaphore, #tpu.memory_space<semaphore_mem>>) {add = true}
      %add3A_209 = arith.constant 2 : i32
      %add3A_210 = arith.addi %add3A_141, %add3A_209 : i32
      %add3A_211 = arith.constant 3 : i32
      %add3A_212 = arith.addi %add3A_210, %add3A_211 : i32
      %lt3A_213 = arith.constant 40 : i32
      %lt3A_214 = arith.cmpi slt, %add3A_212, %lt3A_213 : i32
      %convert_element_type3A_215 = arith.extui %lt3A_214 : i1 to i32
      %cond3A_216 = arith.constant 0 : i32
      %cond3A_217 = arith.cmpi ne, %convert_element_type3A_215, %cond3A_216 : i32
      scf.if %cond3A_217 {
        %ge3A = arith.constant 4 : i32
        %ge3A_279 = arith.cmpi sge, %add3A_212, %ge3A : i32
        %convert_element_type3A_280 = arith.extui %ge3A_279 : i1 to i32
        %cond3A_281 = arith.constant 0 : i32
        %cond3A_282 = arith.cmpi ne, %convert_element_type3A_280, %cond3A_281 : i32
        scf.if %cond3A_282 {
          %sub3A = arith.constant 4 : i32
          %sub3A_294 = arith.subi %add3A_212, %sub3A : i32
          %dma_wait3A_295 = arith.constant 1 : i32
          %dma_wait3A_296 = arith.constant 0 : i32
          %dma_wait3A_297 = arith.constant 0 : i32
          %dma_wait3A_298 = tpu.memref_slice %arg9[%dma_wait3A_295, %dma_wait3A_296, %dma_wait3A_297] : memref<4x128x64xf32, #tpu.memory_space<vmem>> -> memref<1x128x64xf32, #tpu.memory_space<vmem>>
          %dma_wait3A_299 = tpu.memref_squeeze %dma_wait3A_298 : memref<1x128x64xf32, #tpu.memory_space<vmem>> -> memref<128x64xf32, #tpu.memory_space<vmem>>
          %dma_wait3A_300 = arith.constant 0 : i32
          %dma_wait3A_301 = tpu.memref_slice %arg8[%sub3A_294, %dma_wait3A_300] : memref<40x128xi32, #tpu.memory_space<vmem>> -> memref<1x128xi32, #tpu.memory_space<vmem>>
          %dma_wait3A_302 = tpu.memref_squeeze %dma_wait3A_301 : memref<1x128xi32, #tpu.memory_space<vmem>> -> memref<128xi32, #tpu.memory_space<vmem>>
          %dma_wait3A_303 = arith.constant 0 : i32
          %dma_wait3A_304 = arith.constant 0 : i32
          %dma_wait3A_305 = tpu.memref_slice %arg10[%dma_wait3A_303, %dma_wait3A_304] : memref<10112x64xf32, #tpu.memory_space<vmem_shared>> -> memref<10112x64xf32, #tpu.memory_space<vmem_shared>>
          tpu.wait_indirect_dma semaphore(%arg16 : memref<!tpu.dma_semaphore, #tpu.memory_space<semaphore_mem>>) src(%dma_wait3A_299 : memref<128x64xf32, #tpu.memory_space<vmem>>) dst(%dma_wait3A_305 : memref<10112x64xf32, #tpu.memory_space<vmem_shared>>)
        } else {
        }
        %dma_start3A_283 = arith.constant 1 : i32
        %dma_start3A_284 = arith.constant 0 : i32
        %dma_start3A_285 = arith.constant 0 : i32
        %dma_start3A_286 = tpu.memref_slice %arg9[%dma_start3A_283, %dma_start3A_284, %dma_start3A_285] : memref<4x128x64xf32, #tpu.memory_space<vmem>> -> memref<1x128x64xf32, #tpu.memory_space<vmem>>
        %dma_start3A_287 = tpu.memref_squeeze %dma_start3A_286 : memref<1x128x64xf32, #tpu.memory_space<vmem>> -> memref<128x64xf32, #tpu.memory_space<vmem>>
        %dma_start3A_288 = arith.constant 0 : i32
        %dma_start3A_289 = tpu.memref_slice %arg7[%add3A_212, %dma_start3A_288] : memref<40x128xi32, #tpu.memory_space<vmem>> -> memref<1x128xi32, #tpu.memory_space<vmem>>
        %dma_start3A_290 = tpu.memref_squeeze %dma_start3A_289 : memref<1x128xi32, #tpu.memory_space<vmem>> -> memref<128xi32, #tpu.memory_space<vmem>>
        %dma_start3A_291 = arith.constant 0 : i32
        %dma_start3A_292 = arith.constant 0 : i32
        %dma_start3A_293 = tpu.memref_slice %arg2[%dma_start3A_291, %dma_start3A_292] : memref<10000x64xf32, #tpu.memory_space<hbm>> -> memref<10000x64xf32, #tpu.memory_space<hbm>>
        tpu.enqueue_indirect_dma source(%dma_start3A_293 : memref<10000x64xf32, #tpu.memory_space<hbm>>) target(%dma_start3A_287 : memref<128x64xf32, #tpu.memory_space<vmem>>) offsets(%dma_start3A_290 : memref<128xi32, #tpu.memory_space<vmem>>) semaphore(%arg12 : memref<!tpu.dma_semaphore, #tpu.memory_space<semaphore_mem>>)
      } else {
      }
      %add3A_218 = arith.constant 2 : i32
      %add3A_219 = arith.addi %add3A_141, %add3A_218 : i32
      %dma_wait3A_220 = arith.constant 2 : i32
      %dma_wait3A_221 = arith.constant 0 : i32
      %dma_wait3A_222 = arith.constant 0 : i32
      %dma_wait3A_223 = tpu.memref_slice %arg9[%dma_wait3A_220, %dma_wait3A_221, %dma_wait3A_222] : memref<4x128x64xf32, #tpu.memory_space<vmem>> -> memref<1x128x64xf32, #tpu.memory_space<vmem>>
      %dma_wait3A_224 = tpu.memref_squeeze %dma_wait3A_223 : memref<1x128x64xf32, #tpu.memory_space<vmem>> -> memref<128x64xf32, #tpu.memory_space<vmem>>
      %dma_wait3A_225 = arith.constant 0 : i32
      %dma_wait3A_226 = tpu.memref_slice %arg7[%add3A_219, %dma_wait3A_225] : memref<40x128xi32, #tpu.memory_space<vmem>> -> memref<1x128xi32, #tpu.memory_space<vmem>>
      %dma_wait3A_227 = tpu.memref_squeeze %dma_wait3A_226 : memref<1x128xi32, #tpu.memory_space<vmem>> -> memref<128xi32, #tpu.memory_space<vmem>>
      %dma_wait3A_228 = arith.constant 0 : i32
      %dma_wait3A_229 = arith.constant 0 : i32
      %dma_wait3A_230 = tpu.memref_slice %arg2[%dma_wait3A_228, %dma_wait3A_229] : memref<10000x64xf32, #tpu.memory_space<hbm>> -> memref<10000x64xf32, #tpu.memory_space<hbm>>
      tpu.wait_indirect_dma semaphore(%arg13 : memref<!tpu.dma_semaphore, #tpu.memory_space<semaphore_mem>>) src(%dma_wait3A_230 : memref<10000x64xf32, #tpu.memory_space<hbm>>) dst(%dma_wait3A_224 : memref<128x64xf32, #tpu.memory_space<vmem>>)
      %add3A_231 = arith.constant 2 : i32
      %add3A_232 = arith.addi %add3A_141, %add3A_231 : i32
      %dma_start3A_233 = arith.constant 2 : i32
      %dma_start3A_234 = arith.constant 0 : i32
      %dma_start3A_235 = arith.constant 0 : i32
      %dma_start3A_236 = tpu.memref_slice %arg9[%dma_start3A_233, %dma_start3A_234, %dma_start3A_235] : memref<4x128x64xf32, #tpu.memory_space<vmem>> -> memref<1x128x64xf32, #tpu.memory_space<vmem>>
      %dma_start3A_237 = tpu.memref_squeeze %dma_start3A_236 : memref<1x128x64xf32, #tpu.memory_space<vmem>> -> memref<128x64xf32, #tpu.memory_space<vmem>>
      %dma_start3A_238 = arith.constant 0 : i32
      %dma_start3A_239 = tpu.memref_slice %arg8[%add3A_232, %dma_start3A_238] : memref<40x128xi32, #tpu.memory_space<vmem>> -> memref<1x128xi32, #tpu.memory_space<vmem>>
      %dma_start3A_240 = tpu.memref_squeeze %dma_start3A_239 : memref<1x128xi32, #tpu.memory_space<vmem>> -> memref<128xi32, #tpu.memory_space<vmem>>
      %dma_start3A_241 = arith.constant 0 : i32
      %dma_start3A_242 = arith.constant 0 : i32
      %dma_start3A_243 = tpu.memref_slice %arg10[%dma_start3A_241, %dma_start3A_242] : memref<10112x64xf32, #tpu.memory_space<vmem_shared>> -> memref<10112x64xf32, #tpu.memory_space<vmem_shared>>
      tpu.enqueue_indirect_dma source(%dma_start3A_237 : memref<128x64xf32, #tpu.memory_space<vmem>>) target(%dma_start3A_243 : memref<10112x64xf32, #tpu.memory_space<vmem_shared>>) offsets(%dma_start3A_240 : memref<128xi32, #tpu.memory_space<vmem>>) semaphore(%arg17 : memref<!tpu.dma_semaphore, #tpu.memory_space<semaphore_mem>>) {add = true}
      %add3A_244 = arith.constant 3 : i32
      %add3A_245 = arith.addi %add3A_141, %add3A_244 : i32
      %add3A_246 = arith.constant 3 : i32
      %add3A_247 = arith.addi %add3A_245, %add3A_246 : i32
      %lt3A_248 = arith.constant 40 : i32
      %lt3A_249 = arith.cmpi slt, %add3A_247, %lt3A_248 : i32
      %convert_element_type3A_250 = arith.extui %lt3A_249 : i1 to i32
      %cond3A_251 = arith.constant 0 : i32
      %cond3A_252 = arith.cmpi ne, %convert_element_type3A_250, %cond3A_251 : i32
      scf.if %cond3A_252 {
        %ge3A = arith.constant 4 : i32
        %ge3A_279 = arith.cmpi sge, %add3A_247, %ge3A : i32
        %convert_element_type3A_280 = arith.extui %ge3A_279 : i1 to i32
        %cond3A_281 = arith.constant 0 : i32
        %cond3A_282 = arith.cmpi ne, %convert_element_type3A_280, %cond3A_281 : i32
        scf.if %cond3A_282 {
          %sub3A = arith.constant 4 : i32
          %sub3A_294 = arith.subi %add3A_247, %sub3A : i32
          %dma_wait3A_295 = arith.constant 2 : i32
          %dma_wait3A_296 = arith.constant 0 : i32
          %dma_wait3A_297 = arith.constant 0 : i32
          %dma_wait3A_298 = tpu.memref_slice %arg9[%dma_wait3A_295, %dma_wait3A_296, %dma_wait3A_297] : memref<4x128x64xf32, #tpu.memory_space<vmem>> -> memref<1x128x64xf32, #tpu.memory_space<vmem>>
          %dma_wait3A_299 = tpu.memref_squeeze %dma_wait3A_298 : memref<1x128x64xf32, #tpu.memory_space<vmem>> -> memref<128x64xf32, #tpu.memory_space<vmem>>
          %dma_wait3A_300 = arith.constant 0 : i32
          %dma_wait3A_301 = tpu.memref_slice %arg8[%sub3A_294, %dma_wait3A_300] : memref<40x128xi32, #tpu.memory_space<vmem>> -> memref<1x128xi32, #tpu.memory_space<vmem>>
          %dma_wait3A_302 = tpu.memref_squeeze %dma_wait3A_301 : memref<1x128xi32, #tpu.memory_space<vmem>> -> memref<128xi32, #tpu.memory_space<vmem>>
          %dma_wait3A_303 = arith.constant 0 : i32
          %dma_wait3A_304 = arith.constant 0 : i32
          %dma_wait3A_305 = tpu.memref_slice %arg10[%dma_wait3A_303, %dma_wait3A_304] : memref<10112x64xf32, #tpu.memory_space<vmem_shared>> -> memref<10112x64xf32, #tpu.memory_space<vmem_shared>>
          tpu.wait_indirect_dma semaphore(%arg17 : memref<!tpu.dma_semaphore, #tpu.memory_space<semaphore_mem>>) src(%dma_wait3A_299 : memref<128x64xf32, #tpu.memory_space<vmem>>) dst(%dma_wait3A_305 : memref<10112x64xf32, #tpu.memory_space<vmem_shared>>)
        } else {
        }
        %dma_start3A_283 = arith.constant 2 : i32
        %dma_start3A_284 = arith.constant 0 : i32
        %dma_start3A_285 = arith.constant 0 : i32
        %dma_start3A_286 = tpu.memref_slice %arg9[%dma_start3A_283, %dma_start3A_284, %dma_start3A_285] : memref<4x128x64xf32, #tpu.memory_space<vmem>> -> memref<1x128x64xf32, #tpu.memory_space<vmem>>
        %dma_start3A_287 = tpu.memref_squeeze %dma_start3A_286 : memref<1x128x64xf32, #tpu.memory_space<vmem>> -> memref<128x64xf32, #tpu.memory_space<vmem>>
        %dma_start3A_288 = arith.constant 0 : i32
        %dma_start3A_289 = tpu.memref_slice %arg7[%add3A_247, %dma_start3A_288] : memref<40x128xi32, #tpu.memory_space<vmem>> -> memref<1x128xi32, #tpu.memory_space<vmem>>
        %dma_start3A_290 = tpu.memref_squeeze %dma_start3A_289 : memref<1x128xi32, #tpu.memory_space<vmem>> -> memref<128xi32, #tpu.memory_space<vmem>>
        %dma_start3A_291 = arith.constant 0 : i32
        %dma_start3A_292 = arith.constant 0 : i32
        %dma_start3A_293 = tpu.memref_slice %arg2[%dma_start3A_291, %dma_start3A_292] : memref<10000x64xf32, #tpu.memory_space<hbm>> -> memref<10000x64xf32, #tpu.memory_space<hbm>>
        tpu.enqueue_indirect_dma source(%dma_start3A_293 : memref<10000x64xf32, #tpu.memory_space<hbm>>) target(%dma_start3A_287 : memref<128x64xf32, #tpu.memory_space<vmem>>) offsets(%dma_start3A_290 : memref<128xi32, #tpu.memory_space<vmem>>) semaphore(%arg13 : memref<!tpu.dma_semaphore, #tpu.memory_space<semaphore_mem>>)
      } else {
      }
      %add3A_253 = arith.constant 3 : i32
      %add3A_254 = arith.addi %add3A_141, %add3A_253 : i32
      %dma_wait3A_255 = arith.constant 3 : i32
      %dma_wait3A_256 = arith.constant 0 : i32
      %dma_wait3A_257 = arith.constant 0 : i32
      %dma_wait3A_258 = tpu.memref_slice %arg9[%dma_wait3A_255, %dma_wait3A_256, %dma_wait3A_257] : memref<4x128x64xf32, #tpu.memory_space<vmem>> -> memref<1x128x64xf32, #tpu.memory_space<vmem>>
      %dma_wait3A_259 = tpu.memref_squeeze %dma_wait3A_258 : memref<1x128x64xf32, #tpu.memory_space<vmem>> -> memref<128x64xf32, #tpu.memory_space<vmem>>
      %dma_wait3A_260 = arith.constant 0 : i32
      %dma_wait3A_261 = tpu.memref_slice %arg7[%add3A_254, %dma_wait3A_260] : memref<40x128xi32, #tpu.memory_space<vmem>> -> memref<1x128xi32, #tpu.memory_space<vmem>>
      %dma_wait3A_262 = tpu.memref_squeeze %dma_wait3A_261 : memref<1x128xi32, #tpu.memory_space<vmem>> -> memref<128xi32, #tpu.memory_space<vmem>>
      %dma_wait3A_263 = arith.constant 0 : i32
      %dma_wait3A_264 = arith.constant 0 : i32
      %dma_wait3A_265 = tpu.memref_slice %arg2[%dma_wait3A_263, %dma_wait3A_264] : memref<10000x64xf32, #tpu.memory_space<hbm>> -> memref<10000x64xf32, #tpu.memory_space<hbm>>
      tpu.wait_indirect_dma semaphore(%arg14 : memref<!tpu.dma_semaphore, #tpu.memory_space<semaphore_mem>>) src(%dma_wait3A_265 : memref<10000x64xf32, #tpu.memory_space<hbm>>) dst(%dma_wait3A_259 : memref<128x64xf32, #tpu.memory_space<vmem>>)
      %add3A_266 = arith.constant 3 : i32
      %add3A_267 = arith.addi %add3A_141, %add3A_266 : i32
      %dma_start3A_268 = arith.constant 3 : i32
      %dma_start3A_269 = arith.constant 0 : i32
      %dma_start3A_270 = arith.constant 0 : i32
      %dma_start3A_271 = tpu.memref_slice %arg9[%dma_start3A_268, %dma_start3A_269, %dma_start3A_270] : memref<4x128x64xf32, #tpu.memory_space<vmem>> -> memref<1x128x64xf32, #tpu.memory_space<vmem>>
      %dma_start3A_272 = tpu.memref_squeeze %dma_start3A_271 : memref<1x128x64xf32, #tpu.memory_space<vmem>> -> memref<128x64xf32, #tpu.memory_space<vmem>>
      %dma_start3A_273 = arith.constant 0 : i32
      %dma_start3A_274 = tpu.memref_slice %arg8[%add3A_267, %dma_start3A_273] : memref<40x128xi32, #tpu.memory_space<vmem>> -> memref<1x128xi32, #tpu.memory_space<vmem>>
      %dma_start3A_275 = tpu.memref_squeeze %dma_start3A_274 : memref<1x128xi32, #tpu.memory_space<vmem>> -> memref<128xi32, #tpu.memory_space<vmem>>
      %dma_start3A_276 = arith.constant 0 : i32
      %dma_start3A_277 = arith.constant 0 : i32
      %dma_start3A_278 = tpu.memref_slice %arg10[%dma_start3A_276, %dma_start3A_277] : memref<10112x64xf32, #tpu.memory_space<vmem_shared>> -> memref<10112x64xf32, #tpu.memory_space<vmem_shared>>
      tpu.enqueue_indirect_dma source(%dma_start3A_272 : memref<128x64xf32, #tpu.memory_space<vmem>>) target(%dma_start3A_278 : memref<10112x64xf32, #tpu.memory_space<vmem_shared>>) offsets(%dma_start3A_275 : memref<128xi32, #tpu.memory_space<vmem>>) semaphore(%arg18 : memref<!tpu.dma_semaphore, #tpu.memory_space<semaphore_mem>>) {add = true}
    }
    %scan3A_87 = arith.constant 10 : i32
    %dma_wait3A_88 = arith.constant 0 : i32
    %dma_wait3A_89 = arith.constant 36 : i32
    %dma_wait3A_90 = arith.constant 0 : i32
    %dma_wait3A_91 = arith.constant 0 : i32
    %dma_wait3A_92 = tpu.memref_slice %arg9[%dma_wait3A_88, %dma_wait3A_90, %dma_wait3A_91] : memref<4x128x64xf32, #tpu.memory_space<vmem>> -> memref<1x128x64xf32, #tpu.memory_space<vmem>>
    %dma_wait3A_93 = tpu.memref_squeeze %dma_wait3A_92 : memref<1x128x64xf32, #tpu.memory_space<vmem>> -> memref<128x64xf32, #tpu.memory_space<vmem>>
    %dma_wait3A_94 = arith.constant 0 : i32
    %dma_wait3A_95 = tpu.memref_slice %arg8[%dma_wait3A_89, %dma_wait3A_94] : memref<40x128xi32, #tpu.memory_space<vmem>> -> memref<1x128xi32, #tpu.memory_space<vmem>>
    %dma_wait3A_96 = tpu.memref_squeeze %dma_wait3A_95 : memref<1x128xi32, #tpu.memory_space<vmem>> -> memref<128xi32, #tpu.memory_space<vmem>>
    %dma_wait3A_97 = arith.constant 0 : i32
    %dma_wait3A_98 = arith.constant 0 : i32
    %dma_wait3A_99 = tpu.memref_slice %arg10[%dma_wait3A_97, %dma_wait3A_98] : memref<10112x64xf32, #tpu.memory_space<vmem_shared>> -> memref<10112x64xf32, #tpu.memory_space<vmem_shared>>
    tpu.wait_indirect_dma semaphore(%arg15 : memref<!tpu.dma_semaphore, #tpu.memory_space<semaphore_mem>>) src(%dma_wait3A_93 : memref<128x64xf32, #tpu.memory_space<vmem>>) dst(%dma_wait3A_99 : memref<10112x64xf32, #tpu.memory_space<vmem_shared>>)
    %dma_wait3A_100 = arith.constant 1 : i32
    %dma_wait3A_101 = arith.constant 37 : i32
    %dma_wait3A_102 = arith.constant 0 : i32
    %dma_wait3A_103 = arith.constant 0 : i32
    %dma_wait3A_104 = tpu.memref_slice %arg9[%dma_wait3A_100, %dma_wait3A_102, %dma_wait3A_103] : memref<4x128x64xf32, #tpu.memory_space<vmem>> -> memref<1x128x64xf32, #tpu.memory_space<vmem>>
    %dma_wait3A_105 = tpu.memref_squeeze %dma_wait3A_104 : memref<1x128x64xf32, #tpu.memory_space<vmem>> -> memref<128x64xf32, #tpu.memory_space<vmem>>
    %dma_wait3A_106 = arith.constant 0 : i32
    %dma_wait3A_107 = tpu.memref_slice %arg8[%dma_wait3A_101, %dma_wait3A_106] : memref<40x128xi32, #tpu.memory_space<vmem>> -> memref<1x128xi32, #tpu.memory_space<vmem>>
    %dma_wait3A_108 = tpu.memref_squeeze %dma_wait3A_107 : memref<1x128xi32, #tpu.memory_space<vmem>> -> memref<128xi32, #tpu.memory_space<vmem>>
    %dma_wait3A_109 = arith.constant 0 : i32
    %dma_wait3A_110 = arith.constant 0 : i32
    %dma_wait3A_111 = tpu.memref_slice %arg10[%dma_wait3A_109, %dma_wait3A_110] : memref<10112x64xf32, #tpu.memory_space<vmem_shared>> -> memref<10112x64xf32, #tpu.memory_space<vmem_shared>>
    tpu.wait_indirect_dma semaphore(%arg16 : memref<!tpu.dma_semaphore, #tpu.memory_space<semaphore_mem>>) src(%dma_wait3A_105 : memref<128x64xf32, #tpu.memory_space<vmem>>) dst(%dma_wait3A_111 : memref<10112x64xf32, #tpu.memory_space<vmem_shared>>)
    %dma_wait3A_112 = arith.constant 2 : i32
    %dma_wait3A_113 = arith.constant 38 : i32
    %dma_wait3A_114 = arith.constant 0 : i32
    %dma_wait3A_115 = arith.constant 0 : i32
    %dma_wait3A_116 = tpu.memref_slice %arg9[%dma_wait3A_112, %dma_wait3A_114, %dma_wait3A_115] : memref<4x128x64xf32, #tpu.memory_space<vmem>> -> memref<1x128x64xf32, #tpu.memory_space<vmem>>
    %dma_wait3A_117 = tpu.memref_squeeze %dma_wait3A_116 : memref<1x128x64xf32, #tpu.memory_space<vmem>> -> memref<128x64xf32, #tpu.memory_space<vmem>>
    %dma_wait3A_118 = arith.constant 0 : i32
    %dma_wait3A_119 = tpu.memref_slice %arg8[%dma_wait3A_113, %dma_wait3A_118] : memref<40x128xi32, #tpu.memory_space<vmem>> -> memref<1x128xi32, #tpu.memory_space<vmem>>
    %dma_wait3A_120 = tpu.memref_squeeze %dma_wait3A_119 : memref<1x128xi32, #tpu.memory_space<vmem>> -> memref<128xi32, #tpu.memory_space<vmem>>
    %dma_wait3A_121 = arith.constant 0 : i32
    %dma_wait3A_122 = arith.constant 0 : i32
    %dma_wait3A_123 = tpu.memref_slice %arg10[%dma_wait3A_121, %dma_wait3A_122] : memref<10112x64xf32, #tpu.memory_space<vmem_shared>> -> memref<10112x64xf32, #tpu.memory_space<vmem_shared>>
    tpu.wait_indirect_dma semaphore(%arg17 : memref<!tpu.dma_semaphore, #tpu.memory_space<semaphore_mem>>) src(%dma_wait3A_117 : memref<128x64xf32, #tpu.memory_space<vmem>>) dst(%dma_wait3A_123 : memref<10112x64xf32, #tpu.memory_space<vmem_shared>>)
    %dma_wait3A_124 = arith.constant 3 : i32
    %dma_wait3A_125 = arith.constant 39 : i32
    %dma_wait3A_126 = arith.constant 0 : i32
    %dma_wait3A_127 = arith.constant 0 : i32
    %dma_wait3A_128 = tpu.memref_slice %arg9[%dma_wait3A_124, %dma_wait3A_126, %dma_wait3A_127] : memref<4x128x64xf32, #tpu.memory_space<vmem>> -> memref<1x128x64xf32, #tpu.memory_space<vmem>>
    %dma_wait3A_129 = tpu.memref_squeeze %dma_wait3A_128 : memref<1x128x64xf32, #tpu.memory_space<vmem>> -> memref<128x64xf32, #tpu.memory_space<vmem>>
    %dma_wait3A_130 = arith.constant 0 : i32
    %dma_wait3A_131 = tpu.memref_slice %arg8[%dma_wait3A_125, %dma_wait3A_130] : memref<40x128xi32, #tpu.memory_space<vmem>> -> memref<1x128xi32, #tpu.memory_space<vmem>>
    %dma_wait3A_132 = tpu.memref_squeeze %dma_wait3A_131 : memref<1x128xi32, #tpu.memory_space<vmem>> -> memref<128xi32, #tpu.memory_space<vmem>>
    %dma_wait3A_133 = arith.constant 0 : i32
    %dma_wait3A_134 = arith.constant 0 : i32
    %dma_wait3A_135 = tpu.memref_slice %arg10[%dma_wait3A_133, %dma_wait3A_134] : memref<10112x64xf32, #tpu.memory_space<vmem_shared>> -> memref<10112x64xf32, #tpu.memory_space<vmem_shared>>
    tpu.wait_indirect_dma semaphore(%arg18 : memref<!tpu.dma_semaphore, #tpu.memory_space<semaphore_mem>>) src(%dma_wait3A_129 : memref<128x64xf32, #tpu.memory_space<vmem>>) dst(%dma_wait3A_135 : memref<10112x64xf32, #tpu.memory_space<vmem_shared>>)
    %barrier3A_136 = arith.constant 0 : index
    tpu.barrier barrier_id(%barrier3A_136)
    "tpu.region"() ({
      %run_scoped3A_137 = tpu.sem_alloc : memref<!tpu.dma_semaphore, #tpu.memory_space<semaphore_mem>>
      %dma_start3A_138 = arith.constant 0 : i32
      %dma_start3A_139 = tpu.memref_slice %arg6[%arg0, %mul3A_17, %dma_start3A_138] : memref<2x10112x64xf32, #tpu.memory_space<hbm>> -> memref<1x632x64xf32, #tpu.memory_space<hbm>>
      %dma_start3A_140 = tpu.memref_squeeze %dma_start3A_139 : memref<1x632x64xf32, #tpu.memory_space<hbm>> -> memref<632x64xf32, #tpu.memory_space<hbm>>
      %dma_start3A_141 = arith.constant 0 : i32
      %dma_start3A_142 = tpu.memref_slice %arg10[%mul3A_17, %dma_start3A_141] : memref<10112x64xf32, #tpu.memory_space<vmem_shared>> -> memref<632x64xf32, #tpu.memory_space<vmem_shared>>
      tpu.enqueue_dma source(%dma_start3A_142 : memref<632x64xf32, #tpu.memory_space<vmem_shared>>) target(%dma_start3A_140 : memref<632x64xf32, #tpu.memory_space<hbm>>) target_semaphore(%run_scoped3A_137 : memref<!tpu.dma_semaphore, #tpu.memory_space<semaphore_mem>>)
      %dma_wait3A_143 = arith.constant 0 : i32
      %dma_wait3A_144 = tpu.memref_slice %arg6[%arg0, %mul3A_17, %dma_wait3A_143] : memref<2x10112x64xf32, #tpu.memory_space<hbm>> -> memref<1x632x64xf32, #tpu.memory_space<hbm>>
      %dma_wait3A_145 = tpu.memref_squeeze %dma_wait3A_144 : memref<1x632x64xf32, #tpu.memory_space<hbm>> -> memref<632x64xf32, #tpu.memory_space<hbm>>
      %dma_wait3A_146 = arith.constant 0 : i32
      %dma_wait3A_147 = tpu.memref_slice %arg10[%mul3A_17, %dma_wait3A_146] : memref<10112x64xf32, #tpu.memory_space<vmem_shared>> -> memref<632x64xf32, #tpu.memory_space<vmem_shared>>
      tpu.wait_dma2 semaphore(%run_scoped3A_137 : memref<!tpu.dma_semaphore, #tpu.memory_space<semaphore_mem>>) src(%dma_wait3A_147 : memref<632x64xf32, #tpu.memory_space<vmem_shared>>) dst(%dma_wait3A_145 : memref<632x64xf32, #tpu.memory_space<hbm>>)
      tpu.yield
    }) : () -> ()
    return
  }
}

module attributes {stable_mosaic.version = 14 : i64} {
  func.func @_tcy1_body(%arg0: i32, %arg1: memref<2000x256xf32, #tpu.memory_space<vmem>>, %arg2: memref<256x176xf32, #tpu.memory_space<vmem>>, %arg3: memref<2x2000x96xf32, #tpu.memory_space<vmem>>) attributes {dimension_semantics = [#tpu.dimension_semantics<arbitrary>], iteration_bounds = array<i64: 5>, scalar_prefetch = 0 : i64, scratch_operands = 0 : i64, tpu.core_type = #tpu.core_type<tc>, window_params = [{transform_indices = @transform_0, window_bounds = array<i64: 2000, 256>}, {pipeline_mode = #tpu.pipeline_mode<synchronous>, transform_indices = @transform_1, window_bounds = array<i64: 256, 176>}, {transform_indices = @transform_2, window_bounds = array<i64: 2, 2000, 96>}]} {
    %get3A = arith.constant 0 : index
    %get3A_0 = arith.constant 0 : index
    %get3A_1 = vector.load %arg1[%get3A, %get3A_0] : memref<2000x256xf32, #tpu.memory_space<vmem>>, vector<2000x256xf32>
    %get3A_2 = arith.constant 0 : index
    %get3A_3 = arith.constant 0 : index
    %get3A_4 = vector.load %arg2[%get3A_2, %get3A_3] : memref<256x176xf32, #tpu.memory_space<vmem>>, vector<256x176xf32>
    %dot_general3A = arith.constant dense<0.000000e+00> : vector<2000x176xf32>
    %dot_general3A_5 = tpu.matmul %get3A_1, %get3A_4, %dot_general3A {dimension_numbers = #tpu.dot_dimension_numbers<[1], [0], [0], [1], [0, 0, 1, 1], [], []>, transpose_lhs_hint = false} : vector<2000x256xf32>, vector<256x176xf32>, vector<2000x176xf32> -> vector<2000x176xf32>
    %slice3A = vector.extract_strided_slice %dot_general3A_5 {offsets = [0, 0], sizes = [2000, 96], strides = [1, 1]} : vector<2000x176xf32> to vector<2000x96xf32>
    %slice3A_6 = vector.extract_strided_slice %dot_general3A_5 {offsets = [0, 96], sizes = [2000, 80], strides = [1, 1]} : vector<2000x176xf32> to vector<2000x80xf32>
    %iota3A = tpu.iota {dimensions = array<i32: 1>} : vector<2000x80xi32>
    %eq3A = arith.constant 79 : i32
    %eq3A_7 = vector.broadcast %eq3A : i32 to vector<2000x80xi32>
    %eq3A_8 = arith.cmpi eq, %iota3A, %eq3A_7 : vector<2000x80xi32>
    %jit3A = arith.constant 1.000000e+00 : f32
    %broadcast_in_dim3A = vector.broadcast %jit3A : f32 to vector<2000x80xf32>
    %select_n3A = arith.select %eq3A_8, %broadcast_in_dim3A, %slice3A_6 : vector<2000x80xi1>, vector<2000x80xf32>
    %swap3A = arith.constant 0 : index
    %swap3A_9 = arith.constant 0 : index
    %swap3A_10 = arith.constant 0 : index
    %swap3A_11 = vector.load %arg3[%swap3A, %swap3A_9, %swap3A_10] : memref<2x2000x96xf32, #tpu.memory_space<vmem>>, vector<1x2000x96xf32>
    %swap3A_12 = vector.shape_cast %swap3A_11 : vector<1x2000x96xf32> to vector<2000x96xf32>
    %swap3A_13 = vector.shape_cast %slice3A : vector<2000x96xf32> to vector<1x2000x96xf32>
    tpu.vector_store %arg3[%swap3A, %swap3A_9, %swap3A_10], %swap3A_13 {strides = array<i32>} : memref<2x2000x96xf32, #tpu.memory_space<vmem>>, vector<1x2000x96xf32>,
    %broadcast_in_dim3A_14 = arith.constant 0.000000e+00 : f32
    %broadcast_in_dim3A_15 = vector.broadcast %broadcast_in_dim3A_14 : f32 to vector<2000x16xf32>
    %concatenate3A = tpu.concatenate %select_n3A, %broadcast_in_dim3A_15 in 1 : vector<2000x80xf32>, vector<2000x16xf32> -> vector<2000x96xf32>
    %swap3A_16 = arith.constant 1 : index
    %swap3A_17 = arith.constant 0 : index
    %swap3A_18 = arith.constant 0 : index
    %swap3A_19 = vector.load %arg3[%swap3A_16, %swap3A_17, %swap3A_18] : memref<2x2000x96xf32, #tpu.memory_space<vmem>>, vector<1x2000x96xf32>
    %swap3A_20 = vector.shape_cast %swap3A_19 : vector<1x2000x96xf32> to vector<2000x96xf32>
    %swap3A_21 = vector.shape_cast %concatenate3A : vector<2000x96xf32> to vector<1x2000x96xf32>
    tpu.vector_store %arg3[%swap3A_16, %swap3A_17, %swap3A_18], %swap3A_21 {strides = array<i32>} : memref<2x2000x96xf32, #tpu.memory_space<vmem>>, vector<1x2000x96xf32>,
    return
  }
  func.func @transform_0(%arg0: i32) -> (i32, i32) {
    %c0_i32 = arith.constant 0 : i32
    %c0_i32_0 = arith.constant 0 : i32
    return %arg0, %c0_i32 : i32, i32
  }
  func.func @transform_1(%arg0: i32) -> (i32, i32) {
    %c0_i32 = arith.constant 0 : i32
    %c0_i32_0 = arith.constant 0 : i32
    %c0_i32_1 = arith.constant 0 : i32
    return %c0_i32, %c0_i32_0 : i32, i32
  }
  func.func @transform_2(%arg0: i32) -> (i32, i32, i32) {
    %c0_i32 = arith.constant 0 : i32
    %c0_i32_0 = arith.constant 0 : i32
    %c0_i32_1 = arith.constant 0 : i32
    return %c0_i32, %arg0, %c0_i32_0 : i32, i32, i32
  }
}

module attributes {stable_mosaic.version = 14 : i64} {
  func.func @_tcz1_body(%arg0: i32, %arg1: memref<2000x256xf32, #tpu.memory_space<vmem>>, %arg2: memref<256x176xf32, #tpu.memory_space<vmem>>, %arg3: memref<1x176xf32, #tpu.memory_space<vmem>>, %arg4: memref<2000x176xf32, #tpu.memory_space<vmem>>) attributes {dimension_semantics = [#tpu.dimension_semantics<arbitrary>], iteration_bounds = array<i64: 5>, scalar_prefetch = 0 : i64, scratch_operands = 0 : i64, tpu.core_type = #tpu.core_type<tc>, window_params = [{transform_indices = @transform_0, window_bounds = array<i64: 2000, 256>}, {pipeline_mode = #tpu.pipeline_mode<synchronous>, transform_indices = @transform_1, window_bounds = array<i64: 256, 176>}, {pipeline_mode = #tpu.pipeline_mode<synchronous>, transform_indices = @transform_2, window_bounds = array<i64: 1, 176>}, {transform_indices = @transform_3, window_bounds = array<i64: 2000, 176>}]} {
    %get3A = arith.constant 0 : index
    %get3A_0 = arith.constant 0 : index
    %get3A_1 = vector.load %arg1[%get3A, %get3A_0] : memref<2000x256xf32, #tpu.memory_space<vmem>>, vector<2000x256xf32>
    %get3A_2 = arith.constant 0 : index
    %get3A_3 = arith.constant 0 : index
    %get3A_4 = vector.load %arg2[%get3A_2, %get3A_3] : memref<256x176xf32, #tpu.memory_space<vmem>>, vector<256x176xf32>
    %dot_general3A = arith.constant dense<0.000000e+00> : vector<2000x176xf32>
    %dot_general3A_5 = tpu.matmul %get3A_1, %get3A_4, %dot_general3A {dimension_numbers = #tpu.dot_dimension_numbers<[1], [0], [0], [1], [0, 0, 1, 1], [], []>, transpose_lhs_hint = false} : vector<2000x256xf32>, vector<256x176xf32>, vector<2000x176xf32> -> vector<2000x176xf32>
    %get3A_6 = arith.constant 0 : index
    %get3A_7 = arith.constant 0 : index
    %get3A_8 = vector.load %arg3[%get3A_6, %get3A_7] : memref<1x176xf32, #tpu.memory_space<vmem>>, vector<1x176xf32>
    %add3A = vector.broadcast %get3A_8 : vector<1x176xf32> to vector<2000x176xf32>
    %add3A_9 = arith.addf %dot_general3A_5, %add3A : vector<2000x176xf32>
    %swap3A = arith.constant 0 : index
    %swap3A_10 = arith.constant 0 : index
    %swap3A_11 = vector.load %arg4[%swap3A, %swap3A_10] : memref<2000x176xf32, #tpu.memory_space<vmem>>, vector<2000x176xf32>
    tpu.vector_store %arg4[%swap3A, %swap3A_10], %add3A_9 {strides = array<i32>} : memref<2000x176xf32, #tpu.memory_space<vmem>>, vector<2000x176xf32>,
    return
  }
  func.func @transform_0(%arg0: i32) -> (i32, i32) {
    %c0_i32 = arith.constant 0 : i32
    %c0_i32_0 = arith.constant 0 : i32
    return %arg0, %c0_i32 : i32, i32
  }
  func.func @transform_1(%arg0: i32) -> (i32, i32) {
    %c0_i32 = arith.constant 0 : i32
    %c0_i32_0 = arith.constant 0 : i32
    %c0_i32_1 = arith.constant 0 : i32
    return %c0_i32, %c0_i32_0 : i32, i32
  }
  func.func @transform_2(%arg0: i32) -> (i32, i32) {
    %c0_i32 = arith.constant 0 : i32
    %c0_i32_0 = arith.constant 0 : i32
    %c0_i32_1 = arith.constant 0 : i32
    return %c0_i32, %c0_i32_0 : i32, i32
  }
  func.func @transform_3(%arg0: i32) -> (i32, i32) {
    %c0_i32 = arith.constant 0 : i32
    %c0_i32_0 = arith.constant 0 : i32
    return %arg0, %c0_i32 : i32, i32
  }
}

module attributes {stable_mosaic.version = 14 : i64} {
  func.func @_tc2_body(%arg0: i32, %arg1: memref<2000x96xf32, #tpu.memory_space<vmem>>, %arg2: memref<2000x96xf32, #tpu.memory_space<vmem>>, %arg3: memref<2000x176xf32, #tpu.memory_space<vmem>>, %arg4: memref<176x128xf32, #tpu.memory_space<vmem>>, %arg5: memref<176x128xf32, #tpu.memory_space<vmem>>, %arg6: memref<1x128xf32, #tpu.memory_space<vmem>>, %arg7: memref<2000x128xf32, #tpu.memory_space<vmem>>, %arg8: memref<2000x128xf32, #tpu.memory_space<vmem>>, %arg9: memref<2000x1xf32, #tpu.memory_space<vmem>>) attributes {dimension_semantics = [#tpu.dimension_semantics<arbitrary>], iteration_bounds = array<i64: 5>, scalar_prefetch = 0 : i64, scratch_operands = 0 : i64, tpu.core_type = #tpu.core_type<tc>, window_params = [{transform_indices = @transform_0, window_bounds = array<i64: 2000, 96>}, {transform_indices = @transform_1, window_bounds = array<i64: 2000, 96>}, {transform_indices = @transform_2, window_bounds = array<i64: 2000, 176>}, {pipeline_mode = #tpu.pipeline_mode<synchronous>, transform_indices = @transform_3, window_bounds = array<i64: 176, 128>}, {pipeline_mode = #tpu.pipeline_mode<synchronous>, transform_indices = @transform_4, window_bounds = array<i64: 176, 128>}, {pipeline_mode = #tpu.pipeline_mode<synchronous>, transform_indices = @transform_5, window_bounds = array<i64: 1, 128>}, {transform_indices = @transform_6, window_bounds = array<i64: 2000, 128>}, {transform_indices = @transform_7, window_bounds = array<i64: 2000, 128>}, {transform_indices = @transform_8, window_bounds = array<i64: 2000, 1>}]} {
    %get3A = arith.constant 0 : index
    %get3A_0 = arith.constant 0 : index
    %get3A_1 = vector.load %arg1[%get3A, %get3A_0] : memref<2000x96xf32, #tpu.memory_space<vmem>>, vector<2000x96xf32>
    %get3A_2 = arith.constant 0 : index
    %get3A_3 = arith.constant 0 : index
    %get3A_4 = vector.load %arg2[%get3A_2, %get3A_3] : memref<2000x96xf32, #tpu.memory_space<vmem>>, vector<2000x96xf32>
    %slice3A = vector.extract_strided_slice %get3A_4 {offsets = [0, 79], sizes = [2000, 1], strides = [1, 1]} : vector<2000x96xf32> to vector<2000x1xf32>
    %max3A = arith.constant 1.000000e+00 : f32
    %max3A_5 = vector.broadcast %max3A : f32 to vector<2000x1xf32>
    %max3A_6 = arith.maximumf %slice3A, %max3A_5 : vector<2000x1xf32>
    %div3A = arith.constant 1.000000e+00 : f32
    %div3A_7 = vector.broadcast %div3A : f32 to vector<2000x1xf32>
    %div3A_8 = arith.divf %div3A_7, %max3A_6 : vector<2000x1xf32>
    %slice3A_9 = vector.extract_strided_slice %get3A_4 {offsets = [0, 0], sizes = [2000, 80], strides = [1, 1]} : vector<2000x96xf32> to vector<2000x80xf32>
    %concatenate3A = tpu.concatenate %get3A_1, %slice3A_9 in 1 : vector<2000x96xf32>, vector<2000x80xf32> -> vector<2000x176xf32>
    %mul3A = vector.broadcast %div3A_8 : vector<2000x1xf32> to vector<2000x176xf32>
    %mul3A_10 = arith.mulf %concatenate3A, %mul3A : vector<2000x176xf32>
    %get3A_11 = arith.constant 0 : index
    %get3A_12 = arith.constant 0 : index
    %get3A_13 = vector.load %arg3[%get3A_11, %get3A_12] : memref<2000x176xf32, #tpu.memory_space<vmem>>, vector<2000x176xf32>
    %add3A = arith.addf %mul3A_10, %get3A_13 : vector<2000x176xf32>
    %get3A_14 = arith.constant 0 : index
    %get3A_15 = arith.constant 0 : index
    %get3A_16 = vector.load %arg4[%get3A_14, %get3A_15] : memref<176x128xf32, #tpu.memory_space<vmem>>, vector<176x128xf32>
    %dot_general3A = arith.constant dense<0.000000e+00> : vector<2000x128xf32>
    %dot_general3A_17 = tpu.matmul %add3A, %get3A_16, %dot_general3A {dimension_numbers = #tpu.dot_dimension_numbers<[1], [0], [0], [1], [0, 0, 1, 1], [], []>, transpose_lhs_hint = false} : vector<2000x176xf32>, vector<176x128xf32>, vector<2000x128xf32> -> vector<2000x128xf32>
    %swap3A = arith.constant 0 : index
    %swap3A_18 = arith.constant 0 : index
    %swap3A_19 = vector.load %arg7[%swap3A, %swap3A_18] : memref<2000x128xf32, #tpu.memory_space<vmem>>, vector<2000x128xf32>
    tpu.vector_store %arg7[%swap3A, %swap3A_18], %dot_general3A_17 {strides = array<i32>} : memref<2000x128xf32, #tpu.memory_space<vmem>>, vector<2000x128xf32>,
    %get3A_20 = arith.constant 0 : index
    %get3A_21 = arith.constant 0 : index
    %get3A_22 = vector.load %arg5[%get3A_20, %get3A_21] : memref<176x128xf32, #tpu.memory_space<vmem>>, vector<176x128xf32>
    %dot_general3A_23 = arith.constant dense<0.000000e+00> : vector<2000x128xf32>
    %dot_general3A_24 = tpu.matmul %add3A, %get3A_22, %dot_general3A_23 {dimension_numbers = #tpu.dot_dimension_numbers<[1], [0], [0], [1], [0, 0, 1, 1], [], []>, transpose_lhs_hint = false} : vector<2000x176xf32>, vector<176x128xf32>, vector<2000x128xf32> -> vector<2000x128xf32>
    %get3A_25 = arith.constant 0 : index
    %get3A_26 = arith.constant 0 : index
    %get3A_27 = vector.load %arg6[%get3A_25, %get3A_26] : memref<1x128xf32, #tpu.memory_space<vmem>>, vector<1x128xf32>
    %add3A_28 = vector.broadcast %get3A_27 : vector<1x128xf32> to vector<2000x128xf32>
    %add3A_29 = arith.addf %dot_general3A_24, %add3A_28 : vector<2000x128xf32>
    %swap3A_30 = arith.constant 0 : index
    %swap3A_31 = arith.constant 0 : index
    %swap3A_32 = vector.load %arg8[%swap3A_30, %swap3A_31] : memref<2000x128xf32, #tpu.memory_space<vmem>>, vector<2000x128xf32>
    tpu.vector_store %arg8[%swap3A_30, %swap3A_31], %add3A_29 {strides = array<i32>} : memref<2000x128xf32, #tpu.memory_space<vmem>>, vector<2000x128xf32>,
    %swap3A_33 = arith.constant 0 : index
    %swap3A_34 = arith.constant 0 : index
    %swap3A_35 = vector.load %arg9[%swap3A_33, %swap3A_34] : memref<2000x1xf32, #tpu.memory_space<vmem>>, vector<2000x1xf32>
    tpu.vector_store %arg9[%swap3A_33, %swap3A_34], %div3A_8 {strides = array<i32>} : memref<2000x1xf32, #tpu.memory_space<vmem>>, vector<2000x1xf32>,
    return
  }
  func.func @transform_0(%arg0: i32) -> (i32, i32) {
    %c0_i32 = arith.constant 0 : i32
    %c0_i32_0 = arith.constant 0 : i32
    return %arg0, %c0_i32 : i32, i32
  }
  func.func @transform_1(%arg0: i32) -> (i32, i32) {
    %c0_i32 = arith.constant 0 : i32
    %c0_i32_0 = arith.constant 0 : i32
    return %arg0, %c0_i32 : i32, i32
  }
  func.func @transform_2(%arg0: i32) -> (i32, i32) {
    %c0_i32 = arith.constant 0 : i32
    %c0_i32_0 = arith.constant 0 : i32
    return %arg0, %c0_i32 : i32, i32
  }
  func.func @transform_3(%arg0: i32) -> (i32, i32) {
    %c0_i32 = arith.constant 0 : i32
    %c0_i32_0 = arith.constant 0 : i32
    %c0_i32_1 = arith.constant 0 : i32
    return %c0_i32, %c0_i32_0 : i32, i32
  }
  func.func @transform_4(%arg0: i32) -> (i32, i32) {
    %c0_i32 = arith.constant 0 : i32
    %c0_i32_0 = arith.constant 0 : i32
    %c0_i32_1 = arith.constant 0 : i32
    return %c0_i32, %c0_i32_0 : i32, i32
  }
  func.func @transform_5(%arg0: i32) -> (i32, i32) {
    %c0_i32 = arith.constant 0 : i32
    %c0_i32_0 = arith.constant 0 : i32
    %c0_i32_1 = arith.constant 0 : i32
    return %c0_i32, %c0_i32_0 : i32, i32
  }
  func.func @transform_6(%arg0: i32) -> (i32, i32) {
    %c0_i32 = arith.constant 0 : i32
    %c0_i32_0 = arith.constant 0 : i32
    return %arg0, %c0_i32 : i32, i32
  }
  func.func @transform_7(%arg0: i32) -> (i32, i32) {
    %c0_i32 = arith.constant 0 : i32
    %c0_i32_0 = arith.constant 0 : i32
    return %arg0, %c0_i32 : i32, i32
  }
  func.func @transform_8(%arg0: i32) -> (i32, i32) {
    %c0_i32 = arith.constant 0 : i32
    %c0_i32_0 = arith.constant 0 : i32
    return %arg0, %c0_i32 : i32, i32
  }
}

module attributes {stable_mosaic.version = 14 : i64} {
  func.func @_tcmid_body(%arg0: i32, %arg1: memref<2000x128xf32, #tpu.memory_space<vmem>>, %arg2: memref<2000x128xf32, #tpu.memory_space<vmem>>, %arg3: memref<2000x128xf32, #tpu.memory_space<vmem>>, %arg4: memref<2000x1xf32, #tpu.memory_space<vmem>>, %arg5: memref<128x64xf32, #tpu.memory_space<vmem>>, %arg6: memref<128x64xf32, #tpu.memory_space<vmem>>, %arg7: memref<1x64xf32, #tpu.memory_space<vmem>>, %arg8: memref<2000x64xf32, #tpu.memory_space<vmem>>, %arg9: memref<2000x64xf32, #tpu.memory_space<vmem>>) attributes {dimension_semantics = [#tpu.dimension_semantics<arbitrary>], iteration_bounds = array<i64: 5>, scalar_prefetch = 0 : i64, scratch_operands = 0 : i64, tpu.core_type = #tpu.core_type<tc>, window_params = [{transform_indices = @transform_0, window_bounds = array<i64: 2000, 128>}, {transform_indices = @transform_1, window_bounds = array<i64: 2000, 128>}, {transform_indices = @transform_2, window_bounds = array<i64: 2000, 128>}, {transform_indices = @transform_3, window_bounds = array<i64: 2000, 1>}, {pipeline_mode = #tpu.pipeline_mode<synchronous>, transform_indices = @transform_4, window_bounds = array<i64: 128, 64>}, {pipeline_mode = #tpu.pipeline_mode<synchronous>, transform_indices = @transform_5, window_bounds = array<i64: 128, 64>}, {pipeline_mode = #tpu.pipeline_mode<synchronous>, transform_indices = @transform_6, window_bounds = array<i64: 1, 64>}, {transform_indices = @transform_7, window_bounds = array<i64: 2000, 64>}, {transform_indices = @transform_8, window_bounds = array<i64: 2000, 64>}]} {
    %get3A = arith.constant 0 : index
    %get3A_0 = arith.constant 0 : index
    %get3A_1 = vector.load %arg1[%get3A, %get3A_0] : memref<2000x128xf32, #tpu.memory_space<vmem>>, vector<2000x128xf32>
    %get3A_2 = arith.constant 0 : index
    %get3A_3 = arith.constant 0 : index
    %get3A_4 = vector.load %arg2[%get3A_2, %get3A_3] : memref<2000x128xf32, #tpu.memory_space<vmem>>, vector<2000x128xf32>
    %add3A = arith.addf %get3A_1, %get3A_4 : vector<2000x128xf32>
    %get3A_5 = arith.constant 0 : index
    %get3A_6 = arith.constant 0 : index
    %get3A_7 = vector.load %arg4[%get3A_5, %get3A_6] : memref<2000x1xf32, #tpu.memory_space<vmem>>, vector<2000x1xf32>
    %mul3A = vector.broadcast %get3A_7 : vector<2000x1xf32> to vector<2000x128xf32>
    %mul3A_8 = arith.mulf %add3A, %mul3A : vector<2000x128xf32>
    %get3A_9 = arith.constant 0 : index
    %get3A_10 = arith.constant 0 : index
    %get3A_11 = vector.load %arg3[%get3A_9, %get3A_10] : memref<2000x128xf32, #tpu.memory_space<vmem>>, vector<2000x128xf32>
    %add3A_12 = arith.addf %mul3A_8, %get3A_11 : vector<2000x128xf32>
    %get3A_13 = arith.constant 0 : index
    %get3A_14 = arith.constant 0 : index
    %get3A_15 = vector.load %arg5[%get3A_13, %get3A_14] : memref<128x64xf32, #tpu.memory_space<vmem>>, vector<128x64xf32>
    %dot_general3A = arith.constant dense<0.000000e+00> : vector<2000x64xf32>
    %dot_general3A_16 = tpu.matmul %add3A_12, %get3A_15, %dot_general3A {dimension_numbers = #tpu.dot_dimension_numbers<[1], [0], [0], [1], [0, 0, 1, 1], [], []>, transpose_lhs_hint = false} : vector<2000x128xf32>, vector<128x64xf32>, vector<2000x64xf32> -> vector<2000x64xf32>
    %swap3A = arith.constant 0 : index
    %swap3A_17 = arith.constant 0 : index
    %swap3A_18 = vector.load %arg8[%swap3A, %swap3A_17] : memref<2000x64xf32, #tpu.memory_space<vmem>>, vector<2000x64xf32>
    tpu.vector_store %arg8[%swap3A, %swap3A_17], %dot_general3A_16 {strides = array<i32>} : memref<2000x64xf32, #tpu.memory_space<vmem>>, vector<2000x64xf32>,
    %get3A_19 = arith.constant 0 : index
    %get3A_20 = arith.constant 0 : index
    %get3A_21 = vector.load %arg6[%get3A_19, %get3A_20] : memref<128x64xf32, #tpu.memory_space<vmem>>, vector<128x64xf32>
    %dot_general3A_22 = arith.constant dense<0.000000e+00> : vector<2000x64xf32>
    %dot_general3A_23 = tpu.matmul %add3A_12, %get3A_21, %dot_general3A_22 {dimension_numbers = #tpu.dot_dimension_numbers<[1], [0], [0], [1], [0, 0, 1, 1], [], []>, transpose_lhs_hint = false} : vector<2000x128xf32>, vector<128x64xf32>, vector<2000x64xf32> -> vector<2000x64xf32>
    %get3A_24 = arith.constant 0 : index
    %get3A_25 = arith.constant 0 : index
    %get3A_26 = vector.load %arg7[%get3A_24, %get3A_25] : memref<1x64xf32, #tpu.memory_space<vmem>>, vector<1x64xf32>
    %add3A_27 = vector.broadcast %get3A_26 : vector<1x64xf32> to vector<2000x64xf32>
    %add3A_28 = arith.addf %dot_general3A_23, %add3A_27 : vector<2000x64xf32>
    %swap3A_29 = arith.constant 0 : index
    %swap3A_30 = arith.constant 0 : index
    %swap3A_31 = vector.load %arg9[%swap3A_29, %swap3A_30] : memref<2000x64xf32, #tpu.memory_space<vmem>>, vector<2000x64xf32>
    tpu.vector_store %arg9[%swap3A_29, %swap3A_30], %add3A_28 {strides = array<i32>} : memref<2000x64xf32, #tpu.memory_space<vmem>>, vector<2000x64xf32>,
    return
  }
  func.func @transform_0(%arg0: i32) -> (i32, i32) {
    %c0_i32 = arith.constant 0 : i32
    %c0_i32_0 = arith.constant 0 : i32
    return %arg0, %c0_i32 : i32, i32
  }
  func.func @transform_1(%arg0: i32) -> (i32, i32) {
    %c0_i32 = arith.constant 0 : i32
    %c0_i32_0 = arith.constant 0 : i32
    return %arg0, %c0_i32 : i32, i32
  }
  func.func @transform_2(%arg0: i32) -> (i32, i32) {
    %c0_i32 = arith.constant 0 : i32
    %c0_i32_0 = arith.constant 0 : i32
    return %arg0, %c0_i32 : i32, i32
  }
  func.func @transform_3(%arg0: i32) -> (i32, i32) {
    %c0_i32 = arith.constant 0 : i32
    %c0_i32_0 = arith.constant 0 : i32
    return %arg0, %c0_i32 : i32, i32
  }
  func.func @transform_4(%arg0: i32) -> (i32, i32) {
    %c0_i32 = arith.constant 0 : i32
    %c0_i32_0 = arith.constant 0 : i32
    %c0_i32_1 = arith.constant 0 : i32
    return %c0_i32, %c0_i32_0 : i32, i32
  }
  func.func @transform_5(%arg0: i32) -> (i32, i32) {
    %c0_i32 = arith.constant 0 : i32
    %c0_i32_0 = arith.constant 0 : i32
    %c0_i32_1 = arith.constant 0 : i32
    return %c0_i32, %c0_i32_0 : i32, i32
  }
  func.func @transform_6(%arg0: i32) -> (i32, i32) {
    %c0_i32 = arith.constant 0 : i32
    %c0_i32_0 = arith.constant 0 : i32
    %c0_i32_1 = arith.constant 0 : i32
    return %c0_i32, %c0_i32_0 : i32, i32
  }
  func.func @transform_7(%arg0: i32) -> (i32, i32) {
    %c0_i32 = arith.constant 0 : i32
    %c0_i32_0 = arith.constant 0 : i32
    return %arg0, %c0_i32 : i32, i32
  }
  func.func @transform_8(%arg0: i32) -> (i32, i32) {
    %c0_i32 = arith.constant 0 : i32
    %c0_i32_0 = arith.constant 0 : i32
    return %arg0, %c0_i32 : i32, i32
  }
}

module attributes {stable_mosaic.version = 14 : i64} {
  func.func @_tcmid_body(%arg0: i32, %arg1: memref<2000x64xf32, #tpu.memory_space<vmem>>, %arg2: memref<2000x64xf32, #tpu.memory_space<vmem>>, %arg3: memref<2000x64xf32, #tpu.memory_space<vmem>>, %arg4: memref<2000x1xf32, #tpu.memory_space<vmem>>, %arg5: memref<64x16xf32, #tpu.memory_space<vmem>>, %arg6: memref<64x16xf32, #tpu.memory_space<vmem>>, %arg7: memref<1x16xf32, #tpu.memory_space<vmem>>, %arg8: memref<2000x16xf32, #tpu.memory_space<vmem>>, %arg9: memref<2000x16xf32, #tpu.memory_space<vmem>>) attributes {dimension_semantics = [#tpu.dimension_semantics<arbitrary>], iteration_bounds = array<i64: 5>, scalar_prefetch = 0 : i64, scratch_operands = 0 : i64, tpu.core_type = #tpu.core_type<tc>, window_params = [{transform_indices = @transform_0, window_bounds = array<i64: 2000, 64>}, {transform_indices = @transform_1, window_bounds = array<i64: 2000, 64>}, {transform_indices = @transform_2, window_bounds = array<i64: 2000, 64>}, {transform_indices = @transform_3, window_bounds = array<i64: 2000, 1>}, {pipeline_mode = #tpu.pipeline_mode<synchronous>, transform_indices = @transform_4, window_bounds = array<i64: 64, 16>}, {pipeline_mode = #tpu.pipeline_mode<synchronous>, transform_indices = @transform_5, window_bounds = array<i64: 64, 16>}, {pipeline_mode = #tpu.pipeline_mode<synchronous>, transform_indices = @transform_6, window_bounds = array<i64: 1, 16>}, {transform_indices = @transform_7, window_bounds = array<i64: 2000, 16>}, {transform_indices = @transform_8, window_bounds = array<i64: 2000, 16>}]} {
    %get3A = arith.constant 0 : index
    %get3A_0 = arith.constant 0 : index
    %get3A_1 = vector.load %arg1[%get3A, %get3A_0] : memref<2000x64xf32, #tpu.memory_space<vmem>>, vector<2000x64xf32>
    %get3A_2 = arith.constant 0 : index
    %get3A_3 = arith.constant 0 : index
    %get3A_4 = vector.load %arg2[%get3A_2, %get3A_3] : memref<2000x64xf32, #tpu.memory_space<vmem>>, vector<2000x64xf32>
    %add3A = arith.addf %get3A_1, %get3A_4 : vector<2000x64xf32>
    %get3A_5 = arith.constant 0 : index
    %get3A_6 = arith.constant 0 : index
    %get3A_7 = vector.load %arg4[%get3A_5, %get3A_6] : memref<2000x1xf32, #tpu.memory_space<vmem>>, vector<2000x1xf32>
    %mul3A = vector.broadcast %get3A_7 : vector<2000x1xf32> to vector<2000x64xf32>
    %mul3A_8 = arith.mulf %add3A, %mul3A : vector<2000x64xf32>
    %get3A_9 = arith.constant 0 : index
    %get3A_10 = arith.constant 0 : index
    %get3A_11 = vector.load %arg3[%get3A_9, %get3A_10] : memref<2000x64xf32, #tpu.memory_space<vmem>>, vector<2000x64xf32>
    %add3A_12 = arith.addf %mul3A_8, %get3A_11 : vector<2000x64xf32>
    %get3A_13 = arith.constant 0 : index
    %get3A_14 = arith.constant 0 : index
    %get3A_15 = vector.load %arg5[%get3A_13, %get3A_14] : memref<64x16xf32, #tpu.memory_space<vmem>>, vector<64x16xf32>
    %dot_general3A = arith.constant dense<0.000000e+00> : vector<2000x16xf32>
    %dot_general3A_16 = tpu.matmul %add3A_12, %get3A_15, %dot_general3A {dimension_numbers = #tpu.dot_dimension_numbers<[1], [0], [0], [1], [0, 0, 1, 1], [], []>, transpose_lhs_hint = false} : vector<2000x64xf32>, vector<64x16xf32>, vector<2000x16xf32> -> vector<2000x16xf32>
    %swap3A = arith.constant 0 : index
    %swap3A_17 = arith.constant 0 : index
    %swap3A_18 = vector.load %arg8[%swap3A, %swap3A_17] : memref<2000x16xf32, #tpu.memory_space<vmem>>, vector<2000x16xf32>
    tpu.vector_store %arg8[%swap3A, %swap3A_17], %dot_general3A_16 {strides = array<i32>} : memref<2000x16xf32, #tpu.memory_space<vmem>>, vector<2000x16xf32>,
    %get3A_19 = arith.constant 0 : index
    %get3A_20 = arith.constant 0 : index
    %get3A_21 = vector.load %arg6[%get3A_19, %get3A_20] : memref<64x16xf32, #tpu.memory_space<vmem>>, vector<64x16xf32>
    %dot_general3A_22 = arith.constant dense<0.000000e+00> : vector<2000x16xf32>
    %dot_general3A_23 = tpu.matmul %add3A_12, %get3A_21, %dot_general3A_22 {dimension_numbers = #tpu.dot_dimension_numbers<[1], [0], [0], [1], [0, 0, 1, 1], [], []>, transpose_lhs_hint = false} : vector<2000x64xf32>, vector<64x16xf32>, vector<2000x16xf32> -> vector<2000x16xf32>
    %get3A_24 = arith.constant 0 : index
    %get3A_25 = arith.constant 0 : index
    %get3A_26 = vector.load %arg7[%get3A_24, %get3A_25] : memref<1x16xf32, #tpu.memory_space<vmem>>, vector<1x16xf32>
    %add3A_27 = vector.broadcast %get3A_26 : vector<1x16xf32> to vector<2000x16xf32>
    %add3A_28 = arith.addf %dot_general3A_23, %add3A_27 : vector<2000x16xf32>
    %swap3A_29 = arith.constant 0 : index
    %swap3A_30 = arith.constant 0 : index
    %swap3A_31 = vector.load %arg9[%swap3A_29, %swap3A_30] : memref<2000x16xf32, #tpu.memory_space<vmem>>, vector<2000x16xf32>
    tpu.vector_store %arg9[%swap3A_29, %swap3A_30], %add3A_28 {strides = array<i32>} : memref<2000x16xf32, #tpu.memory_space<vmem>>, vector<2000x16xf32>,
    return
  }
  func.func @transform_0(%arg0: i32) -> (i32, i32) {
    %c0_i32 = arith.constant 0 : i32
    %c0_i32_0 = arith.constant 0 : i32
    return %arg0, %c0_i32 : i32, i32
  }
  func.func @transform_1(%arg0: i32) -> (i32, i32) {
    %c0_i32 = arith.constant 0 : i32
    %c0_i32_0 = arith.constant 0 : i32
    return %arg0, %c0_i32 : i32, i32
  }
  func.func @transform_2(%arg0: i32) -> (i32, i32) {
    %c0_i32 = arith.constant 0 : i32
    %c0_i32_0 = arith.constant 0 : i32
    return %arg0, %c0_i32 : i32, i32
  }
  func.func @transform_3(%arg0: i32) -> (i32, i32) {
    %c0_i32 = arith.constant 0 : i32
    %c0_i32_0 = arith.constant 0 : i32
    return %arg0, %c0_i32 : i32, i32
  }
  func.func @transform_4(%arg0: i32) -> (i32, i32) {
    %c0_i32 = arith.constant 0 : i32
    %c0_i32_0 = arith.constant 0 : i32
    %c0_i32_1 = arith.constant 0 : i32
    return %c0_i32, %c0_i32_0 : i32, i32
  }
  func.func @transform_5(%arg0: i32) -> (i32, i32) {
    %c0_i32 = arith.constant 0 : i32
    %c0_i32_0 = arith.constant 0 : i32
    %c0_i32_1 = arith.constant 0 : i32
    return %c0_i32, %c0_i32_0 : i32, i32
  }
  func.func @transform_6(%arg0: i32) -> (i32, i32) {
    %c0_i32 = arith.constant 0 : i32
    %c0_i32_0 = arith.constant 0 : i32
    %c0_i32_1 = arith.constant 0 : i32
    return %c0_i32, %c0_i32_0 : i32, i32
  }
  func.func @transform_7(%arg0: i32) -> (i32, i32) {
    %c0_i32 = arith.constant 0 : i32
    %c0_i32_0 = arith.constant 0 : i32
    return %arg0, %c0_i32 : i32, i32
  }
  func.func @transform_8(%arg0: i32) -> (i32, i32) {
    %c0_i32 = arith.constant 0 : i32
    %c0_i32_0 = arith.constant 0 : i32
    return %arg0, %c0_i32 : i32, i32
  }
}

module attributes {stable_mosaic.version = 14 : i64} {
  func.func @_tc5_body(%arg0: i32, %arg1: memref<2000x16xf32, #tpu.memory_space<vmem>>, %arg2: memref<2000x16xf32, #tpu.memory_space<vmem>>, %arg3: memref<2000x16xf32, #tpu.memory_space<vmem>>, %arg4: memref<2000x1xf32, #tpu.memory_space<vmem>>, %arg5: memref<2000x1xf32, #tpu.memory_space<vmem>>) attributes {dimension_semantics = [#tpu.dimension_semantics<arbitrary>], iteration_bounds = array<i64: 5>, scalar_prefetch = 0 : i64, scratch_operands = 0 : i64, tpu.core_type = #tpu.core_type<tc>, window_params = [{transform_indices = @transform_0, window_bounds = array<i64: 2000, 16>}, {transform_indices = @transform_1, window_bounds = array<i64: 2000, 16>}, {transform_indices = @transform_2, window_bounds = array<i64: 2000, 16>}, {transform_indices = @transform_3, window_bounds = array<i64: 2000, 1>}, {transform_indices = @transform_4, window_bounds = array<i64: 2000, 1>}]} {
    %get3A = arith.constant 0 : index
    %get3A_0 = arith.constant 0 : index
    %get3A_1 = vector.load %arg1[%get3A, %get3A_0] : memref<2000x16xf32, #tpu.memory_space<vmem>>, vector<2000x16xf32>
    %get3A_2 = arith.constant 0 : index
    %get3A_3 = arith.constant 0 : index
    %get3A_4 = vector.load %arg2[%get3A_2, %get3A_3] : memref<2000x16xf32, #tpu.memory_space<vmem>>, vector<2000x16xf32>
    %add3A = arith.addf %get3A_1, %get3A_4 : vector<2000x16xf32>
    %get3A_5 = arith.constant 0 : index
    %get3A_6 = arith.constant 0 : index
    %get3A_7 = vector.load %arg4[%get3A_5, %get3A_6] : memref<2000x1xf32, #tpu.memory_space<vmem>>, vector<2000x1xf32>
    %mul3A = vector.broadcast %get3A_7 : vector<2000x1xf32> to vector<2000x16xf32>
    %mul3A_8 = arith.mulf %add3A, %mul3A : vector<2000x16xf32>
    %get3A_9 = arith.constant 0 : index
    %get3A_10 = arith.constant 0 : index
    %get3A_11 = vector.load %arg3[%get3A_9, %get3A_10] : memref<2000x16xf32, #tpu.memory_space<vmem>>, vector<2000x16xf32>
    %add3A_12 = arith.addf %mul3A_8, %get3A_11 : vector<2000x16xf32>
    %slice3A = vector.extract_strided_slice %add3A_12 {offsets = [0, 0], sizes = [2000, 1], strides = [1, 1]} : vector<2000x16xf32> to vector<2000x1xf32>
    %swap3A = arith.constant 0 : index
    %swap3A_13 = arith.constant 0 : index
    %swap3A_14 = vector.load %arg5[%swap3A, %swap3A_13] : memref<2000x1xf32, #tpu.memory_space<vmem>>, vector<2000x1xf32>
    tpu.vector_store %arg5[%swap3A, %swap3A_13], %slice3A {strides = array<i32>} : memref<2000x1xf32, #tpu.memory_space<vmem>>, vector<2000x1xf32>,
    return
  }
  func.func @transform_0(%arg0: i32) -> (i32, i32) {
    %c0_i32 = arith.constant 0 : i32
    %c0_i32_0 = arith.constant 0 : i32
    return %arg0, %c0_i32 : i32, i32
  }
  func.func @transform_1(%arg0: i32) -> (i32, i32) {
    %c0_i32 = arith.constant 0 : i32
    %c0_i32_0 = arith.constant 0 : i32
    return %arg0, %c0_i32 : i32, i32
  }
  func.func @transform_2(%arg0: i32) -> (i32, i32) {
    %c0_i32 = arith.constant 0 : i32
    %c0_i32_0 = arith.constant 0 : i32
    return %arg0, %c0_i32 : i32, i32
  }
  func.func @transform_3(%arg0: i32) -> (i32, i32) {
    %c0_i32 = arith.constant 0 : i32
    %c0_i32_0 = arith.constant 0 : i32
    return %arg0, %c0_i32 : i32, i32
  }
  func.func @transform_4(%arg0: i32) -> (i32, i32) {
    %c0_i32 = arith.constant 0 : i32
    %c0_i32_0 = arith.constant 0 : i32
    return %arg0, %c0_i32 : i32, i32
  }
}

</mosaic_0001>

<sc_bundles>
// kernel: kernel.12.cloned.1.call-start
scs
__scs_entry_jumppad:
0x0: {  	(pc) =	sbr.rel $0x88, $3  }
0x1: {  	(tag) =	ssettag $0x0;
	lr =	simm.s32 $0x1  }
0x2: {  	[smem:$0x3F93] =	sst lr;
	_ =	strace $0xD0000000  }
0x3: {  	_ = 	snop  }
0x4: {  	_ = 	snop  }
0x5: {  	_ = 	snop  }
0x6: {  	_ = 	snop  }
0x7: {  	_ = 	snop  }
__scs_overlays_trampoline_lowered:
0x8: {  	[smem:$0x3FA2] =	sst s0  }
0x9: {  	[smem:$0x3FA3] =	sst s1  }
0xa: {  	[smem:$0x3FA4] =	sst s2  }
0xb: {  	[smem:$0x3FA5] =	sst s3  }
0xc: {  	[smem:$0x3FA6] =	sst s4  }
0xd: {  	[smem:$0x3FA7] =	sst s5  }
0xe: {  	[smem:$0x3FA8] =	sst s6  }
0xf: {  	[smem:$0x3FA9] =	sst s7  }
0x10: {  	[smem:$0x3FAA] =	sst s8  }
0x11: {  	[smem:$0x3FAB] =	sst s9;
	s0 =	simm.s32 @!p0 $0x0  }
0x12: {  	s1 =	sld [smem:$0x3F91];
	s0 =	simm.s32 @p0 $0x1  }
0x13: {  	[smem:$0x3FAC] =	sst s0;
	s0 =	simm.s32 @!p1 $0x0  }
0x14: {  	s2 =	sld [smem:$0x3F90];
	s0 =	simm.s32 @p1 $0x1  }
0x15: {  	[smem:$0x3FAD] =	sst s0;
	s0 =	simm.s32 @!p2 $0x0  }
0x16: {  	s3 =	sld [smem:$0x3FDB];
	s0 =	simm.s32 @p2 $0x1  }
0x17: {  	s4 =	simm.s32 $0x1BF5;
	[smem:$0x3FAF] =	sst s0  }
0x18: {  	s0 =	sld [smem:$0x3F92];
	_ =	swait.ge [sflag:s4], $0x0  }
0x19: {  	s7 =	sld [smem:$0x3F93]  }
0x1a: {  	s8 =	sadd.s32 $0xFFFFE003, lr  }
0x1b: {  	s9 =	sadd.s32 $0xFFFFFEF7, lr;
	s5 =	simm.s32 $0xFFFFFFFF;
	p2 =	slt.u32 s8, $0xFFFFF086  }
0x1c: {  	p1 =	slt.u32 s9, $0xF7A;
	s5 =	simm.s32 @!p2 $0x0  }
0x1d: {  	s5 =	simm.s32 @p1 $0x1;
	p0 =	seq.s32 s7, s2  }
0x1e: {  	s7 =	smul.u32 @!p0 $0xF7A, s2;
	p2 =	seq.s32 @!p0 s5, $0x0  }
0x1f: {  	s9 =	smul.u32 $0xF7A, s1;
	s8 =	simm.s32 @!p0 $0x1BF5;
	p2 =	por !p2, p0  }
0x20: {  	[sflag:s8] =	ssyncset.s32 @!p0 $0xFFFFF086;
	s6 =	sadd.s32 @!p0 s3, s7;
	s7 =	simm.s32 @!p0 $0x108  }
0x21: {  	s3 =	sadd.s32 s3, s9;
	s6 =	sadd.s32 @!p0 $0x88, s6;
	s7 =	simm.s32 @p2 $0x1082  }
0x22: {  	[simem:s7], [sflag:s8] =	dma.local @!p0 [hbm:s6], $0xF7A  }
0x23: {  	s9 =	sor.u32 $0xD0000000, s2;
	s6 =	simm.s32 $0x108;
	_ =	swait.ge @!p0 [sflag:s8], $0x0  }
0x24: {  	s3 =	sadd.s32 $0x88, s3;
	s6 =	simm.s32 @!p1 $0x1082;
	[sflag:s4] =	ssyncset.s32 $0xFFFFF086  }
0x25: {  	[simem:s6], [sflag:s4] =	dma.local [hbm:s3], $0xF7A  }
0x26: {  	[smem:$0x3F93] =	sst s1;
	(tag) =	ssettag s2;
	_ =	strace s9  }
0x27: {  	s1 =	sld [smem:$0x3FA3]  }
0x28: {  	s2 =	sld [smem:$0x3FA4]  }
0x29: {  	s4 =	sld [smem:$0x3FA6]  }
0x2a: {  	p0 =	seq.s32 s5, $0x0;
	s5 =	sld [smem:$0x3FA7]  }
0x2b: {  	s6 =	sld [smem:$0x3FA8]  }
0x2c: {  	s7 =	sld [smem:$0x3FA9]  }
0x2d: {  	s3 =	simm.s32 $0x108;
	s8 =	sld [smem:$0x3FAA]  }
0x2e: {  	s3 =	simm.s32 @!p0 $0x1082;
	s9 =	sld [smem:$0x3FAB]  }
0x2f: {  	lr =	sadd.s32 s0, s3;
	s0 =	sld [smem:$0x3FA2]  }
0x30: {  	s3 =	sld [smem:$0x3FA5]  }
0x31: {  	[smem:$0x3FAE] =	sst s10  }
0x32: {  	s10 =	sld [smem:$0x3FAC];
	_ =	sdelay $0x3  }
0x33: {  	p0 =	seq.s32 s10, $0x1;
	s10 =	sld [smem:$0x3FAE];
	_ =	sdelay $0x3  }
0x34: {  	[smem:$0x3FAE] =	sst s10  }
0x35: {  	s10 =	sld [smem:$0x3FAD];
	_ =	sdelay $0x3  }
0x36: {  	p1 =	seq.s32 s10, $0x1;
	s10 =	sld [smem:$0x3FAE];
	_ =	sdelay $0x3  }
0x37: {  	[smem:$0x3FAE] =	sst s10  }
0x38: {  	s10 =	sld [smem:$0x3FAF]  }
0x39: {  	_ = 	snop;
	(pc) =	sbr.ind lr, $3  }
0x3a: {  	_ = 	snop  }
0x3b: {  	_ = 	snop  }
0x3c: {  	p2 =	seq.s32 s10, $0x1;
	s10 =	sld [smem:$0x3FAE]  }
0x3d: {  	_ =	shalt  }
0x3e: {  	_ =	shalt  }
0x3f: {  	_ =	shalt  }
0x40: {  	_ =	shalt  }
0x41: {  	_ =	shalt  }
0x42: {  	_ =	shalt  }
0x43: {  	_ =	shalt  }
0x44: {  	_ =	shalt  }
0x45: {  	_ =	shalt  }
0x46: {  	_ =	shalt  }
0x47: {  	_ =	shalt  }
0x48: {  	_ =	shalt  }
0x49: {  	_ =	shalt  }
0x4a: {  	_ =	shalt  }
0x4b: {  	_ =	shalt  }
0x4c: {  	_ =	shalt  }
0x4d: {  	_ =	shalt  }
0x4e: {  	_ =	shalt  }
0x4f: {  	_ =	shalt  }
0x50: {  	_ =	shalt  }
0x51: {  	_ =	shalt  }
0x52: {  	_ =	shalt  }
0x53: {  	_ =	shalt  }
0x54: {  	_ =	shalt  }
0x55: {  	_ =	shalt  }
0x56: {  	_ =	shalt  }
0x57: {  	_ =	shalt  }
0x58: {  	_ =	shalt  }
0x59: {  	_ =	shalt  }
0x5a: {  	_ =	shalt  }
0x5b: {  	_ =	shalt  }
0x5c: {  	_ =	shalt  }
0x5d: {  	_ =	shalt  }
0x5e: {  	_ =	shalt  }
0x5f: {  	_ =	shalt  }
0x60: {  	_ =	shalt  }
0x61: {  	_ =	shalt  }
0x62: {  	_ =	shalt  }
0x63: {  	_ =	shalt  }
0x64: {  	_ =	shalt  }
0x65: {  	_ =	shalt  }
0x66: {  	_ =	shalt  }
0x67: {  	_ =	shalt  }
0x68: {  	_ =	shalt  }
0x69: {  	_ =	shalt  }
0x6a: {  	_ =	shalt  }
0x6b: {  	_ =	shalt  }
0x6c: {  	_ =	shalt  }
0x6d: {  	_ =	shalt  }
0x6e: {  	_ =	shalt  }
0x6f: {  	_ =	shalt  }
0x70: {  	_ =	shalt  }
0x71: {  	_ =	shalt  }
0x72: {  	_ =	shalt  }
0x73: {  	_ =	shalt  }
0x74: {  	_ =	shalt  }
0x75: {  	_ =	shalt  }
0x76: {  	_ =	shalt  }
0x77: {  	_ =	shalt  }
0x78: {  	_ =	shalt  }
0x79: {  	_ =	shalt  }
0x7a: {  	_ =	shalt  }
0x7b: {  	_ =	shalt  }
0x7c: {  	_ =	shalt  }
0x7d: {  	_ =	shalt  }
0x7e: {  	_ =	shalt  }
0x7f: {  	_ =	shalt  }
0x80: {  	_ =	shalt  }
0x81: {  	_ =	shalt  }
0x82: {  	_ =	shalt  }
0x83: {  	_ =	shalt  }
0x84: {  	_ =	shalt  }
0x85: {  	_ =	shalt  }
0x86: {  	_ =	shalt  }
0x87: {  	_ =	shalt  }
.Lfunc_end0:
.L_simem_size_0:
called_computation_lowered:
.L_overlay_start_0:
0x88: {  	s2 =	sld [smem:$0x3FD9]  }
0x89: {  	s3 =	sld [smem:$0x3FFE];
	_ =	sdelay $0x1  }
0x8a: {  	s1 =	srdreg.scid  }
0x8b: {  	s0 =	sand.u32 $0x1, s1  }
0x8c: {  	s17 =	sshll.u32 s0, $0xA;
	s2 =	sadd.s32 s3, s2  }
0x8d: {  	s2 =	sadd.s32 s2, s17  }
0x8e: {  	[smem:$0x3FBA] =	sst s2  }
0x8f: {  	_ = 	snop  }
0x90: {  	s2 =	sld [smem:$0x3FD0];
	(tm) =	ssettm $0x1  }
0x91: {  	s18 =	sld [smem:$0x3FFB];
	_ =	sdelay $0x3  }
0x92: {  	_ =	strace s18  }
0x93: {  	s3 =	sld [smem:$0x3FFC];
	_ =	sdelay $0x3  }
0x94: {  	_ =	strace s3  }
0x95: {  	s3 =	sld [smem:$0x3FFD];
	_ =	sdelay $0x3  }
0x96: {  	_ =	strace s3  }
0x97: {  	_ =	strace $0x8FFFFFFF  }
0x98: {  	s19 =	sld [smem:$0x3FDB];
	_ =	sdelay $0x1  }
0x99: {  	s4 =	simm.s32 $_scs_section_size  }
0x9a: {  	s5 =	simm.s32 $_size__tile_overlayer_lowered;
	s6 =	simm.s32 $_tile_overlayer_lowered  }
0x9b: {  	s22 =	simm.s32 $0x1BFF;
	s21 =	sshll.u32 s6, $0x1;
	s3 =	sadd.s32 s4, s19  }
0x9c: {  	s7 =	simm.s32 $0x0;
	s20 =	sshll.u32 s5, $0x1;
	s5 =	sadd.s32 s21, s3  }
0x9d: {  	[timem:s7], [sflag:s22] =	dma.local [hbm:s5], s20  }
0x9e: {  	_ =	swait.ge [sflag:s22], s20  }
0x9f: {  	s4 =	ssub.s32 $0x0, s20;
	[sflag:s22] =	ssyncset.done $0x0  }
0xa0: {  	[sflag:s22] =	ssyncadd.s32 s4;
	_ =	sdelay $0x1  }
0xa1: {  	s23 =	simm.s32 $0x1B8B  }
0xa2: {  	_ =	swait.ge [sflag:s23], $0x1  }
0xa3: {  	[sflag:s23] =	ssyncset.done $0x0  }
0xa4: {  	s25 =	simm.s32 $0x1B8E;
	s24 =	sld [smem:$0x3FFE];
	[sflag:s23] =	ssyncadd.s32 $0xFFFFFFFF  }
0xa5: {  	s26 =	simm.s32 $execute0_lowered;
	[smem:$0x3FD2] =	sst s25  }
0xa6: {  	s5 =	sshll.u32 s26, $0x1;
	_ =	strace $0x80000046;
	[dreg:$0x1] =	wrdreg $0xFFFFFFFF  }
0xa7: {  	s28 =	simm.s32 $_size_execute0_lowered;
	s3 =	sadd.s32 s3, s5;
	[dreg:$0x0] =	wrdreg $0x0  }
0xa8: {  	s5 =	sshll.u32 s28, $0x1;
	[dreg:$0x2] =	wrdreg s3  }
0xa9: {  	[dreg:$0x3] =	wrdreg s5  }
0xaa: {  	[dreg:$0x4] =	wrdreg $0xC0  }
0xab: {  	_ =	task [dreg:s7], $0x5FFFF  }
0xac: {  	[dreg:$0x1] =	wrdreg $0xFFFFFFFF  }
0xad: {  	[dreg:$0x0] =	wrdreg $0x60  }
0xae: {  	[dreg:$0x2] =	wrdreg s24  }
0xaf: {  	[dreg:$0x3] =	wrdreg s2  }
0xb0: {  	[dreg:$0x4] =	wrdreg $0xB0000  }
0xb1: {  	[dreg:$0x5] =	wrdreg $0x9  }
0xb2: {  	_ =	task.clear_ibuf [dreg:s7], $0x6FFFF;
	_ =	strace $0x90000046  }
0xb3: {  	s29 =	simm.s32 $0x9;
	_ =	strace $0x80000048  }
0xb4: {  	_ =	swait.ge [sflag:s29], $0x1  }
0xb5: {  	[sflag:s29] =	ssyncadd.s32 $0xFFFFFFFF  }
0xb6: {  	_ =	strace $0x90000048  }
0xb7: {  	_ =	sfence  }
0xb8: {  	s30 =	sld [smem:$0x0];
	_ =	sdelay $0x2  }
0xb9: {  	s31 =	sshll.u32 s1, $0xD;
	s1 =	sshrl.u32 s1, $0x2  }
0xba: {  	s3 =	sand.u32 $0x4000, s31;
	s1 =	sadd.s32 s1, s30  }
0xbb: {  	s0 =	sor.u32 s3, s0;
	s1 =	sshll.u32 s1, $0x11  }
0xbc: {  	s0 =	sor.u32 s1, s0  }
0xbd: {  	s0 =	sadd.s32 $0x8F2B, s0  }
0xbe: {  	[sflag:s0] =	ssyncadd.remote.s32 $0x1  }
0xbf: {  	_ =	sfence.sel $0xFFFF  }
0xc0: {  	[dreg:$0x0] =	wrdreg $0xFFFFFFFF;
	(pc) =	sbr.abs _section_cstart, $3  }
0xc1: {  	[dreg:$0x1] =	wrdreg $0xFFFFFFFF  }
0xc2: {  	_ =	task.clear_ibuf [dreg:s7], $0x2FFFF;
	_ =	strace $0x9FFFFFFF  }
0xc3: {  	(tm) =	ssettm $0x7FFFFFFF  }
tec
execute0_lowered:
.L_overlay_start_1:
0x0: {  	(tag) =	ssettag $0x1  }
0x1: {  	s0 =	rddreg [dreg:$0x0];
	s1 =	srdreg.scid  }
0x2: {  	s9 =	stileid.u32;
	s3 =	rddreg [dreg:$0x2];
	s4 =	simm.s32 $0x0  }
0x3: {  	s20 =	simm.s32 $0x2800;
	s21 =	simm.s32 $0x5000;
	s2 =	smul.u32 $0x2800, s9  }
0x4: {  	s28 =	simm.s32 $0x8000;
	s30 =	simm.s32 $0x9800;
	s6 =	smul.u32 $0xED00, s9  }
0x5: {  	s31 =	simm.s32 $0x5;
	s1 =	sand.u32 $0x1, s1;
	s9 =	smul.u32 $0x3B400, s9  }
0x6: {  	s29 =	simm.s32 $0x7;
	[smem:$0x7FF] =	sst s4;
	s5 =	smul.u32 $0x28000, s1  }
0x7: {  	s8 =	smul.u32 $0xED000, s1;
	_ =	strace $0x80000047;
	s1 =	ssub.s32 $0x2, s1  }
0x8: {  	s22 =	sshrl.u32 s1, $0x1;
	s9 =	sshrl.u32 s9, $0x2;
	s5 =	sadd.s32 s2, s5  }
0x9: {  	s2 =	sshrl.u32 s2, $0x3;
	s8 =	sadd.s32 s6, s8;
	s1 =	ssub.s32 s1, s22  }
0xa: {  	s23 =	sadd.s32 s9, s3;
	s22 =	simm.s32 $0x9;
	s7 =	sshrl.u32 s5, $0x3  }
0xb: {  	s5 =	sadd.s32 $0x17A00, s0;
	s2 =	sadd.s32 s2, s0;
	s8 =	sshrl.u32 s8, $0x3  }
0xc: {  	s24 =	sadd.s32 $0x1800, s23;
	s25 =	sadd.s32 $0x3000, s23;
	s26 =	sadd.s32 $0x4800, s23  }
0xd: {  	s12 =	sadd.s32 $0x6000, s23;
	s13 =	sadd.s32 $0x7800, s23;
	s14 =	sadd.s32 $0x9000, s23  }
0xe: {  	s15 =	sadd.s32 $0xA800, s23;
	s16 =	sadd.s32 $0xC000, s23;
	s17 =	sadd.s32 $0xD800, s23  }
0xf: {  	s19 =	smax.u32 s1, $0x1;
	s23 =	simm.s32 $0x1;
	s1 =	simm.s32 $0x3  }
0x10: {  	s7 =	sadd.s32 s7, s0;
	s0 =	sadd.s32 s8, s0;
	[dreg:$0x6] =	wrdreg s24  }
0x11: {  	s2 =	sadd.s32 $0x3A00, s2;
	s8 =	sadd.s32 s6, s3;
	[dreg:$0x7] =	wrdreg s25  }
0x12: {  	[dreg:$0x8] =	wrdreg s26;
	s24 =	simm.s32 $0x40;
	s25 =	simm.s32 $0x6800  }
0x13: {  	s26 =	simm.s32 $0x6;
	s6 =	simm.s32 $0x8;
	s7 =	sadd.s32 $0xDA00, s7  }
0x14: {  	[dreg:$0x5] =	wrdreg s2;
	s18 =	sadd.s32 $0x52400, s0;
	s2 =	simm.s32 $0x2  }
0x15: {  	s0 =	simm.s32 $0x4;
	[dreg:$0x4] =	wrdreg s7;
	s7 =	simm.s32 $0x0  }
.LBB2_1:
0x16: {  	s9 =	rddreg [dreg:$0x4]  }
0x17: {  	[tilespmem:s4], [sflag:$0x1] =	stream.linear.gather [hbm4b:s9+s4], $0x2800, $0x38;
	[tilespmem:$0x19D00] =	vst v63  }
0x18: {  	s10 =	rddreg [dreg:$0x5]  }
0x19: {  	[tilespmem:s20], [sflag:$0x1] =	stream.linear.gather [hbm4b:s10+s4], $0x2800, $0x38;
	[tilespmem:$0x19D00] =	vst v63  }
0x1a: {  	s11 =	rddreg [dreg:$0x1]  }
0x1b: {  	[tilespmem:s21], [sflag:$0x9] =	stream.linear.gather [hbm4b:s11+s4], $0x1800, $0x38;
	[tilespmem:$0x19D00] =	vst v63  }
0x1c: {  	_ =	swait.ge [sflag:s22], $0x1800  }
0x1d: {  	[sflag:s22] =	ssyncset.done $0x0  }
0x1e: {  	[sflag:s22] =	ssyncadd.s32 $0xFFFFE800  }
0x1f: {  	[spmem:s8] =	stream.linear.scatter [tilespmem:s21], [sflag:$0x9], $0x1800, $0x38;
	[tilespmem:$0x19D00] =	vst v63  }
0x20: {  	_ =	swait.ge [sflag:s22], $0x1800  }
0x21: {  	[sflag:s22] =	ssyncset.done $0x0  }
0x22: {  	s10 =	rddreg [dreg:$0x6];
	[sflag:s22] =	ssyncadd.s32 $0xFFFFE800  }
0x23: {  	[spmem:s10] =	stream.linear.scatter [tilespmem:s21], [sflag:$0x9], $0x1800, $0x38;
	[tilespmem:$0x19D00] =	vst v63  }
0x24: {  	_ =	swait.ge [sflag:s22], $0x1800  }
0x25: {  	[sflag:s22] =	ssyncset.done $0x0  }
0x26: {  	s11 =	rddreg [dreg:$0x7];
	[sflag:s22] =	ssyncadd.s32 $0xFFFFE800  }
0x27: {  	[spmem:s11] =	stream.linear.scatter [tilespmem:s21], [sflag:$0x9], $0x1800, $0x38;
	[tilespmem:$0x19D00] =	vst v63  }
0x28: {  	_ =	swait.ge [sflag:s22], $0x1800  }
0x29: {  	[sflag:s22] =	ssyncset.done $0x0  }
0x2a: {  	s10 =	rddreg [dreg:$0x8];
	[sflag:s22] =	ssyncadd.s32 $0xFFFFE800  }
0x2b: {  	[spmem:s10] =	stream.linear.scatter [tilespmem:s21], [sflag:$0x9], $0x1800, $0x38;
	[tilespmem:$0x19D00] =	vst v63  }
0x2c: {  	_ =	swait.ge [sflag:s22], $0x1800  }
0x2d: {  	[sflag:s22] =	ssyncset.done $0x0  }
0x2e: {  	[sflag:s22] =	ssyncadd.s32 $0xFFFFE800  }
0x2f: {  	[spmem:s12] =	stream.linear.scatter [tilespmem:s21], [sflag:$0x9], $0x1800, $0x38;
	[tilespmem:$0x19D00] =	vst v63  }
0x30: {  	_ =	swait.ge [sflag:s22], $0x1800  }
0x31: {  	[sflag:s22] =	ssyncset.done $0x0  }
0x32: {  	[sflag:s22] =	ssyncadd.s32 $0xFFFFE800  }
0x33: {  	[spmem:s13] =	stream.linear.scatter [tilespmem:s21], [sflag:$0x9], $0x1800, $0x38;
	[tilespmem:$0x19D00] =	vst v63  }
0x34: {  	_ =	swait.ge [sflag:s22], $0x1800  }
0x35: {  	[sflag:s22] =	ssyncset.done $0x0  }
0x36: {  	[sflag:s22] =	ssyncadd.s32 $0xFFFFE800  }
0x37: {  	[spmem:s14] =	stream.linear.scatter [tilespmem:s21], [sflag:$0x9], $0x1800, $0x38;
	[tilespmem:$0x19D00] =	vst v63  }
0x38: {  	_ =	swait.ge [sflag:s22], $0x1800  }
0x39: {  	[sflag:s22] =	ssyncset.done $0x0  }
0x3a: {  	[sflag:s22] =	ssyncadd.s32 $0xFFFFE800  }
0x3b: {  	[spmem:s15] =	stream.linear.scatter [tilespmem:s21], [sflag:$0x9], $0x1800, $0x38;
	[tilespmem:$0x19D00] =	vst v63  }
0x3c: {  	_ =	swait.ge [sflag:s22], $0x1800  }
0x3d: {  	[sflag:s22] =	ssyncset.done $0x0  }
0x3e: {  	[sflag:s22] =	ssyncadd.s32 $0xFFFFE800  }
0x3f: {  	[spmem:s16] =	stream.linear.scatter [tilespmem:s21], [sflag:$0x9], $0x1800, $0x38;
	[tilespmem:$0x19D00] =	vst v63  }
0x40: {  	_ =	swait.ge [sflag:s22], $0x1800  }
0x41: {  	[sflag:s22] =	ssyncset.done $0x0  }
0x42: {  	[sflag:s22] =	ssyncadd.s32 $0xFFFFE800  }
0x43: {  	[spmem:s17] =	stream.linear.scatter [tilespmem:s21], [sflag:$0x9], $0x1500, $0x38;
	[tilespmem:$0x19D00] =	vst v63  }
0x44: {  	_ =	swait.ge [sflag:s22], $0x1500  }
0x45: {  	[sflag:s22] =	ssyncset.done $0x0  }
0x46: {  	[sflag:s22] =	ssyncadd.s32 $0xFFFFEB00  }
0x47: {  	_ =	swait.ge [sflag:s23], $0x2800  }
0x48: {  	[sflag:s23] =	ssyncset.done $0x0  }
0x49: {  	[sflag:s23] =	ssyncadd.s32 $0xFFFFD800  }
0x4a: {  	_ =	swait.ge [sflag:s23], $0x2800  }
0x4b: {  	[sflag:s23] =	ssyncset.done $0x0  }
0x4c: {  	[sflag:s23] =	ssyncadd.s32 $0xFFFFD800  }
0x4d: {  	[bflag:$0x0] =	sbarrier.arrive $0xFFFF  }
0x4e: {  	[tilespmem:s21], [sflag:$0x1] =	stream.indirect.gather [hbm4b:s5+s24], $0x60, s4, s24, $0xb8;
	[tilespmem:$0x19D00] =	vst v63  }
0x4f: {  	_ = 	snop  }
0x50: {  	[tilespmem:s25], [sflag:$0x2] =	stream.indirect.gather [hbm4b:s5+s24], $0x60, s24, s24, $0xb8;
	[tilespmem:$0x19D00] =	vst v63  }
0x51: {  	s11 =	simm.s32 $0x80  }
0x52: {  	[tilespmem:s28], [sflag:$0x3] =	stream.indirect.gather [hbm4b:s5+s24], $0x60, s11, s24, $0xb8;
	[tilespmem:$0x19D00] =	vst v63  }
0x53: {  	s10 =	simm.s32 $0xC0  }
0x54: {  	[tilespmem:s30], [sflag:$0x4] =	stream.indirect.gather [hbm4b:s5+s24], $0x60, s10, s24, $0xb8;
	[tilespmem:$0x19D00] =	vst v63  }
0x55: {  	_ =	swait.ge [sflag:s23], $0x1800  }
0x56: {  	[sflag:s23] =	ssyncset.done $0x0  }
0x57: {  	[sflag:s23] =	ssyncadd.s32 $0xFFFFE800  }
0x58: {  	[spmem:s3] =	stream.indirect.scatter.add.f32 [tilespmem:s21], [sflag:$0x5], $0x60, s20, s24, $0xb8;
	[tilespmem:$0x19D00] =	vst v63  }
0x59: {  	_ =	swait.ge [sflag:s31], $0x1800  }
0x5a: {  	[sflag:s31] =	ssyncset.done $0x0  }
0x5b: {  	s11 =	simm.s32 $0x100;
	[sflag:s31] =	ssyncadd.s32 $0xFFFFE800  }
0x5c: {  	[tilespmem:s21], [sflag:$0x1] =	stream.indirect.gather [hbm4b:s5+s24], $0x60, s11, s24, $0xb8;
	[tilespmem:$0x19D00] =	vst v63  }
0x5d: {  	_ =	swait.ge [sflag:s2], $0x1800  }
0x5e: {  	[sflag:s2] =	ssyncset.done $0x0  }
0x5f: {  	s10 =	simm.s32 $0x2840;
	[sflag:s2] =	ssyncadd.s32 $0xFFFFE800  }
0x60: {  	[spmem:s3] =	stream.indirect.scatter.add.f32 [tilespmem:s25], [sflag:$0x6], $0x60, s10, s24, $0xb8;
	[tilespmem:$0x19D00] =	vst v63  }
0x61: {  	_ =	swait.ge [sflag:s26], $0x1800  }
0x62: {  	[sflag:s26] =	ssyncset.done $0x0  }
0x63: {  	s11 =	simm.s32 $0x140;
	[sflag:s26] =	ssyncadd.s32 $0xFFFFE800  }
0x64: {  	[tilespmem:s25], [sflag:$0x2] =	stream.indirect.gather [hbm4b:s5+s24], $0x60, s11, s24, $0xb8;
	[tilespmem:$0x19D00] =	vst v63  }
0x65: {  	_ =	swait.ge [sflag:s1], $0x1800  }
0x66: {  	[sflag:s1] =	ssyncset.done $0x0  }
0x67: {  	s10 =	simm.s32 $0x2880;
	[sflag:s1] =	ssyncadd.s32 $0xFFFFE800  }
0x68: {  	[spmem:s3] =	stream.indirect.scatter.add.f32 [tilespmem:s28], [sflag:$0x7], $0x60, s10, s24, $0xb8;
	[tilespmem:$0x19D00] =	vst v63  }
0x69: {  	_ =	swait.ge [sflag:s29], $0x1800  }
0x6a: {  	[sflag:s29] =	ssyncset.done $0x0  }
0x6b: {  	s11 =	simm.s32 $0x180;
	[sflag:s29] =	ssyncadd.s32 $0xFFFFE800  }
0x6c: {  	[tilespmem:s28], [sflag:$0x3] =	stream.indirect.gather [hbm4b:s5+s24], $0x60, s11, s24, $0xb8;
	[tilespmem:$0x19D00] =	vst v63  }
0x6d: {  	_ =	swait.ge [sflag:s0], $0x1800  }
0x6e: {  	[sflag:s0] =	ssyncset.done $0x0  }
0x6f: {  	s10 =	simm.s32 $0x28C0;
	[sflag:s0] =	ssyncadd.s32 $0xFFFFE800  }
0x70: {  	[spmem:s3] =	stream.indirect.scatter.add.f32 [tilespmem:s30], [sflag:$0x8], $0x60, s10, s24, $0xb8;
	[tilespmem:$0x19D00] =	vst v63  }
0x71: {  	_ =	swait.ge [sflag:s6], $0x1800  }
0x72: {  	[sflag:s6] =	ssyncset.done $0x0  }
0x73: {  	s11 =	simm.s32 $0x1C0;
	[sflag:s6] =	ssyncadd.s32 $0xFFFFE800  }
0x74: {  	[tilespmem:s30], [sflag:$0x4] =	stream.indirect.gather [hbm4b:s5+s24], $0x60, s11, s24, $0xb8;
	[tilespmem:$0x19D00] =	vst v63  }
0x75: {  	_ =	swait.ge [sflag:s23], $0x1800  }
0x76: {  	[sflag:s23] =	ssyncset.done $0x0  }
0x77: {  	s10 =	simm.s32 $0x2900;
	[sflag:s23] =	ssyncadd.s32 $0xFFFFE800  }
0x78: {  	[spmem:s3] =	stream.indirect.scatter.add.f32 [tilespmem:s21], [sflag:$0x5], $0x60, s10, s24, $0xb8;
	[tilespmem:$0x19D00] =	vst v63  }
0x79: {  	_ =	swait.ge [sflag:s31], $0x1800  }
0x7a: {  	[sflag:s31] =	ssyncset.done $0x0  }
0x7b: {  	s11 =	simm.s32 $0x200;
	[sflag:s31] =	ssyncadd.s32 $0xFFFFE800  }
0x7c: {  	[tilespmem:s21], [sflag:$0x1] =	stream.indirect.gather [hbm4b:s5+s24], $0x60, s11, s24, $0xb8;
	[tilespmem:$0x19D00] =	vst v63  }
0x7d: {  	_ =	swait.ge [sflag:s2], $0x1800  }
0x7e: {  	[sflag:s2] =	ssyncset.done $0x0  }
0x7f: {  	s10 =	simm.s32 $0x2940;
	[sflag:s2] =	ssyncadd.s32 $0xFFFFE800  }
0x80: {  	[spmem:s3] =	stream.indirect.scatter.add.f32 [tilespmem:s25], [sflag:$0x6], $0x60, s10, s24, $0xb8;
	[tilespmem:$0x19D00] =	vst v63  }
0x81: {  	_ =	swait.ge [sflag:s26], $0x1800  }
0x82: {  	[sflag:s26] =	ssyncset.done $0x0  }
0x83: {  	s11 =	simm.s32 $0x240;
	[sflag:s26] =	ssyncadd.s32 $0xFFFFE800  }
0x84: {  	[tilespmem:s25], [sflag:$0x2] =	stream.indirect.gather [hbm4b:s5+s24], $0x60, s11, s24, $0xb8;
	[tilespmem:$0x19D00] =	vst v63  }
0x85: {  	_ =	swait.ge [sflag:s1], $0x1800  }
0x86: {  	[sflag:s1] =	ssyncset.done $0x0  }
0x87: {  	s10 =	simm.s32 $0x2980;
	[sflag:s1] =	ssyncadd.s32 $0xFFFFE800  }
0x88: {  	[spmem:s3] =	stream.indirect.scatter.add.f32 [tilespmem:s28], [sflag:$0x7], $0x60, s10, s24, $0xb8;
	[tilespmem:$0x19D00] =	vst v63  }
0x89: {  	_ =	swait.ge [sflag:s29], $0x1800  }
0x8a: {  	[sflag:s29] =	ssyncset.done $0x0  }
0x8b: {  	s11 =	simm.s32 $0x280;
	[sflag:s29] =	ssyncadd.s32 $0xFFFFE800  }
0x8c: {  	[tilespmem:s28], [sflag:$0x3] =	stream.indirect.gather [hbm4b:s5+s24], $0x60, s11, s24, $0xb8;
	[tilespmem:$0x19D00] =	vst v63  }
0x8d: {  	_ =	swait.ge [sflag:s0], $0x1800  }
0x8e: {  	[sflag:s0] =	ssyncset.done $0x0  }
0x8f: {  	s9 =	simm.s32 $0x400;
	s10 =	simm.s32 $0x29C0;
	[sflag:s0] =	ssyncadd.s32 $0xFFFFE800  }
.LBB2_2:
0x90: {  	[spmem:s3] =	stream.indirect.scatter.add.f32 [tilespmem:s30], [sflag:$0x8], $0x60, s10, s24, $0xb8;
	[tilespmem:$0x19D00] =	vst v63  }
0x91: {  	s10 =	smov.u32 s9  }
0x92: {  	p0 =	sne.s32 s9, $0x9400;
	s9 =	sadd.s32 $0x400, s9;
	_ =	swait.ge [sflag:s6], $0x1800  }
0x93: {  	s10 =	sshra.s32 s10, $0x2;
	[sflag:s6] =	ssyncset.done $0x0  }
0x94: {  	s11 =	sadd.s32 $0x1C0, s10;
	[sflag:s6] =	ssyncadd.s32 $0xFFFFE800  }
0x95: {  	[tilespmem:s30], [sflag:$0x4] =	stream.indirect.gather [hbm4b:s5+s24], $0x60, s11, s24, $0xb8;
	[tilespmem:$0x19D00] =	vst v63  }
0x96: {  	_ =	swait.ge [sflag:s23], $0x1800  }
0x97: {  	[sflag:s23] =	ssyncset.done $0x0  }
0x98: {  	s11 =	sadd.s32 $0x2900, s10;
	[sflag:s23] =	ssyncadd.s32 $0xFFFFE800  }
0x99: {  	[spmem:s3] =	stream.indirect.scatter.add.f32 [tilespmem:s21], [sflag:$0x5], $0x60, s11, s24, $0xb8;
	[tilespmem:$0x19D00] =	vst v63  }
0x9a: {  	_ =	swait.ge [sflag:s31], $0x1800  }
0x9b: {  	[sflag:s31] =	ssyncset.done $0x0  }
0x9c: {  	s11 =	sadd.s32 $0x200, s10;
	[sflag:s31] =	ssyncadd.s32 $0xFFFFE800  }
0x9d: {  	[tilespmem:s21], [sflag:$0x1] =	stream.indirect.gather [hbm4b:s5+s24], $0x60, s11, s24, $0xb8;
	[tilespmem:$0x19D00] =	vst v63  }
0x9e: {  	_ =	swait.ge [sflag:s2], $0x1800  }
0x9f: {  	[sflag:s2] =	ssyncset.done $0x0  }
0xa0: {  	s11 =	sadd.s32 $0x2940, s10;
	[sflag:s2] =	ssyncadd.s32 $0xFFFFE800  }
0xa1: {  	[spmem:s3] =	stream.indirect.scatter.add.f32 [tilespmem:s25], [sflag:$0x6], $0x60, s11, s24, $0xb8;
	[tilespmem:$0x19D00] =	vst v63  }
0xa2: {  	_ =	swait.ge [sflag:s26], $0x1800  }
0xa3: {  	[sflag:s26] =	ssyncset.done $0x0  }
0xa4: {  	s11 =	sadd.s32 $0x240, s10;
	[sflag:s26] =	ssyncadd.s32 $0xFFFFE800  }
0xa5: {  	[tilespmem:s25], [sflag:$0x2] =	stream.indirect.gather [hbm4b:s5+s24], $0x60, s11, s24, $0xb8;
	[tilespmem:$0x19D00] =	vst v63  }
0xa6: {  	_ =	swait.ge [sflag:s1], $0x1800  }
0xa7: {  	[sflag:s1] =	ssyncset.done $0x0  }
0xa8: {  	s11 =	sadd.s32 $0x2980, s10;
	[sflag:s1] =	ssyncadd.s32 $0xFFFFE800  }
0xa9: {  	[spmem:s3] =	stream.indirect.scatter.add.f32 [tilespmem:s28], [sflag:$0x7], $0x60, s11, s24, $0xb8;
	[tilespmem:$0x19D00] =	vst v63  }
0xaa: {  	_ =	swait.ge [sflag:s29], $0x1800  }
0xab: {  	[sflag:s29] =	ssyncset.done $0x0  }
.Ltmp0:
0xac: {  	s11 =	sadd.s32 $0x280, s10;
	[sflag:s29] =	ssyncadd.s32 $0xFFFFE800;
	(pc) =	sbr.rel @p0 .LBB2_2-.Ltmp0, $4  }
0xad: {  	[tilespmem:s28], [sflag:$0x3] =	stream.indirect.gather [hbm4b:s5+s24], $0x60, s11, s24, $0xb8;
	[tilespmem:$0x19D00] =	vst v63  }
0xae: {  	_ =	swait.ge [sflag:s0], $0x1800  }
0xaf: {  	[sflag:s0] =	ssyncset.done $0x0  }
0xb0: {  	s10 =	sadd.s32 $0x29C0, s10;
	[sflag:s0] =	ssyncadd.s32 $0xFFFFE800  }
0xb1: {  	[spmem:s3] =	stream.indirect.scatter.add.f32 [tilespmem:s30], [sflag:$0x8], $0x60, s10, s24, $0xb8;
	[tilespmem:$0x19D00] =	vst v63  }
0xb2: {  	_ =	swait.ge [sflag:s6], $0x1800  }
0xb3: {  	[sflag:s6] =	ssyncset.done $0x0  }
0xb4: {  	s9 =	simm.s32 $0x27C0;
	[sflag:s6] =	ssyncadd.s32 $0xFFFFE800  }
0xb5: {  	[tilespmem:s30], [sflag:$0x4] =	stream.indirect.gather [hbm4b:s5+s24], $0x60, s9, s24, $0xb8;
	[tilespmem:$0x19D00] =	vst v63  }
0xb6: {  	_ =	swait.ge [sflag:s23], $0x1800  }
0xb7: {  	[sflag:s23] =	ssyncset.done $0x0  }
0xb8: {  	s10 =	simm.s32 $0x4F00;
	[sflag:s23] =	ssyncadd.s32 $0xFFFFE800  }
0xb9: {  	[spmem:s3] =	stream.indirect.scatter.add.f32 [tilespmem:s21], [sflag:$0x5], $0x60, s10, s24, $0xb8;
	[tilespmem:$0x19D00] =	vst v63  }
0xba: {  	_ =	swait.ge [sflag:s2], $0x1800  }
0xbb: {  	[sflag:s2] =	ssyncset.done $0x0  }
0xbc: {  	s11 =	simm.s32 $0x4F40;
	[sflag:s2] =	ssyncadd.s32 $0xFFFFE800  }
0xbd: {  	[spmem:s3] =	stream.indirect.scatter.add.f32 [tilespmem:s25], [sflag:$0x6], $0x60, s11, s24, $0xb8;
	[tilespmem:$0x19D00] =	vst v63  }
0xbe: {  	_ =	swait.ge [sflag:s1], $0x1800  }
0xbf: {  	[sflag:s1] =	ssyncset.done $0x0  }
0xc0: {  	s10 =	simm.s32 $0x4F80;
	[sflag:s1] =	ssyncadd.s32 $0xFFFFE800  }
0xc1: {  	[spmem:s3] =	stream.indirect.scatter.add.f32 [tilespmem:s28], [sflag:$0x7], $0x60, s10, s24, $0xb8;
	[tilespmem:$0x19D00] =	vst v63  }
0xc2: {  	_ =	swait.ge [sflag:s0], $0x1800  }
0xc3: {  	[sflag:s0] =	ssyncset.done $0x0  }
0xc4: {  	s11 =	simm.s32 $0x4FC0;
	[sflag:s0] =	ssyncadd.s32 $0xFFFFE800  }
0xc5: {  	[spmem:s3] =	stream.indirect.scatter.add.f32 [tilespmem:s30], [sflag:$0x8], $0x60, s11, s24, $0xb8;
	[tilespmem:$0x19D00] =	vst v63  }
0xc6: {  	_ =	swait.ge [sflag:s31], $0x1800  }
0xc7: {  	[sflag:s31] =	ssyncset.done $0x0  }
0xc8: {  	[sflag:s31] =	ssyncadd.s32 $0xFFFFE800  }
0xc9: {  	_ =	swait.ge [sflag:s26], $0x1800  }
0xca: {  	[sflag:s26] =	ssyncset.done $0x0  }
0xcb: {  	[sflag:s26] =	ssyncadd.s32 $0xFFFFE800  }
0xcc: {  	_ =	swait.ge [sflag:s29], $0x1800  }
0xcd: {  	[sflag:s29] =	ssyncset.done $0x0  }
0xce: {  	[sflag:s29] =	ssyncadd.s32 $0xFFFFE800  }
0xcf: {  	s10 =	stileid.u32;
	_ =	swait.ge [sflag:s6], $0x1800  }
0xd0: {  	s7 =	sadd.s32 $0x1, s7;
	s9 =	sshll.u32 s10, $0x6;
	[sflag:s6] =	ssyncset.done $0x0  }
0xd1: {  	p0 =	sne.s32 s7, s19;
	s9 =	sor.u32 $0x1C09, s9;
	[sflag:s6] =	ssyncadd.s32 $0xFFFFE800  }
.Ltmp1:
0xd2: {  	s11 =	sshrl.u32 s8, $0x3;
	[bflag:$0x0] =	sbarrier.arrive $0xFFFF;
	(pc) =	sbr.rel @p0 .LBB2_1-.Ltmp1, $4  }
0xd3: {  	[hbm:s18], [sflag:s9] =	dma.local [spmem:s11], $0x1DA0  }
0xd4: {  	_ =	swait.ge [sflag:s22], $0x1DA0  }
0xd5: {  	[sflag:s22] =	ssyncset.done $0x0  }
0xd6: {  	[sflag:s22] =	ssyncadd.s32 $0xFFFFE260  }
0xd7: {  	_ =	sfence.sel $0x180000  }
0xd8: {  	[bflag:$0x0] =	sbarrier.arrive $0xFFFF  }
0xd9: {  	_ =	strace $0x90000047  }
0xda: {  	s0 =	stileid.u32;
	[bflag:$0x2] =	sbarrier.arrive $0xFFFF  }
0xdb: {  	p0 =	sne.s32 s0, $0x0;
	s0 =	rddreg [dreg:$0x3]  }
0xdc: {  	s0 =	sadd.s32 @!p0 $0x100000, s0  }
0xdd: {  	[sflag:s0] =	ssyncadd.tile.s32 @!p0 $0x1;
	_ =	shalt  }
.Lfunc_end2:
_tile_overlayer_lowered:
.L_overlay_start_2:
0xde: {  	(tag) =	ssettag $0x2  }
0xdf: {  	s0 =	rddreg [dreg:$0x0];
	s2 =	stileid.u32  }
0xe0: {  	s1 =	rddreg [dreg:$0x1];
	p0 =	sne.s32 s2, $0x0  }
0xe1: {  	s3 =	rddreg [dreg:$0x2];
	[bflag:$0x3] =	sbarrier.arrive $0xFFFF;
	s2 =	simm.s32 @!p0 $0x1C09  }
0xe2: {  	[timem:s3], [sflag:s2] =	dma.local @!p0 [hbm:s0], s1  }
0xe3: {  	s0 =	simm.s32 @!p0 $0x9  }
0xe4: {  	_ =	swait.ge @!p0 [sflag:s0], s1  }
0xe5: {  	s1 =	ssub.s32 @!p0 $0x0, s1;
	[sflag:s0] =	ssyncset.done @!p0 $0x0  }
0xe6: {  	[sflag:s0] =	ssyncadd.s32 @!p0 s1  }
0xe7: {  	[bflag:$0x3] =	sbarrier.arrive $0xFFFF  }
0xe8: {  	_ =	shalt  }

// kernel: kernel.15.cloned.1.call-start
scs
__scs_entry_jumppad:
0x0: {  	(pc) =	sbr.rel $0x88, $3  }
0x1: {  	(tag) =	ssettag $0x0;
	lr =	simm.s32 $0x1  }
0x2: {  	[smem:$0x3F93] =	sst lr;
	_ =	strace $0xD0000000  }
0x3: {  	_ = 	snop  }
0x4: {  	_ = 	snop  }
0x5: {  	_ = 	snop  }
0x6: {  	_ = 	snop  }
0x7: {  	_ = 	snop  }
__scs_overlays_trampoline_lowered:
0x8: {  	[smem:$0x3FA2] =	sst s0  }
0x9: {  	[smem:$0x3FA3] =	sst s1  }
0xa: {  	[smem:$0x3FA4] =	sst s2  }
0xb: {  	[smem:$0x3FA5] =	sst s3  }
0xc: {  	[smem:$0x3FA6] =	sst s4  }
0xd: {  	[smem:$0x3FA7] =	sst s5  }
0xe: {  	[smem:$0x3FA8] =	sst s6  }
0xf: {  	[smem:$0x3FA9] =	sst s7  }
0x10: {  	[smem:$0x3FAA] =	sst s8  }
0x11: {  	[smem:$0x3FAB] =	sst s9;
	s0 =	simm.s32 @!p0 $0x0  }
0x12: {  	s1 =	sld [smem:$0x3F91];
	s0 =	simm.s32 @p0 $0x1  }
0x13: {  	[smem:$0x3FAC] =	sst s0;
	s0 =	simm.s32 @!p1 $0x0  }
0x14: {  	s2 =	sld [smem:$0x3F90];
	s0 =	simm.s32 @p1 $0x1  }
0x15: {  	[smem:$0x3FAD] =	sst s0;
	s0 =	simm.s32 @!p2 $0x0  }
0x16: {  	s3 =	sld [smem:$0x3FDB];
	s0 =	simm.s32 @p2 $0x1  }
0x17: {  	s4 =	simm.s32 $0x1BF5;
	[smem:$0x3FAF] =	sst s0  }
0x18: {  	s0 =	sld [smem:$0x3F92];
	_ =	swait.ge [sflag:s4], $0x0  }
0x19: {  	s7 =	sld [smem:$0x3F93]  }
0x1a: {  	s8 =	sadd.s32 $0xFFFFE003, lr  }
0x1b: {  	s9 =	sadd.s32 $0xFFFFFEF7, lr;
	s5 =	simm.s32 $0xFFFFFFFF;
	p2 =	slt.u32 s8, $0xFFFFF086  }
0x1c: {  	p1 =	slt.u32 s9, $0xF7A;
	s5 =	simm.s32 @!p2 $0x0  }
0x1d: {  	s5 =	simm.s32 @p1 $0x1;
	p0 =	seq.s32 s7, s2  }
0x1e: {  	s7 =	smul.u32 @!p0 $0xF7A, s2;
	p2 =	seq.s32 @!p0 s5, $0x0  }
0x1f: {  	s9 =	smul.u32 $0xF7A, s1;
	s8 =	simm.s32 @!p0 $0x1BF5;
	p2 =	por !p2, p0  }
0x20: {  	[sflag:s8] =	ssyncset.s32 @!p0 $0xFFFFF086;
	s6 =	sadd.s32 @!p0 s3, s7;
	s7 =	simm.s32 @!p0 $0x108  }
0x21: {  	s3 =	sadd.s32 s3, s9;
	s6 =	sadd.s32 @!p0 $0x88, s6;
	s7 =	simm.s32 @p2 $0x1082  }
0x22: {  	[simem:s7], [sflag:s8] =	dma.local @!p0 [hbm:s6], $0xF7A  }
0x23: {  	s9 =	sor.u32 $0xD0000000, s2;
	s6 =	simm.s32 $0x108;
	_ =	swait.ge @!p0 [sflag:s8], $0x0  }
0x24: {  	s3 =	sadd.s32 $0x88, s3;
	s6 =	simm.s32 @!p1 $0x1082;
	[sflag:s4] =	ssyncset.s32 $0xFFFFF086  }
0x25: {  	[simem:s6], [sflag:s4] =	dma.local [hbm:s3], $0xF7A  }
0x26: {  	[smem:$0x3F93] =	sst s1;
	(tag) =	ssettag s2;
	_ =	strace s9  }
0x27: {  	s1 =	sld [smem:$0x3FA3]  }
0x28: {  	s2 =	sld [smem:$0x3FA4]  }
0x29: {  	s4 =	sld [smem:$0x3FA6]  }
0x2a: {  	p0 =	seq.s32 s5, $0x0;
	s5 =	sld [smem:$0x3FA7]  }
0x2b: {  	s6 =	sld [smem:$0x3FA8]  }
0x2c: {  	s7 =	sld [smem:$0x3FA9]  }
0x2d: {  	s3 =	simm.s32 $0x108;
	s8 =	sld [smem:$0x3FAA]  }
0x2e: {  	s3 =	simm.s32 @!p0 $0x1082;
	s9 =	sld [smem:$0x3FAB]  }
0x2f: {  	lr =	sadd.s32 s0, s3;
	s0 =	sld [smem:$0x3FA2]  }
0x30: {  	s3 =	sld [smem:$0x3FA5]  }
0x31: {  	[smem:$0x3FAE] =	sst s10  }
0x32: {  	s10 =	sld [smem:$0x3FAC];
	_ =	sdelay $0x3  }
0x33: {  	p0 =	seq.s32 s10, $0x1;
	s10 =	sld [smem:$0x3FAE];
	_ =	sdelay $0x3  }
0x34: {  	[smem:$0x3FAE] =	sst s10  }
0x35: {  	s10 =	sld [smem:$0x3FAD];
	_ =	sdelay $0x3  }
0x36: {  	p1 =	seq.s32 s10, $0x1;
	s10 =	sld [smem:$0x3FAE];
	_ =	sdelay $0x3  }
0x37: {  	[smem:$0x3FAE] =	sst s10  }
0x38: {  	s10 =	sld [smem:$0x3FAF]  }
0x39: {  	_ = 	snop;
	(pc) =	sbr.ind lr, $3  }
0x3a: {  	_ = 	snop  }
0x3b: {  	_ = 	snop  }
0x3c: {  	p2 =	seq.s32 s10, $0x1;
	s10 =	sld [smem:$0x3FAE]  }
0x3d: {  	_ =	shalt  }
0x3e: {  	_ =	shalt  }
0x3f: {  	_ =	shalt  }
0x40: {  	_ =	shalt  }
0x41: {  	_ =	shalt  }
0x42: {  	_ =	shalt  }
0x43: {  	_ =	shalt  }
0x44: {  	_ =	shalt  }
0x45: {  	_ =	shalt  }
0x46: {  	_ =	shalt  }
0x47: {  	_ =	shalt  }
0x48: {  	_ =	shalt  }
0x49: {  	_ =	shalt  }
0x4a: {  	_ =	shalt  }
0x4b: {  	_ =	shalt  }
0x4c: {  	_ =	shalt  }
0x4d: {  	_ =	shalt  }
0x4e: {  	_ =	shalt  }
0x4f: {  	_ =	shalt  }
0x50: {  	_ =	shalt  }
0x51: {  	_ =	shalt  }
0x52: {  	_ =	shalt  }
0x53: {  	_ =	shalt  }
0x54: {  	_ =	shalt  }
0x55: {  	_ =	shalt  }
0x56: {  	_ =	shalt  }
0x57: {  	_ =	shalt  }
0x58: {  	_ =	shalt  }
0x59: {  	_ =	shalt  }
0x5a: {  	_ =	shalt  }
0x5b: {  	_ =	shalt  }
0x5c: {  	_ =	shalt  }
0x5d: {  	_ =	shalt  }
0x5e: {  	_ =	shalt  }
0x5f: {  	_ =	shalt  }
0x60: {  	_ =	shalt  }
0x61: {  	_ =	shalt  }
0x62: {  	_ =	shalt  }
0x63: {  	_ =	shalt  }
0x64: {  	_ =	shalt  }
0x65: {  	_ =	shalt  }
0x66: {  	_ =	shalt  }
0x67: {  	_ =	shalt  }
0x68: {  	_ =	shalt  }
0x69: {  	_ =	shalt  }
0x6a: {  	_ =	shalt  }
0x6b: {  	_ =	shalt  }
0x6c: {  	_ =	shalt  }
0x6d: {  	_ =	shalt  }
0x6e: {  	_ =	shalt  }
0x6f: {  	_ =	shalt  }
0x70: {  	_ =	shalt  }
0x71: {  	_ =	shalt  }
0x72: {  	_ =	shalt  }
0x73: {  	_ =	shalt  }
0x74: {  	_ =	shalt  }
0x75: {  	_ =	shalt  }
0x76: {  	_ =	shalt  }
0x77: {  	_ =	shalt  }
0x78: {  	_ =	shalt  }
0x79: {  	_ =	shalt  }
0x7a: {  	_ =	shalt  }
0x7b: {  	_ =	shalt  }
0x7c: {  	_ =	shalt  }
0x7d: {  	_ =	shalt  }
0x7e: {  	_ =	shalt  }
0x7f: {  	_ =	shalt  }
0x80: {  	_ =	shalt  }
0x81: {  	_ =	shalt  }
0x82: {  	_ =	shalt  }
0x83: {  	_ =	shalt  }
0x84: {  	_ =	shalt  }
0x85: {  	_ =	shalt  }
0x86: {  	_ =	shalt  }
0x87: {  	_ =	shalt  }
.Lfunc_end0:
.L_simem_size_0:
called_computation.1_lowered:
.L_overlay_start_0:
0x88: {  	s2 =	sld [smem:$0x3FD9]  }
0x89: {  	s3 =	sld [smem:$0x3FFE];
	_ =	sdelay $0x1  }
0x8a: {  	s1 =	srdreg.scid  }
0x8b: {  	s0 =	sand.u32 $0x1, s1  }
0x8c: {  	s17 =	sshll.u32 s0, $0xA;
	s2 =	sadd.s32 s3, s2  }
0x8d: {  	s2 =	sadd.s32 s2, s17  }
0x8e: {  	[smem:$0x3FBA] =	sst s2  }
0x8f: {  	_ = 	snop  }
0x90: {  	s2 =	sld [smem:$0x3FD0];
	(tm) =	ssettm $0x1  }
0x91: {  	s18 =	sld [smem:$0x3FFB];
	_ =	sdelay $0x3  }
0x92: {  	_ =	strace s18  }
0x93: {  	s3 =	sld [smem:$0x3FFC];
	_ =	sdelay $0x3  }
0x94: {  	_ =	strace s3  }
0x95: {  	s3 =	sld [smem:$0x3FFD];
	_ =	sdelay $0x3  }
0x96: {  	_ =	strace s3  }
0x97: {  	_ =	strace $0x8FFFFFFF  }
0x98: {  	s19 =	sld [smem:$0x3FDB];
	_ =	sdelay $0x1  }
0x99: {  	s4 =	simm.s32 $_scs_section_size  }
0x9a: {  	s5 =	simm.s32 $_size__tile_overlayer_lowered;
	s6 =	simm.s32 $_tile_overlayer_lowered  }
0x9b: {  	s22 =	simm.s32 $0x1BFF;
	s21 =	sshll.u32 s6, $0x1;
	s3 =	sadd.s32 s4, s19  }
0x9c: {  	s7 =	simm.s32 $0x0;
	s20 =	sshll.u32 s5, $0x1;
	s5 =	sadd.s32 s21, s3  }
0x9d: {  	[timem:s7], [sflag:s22] =	dma.local [hbm:s5], s20  }
0x9e: {  	_ =	swait.ge [sflag:s22], s20  }
0x9f: {  	s4 =	ssub.s32 $0x0, s20;
	[sflag:s22] =	ssyncset.done $0x0  }
0xa0: {  	[sflag:s22] =	ssyncadd.s32 s4;
	_ =	sdelay $0x1  }
0xa1: {  	s23 =	simm.s32 $0x1B8B  }
0xa2: {  	_ =	swait.ge [sflag:s23], $0x1  }
0xa3: {  	[sflag:s23] =	ssyncset.done $0x0  }
0xa4: {  	s25 =	simm.s32 $0x1B8E;
	s24 =	sld [smem:$0x3FFE];
	[sflag:s23] =	ssyncadd.s32 $0xFFFFFFFF  }
0xa5: {  	s26 =	simm.s32 $execute0_lowered;
	[smem:$0x3FD2] =	sst s25  }
0xa6: {  	s5 =	sshll.u32 s26, $0x1;
	_ =	strace $0x80000049;
	[dreg:$0x1] =	wrdreg $0xFFFFFFFF  }
0xa7: {  	s28 =	simm.s32 $_size_execute0_lowered;
	s3 =	sadd.s32 s3, s5;
	[dreg:$0x0] =	wrdreg $0x0  }
0xa8: {  	s5 =	sshll.u32 s28, $0x1;
	[dreg:$0x2] =	wrdreg s3  }
0xa9: {  	[dreg:$0x3] =	wrdreg s5  }
0xaa: {  	[dreg:$0x4] =	wrdreg $0xC0  }
0xab: {  	_ =	task [dreg:s7], $0x5FFFF  }
0xac: {  	[dreg:$0x1] =	wrdreg $0xFFFFFFFF  }
0xad: {  	[dreg:$0x0] =	wrdreg $0x60  }
0xae: {  	[dreg:$0x2] =	wrdreg s24  }
0xaf: {  	[dreg:$0x3] =	wrdreg s2  }
0xb0: {  	[dreg:$0x4] =	wrdreg $0xA8000  }
0xb1: {  	[dreg:$0x5] =	wrdreg $0x9  }
0xb2: {  	_ =	task.clear_ibuf [dreg:s7], $0x6FFFF;
	_ =	strace $0x90000049  }
0xb3: {  	s29 =	simm.s32 $0x9;
	_ =	strace $0x8000004B  }
0xb4: {  	_ =	swait.ge [sflag:s29], $0x1  }
0xb5: {  	[sflag:s29] =	ssyncadd.s32 $0xFFFFFFFF  }
0xb6: {  	_ =	strace $0x9000004B  }
0xb7: {  	_ =	sfence  }
0xb8: {  	s30 =	sld [smem:$0x0];
	_ =	sdelay $0x2  }
0xb9: {  	s31 =	sshll.u32 s1, $0xD;
	s1 =	sshrl.u32 s1, $0x2  }
0xba: {  	s3 =	sand.u32 $0x4000, s31;
	s1 =	sadd.s32 s1, s30  }
0xbb: {  	s0 =	sor.u32 s3, s0;
	s1 =	sshll.u32 s1, $0x11  }
0xbc: {  	s0 =	sor.u32 s1, s0  }
0xbd: {  	s0 =	sadd.s32 $0x8F2B, s0  }
0xbe: {  	[sflag:s0] =	ssyncadd.remote.s32 $0x1  }
0xbf: {  	_ =	sfence.sel $0xFFFF  }
0xc0: {  	[dreg:$0x0] =	wrdreg $0xFFFFFFFF;
	(pc) =	sbr.abs _section_cstart, $3  }
0xc1: {  	[dreg:$0x1] =	wrdreg $0xFFFFFFFF  }
0xc2: {  	_ =	task.clear_ibuf [dreg:s7], $0x2FFFF;
	_ =	strace $0x9FFFFFFF  }
0xc3: {  	(tm) =	ssettm $0x7FFFFFFF  }
tec
execute0_lowered:
.L_overlay_start_1:
0x0: {  	(tag) =	ssettag $0x1  }
0x1: {  	s0 =	rddreg [dreg:$0x0]  }
0x2: {  	s3 =	rddreg [dreg:$0x2]  }
0x3: {  	s1 =	srdreg.scid;
	s8 =	stileid.u32;
	s4 =	simm.s32 $0x0  }
0x4: {  	s20 =	simm.s32 $0x1400;
	s28 =	simm.s32 $0x6800;
	s30 =	simm.s32 $0x8800  }
0x5: {  	s31 =	simm.s32 $0x5;
	s29 =	simm.s32 $0x7;
	s1 =	sand.u32 $0x1, s1  }
0x6: {  	s6 =	smul.u32 $0x13C00, s8;
	[smem:$0x7FF] =	sst s4;
	s5 =	sadd.s32 $0xDA00, s0  }
0x7: {  	s2 =	sshll.u32 s1, $0x4;
	s7 =	smul.u32 $0x13C000, s1;
	_ =	strace $0x8000004A  }
0x8: {  	s1 =	ssub.s32 $0x2, s1;
	s2 =	sor.u32 s8, s2;
	s8 =	smul.u32 $0x4F000, s8  }
0x9: {  	s21 =	sshrl.u32 s1, $0x1;
	s2 =	smul.u32 $0x280, s2;
	s7 =	sadd.s32 s6, s7  }
0xa: {  	s1 =	ssub.s32 s1, s21;
	s21 =	simm.s32 $0x2800;
	s7 =	sshrl.u32 s7, $0x3  }
0xb: {  	s8 =	sshrl.u32 s8, $0x2;
	s19 =	smax.u32 s1, $0x1;
	s1 =	simm.s32 $0x4  }
0xc: {  	s2 =	sadd.s32 s2, s0;
	s0 =	sadd.s32 s7, s0;
	s23 =	sadd.s32 s8, s3  }
0xd: {  	s8 =	sadd.s32 s6, s3;
	s6 =	simm.s32 $0x8;
	s7 =	simm.s32 $0x0  }
0xe: {  	s22 =	sadd.s32 $0x8A00, s2;
	s2 =	sadd.s32 $0x3A00, s2;
	s24 =	sadd.s32 $0x2000, s23  }
0xf: {  	s25 =	sadd.s32 $0x4000, s23;
	s26 =	sadd.s32 $0x6000, s23;
	s12 =	sadd.s32 $0x8000, s23  }
0x10: {  	s13 =	sadd.s32 $0xA000, s23;
	s14 =	sadd.s32 $0xC000, s23;
	[dreg:$0x4] =	wrdreg s22  }
0x11: {  	s15 =	sadd.s32 $0xE000, s23;
	s16 =	sadd.s32 $0x10000, s23;
	[dreg:$0x5] =	wrdreg s2  }
0x12: {  	s17 =	sadd.s32 $0x12000, s23;
	s18 =	sadd.s32 $0x34C00, s0;
	[dreg:$0x6] =	wrdreg s24  }
0x13: {  	s23 =	simm.s32 $0x1;
	s0 =	simm.s32 $0x3;
	[dreg:$0x7] =	wrdreg s25  }
0x14: {  	[dreg:$0x8] =	wrdreg s26;
	s22 =	simm.s32 $0x9;
	s24 =	simm.s32 $0x40  }
0x15: {  	s25 =	simm.s32 $0x4800;
	s2 =	simm.s32 $0x2;
	s26 =	simm.s32 $0x6  }
.LBB2_1:
0x16: {  	s9 =	rddreg [dreg:$0x4]  }
0x17: {  	[tilespmem:s4], [sflag:$0x1] =	stream.linear.gather [hbm4b:s9+s4], $0x1400, $0x38;
	[tilespmem:$0x1E400] =	vst v63  }
0x18: {  	s10 =	rddreg [dreg:$0x5]  }
0x19: {  	[tilespmem:s20], [sflag:$0x1] =	stream.linear.gather [hbm4b:s10+s4], $0x1400, $0x38;
	[tilespmem:$0x1E400] =	vst v63  }
0x1a: {  	s11 =	rddreg [dreg:$0x1]  }
0x1b: {  	[tilespmem:s21], [sflag:$0x9] =	stream.linear.gather [hbm4b:s11+s4], $0x2000, $0x38;
	[tilespmem:$0x1E400] =	vst v63  }
0x1c: {  	_ =	swait.ge [sflag:s22], $0x2000  }
0x1d: {  	[sflag:s22] =	ssyncset.done $0x0  }
0x1e: {  	[sflag:s22] =	ssyncadd.s32 $0xFFFFE000  }
0x1f: {  	[spmem:s8] =	stream.linear.scatter [tilespmem:s21], [sflag:$0x9], $0x2000, $0x38;
	[tilespmem:$0x1E400] =	vst v63  }
0x20: {  	_ =	swait.ge [sflag:s22], $0x2000  }
0x21: {  	[sflag:s22] =	ssyncset.done $0x0  }
0x22: {  	s10 =	rddreg [dreg:$0x6];
	[sflag:s22] =	ssyncadd.s32 $0xFFFFE000  }
0x23: {  	[spmem:s10] =	stream.linear.scatter [tilespmem:s21], [sflag:$0x9], $0x2000, $0x38;
	[tilespmem:$0x1E400] =	vst v63  }
0x24: {  	_ =	swait.ge [sflag:s22], $0x2000  }
0x25: {  	[sflag:s22] =	ssyncset.done $0x0  }
0x26: {  	s11 =	rddreg [dreg:$0x7];
	[sflag:s22] =	ssyncadd.s32 $0xFFFFE000  }
0x27: {  	[spmem:s11] =	stream.linear.scatter [tilespmem:s21], [sflag:$0x9], $0x2000, $0x38;
	[tilespmem:$0x1E400] =	vst v63  }
0x28: {  	_ =	swait.ge [sflag:s22], $0x2000  }
0x29: {  	[sflag:s22] =	ssyncset.done $0x0  }
0x2a: {  	s10 =	rddreg [dreg:$0x8];
	[sflag:s22] =	ssyncadd.s32 $0xFFFFE000  }
0x2b: {  	[spmem:s10] =	stream.linear.scatter [tilespmem:s21], [sflag:$0x9], $0x2000, $0x38;
	[tilespmem:$0x1E400] =	vst v63  }
0x2c: {  	_ =	swait.ge [sflag:s22], $0x2000  }
0x2d: {  	[sflag:s22] =	ssyncset.done $0x0  }
0x2e: {  	[sflag:s22] =	ssyncadd.s32 $0xFFFFE000  }
0x2f: {  	[spmem:s12] =	stream.linear.scatter [tilespmem:s21], [sflag:$0x9], $0x2000, $0x38;
	[tilespmem:$0x1E400] =	vst v63  }
0x30: {  	_ =	swait.ge [sflag:s22], $0x2000  }
0x31: {  	[sflag:s22] =	ssyncset.done $0x0  }
0x32: {  	[sflag:s22] =	ssyncadd.s32 $0xFFFFE000  }
0x33: {  	[spmem:s13] =	stream.linear.scatter [tilespmem:s21], [sflag:$0x9], $0x2000, $0x38;
	[tilespmem:$0x1E400] =	vst v63  }
0x34: {  	_ =	swait.ge [sflag:s22], $0x2000  }
0x35: {  	[sflag:s22] =	ssyncset.done $0x0  }
0x36: {  	[sflag:s22] =	ssyncadd.s32 $0xFFFFE000  }
0x37: {  	[spmem:s14] =	stream.linear.scatter [tilespmem:s21], [sflag:$0x9], $0x2000, $0x38;
	[tilespmem:$0x1E400] =	vst v63  }
0x38: {  	_ =	swait.ge [sflag:s22], $0x2000  }
0x39: {  	[sflag:s22] =	ssyncset.done $0x0  }
0x3a: {  	[sflag:s22] =	ssyncadd.s32 $0xFFFFE000  }
0x3b: {  	[spmem:s15] =	stream.linear.scatter [tilespmem:s21], [sflag:$0x9], $0x2000, $0x38;
	[tilespmem:$0x1E400] =	vst v63  }
0x3c: {  	_ =	swait.ge [sflag:s22], $0x2000  }
0x3d: {  	[sflag:s22] =	ssyncset.done $0x0  }
0x3e: {  	[sflag:s22] =	ssyncadd.s32 $0xFFFFE000  }
0x3f: {  	[spmem:s16] =	stream.linear.scatter [tilespmem:s21], [sflag:$0x9], $0x2000, $0x38;
	[tilespmem:$0x1E400] =	vst v63  }
0x40: {  	_ =	swait.ge [sflag:s22], $0x2000  }
0x41: {  	[sflag:s22] =	ssyncset.done $0x0  }
0x42: {  	[sflag:s22] =	ssyncadd.s32 $0xFFFFE000  }
0x43: {  	[spmem:s17] =	stream.linear.scatter [tilespmem:s21], [sflag:$0x9], $0x1C00, $0x38;
	[tilespmem:$0x1E400] =	vst v63  }
0x44: {  	_ =	swait.ge [sflag:s22], $0x1C00  }
0x45: {  	[sflag:s22] =	ssyncset.done $0x0  }
0x46: {  	[sflag:s22] =	ssyncadd.s32 $0xFFFFE400  }
0x47: {  	_ =	swait.ge [sflag:s23], $0x1400  }
0x48: {  	[sflag:s23] =	ssyncset.done $0x0  }
0x49: {  	[sflag:s23] =	ssyncadd.s32 $0xFFFFEC00  }
0x4a: {  	_ =	swait.ge [sflag:s23], $0x1400  }
0x4b: {  	[sflag:s23] =	ssyncset.done $0x0  }
0x4c: {  	[sflag:s23] =	ssyncadd.s32 $0xFFFFEC00  }
0x4d: {  	[bflag:$0x0] =	sbarrier.arrive $0xFFFF  }
0x4e: {  	[tilespmem:s21], [sflag:$0x1] =	stream.indirect.gather [hbm4b:s5+s24], $0x80, s4, s24, $0xb8;
	[tilespmem:$0x1E400] =	vst v63  }
0x4f: {  	_ = 	snop  }
0x50: {  	[tilespmem:s25], [sflag:$0x2] =	stream.indirect.gather [hbm4b:s5+s24], $0x80, s24, s24, $0xb8;
	[tilespmem:$0x1E400] =	vst v63  }
0x51: {  	s11 =	simm.s32 $0x80  }
0x52: {  	[tilespmem:s28], [sflag:$0x3] =	stream.indirect.gather [hbm4b:s5+s24], $0x80, s11, s24, $0xb8;
	[tilespmem:$0x1E400] =	vst v63  }
0x53: {  	s10 =	simm.s32 $0xC0  }
0x54: {  	[tilespmem:s30], [sflag:$0x4] =	stream.indirect.gather [hbm4b:s5+s24], $0x80, s10, s24, $0xb8;
	[tilespmem:$0x1E400] =	vst v63  }
0x55: {  	_ =	swait.ge [sflag:s23], $0x2000  }
0x56: {  	[sflag:s23] =	ssyncset.done $0x0  }
0x57: {  	[sflag:s23] =	ssyncadd.s32 $0xFFFFE000  }
0x58: {  	[spmem:s3] =	stream.indirect.scatter.add.f32 [tilespmem:s21], [sflag:$0x5], $0x80, s20, s24, $0xb8;
	[tilespmem:$0x1E400] =	vst v63  }
0x59: {  	_ =	swait.ge [sflag:s31], $0x2000  }
0x5a: {  	[sflag:s31] =	ssyncset.done $0x0  }
0x5b: {  	s11 =	simm.s32 $0x100;
	[sflag:s31] =	ssyncadd.s32 $0xFFFFE000  }
0x5c: {  	[tilespmem:s21], [sflag:$0x1] =	stream.indirect.gather [hbm4b:s5+s24], $0x80, s11, s24, $0xb8;
	[tilespmem:$0x1E400] =	vst v63  }
0x5d: {  	_ =	swait.ge [sflag:s2], $0x2000  }
0x5e: {  	[sflag:s2] =	ssyncset.done $0x0  }
0x5f: {  	s10 =	simm.s32 $0x1440;
	[sflag:s2] =	ssyncadd.s32 $0xFFFFE000  }
0x60: {  	[spmem:s3] =	stream.indirect.scatter.add.f32 [tilespmem:s25], [sflag:$0x6], $0x80, s10, s24, $0xb8;
	[tilespmem:$0x1E400] =	vst v63  }
0x61: {  	_ =	swait.ge [sflag:s26], $0x2000  }
0x62: {  	[sflag:s26] =	ssyncset.done $0x0  }
0x63: {  	s11 =	simm.s32 $0x140;
	[sflag:s26] =	ssyncadd.s32 $0xFFFFE000  }
0x64: {  	[tilespmem:s25], [sflag:$0x2] =	stream.indirect.gather [hbm4b:s5+s24], $0x80, s11, s24, $0xb8;
	[tilespmem:$0x1E400] =	vst v63  }
0x65: {  	_ =	swait.ge [sflag:s0], $0x2000  }
0x66: {  	[sflag:s0] =	ssyncset.done $0x0  }
0x67: {  	s10 =	simm.s32 $0x1480;
	[sflag:s0] =	ssyncadd.s32 $0xFFFFE000  }
0x68: {  	[spmem:s3] =	stream.indirect.scatter.add.f32 [tilespmem:s28], [sflag:$0x7], $0x80, s10, s24, $0xb8;
	[tilespmem:$0x1E400] =	vst v63  }
0x69: {  	_ =	swait.ge [sflag:s29], $0x2000  }
0x6a: {  	[sflag:s29] =	ssyncset.done $0x0  }
0x6b: {  	s11 =	simm.s32 $0x180;
	[sflag:s29] =	ssyncadd.s32 $0xFFFFE000  }
0x6c: {  	[tilespmem:s28], [sflag:$0x3] =	stream.indirect.gather [hbm4b:s5+s24], $0x80, s11, s24, $0xb8;
	[tilespmem:$0x1E400] =	vst v63  }
0x6d: {  	_ =	swait.ge [sflag:s1], $0x2000  }
0x6e: {  	[sflag:s1] =	ssyncset.done $0x0  }
0x6f: {  	s10 =	simm.s32 $0x14C0;
	[sflag:s1] =	ssyncadd.s32 $0xFFFFE000  }
0x70: {  	[spmem:s3] =	stream.indirect.scatter.add.f32 [tilespmem:s30], [sflag:$0x8], $0x80, s10, s24, $0xb8;
	[tilespmem:$0x1E400] =	vst v63  }
0x71: {  	_ =	swait.ge [sflag:s6], $0x2000  }
0x72: {  	[sflag:s6] =	ssyncset.done $0x0  }
0x73: {  	s11 =	simm.s32 $0x1C0;
	[sflag:s6] =	ssyncadd.s32 $0xFFFFE000  }
0x74: {  	[tilespmem:s30], [sflag:$0x4] =	stream.indirect.gather [hbm4b:s5+s24], $0x80, s11, s24, $0xb8;
	[tilespmem:$0x1E400] =	vst v63  }
0x75: {  	_ =	swait.ge [sflag:s23], $0x2000  }
0x76: {  	[sflag:s23] =	ssyncset.done $0x0  }
0x77: {  	s10 =	simm.s32 $0x1500;
	[sflag:s23] =	ssyncadd.s32 $0xFFFFE000  }
0x78: {  	[spmem:s3] =	stream.indirect.scatter.add.f32 [tilespmem:s21], [sflag:$0x5], $0x80, s10, s24, $0xb8;
	[tilespmem:$0x1E400] =	vst v63  }
0x79: {  	_ =	swait.ge [sflag:s31], $0x2000  }
0x7a: {  	[sflag:s31] =	ssyncset.done $0x0  }
0x7b: {  	s11 =	simm.s32 $0x200;
	[sflag:s31] =	ssyncadd.s32 $0xFFFFE000  }
0x7c: {  	[tilespmem:s21], [sflag:$0x1] =	stream.indirect.gather [hbm4b:s5+s24], $0x80, s11, s24, $0xb8;
	[tilespmem:$0x1E400] =	vst v63  }
0x7d: {  	_ =	swait.ge [sflag:s2], $0x2000  }
0x7e: {  	[sflag:s2] =	ssyncset.done $0x0  }
0x7f: {  	s10 =	simm.s32 $0x1540;
	[sflag:s2] =	ssyncadd.s32 $0xFFFFE000  }
0x80: {  	[spmem:s3] =	stream.indirect.scatter.add.f32 [tilespmem:s25], [sflag:$0x6], $0x80, s10, s24, $0xb8;
	[tilespmem:$0x1E400] =	vst v63  }
0x81: {  	_ =	swait.ge [sflag:s26], $0x2000  }
0x82: {  	[sflag:s26] =	ssyncset.done $0x0  }
0x83: {  	s11 =	simm.s32 $0x240;
	[sflag:s26] =	ssyncadd.s32 $0xFFFFE000  }
0x84: {  	[tilespmem:s25], [sflag:$0x2] =	stream.indirect.gather [hbm4b:s5+s24], $0x80, s11, s24, $0xb8;
	[tilespmem:$0x1E400] =	vst v63  }
0x85: {  	_ =	swait.ge [sflag:s0], $0x2000  }
0x86: {  	[sflag:s0] =	ssyncset.done $0x0  }
0x87: {  	s10 =	simm.s32 $0x1580;
	[sflag:s0] =	ssyncadd.s32 $0xFFFFE000  }
0x88: {  	[spmem:s3] =	stream.indirect.scatter.add.f32 [tilespmem:s28], [sflag:$0x7], $0x80, s10, s24, $0xb8;
	[tilespmem:$0x1E400] =	vst v63  }
0x89: {  	_ =	swait.ge [sflag:s29], $0x2000  }
0x8a: {  	[sflag:s29] =	ssyncset.done $0x0  }
0x8b: {  	s11 =	simm.s32 $0x280;
	[sflag:s29] =	ssyncadd.s32 $0xFFFFE000  }
0x8c: {  	[tilespmem:s28], [sflag:$0x3] =	stream.indirect.gather [hbm4b:s5+s24], $0x80, s11, s24, $0xb8;
	[tilespmem:$0x1E400] =	vst v63  }
0x8d: {  	_ =	swait.ge [sflag:s1], $0x2000  }
0x8e: {  	[sflag:s1] =	ssyncset.done $0x0  }
0x8f: {  	s9 =	simm.s32 $0x400;
	s10 =	simm.s32 $0x15C0;
	[sflag:s1] =	ssyncadd.s32 $0xFFFFE000  }
.LBB2_2:
0x90: {  	[spmem:s3] =	stream.indirect.scatter.add.f32 [tilespmem:s30], [sflag:$0x8], $0x80, s10, s24, $0xb8;
	[tilespmem:$0x1E400] =	vst v63  }
0x91: {  	s10 =	smov.u32 s9  }
0x92: {  	p0 =	sne.s32 s9, $0x4400;
	s9 =	sadd.s32 $0x400, s9;
	_ =	swait.ge [sflag:s6], $0x2000  }
0x93: {  	s10 =	sshra.s32 s10, $0x2;
	[sflag:s6] =	ssyncset.done $0x0  }
0x94: {  	s11 =	sadd.s32 $0x1C0, s10;
	[sflag:s6] =	ssyncadd.s32 $0xFFFFE000  }
0x95: {  	[tilespmem:s30], [sflag:$0x4] =	stream.indirect.gather [hbm4b:s5+s24], $0x80, s11, s24, $0xb8;
	[tilespmem:$0x1E400] =	vst v63  }
0x96: {  	_ =	swait.ge [sflag:s23], $0x2000  }
0x97: {  	[sflag:s23] =	ssyncset.done $0x0  }
0x98: {  	s11 =	sadd.s32 $0x1500, s10;
	[sflag:s23] =	ssyncadd.s32 $0xFFFFE000  }
0x99: {  	[spmem:s3] =	stream.indirect.scatter.add.f32 [tilespmem:s21], [sflag:$0x5], $0x80, s11, s24, $0xb8;
	[tilespmem:$0x1E400] =	vst v63  }
0x9a: {  	_ =	swait.ge [sflag:s31], $0x2000  }
0x9b: {  	[sflag:s31] =	ssyncset.done $0x0  }
0x9c: {  	s11 =	sadd.s32 $0x200, s10;
	[sflag:s31] =	ssyncadd.s32 $0xFFFFE000  }
0x9d: {  	[tilespmem:s21], [sflag:$0x1] =	stream.indirect.gather [hbm4b:s5+s24], $0x80, s11, s24, $0xb8;
	[tilespmem:$0x1E400] =	vst v63  }
0x9e: {  	_ =	swait.ge [sflag:s2], $0x2000  }
0x9f: {  	[sflag:s2] =	ssyncset.done $0x0  }
0xa0: {  	s11 =	sadd.s32 $0x1540, s10;
	[sflag:s2] =	ssyncadd.s32 $0xFFFFE000  }
0xa1: {  	[spmem:s3] =	stream.indirect.scatter.add.f32 [tilespmem:s25], [sflag:$0x6], $0x80, s11, s24, $0xb8;
	[tilespmem:$0x1E400] =	vst v63  }
0xa2: {  	_ =	swait.ge [sflag:s26], $0x2000  }
0xa3: {  	[sflag:s26] =	ssyncset.done $0x0  }
0xa4: {  	s11 =	sadd.s32 $0x240, s10;
	[sflag:s26] =	ssyncadd.s32 $0xFFFFE000  }
0xa5: {  	[tilespmem:s25], [sflag:$0x2] =	stream.indirect.gather [hbm4b:s5+s24], $0x80, s11, s24, $0xb8;
	[tilespmem:$0x1E400] =	vst v63  }
0xa6: {  	_ =	swait.ge [sflag:s0], $0x2000  }
0xa7: {  	[sflag:s0] =	ssyncset.done $0x0  }
0xa8: {  	s11 =	sadd.s32 $0x1580, s10;
	[sflag:s0] =	ssyncadd.s32 $0xFFFFE000  }
0xa9: {  	[spmem:s3] =	stream.indirect.scatter.add.f32 [tilespmem:s28], [sflag:$0x7], $0x80, s11, s24, $0xb8;
	[tilespmem:$0x1E400] =	vst v63  }
0xaa: {  	_ =	swait.ge [sflag:s29], $0x2000  }
0xab: {  	[sflag:s29] =	ssyncset.done $0x0  }
.Ltmp0:
0xac: {  	s11 =	sadd.s32 $0x280, s10;
	[sflag:s29] =	ssyncadd.s32 $0xFFFFE000;
	(pc) =	sbr.rel @p0 .LBB2_2-.Ltmp0, $4  }
0xad: {  	[tilespmem:s28], [sflag:$0x3] =	stream.indirect.gather [hbm4b:s5+s24], $0x80, s11, s24, $0xb8;
	[tilespmem:$0x1E400] =	vst v63  }
0xae: {  	_ =	swait.ge [sflag:s1], $0x2000  }
0xaf: {  	[sflag:s1] =	ssyncset.done $0x0  }
0xb0: {  	s10 =	sadd.s32 $0x15C0, s10;
	[sflag:s1] =	ssyncadd.s32 $0xFFFFE000  }
0xb1: {  	[spmem:s3] =	stream.indirect.scatter.add.f32 [tilespmem:s30], [sflag:$0x8], $0x80, s10, s24, $0xb8;
	[tilespmem:$0x1E400] =	vst v63  }
0xb2: {  	_ =	swait.ge [sflag:s6], $0x2000  }
0xb3: {  	[sflag:s6] =	ssyncset.done $0x0  }
0xb4: {  	s9 =	simm.s32 $0x13C0;
	[sflag:s6] =	ssyncadd.s32 $0xFFFFE000  }
0xb5: {  	[tilespmem:s30], [sflag:$0x4] =	stream.indirect.gather [hbm4b:s5+s24], $0x80, s9, s24, $0xb8;
	[tilespmem:$0x1E400] =	vst v63  }
0xb6: {  	_ =	swait.ge [sflag:s23], $0x2000  }
0xb7: {  	[sflag:s23] =	ssyncset.done $0x0  }
0xb8: {  	s10 =	simm.s32 $0x2700;
	[sflag:s23] =	ssyncadd.s32 $0xFFFFE000  }
0xb9: {  	[spmem:s3] =	stream.indirect.scatter.add.f32 [tilespmem:s21], [sflag:$0x5], $0x80, s10, s24, $0xb8;
	[tilespmem:$0x1E400] =	vst v63  }
0xba: {  	_ =	swait.ge [sflag:s2], $0x2000  }
0xbb: {  	[sflag:s2] =	ssyncset.done $0x0  }
0xbc: {  	s11 =	simm.s32 $0x2740;
	[sflag:s2] =	ssyncadd.s32 $0xFFFFE000  }
0xbd: {  	[spmem:s3] =	stream.indirect.scatter.add.f32 [tilespmem:s25], [sflag:$0x6], $0x80, s11, s24, $0xb8;
	[tilespmem:$0x1E400] =	vst v63  }
0xbe: {  	_ =	swait.ge [sflag:s0], $0x2000  }
0xbf: {  	[sflag:s0] =	ssyncset.done $0x0  }
0xc0: {  	s10 =	simm.s32 $0x2780;
	[sflag:s0] =	ssyncadd.s32 $0xFFFFE000  }
0xc1: {  	[spmem:s3] =	stream.indirect.scatter.add.f32 [tilespmem:s28], [sflag:$0x7], $0x80, s10, s24, $0xb8;
	[tilespmem:$0x1E400] =	vst v63  }
0xc2: {  	_ =	swait.ge [sflag:s1], $0x2000  }
0xc3: {  	[sflag:s1] =	ssyncset.done $0x0  }
0xc4: {  	s11 =	simm.s32 $0x27C0;
	[sflag:s1] =	ssyncadd.s32 $0xFFFFE000  }
0xc5: {  	[spmem:s3] =	stream.indirect.scatter.add.f32 [tilespmem:s30], [sflag:$0x8], $0x80, s11, s24, $0xb8;
	[tilespmem:$0x1E400] =	vst v63  }
0xc6: {  	_ =	swait.ge [sflag:s31], $0x2000  }
0xc7: {  	[sflag:s31] =	ssyncset.done $0x0  }
0xc8: {  	[sflag:s31] =	ssyncadd.s32 $0xFFFFE000  }
0xc9: {  	_ =	swait.ge [sflag:s26], $0x2000  }
0xca: {  	[sflag:s26] =	ssyncset.done $0x0  }
0xcb: {  	[sflag:s26] =	ssyncadd.s32 $0xFFFFE000  }
0xcc: {  	_ =	swait.ge [sflag:s29], $0x2000  }
0xcd: {  	[sflag:s29] =	ssyncset.done $0x0  }
0xce: {  	[sflag:s29] =	ssyncadd.s32 $0xFFFFE000  }
0xcf: {  	s10 =	stileid.u32;
	_ =	swait.ge [sflag:s6], $0x2000  }
0xd0: {  	s7 =	sadd.s32 $0x1, s7;
	s9 =	sshll.u32 s10, $0x6;
	[sflag:s6] =	ssyncset.done $0x0  }
0xd1: {  	p0 =	sne.s32 s7, s19;
	s9 =	sor.u32 $0x1C09, s9;
	[sflag:s6] =	ssyncadd.s32 $0xFFFFE000  }
.Ltmp1:
0xd2: {  	s11 =	sshrl.u32 s8, $0x3;
	[bflag:$0x0] =	sbarrier.arrive $0xFFFF;
	(pc) =	sbr.rel @p0 .LBB2_1-.Ltmp1, $4  }
0xd3: {  	[hbm:s18], [sflag:s9] =	dma.local [spmem:s11], $0x2780  }
0xd4: {  	_ =	swait.ge [sflag:s22], $0x2780  }
0xd5: {  	[sflag:s22] =	ssyncset.done $0x0  }
0xd6: {  	[sflag:s22] =	ssyncadd.s32 $0xFFFFD880  }
0xd7: {  	_ =	sfence.sel $0x180000  }
0xd8: {  	[bflag:$0x0] =	sbarrier.arrive $0xFFFF  }
0xd9: {  	_ =	strace $0x9000004A  }
0xda: {  	s0 =	stileid.u32;
	[bflag:$0x2] =	sbarrier.arrive $0xFFFF  }
0xdb: {  	p0 =	sne.s32 s0, $0x0;
	s0 =	rddreg [dreg:$0x3]  }
0xdc: {  	s0 =	sadd.s32 @!p0 $0x100000, s0  }
0xdd: {  	[sflag:s0] =	ssyncadd.tile.s32 @!p0 $0x1;
	_ =	shalt  }
.Lfunc_end2:
_tile_overlayer_lowered:
.L_overlay_start_2:
0xde: {  	(tag) =	ssettag $0x2  }
0xdf: {  	s0 =	rddreg [dreg:$0x0];
	s2 =	stileid.u32  }
0xe0: {  	s1 =	rddreg [dreg:$0x1];
	p0 =	sne.s32 s2, $0x0  }
0xe1: {  	s3 =	rddreg [dreg:$0x2];
	[bflag:$0x3] =	sbarrier.arrive $0xFFFF;
	s2 =	simm.s32 @!p0 $0x1C09  }
0xe2: {  	[timem:s3], [sflag:s2] =	dma.local @!p0 [hbm:s0], s1  }
0xe3: {  	s0 =	simm.s32 @!p0 $0x9  }
0xe4: {  	_ =	swait.ge @!p0 [sflag:s0], s1  }
0xe5: {  	s1 =	ssub.s32 @!p0 $0x0, s1;
	[sflag:s0] =	ssyncset.done @!p0 $0x0  }
0xe6: {  	[sflag:s0] =	ssyncadd.s32 @!p0 s1  }
0xe7: {  	[bflag:$0x3] =	sbarrier.arrive $0xFFFF  }
0xe8: {  	_ =	shalt  }

// kernel: kernel.18.cloned.1.call-start
scs
__scs_entry_jumppad:
0x0: {  	(pc) =	sbr.rel $0x88, $3  }
0x1: {  	(tag) =	ssettag $0x0;
	lr =	simm.s32 $0x1  }
0x2: {  	[smem:$0x3F93] =	sst lr;
	_ =	strace $0xD0000000  }
0x3: {  	_ = 	snop  }
0x4: {  	_ = 	snop  }
0x5: {  	_ = 	snop  }
0x6: {  	_ = 	snop  }
0x7: {  	_ = 	snop  }
__scs_overlays_trampoline_lowered:
0x8: {  	[smem:$0x3FA2] =	sst s0  }
0x9: {  	[smem:$0x3FA3] =	sst s1  }
0xa: {  	[smem:$0x3FA4] =	sst s2  }
0xb: {  	[smem:$0x3FA5] =	sst s3  }
0xc: {  	[smem:$0x3FA6] =	sst s4  }
0xd: {  	[smem:$0x3FA7] =	sst s5  }
0xe: {  	[smem:$0x3FA8] =	sst s6  }
0xf: {  	[smem:$0x3FA9] =	sst s7  }
0x10: {  	[smem:$0x3FAA] =	sst s8  }
0x11: {  	[smem:$0x3FAB] =	sst s9;
	s0 =	simm.s32 @!p0 $0x0  }
0x12: {  	s1 =	sld [smem:$0x3F91];
	s0 =	simm.s32 @p0 $0x1  }
0x13: {  	[smem:$0x3FAC] =	sst s0;
	s0 =	simm.s32 @!p1 $0x0  }
0x14: {  	s2 =	sld [smem:$0x3F90];
	s0 =	simm.s32 @p1 $0x1  }
0x15: {  	[smem:$0x3FAD] =	sst s0;
	s0 =	simm.s32 @!p2 $0x0  }
0x16: {  	s3 =	sld [smem:$0x3FDB];
	s0 =	simm.s32 @p2 $0x1  }
0x17: {  	s4 =	simm.s32 $0x1BF5;
	[smem:$0x3FAF] =	sst s0  }
0x18: {  	s0 =	sld [smem:$0x3F92];
	_ =	swait.ge [sflag:s4], $0x0  }
0x19: {  	s7 =	sld [smem:$0x3F93]  }
0x1a: {  	s8 =	sadd.s32 $0xFFFFE003, lr  }
0x1b: {  	s9 =	sadd.s32 $0xFFFFFEF7, lr;
	s5 =	simm.s32 $0xFFFFFFFF;
	p2 =	slt.u32 s8, $0xFFFFF086  }
0x1c: {  	p1 =	slt.u32 s9, $0xF7A;
	s5 =	simm.s32 @!p2 $0x0  }
0x1d: {  	s5 =	simm.s32 @p1 $0x1;
	p0 =	seq.s32 s7, s2  }
0x1e: {  	s7 =	smul.u32 @!p0 $0xF7A, s2;
	p2 =	seq.s32 @!p0 s5, $0x0  }
0x1f: {  	s9 =	smul.u32 $0xF7A, s1;
	s8 =	simm.s32 @!p0 $0x1BF5;
	p2 =	por !p2, p0  }
0x20: {  	[sflag:s8] =	ssyncset.s32 @!p0 $0xFFFFF086;
	s6 =	sadd.s32 @!p0 s3, s7;
	s7 =	simm.s32 @!p0 $0x108  }
0x21: {  	s3 =	sadd.s32 s3, s9;
	s6 =	sadd.s32 @!p0 $0x88, s6;
	s7 =	simm.s32 @p2 $0x1082  }
0x22: {  	[simem:s7], [sflag:s8] =	dma.local @!p0 [hbm:s6], $0xF7A  }
0x23: {  	s9 =	sor.u32 $0xD0000000, s2;
	s6 =	simm.s32 $0x108;
	_ =	swait.ge @!p0 [sflag:s8], $0x0  }
0x24: {  	s3 =	sadd.s32 $0x88, s3;
	s6 =	simm.s32 @!p1 $0x1082;
	[sflag:s4] =	ssyncset.s32 $0xFFFFF086  }
0x25: {  	[simem:s6], [sflag:s4] =	dma.local [hbm:s3], $0xF7A  }
0x26: {  	[smem:$0x3F93] =	sst s1;
	(tag) =	ssettag s2;
	_ =	strace s9  }
0x27: {  	s1 =	sld [smem:$0x3FA3]  }
0x28: {  	s2 =	sld [smem:$0x3FA4]  }
0x29: {  	s4 =	sld [smem:$0x3FA6]  }
0x2a: {  	p0 =	seq.s32 s5, $0x0;
	s5 =	sld [smem:$0x3FA7]  }
0x2b: {  	s6 =	sld [smem:$0x3FA8]  }
0x2c: {  	s7 =	sld [smem:$0x3FA9]  }
0x2d: {  	s3 =	simm.s32 $0x108;
	s8 =	sld [smem:$0x3FAA]  }
0x2e: {  	s3 =	simm.s32 @!p0 $0x1082;
	s9 =	sld [smem:$0x3FAB]  }
0x2f: {  	lr =	sadd.s32 s0, s3;
	s0 =	sld [smem:$0x3FA2]  }
0x30: {  	s3 =	sld [smem:$0x3FA5]  }
0x31: {  	[smem:$0x3FAE] =	sst s10  }
0x32: {  	s10 =	sld [smem:$0x3FAC];
	_ =	sdelay $0x3  }
0x33: {  	p0 =	seq.s32 s10, $0x1;
	s10 =	sld [smem:$0x3FAE];
	_ =	sdelay $0x3  }
0x34: {  	[smem:$0x3FAE] =	sst s10  }
0x35: {  	s10 =	sld [smem:$0x3FAD];
	_ =	sdelay $0x3  }
0x36: {  	p1 =	seq.s32 s10, $0x1;
	s10 =	sld [smem:$0x3FAE];
	_ =	sdelay $0x3  }
0x37: {  	[smem:$0x3FAE] =	sst s10  }
0x38: {  	s10 =	sld [smem:$0x3FAF]  }
0x39: {  	_ = 	snop;
	(pc) =	sbr.ind lr, $3  }
0x3a: {  	_ = 	snop  }
0x3b: {  	_ = 	snop  }
0x3c: {  	p2 =	seq.s32 s10, $0x1;
	s10 =	sld [smem:$0x3FAE]  }
0x3d: {  	_ =	shalt  }
0x3e: {  	_ =	shalt  }
0x3f: {  	_ =	shalt  }
0x40: {  	_ =	shalt  }
0x41: {  	_ =	shalt  }
0x42: {  	_ =	shalt  }
0x43: {  	_ =	shalt  }
0x44: {  	_ =	shalt  }
0x45: {  	_ =	shalt  }
0x46: {  	_ =	shalt  }
0x47: {  	_ =	shalt  }
0x48: {  	_ =	shalt  }
0x49: {  	_ =	shalt  }
0x4a: {  	_ =	shalt  }
0x4b: {  	_ =	shalt  }
0x4c: {  	_ =	shalt  }
0x4d: {  	_ =	shalt  }
0x4e: {  	_ =	shalt  }
0x4f: {  	_ =	shalt  }
0x50: {  	_ =	shalt  }
0x51: {  	_ =	shalt  }
0x52: {  	_ =	shalt  }
0x53: {  	_ =	shalt  }
0x54: {  	_ =	shalt  }
0x55: {  	_ =	shalt  }
0x56: {  	_ =	shalt  }
0x57: {  	_ =	shalt  }
0x58: {  	_ =	shalt  }
0x59: {  	_ =	shalt  }
0x5a: {  	_ =	shalt  }
0x5b: {  	_ =	shalt  }
0x5c: {  	_ =	shalt  }
0x5d: {  	_ =	shalt  }
0x5e: {  	_ =	shalt  }
0x5f: {  	_ =	shalt  }
0x60: {  	_ =	shalt  }
0x61: {  	_ =	shalt  }
0x62: {  	_ =	shalt  }
0x63: {  	_ =	shalt  }
0x64: {  	_ =	shalt  }
0x65: {  	_ =	shalt  }
0x66: {  	_ =	shalt  }
0x67: {  	_ =	shalt  }
0x68: {  	_ =	shalt  }
0x69: {  	_ =	shalt  }
0x6a: {  	_ =	shalt  }
0x6b: {  	_ =	shalt  }
0x6c: {  	_ =	shalt  }
0x6d: {  	_ =	shalt  }
0x6e: {  	_ =	shalt  }
0x6f: {  	_ =	shalt  }
0x70: {  	_ =	shalt  }
0x71: {  	_ =	shalt  }
0x72: {  	_ =	shalt  }
0x73: {  	_ =	shalt  }
0x74: {  	_ =	shalt  }
0x75: {  	_ =	shalt  }
0x76: {  	_ =	shalt  }
0x77: {  	_ =	shalt  }
0x78: {  	_ =	shalt  }
0x79: {  	_ =	shalt  }
0x7a: {  	_ =	shalt  }
0x7b: {  	_ =	shalt  }
0x7c: {  	_ =	shalt  }
0x7d: {  	_ =	shalt  }
0x7e: {  	_ =	shalt  }
0x7f: {  	_ =	shalt  }
0x80: {  	_ =	shalt  }
0x81: {  	_ =	shalt  }
0x82: {  	_ =	shalt  }
0x83: {  	_ =	shalt  }
0x84: {  	_ =	shalt  }
0x85: {  	_ =	shalt  }
0x86: {  	_ =	shalt  }
0x87: {  	_ =	shalt  }
.Lfunc_end0:
.L_simem_size_0:
called_computation.2_lowered:
.L_overlay_start_0:
0x88: {  	s2 =	sld [smem:$0x3FD9]  }
0x89: {  	s3 =	sld [smem:$0x3FFE];
	_ =	sdelay $0x1  }
0x8a: {  	s1 =	srdreg.scid  }
0x8b: {  	s0 =	sand.u32 $0x1, s1  }
0x8c: {  	s17 =	sshll.u32 s0, $0xA;
	s2 =	sadd.s32 s3, s2  }
0x8d: {  	s2 =	sadd.s32 s2, s17  }
0x8e: {  	[smem:$0x3FBA] =	sst s2  }
0x8f: {  	_ = 	snop  }
0x90: {  	s2 =	sld [smem:$0x3FD0];
	(tm) =	ssettm $0x1  }
0x91: {  	s18 =	sld [smem:$0x3FFB];
	_ =	sdelay $0x3  }
0x92: {  	_ =	strace s18  }
0x93: {  	s3 =	sld [smem:$0x3FFC];
	_ =	sdelay $0x3  }
0x94: {  	_ =	strace s3  }
0x95: {  	s3 =	sld [smem:$0x3FFD];
	_ =	sdelay $0x3  }
0x96: {  	_ =	strace s3  }
0x97: {  	_ =	strace $0x8FFFFFFF  }
0x98: {  	s19 =	sld [smem:$0x3FDB];
	_ =	sdelay $0x1  }
0x99: {  	s4 =	simm.s32 $_scs_section_size  }
0x9a: {  	s5 =	simm.s32 $_size__tile_overlayer_lowered;
	s6 =	simm.s32 $_tile_overlayer_lowered  }
0x9b: {  	s22 =	simm.s32 $0x1BFF;
	s21 =	sshll.u32 s6, $0x1;
	s3 =	sadd.s32 s4, s19  }
0x9c: {  	s7 =	simm.s32 $0x0;
	s20 =	sshll.u32 s5, $0x1;
	s5 =	sadd.s32 s21, s3  }
0x9d: {  	[timem:s7], [sflag:s22] =	dma.local [hbm:s5], s20  }
0x9e: {  	_ =	swait.ge [sflag:s22], s20  }
0x9f: {  	s4 =	ssub.s32 $0x0, s20;
	[sflag:s22] =	ssyncset.done $0x0  }
0xa0: {  	[sflag:s22] =	ssyncadd.s32 s4;
	_ =	sdelay $0x1  }
0xa1: {  	s23 =	simm.s32 $0x1B8B  }
0xa2: {  	_ =	swait.ge [sflag:s23], $0x1  }
0xa3: {  	[sflag:s23] =	ssyncset.done $0x0  }
0xa4: {  	s25 =	simm.s32 $0x1B8E;
	s24 =	sld [smem:$0x3FFE];
	[sflag:s23] =	ssyncadd.s32 $0xFFFFFFFF  }
0xa5: {  	s26 =	simm.s32 $execute0_lowered;
	[smem:$0x3FD2] =	sst s25  }
0xa6: {  	s5 =	sshll.u32 s26, $0x1;
	_ =	strace $0x8000004C;
	[dreg:$0x1] =	wrdreg $0xFFFFFFFF  }
0xa7: {  	s28 =	simm.s32 $_size_execute0_lowered;
	s3 =	sadd.s32 s3, s5;
	[dreg:$0x0] =	wrdreg $0x0  }
0xa8: {  	s5 =	sshll.u32 s28, $0x1;
	[dreg:$0x2] =	wrdreg s3  }
0xa9: {  	[dreg:$0x3] =	wrdreg s5  }
0xaa: {  	[dreg:$0x4] =	wrdreg $0xC0  }
0xab: {  	_ =	task [dreg:s7], $0x5FFFF  }
0xac: {  	[dreg:$0x1] =	wrdreg $0xFFFFFFFF  }
0xad: {  	[dreg:$0x0] =	wrdreg $0x60  }
0xae: {  	[dreg:$0x2] =	wrdreg s24  }
0xaf: {  	[dreg:$0x3] =	wrdreg s2  }
0xb0: {  	[dreg:$0x4] =	wrdreg $0xA8000  }
0xb1: {  	[dreg:$0x5] =	wrdreg $0x9  }
0xb2: {  	_ =	task.clear_ibuf [dreg:s7], $0x6FFFF;
	_ =	strace $0x9000004C  }
0xb3: {  	s29 =	simm.s32 $0x9;
	_ =	strace $0x8000004E  }
0xb4: {  	_ =	swait.ge [sflag:s29], $0x1  }
0xb5: {  	[sflag:s29] =	ssyncadd.s32 $0xFFFFFFFF  }
0xb6: {  	_ =	strace $0x9000004E  }
0xb7: {  	_ =	sfence  }
0xb8: {  	s30 =	sld [smem:$0x0];
	_ =	sdelay $0x2  }
0xb9: {  	s31 =	sshll.u32 s1, $0xD;
	s1 =	sshrl.u32 s1, $0x2  }
0xba: {  	s3 =	sand.u32 $0x4000, s31;
	s1 =	sadd.s32 s1, s30  }
0xbb: {  	s0 =	sor.u32 s3, s0;
	s1 =	sshll.u32 s1, $0x11  }
0xbc: {  	s0 =	sor.u32 s1, s0  }
0xbd: {  	s0 =	sadd.s32 $0x8F2B, s0  }
0xbe: {  	[sflag:s0] =	ssyncadd.remote.s32 $0x1  }
0xbf: {  	_ =	sfence.sel $0xFFFF  }
0xc0: {  	[dreg:$0x0] =	wrdreg $0xFFFFFFFF;
	(pc) =	sbr.abs _section_cstart, $3  }
0xc1: {  	[dreg:$0x1] =	wrdreg $0xFFFFFFFF  }
0xc2: {  	_ =	task.clear_ibuf [dreg:s7], $0x2FFFF;
	_ =	strace $0x9FFFFFFF  }
0xc3: {  	(tm) =	ssettm $0x7FFFFFFF  }
tec
execute0_lowered:
.L_overlay_start_1:
0x0: {  	(tag) =	ssettag $0x1  }
0x1: {  	s0 =	rddreg [dreg:$0x0]  }
0x2: {  	s3 =	rddreg [dreg:$0x2]  }
0x3: {  	s1 =	srdreg.scid;
	s7 =	stileid.u32  }
0x4: {  	s4 =	simm.s32 $0x0;
	s15 =	simm.s32 $0x1400;
	s16 =	simm.s32 $0x2800  }
0x5: {  	s17 =	simm.s32 $0x9;
	s18 =	simm.s32 $0x1;
	s19 =	simm.s32 $0x80  }
0x6: {  	s20 =	simm.s32 $0x4800;
	s22 =	simm.s32 $0x6800;
	s24 =	simm.s32 $0x8800  }
0x7: {  	s25 =	simm.s32 $0x5;
	s28 =	simm.s32 $0x2;
	s30 =	simm.s32 $0x6  }
0x8: {  	s23 =	simm.s32 $0x4;
	s29 =	simm.s32 $0x8;
	s1 =	sand.u32 $0x1, s1  }
0x9: {  	s8 =	smul.u32 $0x9E00, s7;
	[smem:$0x7FF] =	sst s4;
	s5 =	sadd.s32 $0xDA00, s0  }
0xa: {  	s2 =	sshll.u32 s1, $0x4;
	s6 =	smul.u32 $0x9E000, s1;
	_ =	strace $0x8000004D  }
0xb: {  	s1 =	ssub.s32 $0x2, s1;
	s2 =	sor.u32 s7, s2;
	s7 =	smul.u32 $0x27800, s7  }
0xc: {  	s9 =	sshrl.u32 s1, $0x1;
	s2 =	smul.u32 $0x280, s2;
	s6 =	sadd.s32 s8, s6  }
0xd: {  	s1 =	ssub.s32 s1, s9;
	s8 =	sadd.s32 s8, s3;
	s6 =	sshrl.u32 s6, $0x3  }
0xe: {  	s26 =	sshrl.u32 s7, $0x2;
	s14 =	smax.u32 s1, $0x1;
	s1 =	simm.s32 $0x7  }
0xf: {  	s2 =	sadd.s32 s2, s0;
	s0 =	sadd.s32 s6, s0;
	s31 =	sadd.s32 s26, s3  }
0x10: {  	s6 =	sadd.s32 $0x8A00, s2;
	s7 =	sadd.s32 $0x3A00, s2;
	s9 =	sadd.s32 $0x2000, s31  }
0x11: {  	s10 =	sadd.s32 $0x4000, s31;
	s11 =	sadd.s32 $0x6000, s31;
	s12 =	sadd.s32 $0x8000, s31  }
0x12: {  	s13 =	sadd.s32 $0x21400, s0;
	s0 =	simm.s32 $0x3;
	s2 =	simm.s32 $0x0  }
.LBB2_1:
0x13: {  	[tilespmem:s4], [sflag:$0x1] =	stream.linear.gather [hbm4b:s6+s4], $0x1400, $0x38;
	[tilespmem:$0x14600] =	vst v63  }
0x14: {  	_ = 	snop  }
0x15: {  	[tilespmem:s15], [sflag:$0x1] =	stream.linear.gather [hbm4b:s7+s4], $0x1400, $0x38;
	[tilespmem:$0x14600] =	vst v63  }
0x16: {  	s21 =	rddreg [dreg:$0x1]  }
0x17: {  	[tilespmem:s16], [sflag:$0x9] =	stream.linear.gather [hbm4b:s21+s4], $0x2000, $0x38;
	[tilespmem:$0x14600] =	vst v63  }
0x18: {  	_ =	swait.ge [sflag:s17], $0x2000  }
0x19: {  	[sflag:s17] =	ssyncset.done $0x0  }
0x1a: {  	[sflag:s17] =	ssyncadd.s32 $0xFFFFE000  }
0x1b: {  	[spmem:s8] =	stream.linear.scatter [tilespmem:s16], [sflag:$0x9], $0x2000, $0x38;
	[tilespmem:$0x14600] =	vst v63  }
0x1c: {  	_ =	swait.ge [sflag:s17], $0x2000  }
0x1d: {  	[sflag:s17] =	ssyncset.done $0x0  }
0x1e: {  	[sflag:s17] =	ssyncadd.s32 $0xFFFFE000  }
0x1f: {  	[spmem:s9] =	stream.linear.scatter [tilespmem:s16], [sflag:$0x9], $0x2000, $0x38;
	[tilespmem:$0x14600] =	vst v63  }
0x20: {  	_ =	swait.ge [sflag:s17], $0x2000  }
0x21: {  	[sflag:s17] =	ssyncset.done $0x0  }
0x22: {  	[sflag:s17] =	ssyncadd.s32 $0xFFFFE000  }
0x23: {  	[spmem:s10] =	stream.linear.scatter [tilespmem:s16], [sflag:$0x9], $0x2000, $0x38;
	[tilespmem:$0x14600] =	vst v63  }
0x24: {  	_ =	swait.ge [sflag:s17], $0x2000  }
0x25: {  	[sflag:s17] =	ssyncset.done $0x0  }
0x26: {  	[sflag:s17] =	ssyncadd.s32 $0xFFFFE000  }
0x27: {  	[spmem:s11] =	stream.linear.scatter [tilespmem:s16], [sflag:$0x9], $0x2000, $0x38;
	[tilespmem:$0x14600] =	vst v63  }
0x28: {  	_ =	swait.ge [sflag:s17], $0x2000  }
0x29: {  	[sflag:s17] =	ssyncset.done $0x0  }
0x2a: {  	[sflag:s17] =	ssyncadd.s32 $0xFFFFE000  }
0x2b: {  	[spmem:s12] =	stream.linear.scatter [tilespmem:s16], [sflag:$0x9], $0x1E00, $0x38;
	[tilespmem:$0x14600] =	vst v63  }
0x2c: {  	_ =	swait.ge [sflag:s17], $0x1E00  }
0x2d: {  	[sflag:s17] =	ssyncset.done $0x0  }
0x2e: {  	[sflag:s17] =	ssyncadd.s32 $0xFFFFE200  }
0x2f: {  	_ =	swait.ge [sflag:s18], $0x1400  }
0x30: {  	[sflag:s18] =	ssyncset.done $0x0  }
0x31: {  	[sflag:s18] =	ssyncadd.s32 $0xFFFFEC00  }
0x32: {  	_ =	swait.ge [sflag:s18], $0x1400  }
0x33: {  	[sflag:s18] =	ssyncset.done $0x0  }
0x34: {  	[sflag:s18] =	ssyncadd.s32 $0xFFFFEC00  }
0x35: {  	[bflag:$0x0] =	sbarrier.arrive $0xFFFF  }
0x36: {  	[tilespmem:s16], [sflag:$0x1] =	stream.indirect.gather [hbm4b:s5+s19], $0x40, s4, s19, $0xb8;
	[tilespmem:$0x14600] =	vst v63  }
0x37: {  	_ = 	snop  }
0x38: {  	[tilespmem:s20], [sflag:$0x2] =	stream.indirect.gather [hbm4b:s5+s19], $0x40, s19, s19, $0xb8;
	[tilespmem:$0x14600] =	vst v63  }
0x39: {  	s31 =	simm.s32 $0x100  }
0x3a: {  	[tilespmem:s22], [sflag:$0x3] =	stream.indirect.gather [hbm4b:s5+s19], $0x40, s31, s19, $0xb8;
	[tilespmem:$0x14600] =	vst v63  }
0x3b: {  	s26 =	simm.s32 $0x180  }
0x3c: {  	[tilespmem:s24], [sflag:$0x4] =	stream.indirect.gather [hbm4b:s5+s19], $0x40, s26, s19, $0xb8;
	[tilespmem:$0x14600] =	vst v63  }
0x3d: {  	_ =	swait.ge [sflag:s18], $0x2000  }
0x3e: {  	[sflag:s18] =	ssyncset.done $0x0  }
0x3f: {  	[sflag:s18] =	ssyncadd.s32 $0xFFFFE000  }
0x40: {  	[spmem:s3] =	stream.indirect.scatter.add.f32 [tilespmem:s16], [sflag:$0x5], $0x40, s15, s19, $0xb8;
	[tilespmem:$0x14600] =	vst v63  }
0x41: {  	_ =	swait.ge [sflag:s25], $0x2000  }
0x42: {  	[sflag:s25] =	ssyncset.done $0x0  }
0x43: {  	s31 =	simm.s32 $0x200;
	[sflag:s25] =	ssyncadd.s32 $0xFFFFE000  }
0x44: {  	[tilespmem:s16], [sflag:$0x1] =	stream.indirect.gather [hbm4b:s5+s19], $0x40, s31, s19, $0xb8;
	[tilespmem:$0x14600] =	vst v63  }
0x45: {  	_ =	swait.ge [sflag:s28], $0x2000  }
0x46: {  	[sflag:s28] =	ssyncset.done $0x0  }
0x47: {  	s26 =	simm.s32 $0x1480;
	[sflag:s28] =	ssyncadd.s32 $0xFFFFE000  }
0x48: {  	[spmem:s3] =	stream.indirect.scatter.add.f32 [tilespmem:s20], [sflag:$0x6], $0x40, s26, s19, $0xb8;
	[tilespmem:$0x14600] =	vst v63  }
0x49: {  	_ =	swait.ge [sflag:s30], $0x2000  }
0x4a: {  	[sflag:s30] =	ssyncset.done $0x0  }
0x4b: {  	s31 =	simm.s32 $0x280;
	[sflag:s30] =	ssyncadd.s32 $0xFFFFE000  }
0x4c: {  	[tilespmem:s20], [sflag:$0x2] =	stream.indirect.gather [hbm4b:s5+s19], $0x40, s31, s19, $0xb8;
	[tilespmem:$0x14600] =	vst v63  }
0x4d: {  	_ =	swait.ge [sflag:s0], $0x2000  }
0x4e: {  	[sflag:s0] =	ssyncset.done $0x0  }
0x4f: {  	s26 =	simm.s32 $0x1500;
	[sflag:s0] =	ssyncadd.s32 $0xFFFFE000  }
0x50: {  	[spmem:s3] =	stream.indirect.scatter.add.f32 [tilespmem:s22], [sflag:$0x7], $0x40, s26, s19, $0xb8;
	[tilespmem:$0x14600] =	vst v63  }
0x51: {  	_ =	swait.ge [sflag:s1], $0x2000  }
0x52: {  	[sflag:s1] =	ssyncset.done $0x0  }
0x53: {  	s31 =	simm.s32 $0x300;
	[sflag:s1] =	ssyncadd.s32 $0xFFFFE000  }
0x54: {  	[tilespmem:s22], [sflag:$0x3] =	stream.indirect.gather [hbm4b:s5+s19], $0x40, s31, s19, $0xb8;
	[tilespmem:$0x14600] =	vst v63  }
0x55: {  	_ =	swait.ge [sflag:s23], $0x2000  }
0x56: {  	[sflag:s23] =	ssyncset.done $0x0  }
0x57: {  	s26 =	simm.s32 $0x1580;
	[sflag:s23] =	ssyncadd.s32 $0xFFFFE000  }
0x58: {  	[spmem:s3] =	stream.indirect.scatter.add.f32 [tilespmem:s24], [sflag:$0x8], $0x40, s26, s19, $0xb8;
	[tilespmem:$0x14600] =	vst v63  }
0x59: {  	_ =	swait.ge [sflag:s29], $0x2000  }
0x5a: {  	[sflag:s29] =	ssyncset.done $0x0  }
0x5b: {  	s31 =	simm.s32 $0x380;
	[sflag:s29] =	ssyncadd.s32 $0xFFFFE000  }
0x5c: {  	[tilespmem:s24], [sflag:$0x4] =	stream.indirect.gather [hbm4b:s5+s19], $0x40, s31, s19, $0xb8;
	[tilespmem:$0x14600] =	vst v63  }
0x5d: {  	_ =	swait.ge [sflag:s18], $0x2000  }
0x5e: {  	[sflag:s18] =	ssyncset.done $0x0  }
0x5f: {  	s26 =	simm.s32 $0x1600;
	[sflag:s18] =	ssyncadd.s32 $0xFFFFE000  }
0x60: {  	[spmem:s3] =	stream.indirect.scatter.add.f32 [tilespmem:s16], [sflag:$0x5], $0x40, s26, s19, $0xb8;
	[tilespmem:$0x14600] =	vst v63  }
0x61: {  	_ =	swait.ge [sflag:s25], $0x2000  }
0x62: {  	[sflag:s25] =	ssyncset.done $0x0  }
0x63: {  	s31 =	simm.s32 $0x400;
	[sflag:s25] =	ssyncadd.s32 $0xFFFFE000  }
0x64: {  	[tilespmem:s16], [sflag:$0x1] =	stream.indirect.gather [hbm4b:s5+s19], $0x40, s31, s19, $0xb8;
	[tilespmem:$0x14600] =	vst v63  }
0x65: {  	_ =	swait.ge [sflag:s28], $0x2000  }
0x66: {  	[sflag:s28] =	ssyncset.done $0x0  }
0x67: {  	s26 =	simm.s32 $0x1680;
	[sflag:s28] =	ssyncadd.s32 $0xFFFFE000  }
0x68: {  	[spmem:s3] =	stream.indirect.scatter.add.f32 [tilespmem:s20], [sflag:$0x6], $0x40, s26, s19, $0xb8;
	[tilespmem:$0x14600] =	vst v63  }
0x69: {  	_ =	swait.ge [sflag:s30], $0x2000  }
0x6a: {  	[sflag:s30] =	ssyncset.done $0x0  }
0x6b: {  	s31 =	simm.s32 $0x480;
	[sflag:s30] =	ssyncadd.s32 $0xFFFFE000  }
0x6c: {  	[tilespmem:s20], [sflag:$0x2] =	stream.indirect.gather [hbm4b:s5+s19], $0x40, s31, s19, $0xb8;
	[tilespmem:$0x14600] =	vst v63  }
0x6d: {  	_ =	swait.ge [sflag:s0], $0x2000  }
0x6e: {  	[sflag:s0] =	ssyncset.done $0x0  }
0x6f: {  	s26 =	simm.s32 $0x1700;
	[sflag:s0] =	ssyncadd.s32 $0xFFFFE000  }
0x70: {  	[spmem:s3] =	stream.indirect.scatter.add.f32 [tilespmem:s22], [sflag:$0x7], $0x40, s26, s19, $0xb8;
	[tilespmem:$0x14600] =	vst v63  }
0x71: {  	_ =	swait.ge [sflag:s1], $0x2000  }
0x72: {  	[sflag:s1] =	ssyncset.done $0x0  }
0x73: {  	s31 =	simm.s32 $0x500;
	[sflag:s1] =	ssyncadd.s32 $0xFFFFE000  }
0x74: {  	[tilespmem:s22], [sflag:$0x3] =	stream.indirect.gather [hbm4b:s5+s19], $0x40, s31, s19, $0xb8;
	[tilespmem:$0x14600] =	vst v63  }
0x75: {  	_ =	swait.ge [sflag:s23], $0x2000  }
0x76: {  	[sflag:s23] =	ssyncset.done $0x0  }
0x77: {  	s21 =	simm.s32 $0x800;
	s26 =	simm.s32 $0x1780;
	[sflag:s23] =	ssyncadd.s32 $0xFFFFE000  }
.LBB2_2:
0x78: {  	[spmem:s3] =	stream.indirect.scatter.add.f32 [tilespmem:s24], [sflag:$0x8], $0x40, s26, s19, $0xb8;
	[tilespmem:$0x14600] =	vst v63  }
0x79: {  	s26 =	smov.u32 s21  }
0x7a: {  	p0 =	sne.s32 s21, $0x3800;
	s21 =	sadd.s32 $0x800, s21;
	_ =	swait.ge [sflag:s29], $0x2000  }
0x7b: {  	s26 =	sshra.s32 s26, $0x2;
	[sflag:s29] =	ssyncset.done $0x0  }
0x7c: {  	s31 =	sadd.s32 $0x380, s26;
	[sflag:s29] =	ssyncadd.s32 $0xFFFFE000  }
0x7d: {  	[tilespmem:s24], [sflag:$0x4] =	stream.indirect.gather [hbm4b:s5+s19], $0x40, s31, s19, $0xb8;
	[tilespmem:$0x14600] =	vst v63  }
0x7e: {  	_ =	swait.ge [sflag:s18], $0x2000  }
0x7f: {  	[sflag:s18] =	ssyncset.done $0x0  }
0x80: {  	s31 =	sadd.s32 $0x1600, s26;
	[sflag:s18] =	ssyncadd.s32 $0xFFFFE000  }
0x81: {  	[spmem:s3] =	stream.indirect.scatter.add.f32 [tilespmem:s16], [sflag:$0x5], $0x40, s31, s19, $0xb8;
	[tilespmem:$0x14600] =	vst v63  }
0x82: {  	_ =	swait.ge [sflag:s25], $0x2000  }
0x83: {  	[sflag:s25] =	ssyncset.done $0x0  }
0x84: {  	s31 =	sadd.s32 $0x400, s26;
	[sflag:s25] =	ssyncadd.s32 $0xFFFFE000  }
0x85: {  	[tilespmem:s16], [sflag:$0x1] =	stream.indirect.gather [hbm4b:s5+s19], $0x40, s31, s19, $0xb8;
	[tilespmem:$0x14600] =	vst v63  }
0x86: {  	_ =	swait.ge [sflag:s28], $0x2000  }
0x87: {  	[sflag:s28] =	ssyncset.done $0x0  }
0x88: {  	s31 =	sadd.s32 $0x1680, s26;
	[sflag:s28] =	ssyncadd.s32 $0xFFFFE000  }
0x89: {  	[spmem:s3] =	stream.indirect.scatter.add.f32 [tilespmem:s20], [sflag:$0x6], $0x40, s31, s19, $0xb8;
	[tilespmem:$0x14600] =	vst v63  }
0x8a: {  	_ =	swait.ge [sflag:s30], $0x2000  }
0x8b: {  	[sflag:s30] =	ssyncset.done $0x0  }
0x8c: {  	s31 =	sadd.s32 $0x480, s26;
	[sflag:s30] =	ssyncadd.s32 $0xFFFFE000  }
0x8d: {  	[tilespmem:s20], [sflag:$0x2] =	stream.indirect.gather [hbm4b:s5+s19], $0x40, s31, s19, $0xb8;
	[tilespmem:$0x14600] =	vst v63  }
0x8e: {  	_ =	swait.ge [sflag:s0], $0x2000  }
0x8f: {  	[sflag:s0] =	ssyncset.done $0x0  }
0x90: {  	s31 =	sadd.s32 $0x1700, s26;
	[sflag:s0] =	ssyncadd.s32 $0xFFFFE000  }
0x91: {  	[spmem:s3] =	stream.indirect.scatter.add.f32 [tilespmem:s22], [sflag:$0x7], $0x40, s31, s19, $0xb8;
	[tilespmem:$0x14600] =	vst v63  }
0x92: {  	_ =	swait.ge [sflag:s1], $0x2000  }
0x93: {  	[sflag:s1] =	ssyncset.done $0x0  }
.Ltmp0:
0x94: {  	s31 =	sadd.s32 $0x500, s26;
	[sflag:s1] =	ssyncadd.s32 $0xFFFFE000;
	(pc) =	sbr.rel @p0 .LBB2_2-.Ltmp0, $4  }
0x95: {  	[tilespmem:s22], [sflag:$0x3] =	stream.indirect.gather [hbm4b:s5+s19], $0x40, s31, s19, $0xb8;
	[tilespmem:$0x14600] =	vst v63  }
0x96: {  	_ =	swait.ge [sflag:s23], $0x2000  }
0x97: {  	[sflag:s23] =	ssyncset.done $0x0  }
0x98: {  	s26 =	sadd.s32 $0x1780, s26;
	[sflag:s23] =	ssyncadd.s32 $0xFFFFE000  }
0x99: {  	[spmem:s3] =	stream.indirect.scatter.add.f32 [tilespmem:s24], [sflag:$0x8], $0x40, s26, s19, $0xb8;
	[tilespmem:$0x14600] =	vst v63  }
0x9a: {  	_ =	swait.ge [sflag:s29], $0x2000  }
0x9b: {  	[sflag:s29] =	ssyncset.done $0x0  }
0x9c: {  	s21 =	simm.s32 $0x1380;
	[sflag:s29] =	ssyncadd.s32 $0xFFFFE000  }
0x9d: {  	[tilespmem:s24], [sflag:$0x4] =	stream.indirect.gather [hbm4b:s5+s19], $0x40, s21, s19, $0xb8;
	[tilespmem:$0x14600] =	vst v63  }
0x9e: {  	_ =	swait.ge [sflag:s18], $0x2000  }
0x9f: {  	[sflag:s18] =	ssyncset.done $0x0  }
0xa0: {  	s26 =	simm.s32 $0x2600;
	[sflag:s18] =	ssyncadd.s32 $0xFFFFE000  }
0xa1: {  	[spmem:s3] =	stream.indirect.scatter.add.f32 [tilespmem:s16], [sflag:$0x5], $0x40, s26, s19, $0xb8;
	[tilespmem:$0x14600] =	vst v63  }
0xa2: {  	_ =	swait.ge [sflag:s28], $0x2000  }
0xa3: {  	[sflag:s28] =	ssyncset.done $0x0  }
0xa4: {  	s31 =	simm.s32 $0x2680;
	[sflag:s28] =	ssyncadd.s32 $0xFFFFE000  }
0xa5: {  	[spmem:s3] =	stream.indirect.scatter.add.f32 [tilespmem:s20], [sflag:$0x6], $0x40, s31, s19, $0xb8;
	[tilespmem:$0x14600] =	vst v63  }
0xa6: {  	_ =	swait.ge [sflag:s0], $0x2000  }
0xa7: {  	[sflag:s0] =	ssyncset.done $0x0  }
0xa8: {  	s26 =	simm.s32 $0x2700;
	[sflag:s0] =	ssyncadd.s32 $0xFFFFE000  }
0xa9: {  	[spmem:s3] =	stream.indirect.scatter.add.f32 [tilespmem:s22], [sflag:$0x7], $0x40, s26, s19, $0xb8;
	[tilespmem:$0x14600] =	vst v63  }
0xaa: {  	_ =	swait.ge [sflag:s23], $0x2000  }
0xab: {  	[sflag:s23] =	ssyncset.done $0x0  }
0xac: {  	s31 =	simm.s32 $0x2780;
	[sflag:s23] =	ssyncadd.s32 $0xFFFFE000  }
0xad: {  	[spmem:s3] =	stream.indirect.scatter.add.f32 [tilespmem:s24], [sflag:$0x8], $0x40, s31, s19, $0xb8;
	[tilespmem:$0x14600] =	vst v63  }
0xae: {  	_ =	swait.ge [sflag:s25], $0x2000  }
0xaf: {  	[sflag:s25] =	ssyncset.done $0x0  }
0xb0: {  	[sflag:s25] =	ssyncadd.s32 $0xFFFFE000  }
0xb1: {  	_ =	swait.ge [sflag:s30], $0x2000  }
0xb2: {  	[sflag:s30] =	ssyncset.done $0x0  }
0xb3: {  	[sflag:s30] =	ssyncadd.s32 $0xFFFFE000  }
0xb4: {  	_ =	swait.ge [sflag:s1], $0x2000  }
0xb5: {  	[sflag:s1] =	ssyncset.done $0x0  }
0xb6: {  	[sflag:s1] =	ssyncadd.s32 $0xFFFFE000  }
0xb7: {  	s26 =	stileid.u32;
	_ =	swait.ge [sflag:s29], $0x2000  }
0xb8: {  	s2 =	sadd.s32 $0x1, s2;
	s21 =	sshll.u32 s26, $0x6;
	[sflag:s29] =	ssyncset.done $0x0  }
0xb9: {  	p0 =	sne.s32 s2, s14;
	s21 =	sor.u32 $0x1C09, s21;
	[sflag:s29] =	ssyncadd.s32 $0xFFFFE000  }
.Ltmp1:
0xba: {  	s31 =	sshrl.u32 s8, $0x3;
	[bflag:$0x0] =	sbarrier.arrive $0xFFFF;
	(pc) =	sbr.rel @p0 .LBB2_1-.Ltmp1, $4  }
0xbb: {  	[hbm:s13], [sflag:s21] =	dma.local [spmem:s31], $0x13C0  }
0xbc: {  	_ =	swait.ge [sflag:s17], $0x13C0  }
0xbd: {  	[sflag:s17] =	ssyncset.done $0x0  }
0xbe: {  	[sflag:s17] =	ssyncadd.s32 $0xFFFFEC40  }
0xbf: {  	_ =	sfence.sel $0x180000  }
0xc0: {  	[bflag:$0x0] =	sbarrier.arrive $0xFFFF  }
0xc1: {  	_ =	strace $0x9000004D  }
0xc2: {  	s0 =	stileid.u32;
	[bflag:$0x2] =	sbarrier.arrive $0xFFFF  }
0xc3: {  	p0 =	sne.s32 s0, $0x0;
	s0 =	rddreg [dreg:$0x3]  }
0xc4: {  	s0 =	sadd.s32 @!p0 $0x100000, s0  }
0xc5: {  	[sflag:s0] =	ssyncadd.tile.s32 @!p0 $0x1;
	_ =	shalt  }
.Lfunc_end2:
_tile_overlayer_lowered:
.L_overlay_start_2:
0xc6: {  	(tag) =	ssettag $0x2  }
0xc7: {  	s0 =	rddreg [dreg:$0x0];
	s2 =	stileid.u32  }
0xc8: {  	s1 =	rddreg [dreg:$0x1];
	p0 =	sne.s32 s2, $0x0  }
0xc9: {  	s3 =	rddreg [dreg:$0x2];
	[bflag:$0x3] =	sbarrier.arrive $0xFFFF;
	s2 =	simm.s32 @!p0 $0x1C09  }
0xca: {  	[timem:s3], [sflag:s2] =	dma.local @!p0 [hbm:s0], s1  }
0xcb: {  	s0 =	simm.s32 @!p0 $0x9  }
0xcc: {  	_ =	swait.ge @!p0 [sflag:s0], s1  }
0xcd: {  	s1 =	ssub.s32 @!p0 $0x0, s1;
	[sflag:s0] =	ssyncset.done @!p0 $0x0  }
0xce: {  	[sflag:s0] =	ssyncadd.s32 @!p0 s1  }
0xcf: {  	[bflag:$0x3] =	sbarrier.arrive $0xFFFF  }
0xd0: {  	_ =	shalt  }

// kernel: kernel.21.cloned.1.call-start
scs
__scs_entry_jumppad:
0x0: {  	(pc) =	sbr.rel $0x88, $3  }
0x1: {  	(tag) =	ssettag $0x0;
	lr =	simm.s32 $0x1  }
0x2: {  	[smem:$0x3F93] =	sst lr;
	_ =	strace $0xD0000000  }
0x3: {  	_ = 	snop  }
0x4: {  	_ = 	snop  }
0x5: {  	_ = 	snop  }
0x6: {  	_ = 	snop  }
0x7: {  	_ = 	snop  }
__scs_overlays_trampoline_lowered:
0x8: {  	[smem:$0x3FA2] =	sst s0  }
0x9: {  	[smem:$0x3FA3] =	sst s1  }
0xa: {  	[smem:$0x3FA4] =	sst s2  }
0xb: {  	[smem:$0x3FA5] =	sst s3  }
0xc: {  	[smem:$0x3FA6] =	sst s4  }
0xd: {  	[smem:$0x3FA7] =	sst s5  }
0xe: {  	[smem:$0x3FA8] =	sst s6  }
0xf: {  	[smem:$0x3FA9] =	sst s7  }
0x10: {  	[smem:$0x3FAA] =	sst s8  }
0x11: {  	[smem:$0x3FAB] =	sst s9;
	s0 =	simm.s32 @!p0 $0x0  }
0x12: {  	s1 =	sld [smem:$0x3F91];
	s0 =	simm.s32 @p0 $0x1  }
0x13: {  	[smem:$0x3FAC] =	sst s0;
	s0 =	simm.s32 @!p1 $0x0  }
0x14: {  	s2 =	sld [smem:$0x3F90];
	s0 =	simm.s32 @p1 $0x1  }
0x15: {  	[smem:$0x3FAD] =	sst s0;
	s0 =	simm.s32 @!p2 $0x0  }
0x16: {  	s3 =	sld [smem:$0x3FDB];
	s0 =	simm.s32 @p2 $0x1  }
0x17: {  	s4 =	simm.s32 $0x1BF5;
	[smem:$0x3FAF] =	sst s0  }
0x18: {  	s0 =	sld [smem:$0x3F92];
	_ =	swait.ge [sflag:s4], $0x0  }
0x19: {  	s7 =	sld [smem:$0x3F93]  }
0x1a: {  	s8 =	sadd.s32 $0xFFFFE003, lr  }
0x1b: {  	s9 =	sadd.s32 $0xFFFFFEF7, lr;
	s5 =	simm.s32 $0xFFFFFFFF;
	p2 =	slt.u32 s8, $0xFFFFF086  }
0x1c: {  	p1 =	slt.u32 s9, $0xF7A;
	s5 =	simm.s32 @!p2 $0x0  }
0x1d: {  	s5 =	simm.s32 @p1 $0x1;
	p0 =	seq.s32 s7, s2  }
0x1e: {  	s7 =	smul.u32 @!p0 $0xF7A, s2;
	p2 =	seq.s32 @!p0 s5, $0x0  }
0x1f: {  	s9 =	smul.u32 $0xF7A, s1;
	s8 =	simm.s32 @!p0 $0x1BF5;
	p2 =	por !p2, p0  }
0x20: {  	[sflag:s8] =	ssyncset.s32 @!p0 $0xFFFFF086;
	s6 =	sadd.s32 @!p0 s3, s7;
	s7 =	simm.s32 @!p0 $0x108  }
0x21: {  	s3 =	sadd.s32 s3, s9;
	s6 =	sadd.s32 @!p0 $0x88, s6;
	s7 =	simm.s32 @p2 $0x1082  }
0x22: {  	[simem:s7], [sflag:s8] =	dma.local @!p0 [hbm:s6], $0xF7A  }
0x23: {  	s9 =	sor.u32 $0xD0000000, s2;
	s6 =	simm.s32 $0x108;
	_ =	swait.ge @!p0 [sflag:s8], $0x0  }
0x24: {  	s3 =	sadd.s32 $0x88, s3;
	s6 =	simm.s32 @!p1 $0x1082;
	[sflag:s4] =	ssyncset.s32 $0xFFFFF086  }
0x25: {  	[simem:s6], [sflag:s4] =	dma.local [hbm:s3], $0xF7A  }
0x26: {  	[smem:$0x3F93] =	sst s1;
	(tag) =	ssettag s2;
	_ =	strace s9  }
0x27: {  	s1 =	sld [smem:$0x3FA3]  }
0x28: {  	s2 =	sld [smem:$0x3FA4]  }
0x29: {  	s4 =	sld [smem:$0x3FA6]  }
0x2a: {  	p0 =	seq.s32 s5, $0x0;
	s5 =	sld [smem:$0x3FA7]  }
0x2b: {  	s6 =	sld [smem:$0x3FA8]  }
0x2c: {  	s7 =	sld [smem:$0x3FA9]  }
0x2d: {  	s3 =	simm.s32 $0x108;
	s8 =	sld [smem:$0x3FAA]  }
0x2e: {  	s3 =	simm.s32 @!p0 $0x1082;
	s9 =	sld [smem:$0x3FAB]  }
0x2f: {  	lr =	sadd.s32 s0, s3;
	s0 =	sld [smem:$0x3FA2]  }
0x30: {  	s3 =	sld [smem:$0x3FA5]  }
0x31: {  	[smem:$0x3FAE] =	sst s10  }
0x32: {  	s10 =	sld [smem:$0x3FAC];
	_ =	sdelay $0x3  }
0x33: {  	p0 =	seq.s32 s10, $0x1;
	s10 =	sld [smem:$0x3FAE];
	_ =	sdelay $0x3  }
0x34: {  	[smem:$0x3FAE] =	sst s10  }
0x35: {  	s10 =	sld [smem:$0x3FAD];
	_ =	sdelay $0x3  }
0x36: {  	p1 =	seq.s32 s10, $0x1;
	s10 =	sld [smem:$0x3FAE];
	_ =	sdelay $0x3  }
0x37: {  	[smem:$0x3FAE] =	sst s10  }
0x38: {  	s10 =	sld [smem:$0x3FAF]  }
0x39: {  	_ = 	snop;
	(pc) =	sbr.ind lr, $3  }
0x3a: {  	_ = 	snop  }
0x3b: {  	_ = 	snop  }
0x3c: {  	p2 =	seq.s32 s10, $0x1;
	s10 =	sld [smem:$0x3FAE]  }
0x3d: {  	_ =	shalt  }
0x3e: {  	_ =	shalt  }
0x3f: {  	_ =	shalt  }
0x40: {  	_ =	shalt  }
0x41: {  	_ =	shalt  }
0x42: {  	_ =	shalt  }
0x43: {  	_ =	shalt  }
0x44: {  	_ =	shalt  }
0x45: {  	_ =	shalt  }
0x46: {  	_ =	shalt  }
0x47: {  	_ =	shalt  }
0x48: {  	_ =	shalt  }
0x49: {  	_ =	shalt  }
0x4a: {  	_ =	shalt  }
0x4b: {  	_ =	shalt  }
0x4c: {  	_ =	shalt  }
0x4d: {  	_ =	shalt  }
0x4e: {  	_ =	shalt  }
0x4f: {  	_ =	shalt  }
0x50: {  	_ =	shalt  }
0x51: {  	_ =	shalt  }
0x52: {  	_ =	shalt  }
0x53: {  	_ =	shalt  }
0x54: {  	_ =	shalt  }
0x55: {  	_ =	shalt  }
0x56: {  	_ =	shalt  }
0x57: {  	_ =	shalt  }
0x58: {  	_ =	shalt  }
0x59: {  	_ =	shalt  }
0x5a: {  	_ =	shalt  }
0x5b: {  	_ =	shalt  }
0x5c: {  	_ =	shalt  }
0x5d: {  	_ =	shalt  }
0x5e: {  	_ =	shalt  }
0x5f: {  	_ =	shalt  }
0x60: {  	_ =	shalt  }
0x61: {  	_ =	shalt  }
0x62: {  	_ =	shalt  }
0x63: {  	_ =	shalt  }
0x64: {  	_ =	shalt  }
0x65: {  	_ =	shalt  }
0x66: {  	_ =	shalt  }
0x67: {  	_ =	shalt  }
0x68: {  	_ =	shalt  }
0x69: {  	_ =	shalt  }
0x6a: {  	_ =	shalt  }
0x6b: {  	_ =	shalt  }
0x6c: {  	_ =	shalt  }
0x6d: {  	_ =	shalt  }
0x6e: {  	_ =	shalt  }
0x6f: {  	_ =	shalt  }
0x70: {  	_ =	shalt  }
0x71: {  	_ =	shalt  }
0x72: {  	_ =	shalt  }
0x73: {  	_ =	shalt  }
0x74: {  	_ =	shalt  }
0x75: {  	_ =	shalt  }
0x76: {  	_ =	shalt  }
0x77: {  	_ =	shalt  }
0x78: {  	_ =	shalt  }
0x79: {  	_ =	shalt  }
0x7a: {  	_ =	shalt  }
0x7b: {  	_ =	shalt  }
0x7c: {  	_ =	shalt  }
0x7d: {  	_ =	shalt  }
0x7e: {  	_ =	shalt  }
0x7f: {  	_ =	shalt  }
0x80: {  	_ =	shalt  }
0x81: {  	_ =	shalt  }
0x82: {  	_ =	shalt  }
0x83: {  	_ =	shalt  }
0x84: {  	_ =	shalt  }
0x85: {  	_ =	shalt  }
0x86: {  	_ =	shalt  }
0x87: {  	_ =	shalt  }
.Lfunc_end0:
.L_simem_size_0:
called_computation.3_lowered:
.L_overlay_start_0:
0x88: {  	s2 =	sld [smem:$0x3FD9]  }
0x89: {  	s3 =	sld [smem:$0x3FFE];
	_ =	sdelay $0x1  }
0x8a: {  	s1 =	srdreg.scid  }
0x8b: {  	s0 =	sand.u32 $0x1, s1  }
0x8c: {  	s17 =	sshll.u32 s0, $0xA;
	s2 =	sadd.s32 s3, s2  }
0x8d: {  	s2 =	sadd.s32 s2, s17  }
0x8e: {  	[smem:$0x3FBA] =	sst s2  }
0x8f: {  	_ = 	snop  }
0x90: {  	s2 =	sld [smem:$0x3FD0];
	(tm) =	ssettm $0x1  }
0x91: {  	s18 =	sld [smem:$0x3FFB];
	_ =	sdelay $0x3  }
0x92: {  	_ =	strace s18  }
0x93: {  	s3 =	sld [smem:$0x3FFC];
	_ =	sdelay $0x3  }
0x94: {  	_ =	strace s3  }
0x95: {  	s3 =	sld [smem:$0x3FFD];
	_ =	sdelay $0x3  }
0x96: {  	_ =	strace s3  }
0x97: {  	_ =	strace $0x8FFFFFFF  }
0x98: {  	s19 =	sld [smem:$0x3FDB];
	_ =	sdelay $0x1  }
0x99: {  	s4 =	simm.s32 $_scs_section_size  }
0x9a: {  	s5 =	simm.s32 $_size__tile_overlayer_lowered;
	s6 =	simm.s32 $_tile_overlayer_lowered  }
0x9b: {  	s22 =	simm.s32 $0x1BFF;
	s21 =	sshll.u32 s6, $0x1;
	s3 =	sadd.s32 s4, s19  }
0x9c: {  	s7 =	simm.s32 $0x0;
	s20 =	sshll.u32 s5, $0x1;
	s5 =	sadd.s32 s21, s3  }
0x9d: {  	[timem:s7], [sflag:s22] =	dma.local [hbm:s5], s20  }
0x9e: {  	_ =	swait.ge [sflag:s22], s20  }
0x9f: {  	s4 =	ssub.s32 $0x0, s20;
	[sflag:s22] =	ssyncset.done $0x0  }
0xa0: {  	[sflag:s22] =	ssyncadd.s32 s4;
	_ =	sdelay $0x1  }
0xa1: {  	s23 =	simm.s32 $0x1B8B  }
0xa2: {  	_ =	swait.ge [sflag:s23], $0x1  }
0xa3: {  	[sflag:s23] =	ssyncset.done $0x0  }
0xa4: {  	s25 =	simm.s32 $0x1B8E;
	s24 =	sld [smem:$0x3FFE];
	[sflag:s23] =	ssyncadd.s32 $0xFFFFFFFF  }
0xa5: {  	s26 =	simm.s32 $execute0_lowered;
	[smem:$0x3FD2] =	sst s25  }
0xa6: {  	s5 =	sshll.u32 s26, $0x1;
	_ =	strace $0x8000004F;
	[dreg:$0x1] =	wrdreg $0xFFFFFFFF  }
0xa7: {  	s28 =	simm.s32 $_size_execute0_lowered;
	s3 =	sadd.s32 s3, s5;
	[dreg:$0x0] =	wrdreg $0x0  }
0xa8: {  	s5 =	sshll.u32 s28, $0x1;
	[dreg:$0x2] =	wrdreg s3  }
0xa9: {  	[dreg:$0x3] =	wrdreg s5  }
0xaa: {  	[dreg:$0x4] =	wrdreg $0xC0  }
0xab: {  	_ =	task [dreg:s7], $0x5FFFF  }
0xac: {  	[dreg:$0x1] =	wrdreg $0xFFFFFFFF  }
0xad: {  	[dreg:$0x0] =	wrdreg $0x60  }
0xae: {  	[dreg:$0x2] =	wrdreg s24  }
0xaf: {  	[dreg:$0x3] =	wrdreg s2  }
0xb0: {  	[dreg:$0x4] =	wrdreg $0x48000  }
0xb1: {  	[dreg:$0x5] =	wrdreg $0x9  }
0xb2: {  	_ =	task.clear_ibuf [dreg:s7], $0x6FFFF;
	_ =	strace $0x9000004F  }
0xb3: {  	s29 =	simm.s32 $0x9;
	_ =	strace $0x80000051  }
0xb4: {  	_ =	swait.ge [sflag:s29], $0x1  }
0xb5: {  	[sflag:s29] =	ssyncadd.s32 $0xFFFFFFFF  }
0xb6: {  	_ =	strace $0x90000051  }
0xb7: {  	_ =	sfence  }
0xb8: {  	s30 =	sld [smem:$0x0];
	_ =	sdelay $0x2  }
0xb9: {  	s31 =	sshll.u32 s1, $0xD;
	s1 =	sshrl.u32 s1, $0x2  }
0xba: {  	s3 =	sand.u32 $0x4000, s31;
	s1 =	sadd.s32 s1, s30  }
0xbb: {  	s0 =	sor.u32 s3, s0;
	s1 =	sshll.u32 s1, $0x11  }
0xbc: {  	s0 =	sor.u32 s1, s0  }
0xbd: {  	s0 =	sadd.s32 $0x8F2B, s0  }
0xbe: {  	[sflag:s0] =	ssyncadd.remote.s32 $0x1  }
0xbf: {  	_ =	sfence.sel $0xFFFF  }
0xc0: {  	[dreg:$0x0] =	wrdreg $0xFFFFFFFF;
	(pc) =	sbr.abs _section_cstart, $3  }
0xc1: {  	[dreg:$0x1] =	wrdreg $0xFFFFFFFF  }
0xc2: {  	_ =	task.clear_ibuf [dreg:s7], $0x2FFFF;
	_ =	strace $0x9FFFFFFF  }
0xc3: {  	(tm) =	ssettm $0x7FFFFFFF  }
tec
execute0_lowered:
.L_overlay_start_1:
0x0: {  	(tag) =	ssettag $0x1  }
0x1: {  	s0 =	rddreg [dreg:$0x0]  }
0x2: {  	s3 =	rddreg [dreg:$0x2]  }
0x3: {  	s1 =	srdreg.scid;
	s7 =	stileid.u32  }
0x4: {  	s4 =	simm.s32 $0x0;
	s15 =	simm.s32 $0x1400;
	s16 =	simm.s32 $0x2800  }
0x5: {  	s17 =	simm.s32 $0x9;
	s18 =	simm.s32 $0x1;
	s19 =	simm.s32 $0x80  }
0x6: {  	s20 =	simm.s32 $0x3000;
	s22 =	simm.s32 $0x3800;
	s24 =	simm.s32 $0x4000  }
0x7: {  	s25 =	simm.s32 $0x5;
	s28 =	simm.s32 $0x2;
	s30 =	simm.s32 $0x6  }
0x8: {  	s23 =	simm.s32 $0x4;
	s29 =	simm.s32 $0x8;
	s1 =	sand.u32 $0x1, s1  }
0x9: {  	s8 =	smul.u32 $0x2780, s7;
	[smem:$0x7FF] =	sst s4;
	s5 =	sadd.s32 $0xDA00, s0  }
0xa: {  	s2 =	sshll.u32 s1, $0x4;
	s6 =	smul.u32 $0x27800, s1;
	_ =	strace $0x80000050  }
0xb: {  	s1 =	ssub.s32 $0x2, s1;
	s2 =	sor.u32 s7, s2;
	s7 =	smul.u32 $0x9E00, s7  }
0xc: {  	s9 =	sshrl.u32 s1, $0x1;
	s2 =	smul.u32 $0x280, s2;
	s6 =	sadd.s32 s8, s6  }
0xd: {  	s1 =	ssub.s32 s1, s9;
	s8 =	sadd.s32 s8, s3;
	s6 =	sshrl.u32 s6, $0x3  }
0xe: {  	s26 =	sshrl.u32 s7, $0x2;
	s14 =	smax.u32 s1, $0x1;
	s1 =	simm.s32 $0x7  }
0xf: {  	s2 =	sadd.s32 s2, s0;
	s0 =	sadd.s32 s6, s0;
	s31 =	sadd.s32 s26, s3  }
0x10: {  	s6 =	sadd.s32 $0x8A00, s2;
	s7 =	sadd.s32 $0x3A00, s2;
	s9 =	sadd.s32 $0x800, s31  }
0x11: {  	s10 =	sadd.s32 $0x1000, s31;
	s11 =	sadd.s32 $0x1800, s31;
	s12 =	sadd.s32 $0x2000, s31  }
0x12: {  	s13 =	sadd.s32 $0x12A00, s0;
	s0 =	simm.s32 $0x3;
	s2 =	simm.s32 $0x0  }
.LBB2_1:
0x13: {  	[tilespmem:s4], [sflag:$0x1] =	stream.linear.gather [hbm4b:s6+s4], $0x1400, $0x38;
	[tilespmem:$0x6F80] =	vst v63  }
0x14: {  	_ = 	snop  }
0x15: {  	[tilespmem:s15], [sflag:$0x1] =	stream.linear.gather [hbm4b:s7+s4], $0x1400, $0x38;
	[tilespmem:$0x6F80] =	vst v63  }
0x16: {  	s21 =	rddreg [dreg:$0x1]  }
0x17: {  	[tilespmem:s16], [sflag:$0x9] =	stream.linear.gather [hbm4b:s21+s4], $0x800, $0x38;
	[tilespmem:$0x6F80] =	vst v63  }
0x18: {  	_ =	swait.ge [sflag:s17], $0x800  }
0x19: {  	[sflag:s17] =	ssyncset.done $0x0  }
0x1a: {  	[sflag:s17] =	ssyncadd.s32 $0xFFFFF800  }
0x1b: {  	[spmem:s8] =	stream.linear.scatter [tilespmem:s16], [sflag:$0x9], $0x800, $0x38;
	[tilespmem:$0x6F80] =	vst v63  }
0x1c: {  	_ =	swait.ge [sflag:s17], $0x800  }
0x1d: {  	[sflag:s17] =	ssyncset.done $0x0  }
0x1e: {  	[sflag:s17] =	ssyncadd.s32 $0xFFFFF800  }
0x1f: {  	[spmem:s9] =	stream.linear.scatter [tilespmem:s16], [sflag:$0x9], $0x800, $0x38;
	[tilespmem:$0x6F80] =	vst v63  }
0x20: {  	_ =	swait.ge [sflag:s17], $0x800  }
0x21: {  	[sflag:s17] =	ssyncset.done $0x0  }
0x22: {  	[sflag:s17] =	ssyncadd.s32 $0xFFFFF800  }
0x23: {  	[spmem:s10] =	stream.linear.scatter [tilespmem:s16], [sflag:$0x9], $0x800, $0x38;
	[tilespmem:$0x6F80] =	vst v63  }
0x24: {  	_ =	swait.ge [sflag:s17], $0x800  }
0x25: {  	[sflag:s17] =	ssyncset.done $0x0  }
0x26: {  	[sflag:s17] =	ssyncadd.s32 $0xFFFFF800  }
0x27: {  	[spmem:s11] =	stream.linear.scatter [tilespmem:s16], [sflag:$0x9], $0x800, $0x38;
	[tilespmem:$0x6F80] =	vst v63  }
0x28: {  	_ =	swait.ge [sflag:s17], $0x800  }
0x29: {  	[sflag:s17] =	ssyncset.done $0x0  }
0x2a: {  	[sflag:s17] =	ssyncadd.s32 $0xFFFFF800  }
0x2b: {  	[spmem:s12] =	stream.linear.scatter [tilespmem:s16], [sflag:$0x9], $0x780, $0x38;
	[tilespmem:$0x6F80] =	vst v63  }
0x2c: {  	_ =	swait.ge [sflag:s17], $0x780  }
0x2d: {  	[sflag:s17] =	ssyncset.done $0x0  }
0x2e: {  	[sflag:s17] =	ssyncadd.s32 $0xFFFFF880  }
0x2f: {  	_ =	swait.ge [sflag:s18], $0x1400  }
0x30: {  	[sflag:s18] =	ssyncset.done $0x0  }
0x31: {  	[sflag:s18] =	ssyncadd.s32 $0xFFFFEC00  }
0x32: {  	_ =	swait.ge [sflag:s18], $0x1400  }
0x33: {  	[sflag:s18] =	ssyncset.done $0x0  }
0x34: {  	[sflag:s18] =	ssyncadd.s32 $0xFFFFEC00  }
0x35: {  	[bflag:$0x0] =	sbarrier.arrive $0xFFFF  }
0x36: {  	[tilespmem:s16], [sflag:$0x1] =	stream.indirect.gather [hbm4b:s5+s19], $0x10, s4, s19, $0xb8;
	[tilespmem:$0x6F80] =	vst v63  }
0x37: {  	_ = 	snop  }
0x38: {  	[tilespmem:s20], [sflag:$0x2] =	stream.indirect.gather [hbm4b:s5+s19], $0x10, s19, s19, $0xb8;
	[tilespmem:$0x6F80] =	vst v63  }
0x39: {  	s31 =	simm.s32 $0x100  }
0x3a: {  	[tilespmem:s22], [sflag:$0x3] =	stream.indirect.gather [hbm4b:s5+s19], $0x10, s31, s19, $0xb8;
	[tilespmem:$0x6F80] =	vst v63  }
0x3b: {  	s26 =	simm.s32 $0x180  }
0x3c: {  	[tilespmem:s24], [sflag:$0x4] =	stream.indirect.gather [hbm4b:s5+s19], $0x10, s26, s19, $0xb8;
	[tilespmem:$0x6F80] =	vst v63  }
0x3d: {  	_ =	swait.ge [sflag:s18], $0x800  }
0x3e: {  	[sflag:s18] =	ssyncset.done $0x0  }
0x3f: {  	[sflag:s18] =	ssyncadd.s32 $0xFFFFF800  }
0x40: {  	[spmem:s3] =	stream.indirect.scatter.add.f32 [tilespmem:s16], [sflag:$0x5], $0x10, s15, s19, $0xb8;
	[tilespmem:$0x6F80] =	vst v63  }
0x41: {  	_ =	swait.ge [sflag:s25], $0x800  }
0x42: {  	[sflag:s25] =	ssyncset.done $0x0  }
0x43: {  	s31 =	simm.s32 $0x200;
	[sflag:s25] =	ssyncadd.s32 $0xFFFFF800  }
0x44: {  	[tilespmem:s16], [sflag:$0x1] =	stream.indirect.gather [hbm4b:s5+s19], $0x10, s31, s19, $0xb8;
	[tilespmem:$0x6F80] =	vst v63  }
0x45: {  	_ =	swait.ge [sflag:s28], $0x800  }
0x46: {  	[sflag:s28] =	ssyncset.done $0x0  }
0x47: {  	s26 =	simm.s32 $0x1480;
	[sflag:s28] =	ssyncadd.s32 $0xFFFFF800  }
0x48: {  	[spmem:s3] =	stream.indirect.scatter.add.f32 [tilespmem:s20], [sflag:$0x6], $0x10, s26, s19, $0xb8;
	[tilespmem:$0x6F80] =	vst v63  }
0x49: {  	_ =	swait.ge [sflag:s30], $0x800  }
0x4a: {  	[sflag:s30] =	ssyncset.done $0x0  }
0x4b: {  	s31 =	simm.s32 $0x280;
	[sflag:s30] =	ssyncadd.s32 $0xFFFFF800  }
0x4c: {  	[tilespmem:s20], [sflag:$0x2] =	stream.indirect.gather [hbm4b:s5+s19], $0x10, s31, s19, $0xb8;
	[tilespmem:$0x6F80] =	vst v63  }
0x4d: {  	_ =	swait.ge [sflag:s0], $0x800  }
0x4e: {  	[sflag:s0] =	ssyncset.done $0x0  }
0x4f: {  	s26 =	simm.s32 $0x1500;
	[sflag:s0] =	ssyncadd.s32 $0xFFFFF800  }
0x50: {  	[spmem:s3] =	stream.indirect.scatter.add.f32 [tilespmem:s22], [sflag:$0x7], $0x10, s26, s19, $0xb8;
	[tilespmem:$0x6F80] =	vst v63  }
0x51: {  	_ =	swait.ge [sflag:s1], $0x800  }
0x52: {  	[sflag:s1] =	ssyncset.done $0x0  }
0x53: {  	s31 =	simm.s32 $0x300;
	[sflag:s1] =	ssyncadd.s32 $0xFFFFF800  }
0x54: {  	[tilespmem:s22], [sflag:$0x3] =	stream.indirect.gather [hbm4b:s5+s19], $0x10, s31, s19, $0xb8;
	[tilespmem:$0x6F80] =	vst v63  }
0x55: {  	_ =	swait.ge [sflag:s23], $0x800  }
0x56: {  	[sflag:s23] =	ssyncset.done $0x0  }
0x57: {  	s26 =	simm.s32 $0x1580;
	[sflag:s23] =	ssyncadd.s32 $0xFFFFF800  }
0x58: {  	[spmem:s3] =	stream.indirect.scatter.add.f32 [tilespmem:s24], [sflag:$0x8], $0x10, s26, s19, $0xb8;
	[tilespmem:$0x6F80] =	vst v63  }
0x59: {  	_ =	swait.ge [sflag:s29], $0x800  }
0x5a: {  	[sflag:s29] =	ssyncset.done $0x0  }
0x5b: {  	s31 =	simm.s32 $0x380;
	[sflag:s29] =	ssyncadd.s32 $0xFFFFF800  }
0x5c: {  	[tilespmem:s24], [sflag:$0x4] =	stream.indirect.gather [hbm4b:s5+s19], $0x10, s31, s19, $0xb8;
	[tilespmem:$0x6F80] =	vst v63  }
0x5d: {  	_ =	swait.ge [sflag:s18], $0x800  }
0x5e: {  	[sflag:s18] =	ssyncset.done $0x0  }
0x5f: {  	s26 =	simm.s32 $0x1600;
	[sflag:s18] =	ssyncadd.s32 $0xFFFFF800  }
0x60: {  	[spmem:s3] =	stream.indirect.scatter.add.f32 [tilespmem:s16], [sflag:$0x5], $0x10, s26, s19, $0xb8;
	[tilespmem:$0x6F80] =	vst v63  }
0x61: {  	_ =	swait.ge [sflag:s25], $0x800  }
0x62: {  	[sflag:s25] =	ssyncset.done $0x0  }
0x63: {  	s31 =	simm.s32 $0x400;
	[sflag:s25] =	ssyncadd.s32 $0xFFFFF800  }
0x64: {  	[tilespmem:s16], [sflag:$0x1] =	stream.indirect.gather [hbm4b:s5+s19], $0x10, s31, s19, $0xb8;
	[tilespmem:$0x6F80] =	vst v63  }
0x65: {  	_ =	swait.ge [sflag:s28], $0x800  }
0x66: {  	[sflag:s28] =	ssyncset.done $0x0  }
0x67: {  	s26 =	simm.s32 $0x1680;
	[sflag:s28] =	ssyncadd.s32 $0xFFFFF800  }
0x68: {  	[spmem:s3] =	stream.indirect.scatter.add.f32 [tilespmem:s20], [sflag:$0x6], $0x10, s26, s19, $0xb8;
	[tilespmem:$0x6F80] =	vst v63  }
0x69: {  	_ =	swait.ge [sflag:s30], $0x800  }
0x6a: {  	[sflag:s30] =	ssyncset.done $0x0  }
0x6b: {  	s31 =	simm.s32 $0x480;
	[sflag:s30] =	ssyncadd.s32 $0xFFFFF800  }
0x6c: {  	[tilespmem:s20], [sflag:$0x2] =	stream.indirect.gather [hbm4b:s5+s19], $0x10, s31, s19, $0xb8;
	[tilespmem:$0x6F80] =	vst v63  }
0x6d: {  	_ =	swait.ge [sflag:s0], $0x800  }
0x6e: {  	[sflag:s0] =	ssyncset.done $0x0  }
0x6f: {  	s26 =	simm.s32 $0x1700;
	[sflag:s0] =	ssyncadd.s32 $0xFFFFF800  }
0x70: {  	[spmem:s3] =	stream.indirect.scatter.add.f32 [tilespmem:s22], [sflag:$0x7], $0x10, s26, s19, $0xb8;
	[tilespmem:$0x6F80] =	vst v63  }
0x71: {  	_ =	swait.ge [sflag:s1], $0x800  }
0x72: {  	[sflag:s1] =	ssyncset.done $0x0  }
0x73: {  	s31 =	simm.s32 $0x500;
	[sflag:s1] =	ssyncadd.s32 $0xFFFFF800  }
0x74: {  	[tilespmem:s22], [sflag:$0x3] =	stream.indirect.gather [hbm4b:s5+s19], $0x10, s31, s19, $0xb8;
	[tilespmem:$0x6F80] =	vst v63  }
0x75: {  	_ =	swait.ge [sflag:s23], $0x800  }
0x76: {  	[sflag:s23] =	ssyncset.done $0x0  }
0x77: {  	s21 =	simm.s32 $0x800;
	s26 =	simm.s32 $0x1780;
	[sflag:s23] =	ssyncadd.s32 $0xFFFFF800  }
.LBB2_2:
0x78: {  	[spmem:s3] =	stream.indirect.scatter.add.f32 [tilespmem:s24], [sflag:$0x8], $0x10, s26, s19, $0xb8;
	[tilespmem:$0x6F80] =	vst v63  }
0x79: {  	s26 =	smov.u32 s21  }
0x7a: {  	p0 =	sne.s32 s21, $0x3800;
	s21 =	sadd.s32 $0x800, s21;
	_ =	swait.ge [sflag:s29], $0x800  }
0x7b: {  	s26 =	sshra.s32 s26, $0x2;
	[sflag:s29] =	ssyncset.done $0x0  }
0x7c: {  	s31 =	sadd.s32 $0x380, s26;
	[sflag:s29] =	ssyncadd.s32 $0xFFFFF800  }
0x7d: {  	[tilespmem:s24], [sflag:$0x4] =	stream.indirect.gather [hbm4b:s5+s19], $0x10, s31, s19, $0xb8;
	[tilespmem:$0x6F80] =	vst v63  }
0x7e: {  	_ =	swait.ge [sflag:s18], $0x800  }
0x7f: {  	[sflag:s18] =	ssyncset.done $0x0  }
0x80: {  	s31 =	sadd.s32 $0x1600, s26;
	[sflag:s18] =	ssyncadd.s32 $0xFFFFF800  }
0x81: {  	[spmem:s3] =	stream.indirect.scatter.add.f32 [tilespmem:s16], [sflag:$0x5], $0x10, s31, s19, $0xb8;
	[tilespmem:$0x6F80] =	vst v63  }
0x82: {  	_ =	swait.ge [sflag:s25], $0x800  }
0x83: {  	[sflag:s25] =	ssyncset.done $0x0  }
0x84: {  	s31 =	sadd.s32 $0x400, s26;
	[sflag:s25] =	ssyncadd.s32 $0xFFFFF800  }
0x85: {  	[tilespmem:s16], [sflag:$0x1] =	stream.indirect.gather [hbm4b:s5+s19], $0x10, s31, s19, $0xb8;
	[tilespmem:$0x6F80] =	vst v63  }
0x86: {  	_ =	swait.ge [sflag:s28], $0x800  }
0x87: {  	[sflag:s28] =	ssyncset.done $0x0  }
0x88: {  	s31 =	sadd.s32 $0x1680, s26;
	[sflag:s28] =	ssyncadd.s32 $0xFFFFF800  }
0x89: {  	[spmem:s3] =	stream.indirect.scatter.add.f32 [tilespmem:s20], [sflag:$0x6], $0x10, s31, s19, $0xb8;
	[tilespmem:$0x6F80] =	vst v63  }
0x8a: {  	_ =	swait.ge [sflag:s30], $0x800  }
0x8b: {  	[sflag:s30] =	ssyncset.done $0x0  }
0x8c: {  	s31 =	sadd.s32 $0x480, s26;
	[sflag:s30] =	ssyncadd.s32 $0xFFFFF800  }
0x8d: {  	[tilespmem:s20], [sflag:$0x2] =	stream.indirect.gather [hbm4b:s5+s19], $0x10, s31, s19, $0xb8;
	[tilespmem:$0x6F80] =	vst v63  }
0x8e: {  	_ =	swait.ge [sflag:s0], $0x800  }
0x8f: {  	[sflag:s0] =	ssyncset.done $0x0  }
0x90: {  	s31 =	sadd.s32 $0x1700, s26;
	[sflag:s0] =	ssyncadd.s32 $0xFFFFF800  }
0x91: {  	[spmem:s3] =	stream.indirect.scatter.add.f32 [tilespmem:s22], [sflag:$0x7], $0x10, s31, s19, $0xb8;
	[tilespmem:$0x6F80] =	vst v63  }
0x92: {  	_ =	swait.ge [sflag:s1], $0x800  }
0x93: {  	[sflag:s1] =	ssyncset.done $0x0  }
.Ltmp0:
0x94: {  	s31 =	sadd.s32 $0x500, s26;
	[sflag:s1] =	ssyncadd.s32 $0xFFFFF800;
	(pc) =	sbr.rel @p0 .LBB2_2-.Ltmp0, $4  }
0x95: {  	[tilespmem:s22], [sflag:$0x3] =	stream.indirect.gather [hbm4b:s5+s19], $0x10, s31, s19, $0xb8;
	[tilespmem:$0x6F80] =	vst v63  }
0x96: {  	_ =	swait.ge [sflag:s23], $0x800  }
0x97: {  	[sflag:s23] =	ssyncset.done $0x0  }
0x98: {  	s26 =	sadd.s32 $0x1780, s26;
	[sflag:s23] =	ssyncadd.s32 $0xFFFFF800  }
0x99: {  	[spmem:s3] =	stream.indirect.scatter.add.f32 [tilespmem:s24], [sflag:$0x8], $0x10, s26, s19, $0xb8;
	[tilespmem:$0x6F80] =	vst v63  }
0x9a: {  	_ =	swait.ge [sflag:s29], $0x800  }
0x9b: {  	[sflag:s29] =	ssyncset.done $0x0  }
0x9c: {  	s21 =	simm.s32 $0x1380;
	[sflag:s29] =	ssyncadd.s32 $0xFFFFF800  }
0x9d: {  	[tilespmem:s24], [sflag:$0x4] =	stream.indirect.gather [hbm4b:s5+s19], $0x10, s21, s19, $0xb8;
	[tilespmem:$0x6F80] =	vst v63  }
0x9e: {  	_ =	swait.ge [sflag:s18], $0x800  }
0x9f: {  	[sflag:s18] =	ssyncset.done $0x0  }
0xa0: {  	s26 =	simm.s32 $0x2600;
	[sflag:s18] =	ssyncadd.s32 $0xFFFFF800  }
0xa1: {  	[spmem:s3] =	stream.indirect.scatter.add.f32 [tilespmem:s16], [sflag:$0x5], $0x10, s26, s19, $0xb8;
	[tilespmem:$0x6F80] =	vst v63  }
0xa2: {  	_ =	swait.ge [sflag:s28], $0x800  }
0xa3: {  	[sflag:s28] =	ssyncset.done $0x0  }
0xa4: {  	s31 =	simm.s32 $0x2680;
	[sflag:s28] =	ssyncadd.s32 $0xFFFFF800  }
0xa5: {  	[spmem:s3] =	stream.indirect.scatter.add.f32 [tilespmem:s20], [sflag:$0x6], $0x10, s31, s19, $0xb8;
	[tilespmem:$0x6F80] =	vst v63  }
0xa6: {  	_ =	swait.ge [sflag:s0], $0x800  }
0xa7: {  	[sflag:s0] =	ssyncset.done $0x0  }
0xa8: {  	s26 =	simm.s32 $0x2700;
	[sflag:s0] =	ssyncadd.s32 $0xFFFFF800  }
0xa9: {  	[spmem:s3] =	stream.indirect.scatter.add.f32 [tilespmem:s22], [sflag:$0x7], $0x10, s26, s19, $0xb8;
	[tilespmem:$0x6F80] =	vst v63  }
0xaa: {  	_ =	swait.ge [sflag:s23], $0x800  }
0xab: {  	[sflag:s23] =	ssyncset.done $0x0  }
0xac: {  	s31 =	simm.s32 $0x2780;
	[sflag:s23] =	ssyncadd.s32 $0xFFFFF800  }
0xad: {  	[spmem:s3] =	stream.indirect.scatter.add.f32 [tilespmem:s24], [sflag:$0x8], $0x10, s31, s19, $0xb8;
	[tilespmem:$0x6F80] =	vst v63  }
0xae: {  	_ =	swait.ge [sflag:s25], $0x800  }
0xaf: {  	[sflag:s25] =	ssyncset.done $0x0  }
0xb0: {  	[sflag:s25] =	ssyncadd.s32 $0xFFFFF800  }
0xb1: {  	_ =	swait.ge [sflag:s30], $0x800  }
0xb2: {  	[sflag:s30] =	ssyncset.done $0x0  }
0xb3: {  	[sflag:s30] =	ssyncadd.s32 $0xFFFFF800  }
0xb4: {  	_ =	swait.ge [sflag:s1], $0x800  }
0xb5: {  	[sflag:s1] =	ssyncset.done $0x0  }
0xb6: {  	[sflag:s1] =	ssyncadd.s32 $0xFFFFF800  }
0xb7: {  	s26 =	stileid.u32;
	_ =	swait.ge [sflag:s29], $0x800  }
0xb8: {  	s2 =	sadd.s32 $0x1, s2;
	s21 =	sshll.u32 s26, $0x6;
	[sflag:s29] =	ssyncset.done $0x0  }
0xb9: {  	p0 =	sne.s32 s2, s14;
	s21 =	sor.u32 $0x1C09, s21;
	[sflag:s29] =	ssyncadd.s32 $0xFFFFF800  }
.Ltmp1:
0xba: {  	s31 =	sshrl.u32 s8, $0x3;
	[bflag:$0x0] =	sbarrier.arrive $0xFFFF;
	(pc) =	sbr.rel @p0 .LBB2_1-.Ltmp1, $4  }
0xbb: {  	[hbm:s13], [sflag:s21] =	dma.local [spmem:s31], $0x4F0  }
0xbc: {  	_ =	swait.ge [sflag:s17], $0x4F0  }
0xbd: {  	[sflag:s17] =	ssyncset.done $0x0  }
0xbe: {  	[sflag:s17] =	ssyncadd.s32 $0xFFFFFB10  }
0xbf: {  	_ =	sfence.sel $0x180000  }
0xc0: {  	[bflag:$0x0] =	sbarrier.arrive $0xFFFF  }
0xc1: {  	_ =	strace $0x90000050  }
0xc2: {  	s0 =	stileid.u32;
	[bflag:$0x2] =	sbarrier.arrive $0xFFFF  }
0xc3: {  	p0 =	sne.s32 s0, $0x0;
	s0 =	rddreg [dreg:$0x3]  }
0xc4: {  	s0 =	sadd.s32 @!p0 $0x100000, s0  }
0xc5: {  	[sflag:s0] =	ssyncadd.tile.s32 @!p0 $0x1;
	_ =	shalt  }
.Lfunc_end2:
_tile_overlayer_lowered:
.L_overlay_start_2:
0xc6: {  	(tag) =	ssettag $0x2  }
0xc7: {  	s0 =	rddreg [dreg:$0x0];
	s2 =	stileid.u32  }
0xc8: {  	s1 =	rddreg [dreg:$0x1];
	p0 =	sne.s32 s2, $0x0  }
0xc9: {  	s3 =	rddreg [dreg:$0x2];
	[bflag:$0x3] =	sbarrier.arrive $0xFFFF;
	s2 =	simm.s32 @!p0 $0x1C09  }
0xca: {  	[timem:s3], [sflag:s2] =	dma.local @!p0 [hbm:s0], s1  }
0xcb: {  	s0 =	simm.s32 @!p0 $0x9  }
0xcc: {  	_ =	swait.ge @!p0 [sflag:s0], s1  }
0xcd: {  	s1 =	ssub.s32 @!p0 $0x0, s1;
	[sflag:s0] =	ssyncset.done @!p0 $0x0  }
0xce: {  	[sflag:s0] =	ssyncadd.s32 @!p0 s1  }
0xcf: {  	[bflag:$0x3] =	sbarrier.arrive $0xFFFF  }
0xd0: {  	_ =	shalt  }

</sc_bundles>
